<compile_context>
chip_gen: v7x
topology: tpu7x:2x2x1
jax: 0.10.2.dev20260603
libtpu: 0.0.44.dev20260713+nightly
codegen_flags: <defaults>
</compile_context>

<pallas_src>
import functools

import jax
import jax.numpy as jnp
from jax import lax
from jax.experimental import pallas as pl
from jax.experimental.pallas import tpu as pltpu
from jax.experimental.pallas import tpu_sc as plsc

RX = RY = RZ = 32
R = RX * RY * RZ

NC, NS, L = 2, 16, 16
NW = NC * NS


def _coords_body(coords_ref, nc_ref, idx_ref):
    c = coords_ref[0]
    mean = jnp.mean(c, axis=1, keepdims=True)
    cc = c - mean
    norm = jnp.sqrt(jnp.sum(cc * cc, axis=0, keepdims=True))
    denom = jnp.max(norm) * 2.0
    s = jnp.clip((cc / denom + 0.5) * RX, 0, RX - 1)
    nc_ref[0] = s
    v = jnp.round(s).astype(jnp.int32)
    idx_ref[0, 0] = v[0] * (RY * RZ) + v[1] * RZ + v[2]


def _make_scatter(B, C, N, chunk, dbase=0):
    cpw = C // NW
    nchunks = N // chunk
    assert N == nchunks * chunk and chunk % L == 0
    mesh = plsc.VectorSubcoreMesh(
        core_axis_name="c", subcore_axis_name="s", num_cores=NC, num_subcores=NS)

    @functools.partial(
        pl.kernel,
        out_type=[
            jax.ShapeDtypeStruct((B * C * R,), jnp.float32),
            jax.ShapeDtypeStruct((B * R,), jnp.float32),
        ],
        mesh=mesh,
        compiler_params=pltpu.CompilerParams(needs_layout_passes=False),
        scratch_types=[
            pltpu.VMEM((cpw * R,), jnp.float32),
            pltpu.VMEM((R,), jnp.float32),
            pltpu.VMEM((2 * chunk,), jnp.int32),
            pltpu.VMEM((2 * chunk,), jnp.float32),
            pltpu.VMEM((2 * chunk,), jnp.float32),
            pltpu.SemaphoreType.DMA,
            pltpu.SemaphoreType.DMA,
        ],
    )
    def scatter(feat_hbm, idx_hbm, out_hbm, cnt_hbm, sums, cnts, idxb, v0b, v1b,
                sem0, sem1):
        wid = lax.axis_index("s") * NC + lax.axis_index("c")
        c0 = wid * cpw
        zero = jnp.zeros((L,), jnp.float32)
        ones = jnp.ones((L,), jnp.float32)
        roff = jnp.full((L,), R, jnp.int32)
        sems = (sem0, sem1)

        for b in range(B):
            @plsc.parallel_loop(0, (cpw * R) // L, unroll=8)
            def zsums(i):
                sums[pl.ds(i * L, L)] = zero

            @pl.when(wid == dbase + b)
            def _zc():
                @plsc.parallel_loop(0, R // L, unroll=8)
                def zcnts(i):
                    cnts[pl.ds(i * L, L)] = zero

            def issue(k, slot):
                so = slot * chunk
                pltpu.async_copy(
                    idx_hbm.at[pl.ds(b * N + k * chunk, chunk)],
                    idxb.at[pl.ds(so, chunk)], sems[slot])
                pltpu.async_copy(
                    feat_hbm.at[pl.ds((b * C + c0) * N + k * chunk, chunk)],
                    v0b.at[pl.ds(so, chunk)], sems[slot])
                pltpu.async_copy(
                    feat_hbm.at[pl.ds((b * C + c0 + 1) * N + k * chunk, chunk)],
                    v1b.at[pl.ds(so, chunk)], sems[slot])

            def drain(k, slot):
                so = slot * chunk
                pltpu.make_async_copy(
                    idx_hbm.at[pl.ds(b * N + k * chunk, chunk)],
                    idxb.at[pl.ds(so, chunk)], sems[slot]).wait()
                pltpu.make_async_copy(
                    feat_hbm.at[pl.ds((b * C + c0) * N + k * chunk, chunk)],
                    v0b.at[pl.ds(so, chunk)], sems[slot]).wait()
                pltpu.make_async_copy(
                    feat_hbm.at[pl.ds((b * C + c0 + 1) * N + k * chunk, chunk)],
                    v1b.at[pl.ds(so, chunk)], sems[slot]).wait()

            def consume(slot):
                so = slot * chunk

                @plsc.parallel_loop(0, chunk // L, unroll=8)
                def g(i):
                    iv = idxb[pl.ds(so + i * L, L)]
                    plsc.addupdate_scatter(sums, [iv], v0b[pl.ds(so + i * L, L)])
                    plsc.addupdate_scatter(sums, [iv + roff], v1b[pl.ds(so + i * L, L)])

                @pl.when(wid == dbase + b)
                def _cs():
                    @plsc.parallel_loop(0, chunk // L, unroll=8)
                    def g2(i):
                        plsc.addupdate_scatter(
                            cnts, [idxb[pl.ds(so + i * L, L)]], ones)

            issue(0, 0)

            def chunk_pair(j, _):
                k = 2 * j
                issue(k + 1, 1)
                drain(k, 0)
                consume(0)

                @pl.when(k + 2 < nchunks)
                def _():
                    issue(k + 2, 0)

                drain(k + 1, 1)
                consume(1)
                return 0

            lax.fori_loop(0, nchunks // 2, chunk_pair, 0)
            if nchunks % 2:
                drain(nchunks - 1, 0)
                consume(0)

            pltpu.sync_copy(sums.at[pl.ds(0, R)],
                            out_hbm.at[pl.ds((b * C + c0) * R, R)])
            pltpu.sync_copy(sums.at[pl.ds(R, R)],
                            out_hbm.at[pl.ds((b * C + c0 + 1) * R, R)])

            @pl.when(wid == dbase + b)
            def _cw():
                pltpu.sync_copy(cnts.at[pl.ds(0, R)],
                                cnt_hbm.at[pl.ds(b * R, R)])

    return scatter


def _div_body(sums_ref, cnt_ref, out_ref):
    recip = 1.0 / jnp.maximum(cnt_ref[...], 1.0)
    g = sums_ref[...].reshape(out_ref.shape[1], R)
    out_ref[0] = g * recip[None, :]


def kernel(features, coords):
    B, C, N = features.shape
    nc_out, flat_idx = pl.pallas_call(
        _coords_body,
        grid=(B,),
        in_specs=[pl.BlockSpec((1, 3, N), lambda b: (b, 0, 0))],
        out_specs=[
            pl.BlockSpec((1, 3, N), lambda b: (b, 0, 0)),
            pl.BlockSpec((1, 1, N), lambda b: (b, 0, 0)),
        ],
        out_shape=[
            jax.ShapeDtypeStruct((B, 3, N), jnp.float32),
            jax.ShapeDtypeStruct((B, 1, N), jnp.int32),
        ],
    )(coords)
    flat_idx = flat_idx.reshape(B, N)

    scatter = _make_scatter(B, C, N, chunk=4000)
    sums, cnt = scatter(features.reshape(B * C * N), flat_idx.reshape(B * N))

    cblk = 8
    out = pl.pallas_call(
        _div_body,
        grid=(B, C // cblk),
        in_specs=[
            pl.BlockSpec((cblk * R,), lambda b, c: (b * (C // cblk) + c,)),
            pl.BlockSpec((R,), lambda b, c: (b,)),
        ],
        out_specs=pl.BlockSpec((1, cblk, R), lambda b, c: (b, c, 0)),
        out_shape=jax.ShapeDtypeStruct((B, C, R), jnp.float32),
    )(sums, cnt)
    return out.reshape(B, C, RX, RY, RZ), nc_out

# --- scband reference (transcript-rebuilt; emitter-appended) ---
"""Pipeline reference for scband-voxelization-88467736363821 (READ-ONLY COPY).

The authoritative reference and input builder live on the scoring server;
editing this copy changes nothing except your own understanding.
"""

import jax, jax.numpy as jnp
import numpy as np

RX, RY, RZ = 32, 32, 32
EPS = 0.0

def setup_inputs(seed: int = 0) -> dict:
    key = jax.random.key(seed)
    k1, k2 = jax.random.split(key)
    features = jax.random.normal(k1, (4, 64, 100000), dtype=jnp.float32)
    coords = jax.random.normal(k2, (4, 3, 100000), dtype=jnp.float32)
    return {"features": features, "coords": coords}

def _voxelize(features, coords):
    B, C, N = features.shape
    # coords treated as detached constant w.r.t. grads; math identical
    norm_coords = coords - jnp.mean(coords, axis=2, keepdims=True)
    # normalize=True branch
    denom = jnp.max(jnp.linalg.norm(norm_coords, axis=1, keepdims=True), axis=2, keepdims=True) * 2.0 + EPS
    norm_coords = norm_coords / denom + 0.5
    sx = jnp.clip(norm_coords[:, 0] * RX, 0, RX - 1)
    sy = jnp.clip(norm_coords[:, 1] * RY, 0, RY - 1)
    sz = jnp.clip(norm_coords[:, 2] * RZ, 0, RZ - 1)
    norm_coords = jnp.stack([sx, sy, sz], axis=1)
    vox_coords = jnp.round(norm_coords).astype(jnp.int32)
    flat_idx = vox_coords[:, 0] * (RY * RZ) + vox_coords[:, 1] * RZ + vox_coords[:, 2]  # [B, N]
    R = RX * RY * RZ

    def per_batch(f, idx):
        # f: [C, N], idx: [N]
        sums = jnp.zeros((C, R), dtype=f.dtype).at[:, idx].add(f)
        cnt = jnp.zeros((R,), dtype=f.dtype).at[idx].add(1.0)
        return sums / jnp.maximum(cnt, 1.0)

    out = jax.vmap(per_batch)(features, flat_idx)  # [B, C, R]
    out = out.reshape(B, C, RX, RY, RZ)
    return out, norm_coords

def reference(features, coords):
    return _voxelize(features, coords)

if __name__ == "__main__":
    import jax
    _d = setup_inputs()
    print(jax.jit(kernel)(*tuple(_d.values())))

</pallas_src>

<mosaic_0001>
#map = affine_map<(d0, d1) -> (0)>
module attributes {stable_mosaic.version = 14 : i64} {
  func.func @scatter(%arg0: i32, %arg1: i32, %arg2: memref<25600000xf32, #tpu.memory_space<hbm>>, %arg3: memref<400000xi32, #tpu.memory_space<hbm>>, %arg4: memref<8388608xf32, #tpu.memory_space<hbm>>, %arg5: memref<131072xf32, #tpu.memory_space<hbm>>, %arg6: memref<65536xf32, #tpu.memory_space<vmem>>, %arg7: memref<32768xf32, #tpu.memory_space<vmem>>, %arg8: memref<8000xi32, #tpu.memory_space<vmem>>, %arg9: memref<8000xf32, #tpu.memory_space<vmem>>, %arg10: memref<8000xf32, #tpu.memory_space<vmem>>, %arg11: memref<!tpu.dma_semaphore, #tpu.memory_space<semaphore_mem>>, %arg12: memref<!tpu.dma_semaphore, #tpu.memory_space<semaphore_mem>>) attributes {dimension_semantics = [#tpu.dimension_semantics<core_parallel>, #tpu.dimension_semantics<subcore_parallel>], iteration_bounds = array<i64: 2, 16>, scalar_prefetch = 0 : i64, scratch_operands = 7 : i64, tpu.core_type = #tpu.core_type<sc_vector_subcore>, window_params = [{transform_indices = #map}, {transform_indices = #map}, {transform_indices = #map}, {transform_indices = #map}]} {
    %mul3A = arith.constant 2 : i32
    %mul3A_0 = arith.muli %arg1, %mul3A : i32
    %add3A = arith.addi %mul3A_0, %arg0 : i32
    %mul3A_1 = arith.constant 2 : i32
    %mul3A_2 = arith.muli %add3A, %mul3A_1 : i32
    %broadcast_in_dim3A = arith.constant 0.000000e+00 : f32
    %broadcast_in_dim3A_3 = vector.broadcast %broadcast_in_dim3A : f32 to vector<16xf32>
    %broadcast_in_dim3A_4 = arith.constant 1.000000e+00 : f32
    %broadcast_in_dim3A_5 = vector.broadcast %broadcast_in_dim3A_4 : f32 to vector<16xf32>
    %broadcast_in_dim3A_6 = arith.constant 32768 : i32
    %broadcast_in_dim3A_7 = vector.broadcast %broadcast_in_dim3A_6 : i32 to vector<16xi32>
    %parallel_loop3A = arith.constant 0 : i32
    %parallel_loop3A_8 = arith.constant 4096 : i32
    %parallel_loop3A_9 = arith.constant 1 : i32
    scf.for %parallel_loop3A_425 = %parallel_loop3A to %parallel_loop3A_8 step %parallel_loop3A_9  : i32 {
      %parallel_loop3A_426 = arith.constant 16 : i32
      %parallel_loop3A_427 = arith.muli %parallel_loop3A_425, %parallel_loop3A_426 : i32
      %parallel_loop3A_428 = arith.index_cast %parallel_loop3A_427 : i32 to index
      %parallel_loop3A_429 = tpu.vector_load %arg6[%parallel_loop3A_428] {strides = array<i32>} : memref<65536xf32, #tpu.memory_space<vmem>>, vector<16xf32>,
      tpu.vector_store %arg6[%parallel_loop3A_428], %broadcast_in_dim3A_3 {strides = array<i32>} : memref<65536xf32, #tpu.memory_space<vmem>>, vector<16xf32>,
    } {sc.loop_unroll_factor = 8 : i64, sc.parallel_access}
    %eq3A = arith.constant 0 : i32
    %eq3A_10 = arith.cmpi eq, %add3A, %eq3A : i32
    %convert_element_type3A = arith.extui %eq3A_10 : i1 to i32
    %cond3A = arith.constant 0 : i32
    %cond3A_11 = arith.cmpi ne, %convert_element_type3A, %cond3A : i32
    scf.if %cond3A_11 {
      %parallel_loop3A_425 = arith.constant 0 : i32
      %parallel_loop3A_426 = arith.constant 2048 : i32
      %parallel_loop3A_427 = arith.constant 1 : i32
      scf.for %parallel_loop3A_428 = %parallel_loop3A_425 to %parallel_loop3A_426 step %parallel_loop3A_427  : i32 {
        %parallel_loop3A_429 = arith.constant 16 : i32
        %parallel_loop3A_430 = arith.muli %parallel_loop3A_428, %parallel_loop3A_429 : i32
        %parallel_loop3A_431 = arith.index_cast %parallel_loop3A_430 : i32 to index
        %parallel_loop3A_432 = tpu.vector_load %arg7[%parallel_loop3A_431] {strides = array<i32>} : memref<32768xf32, #tpu.memory_space<vmem>>, vector<16xf32>,
        tpu.vector_store %arg7[%parallel_loop3A_431], %broadcast_in_dim3A_3 {strides = array<i32>} : memref<32768xf32, #tpu.memory_space<vmem>>, vector<16xf32>,
      } {sc.loop_unroll_factor = 8 : i64, sc.parallel_access}
    } else {
    }
    %dma_start3A = arith.constant 0 : i32
    %dma_start3A_12 = tpu.memref_slice %arg8[%dma_start3A] : memref<8000xi32, #tpu.memory_space<vmem>> -> memref<4000xi32, #tpu.memory_space<vmem>>
    %dma_start3A_13 = arith.constant 0 : i32
    %dma_start3A_14 = tpu.memref_slice %arg3[%dma_start3A_13] : memref<400000xi32, #tpu.memory_space<hbm>> -> memref<4000xi32, #tpu.memory_space<hbm>>
    %dma_start3A_15 = arith.constant 0 : i32
    %dma_start3A_16 = tpu.memref_slice %arg8[%dma_start3A_15] : memref<8000xi32, #tpu.memory_space<vmem>> -> memref<4000xi32, #tpu.memory_space<vmem>>
    %dma_start3A_17 = arith.constant 0 : i32
    %dma_start3A_18 = tpu.memref_slice %arg3[%dma_start3A_17] : memref<400000xi32, #tpu.memory_space<hbm>> -> memref<4000xi32, #tpu.memory_space<hbm>>
    tpu.enqueue_dma source(%dma_start3A_18 : memref<4000xi32, #tpu.memory_space<hbm>>) target(%dma_start3A_16 : memref<4000xi32, #tpu.memory_space<vmem>>) target_semaphore(%arg11 : memref<!tpu.dma_semaphore, #tpu.memory_space<semaphore_mem>>)
    %add3A_19 = arith.constant 0 : i32
    %add3A_20 = arith.addi %add3A_19, %mul3A_2 : i32
    %mul3A_21 = arith.constant 100000 : i32
    %mul3A_22 = arith.muli %add3A_20, %mul3A_21 : i32
    %add3A_23 = arith.constant 0 : i32
    %add3A_24 = arith.addi %mul3A_22, %add3A_23 : i32
    %dma_start3A_25 = arith.constant 0 : i32
    %dma_start3A_26 = tpu.memref_slice %arg9[%dma_start3A_25] : memref<8000xf32, #tpu.memory_space<vmem>> -> memref<4000xf32, #tpu.memory_space<vmem>>
    %dma_start3A_27 = tpu.memref_slice %arg2[%add3A_24] : memref<25600000xf32, #tpu.memory_space<hbm>> -> memref<4000xf32, #tpu.memory_space<hbm>>
    %dma_start3A_28 = arith.constant 0 : i32
    %dma_start3A_29 = tpu.memref_slice %arg9[%dma_start3A_28] : memref<8000xf32, #tpu.memory_space<vmem>> -> memref<4000xf32, #tpu.memory_space<vmem>>
    %dma_start3A_30 = tpu.memref_slice %arg2[%add3A_24] : memref<25600000xf32, #tpu.memory_space<hbm>> -> memref<4000xf32, #tpu.memory_space<hbm>>
    tpu.enqueue_dma source(%dma_start3A_30 : memref<4000xf32, #tpu.memory_space<hbm>>) target(%dma_start3A_29 : memref<4000xf32, #tpu.memory_space<vmem>>) target_semaphore(%arg11 : memref<!tpu.dma_semaphore, #tpu.memory_space<semaphore_mem>>)
    %add3A_31 = arith.constant 0 : i32
    %add3A_32 = arith.addi %add3A_31, %mul3A_2 : i32
    %add3A_33 = arith.constant 1 : i32
    %add3A_34 = arith.addi %add3A_32, %add3A_33 : i32
    %mul3A_35 = arith.constant 100000 : i32
    %mul3A_36 = arith.muli %add3A_34, %mul3A_35 : i32
    %add3A_37 = arith.constant 0 : i32
    %add3A_38 = arith.addi %mul3A_36, %add3A_37 : i32
    %dma_start3A_39 = arith.constant 0 : i32
    %dma_start3A_40 = tpu.memref_slice %arg10[%dma_start3A_39] : memref<8000xf32, #tpu.memory_space<vmem>> -> memref<4000xf32, #tpu.memory_space<vmem>>
    %dma_start3A_41 = tpu.memref_slice %arg2[%add3A_38] : memref<25600000xf32, #tpu.memory_space<hbm>> -> memref<4000xf32, #tpu.memory_space<hbm>>
    %dma_start3A_42 = arith.constant 0 : i32
    %dma_start3A_43 = tpu.memref_slice %arg10[%dma_start3A_42] : memref<8000xf32, #tpu.memory_space<vmem>> -> memref<4000xf32, #tpu.memory_space<vmem>>
    %dma_start3A_44 = tpu.memref_slice %arg2[%add3A_38] : memref<25600000xf32, #tpu.memory_space<hbm>> -> memref<4000xf32, #tpu.memory_space<hbm>>
    tpu.enqueue_dma source(%dma_start3A_44 : memref<4000xf32, #tpu.memory_space<hbm>>) target(%dma_start3A_43 : memref<4000xf32, #tpu.memory_space<vmem>>) target_semaphore(%arg11 : memref<!tpu.dma_semaphore, #tpu.memory_space<semaphore_mem>>)
    %scan3A = arith.constant 0 : i32
    %scan3A_45 = arith.constant 0 : i32
    %scan3A_46 = arith.constant 12 : i32
    %scan3A_47 = arith.addi %scan3A_45, %scan3A_46 : i32
    %scan3A_48 = arith.constant 1 : i32
    %scan3A_49 = scf.for %scan3A_425 = %scan3A_45 to %scan3A_47 step %scan3A_48 iter_args(%scan3A_426 = %scan3A) -> (i32)  : i32 {
      %mul3A_427 = arith.constant 2 : i32
      %mul3A_428 = arith.muli %mul3A_427, %scan3A_425 : i32
      %add3A_429 = arith.constant 1 : i32
      %add3A_430 = arith.addi %mul3A_428, %add3A_429 : i32
      %mul3A_431 = arith.constant 4000 : i32
      %mul3A_432 = arith.muli %add3A_430, %mul3A_431 : i32
      %add3A_433 = arith.constant 0 : i32
      %add3A_434 = arith.addi %add3A_433, %mul3A_432 : i32
      %dma_start3A_435 = arith.constant 4000 : i32
      %dma_start3A_436 = tpu.memref_slice %arg8[%dma_start3A_435] : memref<8000xi32, #tpu.memory_space<vmem>> -> memref<4000xi32, #tpu.memory_space<vmem>>
      %dma_start3A_437 = tpu.memref_slice %arg3[%add3A_434] : memref<400000xi32, #tpu.memory_space<hbm>> -> memref<4000xi32, #tpu.memory_space<hbm>>
      %dma_start3A_438 = arith.constant 4000 : i32
      %dma_start3A_439 = tpu.memref_slice %arg8[%dma_start3A_438] : memref<8000xi32, #tpu.memory_space<vmem>> -> memref<4000xi32, #tpu.memory_space<vmem>>
      %dma_start3A_440 = tpu.memref_slice %arg3[%add3A_434] : memref<400000xi32, #tpu.memory_space<hbm>> -> memref<4000xi32, #tpu.memory_space<hbm>>
      tpu.enqueue_dma source(%dma_start3A_440 : memref<4000xi32, #tpu.memory_space<hbm>>) target(%dma_start3A_439 : memref<4000xi32, #tpu.memory_space<vmem>>) target_semaphore(%arg12 : memref<!tpu.dma_semaphore, #tpu.memory_space<semaphore_mem>>)
      %add3A_441 = arith.constant 0 : i32
      %add3A_442 = arith.addi %add3A_441, %mul3A_2 : i32
      %mul3A_443 = arith.constant 100000 : i32
      %mul3A_444 = arith.muli %add3A_442, %mul3A_443 : i32
      %mul3A_445 = arith.constant 4000 : i32
      %mul3A_446 = arith.muli %add3A_430, %mul3A_445 : i32
      %add3A_447 = arith.addi %mul3A_444, %mul3A_446 : i32
      %dma_start3A_448 = arith.constant 4000 : i32
      %dma_start3A_449 = tpu.memref_slice %arg9[%dma_start3A_448] : memref<8000xf32, #tpu.memory_space<vmem>> -> memref<4000xf32, #tpu.memory_space<vmem>>
      %dma_start3A_450 = tpu.memref_slice %arg2[%add3A_447] : memref<25600000xf32, #tpu.memory_space<hbm>> -> memref<4000xf32, #tpu.memory_space<hbm>>
      %dma_start3A_451 = arith.constant 4000 : i32
      %dma_start3A_452 = tpu.memref_slice %arg9[%dma_start3A_451] : memref<8000xf32, #tpu.memory_space<vmem>> -> memref<4000xf32, #tpu.memory_space<vmem>>
      %dma_start3A_453 = tpu.memref_slice %arg2[%add3A_447] : memref<25600000xf32, #tpu.memory_space<hbm>> -> memref<4000xf32, #tpu.memory_space<hbm>>
      tpu.enqueue_dma source(%dma_start3A_453 : memref<4000xf32, #tpu.memory_space<hbm>>) target(%dma_start3A_452 : memref<4000xf32, #tpu.memory_space<vmem>>) target_semaphore(%arg12 : memref<!tpu.dma_semaphore, #tpu.memory_space<semaphore_mem>>)
      %add3A_454 = arith.constant 0 : i32
      %add3A_455 = arith.addi %add3A_454, %mul3A_2 : i32
      %add3A_456 = arith.constant 1 : i32
      %add3A_457 = arith.addi %add3A_455, %add3A_456 : i32
      %mul3A_458 = arith.constant 100000 : i32
      %mul3A_459 = arith.muli %add3A_457, %mul3A_458 : i32
      %mul3A_460 = arith.constant 4000 : i32
      %mul3A_461 = arith.muli %add3A_430, %mul3A_460 : i32
      %add3A_462 = arith.addi %mul3A_459, %mul3A_461 : i32
      %dma_start3A_463 = arith.constant 4000 : i32
      %dma_start3A_464 = tpu.memref_slice %arg10[%dma_start3A_463] : memref<8000xf32, #tpu.memory_space<vmem>> -> memref<4000xf32, #tpu.memory_space<vmem>>
      %dma_start3A_465 = tpu.memref_slice %arg2[%add3A_462] : memref<25600000xf32, #tpu.memory_space<hbm>> -> memref<4000xf32, #tpu.memory_space<hbm>>
      %dma_start3A_466 = arith.constant 4000 : i32
      %dma_start3A_467 = tpu.memref_slice %arg10[%dma_start3A_466] : memref<8000xf32, #tpu.memory_space<vmem>> -> memref<4000xf32, #tpu.memory_space<vmem>>
      %dma_start3A_468 = tpu.memref_slice %arg2[%add3A_462] : memref<25600000xf32, #tpu.memory_space<hbm>> -> memref<4000xf32, #tpu.memory_space<hbm>>
      tpu.enqueue_dma source(%dma_start3A_468 : memref<4000xf32, #tpu.memory_space<hbm>>) target(%dma_start3A_467 : memref<4000xf32, #tpu.memory_space<vmem>>) target_semaphore(%arg12 : memref<!tpu.dma_semaphore, #tpu.memory_space<semaphore_mem>>)
      %mul3A_469 = arith.constant 4000 : i32
      %mul3A_470 = arith.muli %mul3A_428, %mul3A_469 : i32
      %add3A_471 = arith.constant 0 : i32
      %add3A_472 = arith.addi %add3A_471, %mul3A_470 : i32
      %dma_wait3A_473 = arith.constant 0 : i32
      %dma_wait3A_474 = tpu.memref_slice %arg8[%dma_wait3A_473] : memref<8000xi32, #tpu.memory_space<vmem>> -> memref<4000xi32, #tpu.memory_space<vmem>>
      %dma_wait3A_475 = tpu.memref_slice %arg3[%add3A_472] : memref<400000xi32, #tpu.memory_space<hbm>> -> memref<4000xi32, #tpu.memory_space<hbm>>
      %dma_wait3A_476 = arith.constant 0 : i32
      %dma_wait3A_477 = tpu.memref_slice %arg8[%dma_wait3A_476] : memref<8000xi32, #tpu.memory_space<vmem>> -> memref<4000xi32, #tpu.memory_space<vmem>>
      %dma_wait3A_478 = tpu.memref_slice %arg3[%add3A_472] : memref<400000xi32, #tpu.memory_space<hbm>> -> memref<4000xi32, #tpu.memory_space<hbm>>
      tpu.wait_dma2 semaphore(%arg11 : memref<!tpu.dma_semaphore, #tpu.memory_space<semaphore_mem>>) src(%dma_wait3A_478 : memref<4000xi32, #tpu.memory_space<hbm>>) dst(%dma_wait3A_477 : memref<4000xi32, #tpu.memory_space<vmem>>)
      %add3A_479 = arith.constant 0 : i32
      %add3A_480 = arith.addi %add3A_479, %mul3A_2 : i32
      %mul3A_481 = arith.constant 100000 : i32
      %mul3A_482 = arith.muli %add3A_480, %mul3A_481 : i32
      %mul3A_483 = arith.constant 4000 : i32
      %mul3A_484 = arith.muli %mul3A_428, %mul3A_483 : i32
      %add3A_485 = arith.addi %mul3A_482, %mul3A_484 : i32
      %dma_wait3A_486 = arith.constant 0 : i32
      %dma_wait3A_487 = tpu.memref_slice %arg9[%dma_wait3A_486] : memref<8000xf32, #tpu.memory_space<vmem>> -> memref<4000xf32, #tpu.memory_space<vmem>>
      %dma_wait3A_488 = tpu.memref_slice %arg2[%add3A_485] : memref<25600000xf32, #tpu.memory_space<hbm>> -> memref<4000xf32, #tpu.memory_space<hbm>>
      %dma_wait3A_489 = arith.constant 0 : i32
      %dma_wait3A_490 = tpu.memref_slice %arg9[%dma_wait3A_489] : memref<8000xf32, #tpu.memory_space<vmem>> -> memref<4000xf32, #tpu.memory_space<vmem>>
      %dma_wait3A_491 = tpu.memref_slice %arg2[%add3A_485] : memref<25600000xf32, #tpu.memory_space<hbm>> -> memref<4000xf32, #tpu.memory_space<hbm>>
      tpu.wait_dma2 semaphore(%arg11 : memref<!tpu.dma_semaphore, #tpu.memory_space<semaphore_mem>>) src(%dma_wait3A_491 : memref<4000xf32, #tpu.memory_space<hbm>>) dst(%dma_wait3A_490 : memref<4000xf32, #tpu.memory_space<vmem>>)
      %add3A_492 = arith.constant 0 : i32
      %add3A_493 = arith.addi %add3A_492, %mul3A_2 : i32
      %add3A_494 = arith.constant 1 : i32
      %add3A_495 = arith.addi %add3A_493, %add3A_494 : i32
      %mul3A_496 = arith.constant 100000 : i32
      %mul3A_497 = arith.muli %add3A_495, %mul3A_496 : i32
      %mul3A_498 = arith.constant 4000 : i32
      %mul3A_499 = arith.muli %mul3A_428, %mul3A_498 : i32
      %add3A_500 = arith.addi %mul3A_497, %mul3A_499 : i32
      %dma_wait3A_501 = arith.constant 0 : i32
      %dma_wait3A_502 = tpu.memref_slice %arg10[%dma_wait3A_501] : memref<8000xf32, #tpu.memory_space<vmem>> -> memref<4000xf32, #tpu.memory_space<vmem>>
      %dma_wait3A_503 = tpu.memref_slice %arg2[%add3A_500] : memref<25600000xf32, #tpu.memory_space<hbm>> -> memref<4000xf32, #tpu.memory_space<hbm>>
      %dma_wait3A_504 = arith.constant 0 : i32
      %dma_wait3A_505 = tpu.memref_slice %arg10[%dma_wait3A_504] : memref<8000xf32, #tpu.memory_space<vmem>> -> memref<4000xf32, #tpu.memory_space<vmem>>
      %dma_wait3A_506 = tpu.memref_slice %arg2[%add3A_500] : memref<25600000xf32, #tpu.memory_space<hbm>> -> memref<4000xf32, #tpu.memory_space<hbm>>
      tpu.wait_dma2 semaphore(%arg11 : memref<!tpu.dma_semaphore, #tpu.memory_space<semaphore_mem>>) src(%dma_wait3A_506 : memref<4000xf32, #tpu.memory_space<hbm>>) dst(%dma_wait3A_505 : memref<4000xf32, #tpu.memory_space<vmem>>)
      %parallel_loop3A_507 = arith.constant 0 : i32
      %parallel_loop3A_508 = arith.constant 250 : i32
      %parallel_loop3A_509 = arith.constant 1 : i32
      scf.for %parallel_loop3A_570 = %parallel_loop3A_507 to %parallel_loop3A_508 step %parallel_loop3A_509  : i32 {
        %parallel_loop3A_571 = arith.constant 16 : i32
        %parallel_loop3A_572 = arith.muli %parallel_loop3A_570, %parallel_loop3A_571 : i32
        %parallel_loop3A_573 = arith.constant 0 : i32
        %parallel_loop3A_574 = arith.addi %parallel_loop3A_573, %parallel_loop3A_572 : i32
        %parallel_loop3A_575 = arith.index_cast %parallel_loop3A_574 : i32 to index
        %parallel_loop3A_576 = tpu.vector_load %arg8[%parallel_loop3A_575] {strides = array<i32>} : memref<8000xi32, #tpu.memory_space<vmem>>, vector<16xi32>,
        %parallel_loop3A_577 = arith.constant 16 : i32
        %parallel_loop3A_578 = arith.muli %parallel_loop3A_570, %parallel_loop3A_577 : i32
        %parallel_loop3A_579 = arith.constant 0 : i32
        %parallel_loop3A_580 = arith.addi %parallel_loop3A_579, %parallel_loop3A_578 : i32
        %parallel_loop3A_581 = arith.index_cast %parallel_loop3A_580 : i32 to index
        %parallel_loop3A_582 = tpu.vector_load %arg9[%parallel_loop3A_581] {strides = array<i32>} : memref<8000xf32, #tpu.memory_space<vmem>>, vector<16xf32>,
        tpu.vector_store_idx %arg6[%parallel_loop3A_576], %parallel_loop3A_582 {add = true} : memref<65536xf32, #tpu.memory_space<vmem>>[vector<16xi32>], vector<16xf32>,
        %parallel_loop3A_583 = arith.addi %parallel_loop3A_576, %broadcast_in_dim3A_7 : vector<16xi32>
        %parallel_loop3A_584 = arith.constant 16 : i32
        %parallel_loop3A_585 = arith.muli %parallel_loop3A_570, %parallel_loop3A_584 : i32
        %parallel_loop3A_586 = arith.constant 0 : i32
        %parallel_loop3A_587 = arith.addi %parallel_loop3A_586, %parallel_loop3A_585 : i32
        %parallel_loop3A_588 = arith.index_cast %parallel_loop3A_587 : i32 to index
        %parallel_loop3A_589 = tpu.vector_load %arg10[%parallel_loop3A_588] {strides = array<i32>} : memref<8000xf32, #tpu.memory_space<vmem>>, vector<16xf32>,
        tpu.vector_store_idx %arg6[%parallel_loop3A_583], %parallel_loop3A_589 {add = true} : memref<65536xf32, #tpu.memory_space<vmem>>[vector<16xi32>], vector<16xf32>,
      } {sc.loop_unroll_factor = 8 : i64, sc.parallel_access}
      %eq3A_510 = arith.constant 0 : i32
      %eq3A_511 = arith.cmpi eq, %add3A, %eq3A_510 : i32
      %convert_element_type3A_512 = arith.extui %eq3A_511 : i1 to i32
      %cond3A_513 = arith.constant 0 : i32
      %cond3A_514 = arith.cmpi ne, %convert_element_type3A_512, %cond3A_513 : i32
      scf.if %cond3A_514 {
        %parallel_loop3A_570 = arith.constant 0 : i32
        %parallel_loop3A_571 = arith.constant 250 : i32
        %parallel_loop3A_572 = arith.constant 1 : i32
        scf.for %parallel_loop3A_573 = %parallel_loop3A_570 to %parallel_loop3A_571 step %parallel_loop3A_572  : i32 {
          %parallel_loop3A_574 = arith.constant 16 : i32
          %parallel_loop3A_575 = arith.muli %parallel_loop3A_573, %parallel_loop3A_574 : i32
          %parallel_loop3A_576 = arith.constant 0 : i32
          %parallel_loop3A_577 = arith.addi %parallel_loop3A_576, %parallel_loop3A_575 : i32
          %parallel_loop3A_578 = arith.index_cast %parallel_loop3A_577 : i32 to index
          %parallel_loop3A_579 = tpu.vector_load %arg8[%parallel_loop3A_578] {strides = array<i32>} : memref<8000xi32, #tpu.memory_space<vmem>>, vector<16xi32>,
          tpu.vector_store_idx %arg7[%parallel_loop3A_579], %broadcast_in_dim3A_5 {add = true} : memref<32768xf32, #tpu.memory_space<vmem>>[vector<16xi32>], vector<16xf32>,
        } {sc.loop_unroll_factor = 8 : i64, sc.parallel_access}
      } else {
      }
      %add3A_515 = arith.constant 2 : i32
      %add3A_516 = arith.addi %mul3A_428, %add3A_515 : i32
      %lt3A = arith.constant 25 : i32
      %lt3A_517 = arith.cmpi slt, %add3A_516, %lt3A : i32
      %convert_element_type3A_518 = arith.extui %lt3A_517 : i1 to i32
      %cond3A_519 = arith.constant 0 : i32
      %cond3A_520 = arith.cmpi ne, %convert_element_type3A_518, %cond3A_519 : i32
      scf.if %cond3A_520 {
        %add3A_570 = arith.constant 2 : i32
        %add3A_571 = arith.addi %mul3A_428, %add3A_570 : i32
        %mul3A_572 = arith.constant 4000 : i32
        %mul3A_573 = arith.muli %add3A_571, %mul3A_572 : i32
        %add3A_574 = arith.constant 0 : i32
        %add3A_575 = arith.addi %add3A_574, %mul3A_573 : i32
        %dma_start3A_576 = arith.constant 0 : i32
        %dma_start3A_577 = tpu.memref_slice %arg8[%dma_start3A_576] : memref<8000xi32, #tpu.memory_space<vmem>> -> memref<4000xi32, #tpu.memory_space<vmem>>
        %dma_start3A_578 = tpu.memref_slice %arg3[%add3A_575] : memref<400000xi32, #tpu.memory_space<hbm>> -> memref<4000xi32, #tpu.memory_space<hbm>>
        %dma_start3A_579 = arith.constant 0 : i32
        %dma_start3A_580 = tpu.memref_slice %arg8[%dma_start3A_579] : memref<8000xi32, #tpu.memory_space<vmem>> -> memref<4000xi32, #tpu.memory_space<vmem>>
        %dma_start3A_581 = tpu.memref_slice %arg3[%add3A_575] : memref<400000xi32, #tpu.memory_space<hbm>> -> memref<4000xi32, #tpu.memory_space<hbm>>
        tpu.enqueue_dma source(%dma_start3A_581 : memref<4000xi32, #tpu.memory_space<hbm>>) target(%dma_start3A_580 : memref<4000xi32, #tpu.memory_space<vmem>>) target_semaphore(%arg11 : memref<!tpu.dma_semaphore, #tpu.memory_space<semaphore_mem>>)
        %add3A_582 = arith.constant 0 : i32
        %add3A_583 = arith.addi %add3A_582, %mul3A_2 : i32
        %mul3A_584 = arith.constant 100000 : i32
        %mul3A_585 = arith.muli %add3A_583, %mul3A_584 : i32
        %mul3A_586 = arith.constant 4000 : i32
        %mul3A_587 = arith.muli %add3A_571, %mul3A_586 : i32
        %add3A_588 = arith.addi %mul3A_585, %mul3A_587 : i32
        %dma_start3A_589 = arith.constant 0 : i32
        %dma_start3A_590 = tpu.memref_slice %arg9[%dma_start3A_589] : memref<8000xf32, #tpu.memory_space<vmem>> -> memref<4000xf32, #tpu.memory_space<vmem>>
        %dma_start3A_591 = tpu.memref_slice %arg2[%add3A_588] : memref<25600000xf32, #tpu.memory_space<hbm>> -> memref<4000xf32, #tpu.memory_space<hbm>>
        %dma_start3A_592 = arith.constant 0 : i32
        %dma_start3A_593 = tpu.memref_slice %arg9[%dma_start3A_592] : memref<8000xf32, #tpu.memory_space<vmem>> -> memref<4000xf32, #tpu.memory_space<vmem>>
        %dma_start3A_594 = tpu.memref_slice %arg2[%add3A_588] : memref<25600000xf32, #tpu.memory_space<hbm>> -> memref<4000xf32, #tpu.memory_space<hbm>>
        tpu.enqueue_dma source(%dma_start3A_594 : memref<4000xf32, #tpu.memory_space<hbm>>) target(%dma_start3A_593 : memref<4000xf32, #tpu.memory_space<vmem>>) target_semaphore(%arg11 : memref<!tpu.dma_semaphore, #tpu.memory_space<semaphore_mem>>)
        %add3A_595 = arith.constant 0 : i32
        %add3A_596 = arith.addi %add3A_595, %mul3A_2 : i32
        %add3A_597 = arith.constant 1 : i32
        %add3A_598 = arith.addi %add3A_596, %add3A_597 : i32
        %mul3A_599 = arith.constant 100000 : i32
        %mul3A_600 = arith.muli %add3A_598, %mul3A_599 : i32
        %mul3A_601 = arith.constant 4000 : i32
        %mul3A_602 = arith.muli %add3A_571, %mul3A_601 : i32
        %add3A_603 = arith.addi %mul3A_600, %mul3A_602 : i32
        %dma_start3A_604 = arith.constant 0 : i32
        %dma_start3A_605 = tpu.memref_slice %arg10[%dma_start3A_604] : memref<8000xf32, #tpu.memory_space<vmem>> -> memref<4000xf32, #tpu.memory_space<vmem>>
        %dma_start3A_606 = tpu.memref_slice %arg2[%add3A_603] : memref<25600000xf32, #tpu.memory_space<hbm>> -> memref<4000xf32, #tpu.memory_space<hbm>>
        %dma_start3A_607 = arith.constant 0 : i32
        %dma_start3A_608 = tpu.memref_slice %arg10[%dma_start3A_607] : memref<8000xf32, #tpu.memory_space<vmem>> -> memref<4000xf32, #tpu.memory_space<vmem>>
        %dma_start3A_609 = tpu.memref_slice %arg2[%add3A_603] : memref<25600000xf32, #tpu.memory_space<hbm>> -> memref<4000xf32, #tpu.memory_space<hbm>>
        tpu.enqueue_dma source(%dma_start3A_609 : memref<4000xf32, #tpu.memory_space<hbm>>) target(%dma_start3A_608 : memref<4000xf32, #tpu.memory_space<vmem>>) target_semaphore(%arg11 : memref<!tpu.dma_semaphore, #tpu.memory_space<semaphore_mem>>)
      } else {
      }
      %add3A_521 = arith.constant 1 : i32
      %add3A_522 = arith.addi %mul3A_428, %add3A_521 : i32
      %mul3A_523 = arith.constant 4000 : i32
      %mul3A_524 = arith.muli %add3A_522, %mul3A_523 : i32
      %add3A_525 = arith.constant 0 : i32
      %add3A_526 = arith.addi %add3A_525, %mul3A_524 : i32
      %dma_wait3A_527 = arith.constant 4000 : i32
      %dma_wait3A_528 = tpu.memref_slice %arg8[%dma_wait3A_527] : memref<8000xi32, #tpu.memory_space<vmem>> -> memref<4000xi32, #tpu.memory_space<vmem>>
      %dma_wait3A_529 = tpu.memref_slice %arg3[%add3A_526] : memref<400000xi32, #tpu.memory_space<hbm>> -> memref<4000xi32, #tpu.memory_space<hbm>>
      %dma_wait3A_530 = arith.constant 4000 : i32
      %dma_wait3A_531 = tpu.memref_slice %arg8[%dma_wait3A_530] : memref<8000xi32, #tpu.memory_space<vmem>> -> memref<4000xi32, #tpu.memory_space<vmem>>
      %dma_wait3A_532 = tpu.memref_slice %arg3[%add3A_526] : memref<400000xi32, #tpu.memory_space<hbm>> -> memref<4000xi32, #tpu.memory_space<hbm>>
      tpu.wait_dma2 semaphore(%arg12 : memref<!tpu.dma_semaphore, #tpu.memory_space<semaphore_mem>>) src(%dma_wait3A_532 : memref<4000xi32, #tpu.memory_space<hbm>>) dst(%dma_wait3A_531 : memref<4000xi32, #tpu.memory_space<vmem>>)
      %add3A_533 = arith.constant 0 : i32
      %add3A_534 = arith.addi %add3A_533, %mul3A_2 : i32
      %mul3A_535 = arith.constant 100000 : i32
      %mul3A_536 = arith.muli %add3A_534, %mul3A_535 : i32
      %mul3A_537 = arith.constant 4000 : i32
      %mul3A_538 = arith.muli %add3A_522, %mul3A_537 : i32
      %add3A_539 = arith.addi %mul3A_536, %mul3A_538 : i32
      %dma_wait3A_540 = arith.constant 4000 : i32
      %dma_wait3A_541 = tpu.memref_slice %arg9[%dma_wait3A_540] : memref<8000xf32, #tpu.memory_space<vmem>> -> memref<4000xf32, #tpu.memory_space<vmem>>
      %dma_wait3A_542 = tpu.memref_slice %arg2[%add3A_539] : memref<25600000xf32, #tpu.memory_space<hbm>> -> memref<4000xf32, #tpu.memory_space<hbm>>
      %dma_wait3A_543 = arith.constant 4000 : i32
      %dma_wait3A_544 = tpu.memref_slice %arg9[%dma_wait3A_543] : memref<8000xf32, #tpu.memory_space<vmem>> -> memref<4000xf32, #tpu.memory_space<vmem>>
      %dma_wait3A_545 = tpu.memref_slice %arg2[%add3A_539] : memref<25600000xf32, #tpu.memory_space<hbm>> -> memref<4000xf32, #tpu.memory_space<hbm>>
      tpu.wait_dma2 semaphore(%arg12 : memref<!tpu.dma_semaphore, #tpu.memory_space<semaphore_mem>>) src(%dma_wait3A_545 : memref<4000xf32, #tpu.memory_space<hbm>>) dst(%dma_wait3A_544 : memref<4000xf32, #tpu.memory_space<vmem>>)
      %add3A_546 = arith.constant 0 : i32
      %add3A_547 = arith.addi %add3A_546, %mul3A_2 : i32
      %add3A_548 = arith.constant 1 : i32
      %add3A_549 = arith.addi %add3A_547, %add3A_548 : i32
      %mul3A_550 = arith.constant 100000 : i32
      %mul3A_551 = arith.muli %add3A_549, %mul3A_550 : i32
      %mul3A_552 = arith.constant 4000 : i32
      %mul3A_553 = arith.muli %add3A_522, %mul3A_552 : i32
      %add3A_554 = arith.addi %mul3A_551, %mul3A_553 : i32
      %dma_wait3A_555 = arith.constant 4000 : i32
      %dma_wait3A_556 = tpu.memref_slice %arg10[%dma_wait3A_555] : memref<8000xf32, #tpu.memory_space<vmem>> -> memref<4000xf32, #tpu.memory_space<vmem>>
      %dma_wait3A_557 = tpu.memref_slice %arg2[%add3A_554] : memref<25600000xf32, #tpu.memory_space<hbm>> -> memref<4000xf32, #tpu.memory_space<hbm>>
      %dma_wait3A_558 = arith.constant 4000 : i32
      %dma_wait3A_559 = tpu.memref_slice %arg10[%dma_wait3A_558] : memref<8000xf32, #tpu.memory_space<vmem>> -> memref<4000xf32, #tpu.memory_space<vmem>>
      %dma_wait3A_560 = tpu.memref_slice %arg2[%add3A_554] : memref<25600000xf32, #tpu.memory_space<hbm>> -> memref<4000xf32, #tpu.memory_space<hbm>>
      tpu.wait_dma2 semaphore(%arg12 : memref<!tpu.dma_semaphore, #tpu.memory_space<semaphore_mem>>) src(%dma_wait3A_560 : memref<4000xf32, #tpu.memory_space<hbm>>) dst(%dma_wait3A_559 : memref<4000xf32, #tpu.memory_space<vmem>>)
      %parallel_loop3A_561 = arith.constant 0 : i32
      %parallel_loop3A_562 = arith.constant 250 : i32
      %parallel_loop3A_563 = arith.constant 1 : i32
      scf.for %parallel_loop3A_570 = %parallel_loop3A_561 to %parallel_loop3A_562 step %parallel_loop3A_563  : i32 {
        %parallel_loop3A_571 = arith.constant 16 : i32
        %parallel_loop3A_572 = arith.muli %parallel_loop3A_570, %parallel_loop3A_571 : i32
        %parallel_loop3A_573 = arith.constant 4000 : i32
        %parallel_loop3A_574 = arith.addi %parallel_loop3A_573, %parallel_loop3A_572 : i32
        %parallel_loop3A_575 = arith.index_cast %parallel_loop3A_574 : i32 to index
        %parallel_loop3A_576 = tpu.vector_load %arg8[%parallel_loop3A_575] {strides = array<i32>} : memref<8000xi32, #tpu.memory_space<vmem>>, vector<16xi32>,
        %parallel_loop3A_577 = arith.constant 16 : i32
        %parallel_loop3A_578 = arith.muli %parallel_loop3A_570, %parallel_loop3A_577 : i32
        %parallel_loop3A_579 = arith.constant 4000 : i32
        %parallel_loop3A_580 = arith.addi %parallel_loop3A_579, %parallel_loop3A_578 : i32
        %parallel_loop3A_581 = arith.index_cast %parallel_loop3A_580 : i32 to index
        %parallel_loop3A_582 = tpu.vector_load %arg9[%parallel_loop3A_581] {strides = array<i32>} : memref<8000xf32, #tpu.memory_space<vmem>>, vector<16xf32>,
        tpu.vector_store_idx %arg6[%parallel_loop3A_576], %parallel_loop3A_582 {add = true} : memref<65536xf32, #tpu.memory_space<vmem>>[vector<16xi32>], vector<16xf32>,
        %parallel_loop3A_583 = arith.addi %parallel_loop3A_576, %broadcast_in_dim3A_7 : vector<16xi32>
        %parallel_loop3A_584 = arith.constant 16 : i32
        %parallel_loop3A_585 = arith.muli %parallel_loop3A_570, %parallel_loop3A_584 : i32
        %parallel_loop3A_586 = arith.constant 4000 : i32
        %parallel_loop3A_587 = arith.addi %parallel_loop3A_586, %parallel_loop3A_585 : i32
        %parallel_loop3A_588 = arith.index_cast %parallel_loop3A_587 : i32 to index
        %parallel_loop3A_589 = tpu.vector_load %arg10[%parallel_loop3A_588] {strides = array<i32>} : memref<8000xf32, #tpu.memory_space<vmem>>, vector<16xf32>,
        tpu.vector_store_idx %arg6[%parallel_loop3A_583], %parallel_loop3A_589 {add = true} : memref<65536xf32, #tpu.memory_space<vmem>>[vector<16xi32>], vector<16xf32>,
      } {sc.loop_unroll_factor = 8 : i64, sc.parallel_access}
      %eq3A_564 = arith.constant 0 : i32
      %eq3A_565 = arith.cmpi eq, %add3A, %eq3A_564 : i32
      %convert_element_type3A_566 = arith.extui %eq3A_565 : i1 to i32
      %cond3A_567 = arith.constant 0 : i32
      %cond3A_568 = arith.cmpi ne, %convert_element_type3A_566, %cond3A_567 : i32
      scf.if %cond3A_568 {
        %parallel_loop3A_570 = arith.constant 0 : i32
        %parallel_loop3A_571 = arith.constant 250 : i32
        %parallel_loop3A_572 = arith.constant 1 : i32
        scf.for %parallel_loop3A_573 = %parallel_loop3A_570 to %parallel_loop3A_571 step %parallel_loop3A_572  : i32 {
          %parallel_loop3A_574 = arith.constant 16 : i32
          %parallel_loop3A_575 = arith.muli %parallel_loop3A_573, %parallel_loop3A_574 : i32
          %parallel_loop3A_576 = arith.constant 4000 : i32
          %parallel_loop3A_577 = arith.addi %parallel_loop3A_576, %parallel_loop3A_575 : i32
          %parallel_loop3A_578 = arith.index_cast %parallel_loop3A_577 : i32 to index
          %parallel_loop3A_579 = tpu.vector_load %arg8[%parallel_loop3A_578] {strides = array<i32>} : memref<8000xi32, #tpu.memory_space<vmem>>, vector<16xi32>,
          tpu.vector_store_idx %arg7[%parallel_loop3A_579], %broadcast_in_dim3A_5 {add = true} : memref<32768xf32, #tpu.memory_space<vmem>>[vector<16xi32>], vector<16xf32>,
        } {sc.loop_unroll_factor = 8 : i64, sc.parallel_access}
      } else {
      }
      %scan3A_569 = arith.constant 0 : i32
      scf.yield %scan3A_569 : i32
    }
    %scan3A_50 = arith.constant 12 : i32
    %dma_wait3A = arith.constant 0 : i32
    %dma_wait3A_51 = tpu.memref_slice %arg8[%dma_wait3A] : memref<8000xi32, #tpu.memory_space<vmem>> -> memref<4000xi32, #tpu.memory_space<vmem>>
    %dma_wait3A_52 = arith.constant 96000 : i32
    %dma_wait3A_53 = tpu.memref_slice %arg3[%dma_wait3A_52] : memref<400000xi32, #tpu.memory_space<hbm>> -> memref<4000xi32, #tpu.memory_space<hbm>>
    %dma_wait3A_54 = arith.constant 0 : i32
    %dma_wait3A_55 = tpu.memref_slice %arg8[%dma_wait3A_54] : memref<8000xi32, #tpu.memory_space<vmem>> -> memref<4000xi32, #tpu.memory_space<vmem>>
    %dma_wait3A_56 = arith.constant 96000 : i32
    %dma_wait3A_57 = tpu.memref_slice %arg3[%dma_wait3A_56] : memref<400000xi32, #tpu.memory_space<hbm>> -> memref<4000xi32, #tpu.memory_space<hbm>>
    tpu.wait_dma2 semaphore(%arg11 : memref<!tpu.dma_semaphore, #tpu.memory_space<semaphore_mem>>) src(%dma_wait3A_57 : memref<4000xi32, #tpu.memory_space<hbm>>) dst(%dma_wait3A_55 : memref<4000xi32, #tpu.memory_space<vmem>>)
    %add3A_58 = arith.constant 0 : i32
    %add3A_59 = arith.addi %add3A_58, %mul3A_2 : i32
    %mul3A_60 = arith.constant 100000 : i32
    %mul3A_61 = arith.muli %add3A_59, %mul3A_60 : i32
    %add3A_62 = arith.constant 96000 : i32
    %add3A_63 = arith.addi %mul3A_61, %add3A_62 : i32
    %dma_wait3A_64 = arith.constant 0 : i32
    %dma_wait3A_65 = tpu.memref_slice %arg9[%dma_wait3A_64] : memref<8000xf32, #tpu.memory_space<vmem>> -> memref<4000xf32, #tpu.memory_space<vmem>>
    %dma_wait3A_66 = tpu.memref_slice %arg2[%add3A_63] : memref<25600000xf32, #tpu.memory_space<hbm>> -> memref<4000xf32, #tpu.memory_space<hbm>>
    %dma_wait3A_67 = arith.constant 0 : i32
    %dma_wait3A_68 = tpu.memref_slice %arg9[%dma_wait3A_67] : memref<8000xf32, #tpu.memory_space<vmem>> -> memref<4000xf32, #tpu.memory_space<vmem>>
    %dma_wait3A_69 = tpu.memref_slice %arg2[%add3A_63] : memref<25600000xf32, #tpu.memory_space<hbm>> -> memref<4000xf32, #tpu.memory_space<hbm>>
    tpu.wait_dma2 semaphore(%arg11 : memref<!tpu.dma_semaphore, #tpu.memory_space<semaphore_mem>>) src(%dma_wait3A_69 : memref<4000xf32, #tpu.memory_space<hbm>>) dst(%dma_wait3A_68 : memref<4000xf32, #tpu.memory_space<vmem>>)
    %add3A_70 = arith.constant 0 : i32
    %add3A_71 = arith.addi %add3A_70, %mul3A_2 : i32
    %add3A_72 = arith.constant 1 : i32
    %add3A_73 = arith.addi %add3A_71, %add3A_72 : i32
    %mul3A_74 = arith.constant 100000 : i32
    %mul3A_75 = arith.muli %add3A_73, %mul3A_74 : i32
    %add3A_76 = arith.constant 96000 : i32
    %add3A_77 = arith.addi %mul3A_75, %add3A_76 : i32
    %dma_wait3A_78 = arith.constant 0 : i32
    %dma_wait3A_79 = tpu.memref_slice %arg10[%dma_wait3A_78] : memref<8000xf32, #tpu.memory_space<vmem>> -> memref<4000xf32, #tpu.memory_space<vmem>>
    %dma_wait3A_80 = tpu.memref_slice %arg2[%add3A_77] : memref<25600000xf32, #tpu.memory_space<hbm>> -> memref<4000xf32, #tpu.memory_space<hbm>>
    %dma_wait3A_81 = arith.constant 0 : i32
    %dma_wait3A_82 = tpu.memref_slice %arg10[%dma_wait3A_81] : memref<8000xf32, #tpu.memory_space<vmem>> -> memref<4000xf32, #tpu.memory_space<vmem>>
    %dma_wait3A_83 = tpu.memref_slice %arg2[%add3A_77] : memref<25600000xf32, #tpu.memory_space<hbm>> -> memref<4000xf32, #tpu.memory_space<hbm>>
    tpu.wait_dma2 semaphore(%arg11 : memref<!tpu.dma_semaphore, #tpu.memory_space<semaphore_mem>>) src(%dma_wait3A_83 : memref<4000xf32, #tpu.memory_space<hbm>>) dst(%dma_wait3A_82 : memref<4000xf32, #tpu.memory_space<vmem>>)
    %parallel_loop3A_84 = arith.constant 0 : i32
    %parallel_loop3A_85 = arith.constant 250 : i32
    %parallel_loop3A_86 = arith.constant 1 : i32
    scf.for %parallel_loop3A_425 = %parallel_loop3A_84 to %parallel_loop3A_85 step %parallel_loop3A_86  : i32 {
      %parallel_loop3A_426 = arith.constant 16 : i32
      %parallel_loop3A_427 = arith.muli %parallel_loop3A_425, %parallel_loop3A_426 : i32
      %parallel_loop3A_428 = arith.constant 0 : i32
      %parallel_loop3A_429 = arith.addi %parallel_loop3A_428, %parallel_loop3A_427 : i32
      %parallel_loop3A_430 = arith.index_cast %parallel_loop3A_429 : i32 to index
      %parallel_loop3A_431 = tpu.vector_load %arg8[%parallel_loop3A_430] {strides = array<i32>} : memref<8000xi32, #tpu.memory_space<vmem>>, vector<16xi32>,
      %parallel_loop3A_432 = arith.constant 16 : i32
      %parallel_loop3A_433 = arith.muli %parallel_loop3A_425, %parallel_loop3A_432 : i32
      %parallel_loop3A_434 = arith.constant 0 : i32
      %parallel_loop3A_435 = arith.addi %parallel_loop3A_434, %parallel_loop3A_433 : i32
      %parallel_loop3A_436 = arith.index_cast %parallel_loop3A_435 : i32 to index
      %parallel_loop3A_437 = tpu.vector_load %arg9[%parallel_loop3A_436] {strides = array<i32>} : memref<8000xf32, #tpu.memory_space<vmem>>, vector<16xf32>,
      tpu.vector_store_idx %arg6[%parallel_loop3A_431], %parallel_loop3A_437 {add = true} : memref<65536xf32, #tpu.memory_space<vmem>>[vector<16xi32>], vector<16xf32>,
      %parallel_loop3A_438 = arith.addi %parallel_loop3A_431, %broadcast_in_dim3A_7 : vector<16xi32>
      %parallel_loop3A_439 = arith.constant 16 : i32
      %parallel_loop3A_440 = arith.muli %parallel_loop3A_425, %parallel_loop3A_439 : i32
      %parallel_loop3A_441 = arith.constant 0 : i32
      %parallel_loop3A_442 = arith.addi %parallel_loop3A_441, %parallel_loop3A_440 : i32
      %parallel_loop3A_443 = arith.index_cast %parallel_loop3A_442 : i32 to index
      %parallel_loop3A_444 = tpu.vector_load %arg10[%parallel_loop3A_443] {strides = array<i32>} : memref<8000xf32, #tpu.memory_space<vmem>>, vector<16xf32>,
      tpu.vector_store_idx %arg6[%parallel_loop3A_438], %parallel_loop3A_444 {add = true} : memref<65536xf32, #tpu.memory_space<vmem>>[vector<16xi32>], vector<16xf32>,
    } {sc.loop_unroll_factor = 8 : i64, sc.parallel_access}
    %eq3A_87 = arith.constant 0 : i32
    %eq3A_88 = arith.cmpi eq, %add3A, %eq3A_87 : i32
    %convert_element_type3A_89 = arith.extui %eq3A_88 : i1 to i32
    %cond3A_90 = arith.constant 0 : i32
    %cond3A_91 = arith.cmpi ne, %convert_element_type3A_89, %cond3A_90 : i32
    scf.if %cond3A_91 {
      %parallel_loop3A_425 = arith.constant 0 : i32
      %parallel_loop3A_426 = arith.constant 250 : i32
      %parallel_loop3A_427 = arith.constant 1 : i32
      scf.for %parallel_loop3A_428 = %parallel_loop3A_425 to %parallel_loop3A_426 step %parallel_loop3A_427  : i32 {
        %parallel_loop3A_429 = arith.constant 16 : i32
        %parallel_loop3A_430 = arith.muli %parallel_loop3A_428, %parallel_loop3A_429 : i32
        %parallel_loop3A_431 = arith.constant 0 : i32
        %parallel_loop3A_432 = arith.addi %parallel_loop3A_431, %parallel_loop3A_430 : i32
        %parallel_loop3A_433 = arith.index_cast %parallel_loop3A_432 : i32 to index
        %parallel_loop3A_434 = tpu.vector_load %arg8[%parallel_loop3A_433] {strides = array<i32>} : memref<8000xi32, #tpu.memory_space<vmem>>, vector<16xi32>,
        tpu.vector_store_idx %arg7[%parallel_loop3A_434], %broadcast_in_dim3A_5 {add = true} : memref<32768xf32, #tpu.memory_space<vmem>>[vector<16xi32>], vector<16xf32>,
      } {sc.loop_unroll_factor = 8 : i64, sc.parallel_access}
    } else {
    }
    %add3A_92 = arith.constant 0 : i32
    %add3A_93 = arith.addi %add3A_92, %mul3A_2 : i32
    %mul3A_94 = arith.constant 32768 : i32
    %mul3A_95 = arith.muli %add3A_93, %mul3A_94 : i32
    "tpu.region"() ({
      %run_scoped3A = tpu.sem_alloc : memref<!tpu.dma_semaphore, #tpu.memory_space<semaphore_mem>>
      %dma_start3A_425 = arith.constant 0 : i32
      %dma_start3A_426 = tpu.memref_slice %arg6[%dma_start3A_425] : memref<65536xf32, #tpu.memory_space<vmem>> -> memref<32768xf32, #tpu.memory_space<vmem>>
      %dma_start3A_427 = tpu.memref_slice %arg4[%mul3A_95] : memref<8388608xf32, #tpu.memory_space<hbm>> -> memref<32768xf32, #tpu.memory_space<hbm>>
      %dma_start3A_428 = tpu.memref_slice %arg4[%mul3A_95] : memref<8388608xf32, #tpu.memory_space<hbm>> -> memref<32768xf32, #tpu.memory_space<hbm>>
      %dma_start3A_429 = arith.constant 0 : i32
      %dma_start3A_430 = tpu.memref_slice %arg6[%dma_start3A_429] : memref<65536xf32, #tpu.memory_space<vmem>> -> memref<32768xf32, #tpu.memory_space<vmem>>
      tpu.enqueue_dma source(%dma_start3A_430 : memref<32768xf32, #tpu.memory_space<vmem>>) target(%dma_start3A_428 : memref<32768xf32, #tpu.memory_space<hbm>>) target_semaphore(%run_scoped3A : memref<!tpu.dma_semaphore, #tpu.memory_space<semaphore_mem>>)
      %dma_wait3A_431 = arith.constant 0 : i32
      %dma_wait3A_432 = tpu.memref_slice %arg6[%dma_wait3A_431] : memref<65536xf32, #tpu.memory_space<vmem>> -> memref<32768xf32, #tpu.memory_space<vmem>>
      %dma_wait3A_433 = tpu.memref_slice %arg4[%mul3A_95] : memref<8388608xf32, #tpu.memory_space<hbm>> -> memref<32768xf32, #tpu.memory_space<hbm>>
      %dma_wait3A_434 = tpu.memref_slice %arg4[%mul3A_95] : memref<8388608xf32, #tpu.memory_space<hbm>> -> memref<32768xf32, #tpu.memory_space<hbm>>
      %dma_wait3A_435 = arith.constant 0 : i32
      %dma_wait3A_436 = tpu.memref_slice %arg6[%dma_wait3A_435] : memref<65536xf32, #tpu.memory_space<vmem>> -> memref<32768xf32, #tpu.memory_space<vmem>>
      tpu.wait_dma2 semaphore(%run_scoped3A : memref<!tpu.dma_semaphore, #tpu.memory_space<semaphore_mem>>) src(%dma_wait3A_436 : memref<32768xf32, #tpu.memory_space<vmem>>) dst(%dma_wait3A_434 : memref<32768xf32, #tpu.memory_space<hbm>>)
      tpu.yield
    }) : () -> ()
    %add3A_96 = arith.constant 0 : i32
    %add3A_97 = arith.addi %add3A_96, %mul3A_2 : i32
    %add3A_98 = arith.constant 1 : i32
    %add3A_99 = arith.addi %add3A_97, %add3A_98 : i32
    %mul3A_100 = arith.constant 32768 : i32
    %mul3A_101 = arith.muli %add3A_99, %mul3A_100 : i32
    "tpu.region"() ({
      %run_scoped3A = tpu.sem_alloc : memref<!tpu.dma_semaphore, #tpu.memory_space<semaphore_mem>>
      %dma_start3A_425 = arith.constant 32768 : i32
      %dma_start3A_426 = tpu.memref_slice %arg6[%dma_start3A_425] : memref<65536xf32, #tpu.memory_space<vmem>> -> memref<32768xf32, #tpu.memory_space<vmem>>
      %dma_start3A_427 = tpu.memref_slice %arg4[%mul3A_101] : memref<8388608xf32, #tpu.memory_space<hbm>> -> memref<32768xf32, #tpu.memory_space<hbm>>
      %dma_start3A_428 = tpu.memref_slice %arg4[%mul3A_101] : memref<8388608xf32, #tpu.memory_space<hbm>> -> memref<32768xf32, #tpu.memory_space<hbm>>
      %dma_start3A_429 = arith.constant 32768 : i32
      %dma_start3A_430 = tpu.memref_slice %arg6[%dma_start3A_429] : memref<65536xf32, #tpu.memory_space<vmem>> -> memref<32768xf32, #tpu.memory_space<vmem>>
      tpu.enqueue_dma source(%dma_start3A_430 : memref<32768xf32, #tpu.memory_space<vmem>>) target(%dma_start3A_428 : memref<32768xf32, #tpu.memory_space<hbm>>) target_semaphore(%run_scoped3A : memref<!tpu.dma_semaphore, #tpu.memory_space<semaphore_mem>>)
      %dma_wait3A_431 = arith.constant 32768 : i32
      %dma_wait3A_432 = tpu.memref_slice %arg6[%dma_wait3A_431] : memref<65536xf32, #tpu.memory_space<vmem>> -> memref<32768xf32, #tpu.memory_space<vmem>>
      %dma_wait3A_433 = tpu.memref_slice %arg4[%mul3A_101] : memref<8388608xf32, #tpu.memory_space<hbm>> -> memref<32768xf32, #tpu.memory_space<hbm>>
      %dma_wait3A_434 = tpu.memref_slice %arg4[%mul3A_101] : memref<8388608xf32, #tpu.memory_space<hbm>> -> memref<32768xf32, #tpu.memory_space<hbm>>
      %dma_wait3A_435 = arith.constant 32768 : i32
      %dma_wait3A_436 = tpu.memref_slice %arg6[%dma_wait3A_435] : memref<65536xf32, #tpu.memory_space<vmem>> -> memref<32768xf32, #tpu.memory_space<vmem>>
      tpu.wait_dma2 semaphore(%run_scoped3A : memref<!tpu.dma_semaphore, #tpu.memory_space<semaphore_mem>>) src(%dma_wait3A_436 : memref<32768xf32, #tpu.memory_space<vmem>>) dst(%dma_wait3A_434 : memref<32768xf32, #tpu.memory_space<hbm>>)
      tpu.yield
    }) : () -> ()
    %eq3A_102 = arith.constant 0 : i32
    %eq3A_103 = arith.cmpi eq, %add3A, %eq3A_102 : i32
    %convert_element_type3A_104 = arith.extui %eq3A_103 : i1 to i32
    %cond3A_105 = arith.constant 0 : i32
    %cond3A_106 = arith.cmpi ne, %convert_element_type3A_104, %cond3A_105 : i32
    scf.if %cond3A_106 {
      "tpu.region"() ({
        %run_scoped3A = tpu.sem_alloc : memref<!tpu.dma_semaphore, #tpu.memory_space<semaphore_mem>>
        %dma_start3A_425 = arith.constant 0 : i32
        %dma_start3A_426 = tpu.memref_slice %arg7[%dma_start3A_425] : memref<32768xf32, #tpu.memory_space<vmem>> -> memref<32768xf32, #tpu.memory_space<vmem>>
        %dma_start3A_427 = arith.constant 0 : i32
        %dma_start3A_428 = tpu.memref_slice %arg5[%dma_start3A_427] : memref<131072xf32, #tpu.memory_space<hbm>> -> memref<32768xf32, #tpu.memory_space<hbm>>
        %dma_start3A_429 = arith.constant 0 : i32
        %dma_start3A_430 = tpu.memref_slice %arg5[%dma_start3A_429] : memref<131072xf32, #tpu.memory_space<hbm>> -> memref<32768xf32, #tpu.memory_space<hbm>>
        %dma_start3A_431 = arith.constant 0 : i32
        %dma_start3A_432 = tpu.memref_slice %arg7[%dma_start3A_431] : memref<32768xf32, #tpu.memory_space<vmem>> -> memref<32768xf32, #tpu.memory_space<vmem>>
        tpu.enqueue_dma source(%dma_start3A_432 : memref<32768xf32, #tpu.memory_space<vmem>>) target(%dma_start3A_430 : memref<32768xf32, #tpu.memory_space<hbm>>) target_semaphore(%run_scoped3A : memref<!tpu.dma_semaphore, #tpu.memory_space<semaphore_mem>>)
        %dma_wait3A_433 = arith.constant 0 : i32
        %dma_wait3A_434 = tpu.memref_slice %arg7[%dma_wait3A_433] : memref<32768xf32, #tpu.memory_space<vmem>> -> memref<32768xf32, #tpu.memory_space<vmem>>
        %dma_wait3A_435 = arith.constant 0 : i32
        %dma_wait3A_436 = tpu.memref_slice %arg5[%dma_wait3A_435] : memref<131072xf32, #tpu.memory_space<hbm>> -> memref<32768xf32, #tpu.memory_space<hbm>>
        %dma_wait3A_437 = arith.constant 0 : i32
        %dma_wait3A_438 = tpu.memref_slice %arg5[%dma_wait3A_437] : memref<131072xf32, #tpu.memory_space<hbm>> -> memref<32768xf32, #tpu.memory_space<hbm>>
        %dma_wait3A_439 = arith.constant 0 : i32
        %dma_wait3A_440 = tpu.memref_slice %arg7[%dma_wait3A_439] : memref<32768xf32, #tpu.memory_space<vmem>> -> memref<32768xf32, #tpu.memory_space<vmem>>
        tpu.wait_dma2 semaphore(%run_scoped3A : memref<!tpu.dma_semaphore, #tpu.memory_space<semaphore_mem>>) src(%dma_wait3A_440 : memref<32768xf32, #tpu.memory_space<vmem>>) dst(%dma_wait3A_438 : memref<32768xf32, #tpu.memory_space<hbm>>)
        tpu.yield
      }) : () -> ()
    } else {
    }
    %parallel_loop3A_107 = arith.constant 0 : i32
    %parallel_loop3A_108 = arith.constant 4096 : i32
    %parallel_loop3A_109 = arith.constant 1 : i32
    scf.for %parallel_loop3A_425 = %parallel_loop3A_107 to %parallel_loop3A_108 step %parallel_loop3A_109  : i32 {
      %parallel_loop3A_426 = arith.constant 16 : i32
      %parallel_loop3A_427 = arith.muli %parallel_loop3A_425, %parallel_loop3A_426 : i32
      %parallel_loop3A_428 = arith.index_cast %parallel_loop3A_427 : i32 to index
      %parallel_loop3A_429 = tpu.vector_load %arg6[%parallel_loop3A_428] {strides = array<i32>} : memref<65536xf32, #tpu.memory_space<vmem>>, vector<16xf32>,
      tpu.vector_store %arg6[%parallel_loop3A_428], %broadcast_in_dim3A_3 {strides = array<i32>} : memref<65536xf32, #tpu.memory_space<vmem>>, vector<16xf32>,
    } {sc.loop_unroll_factor = 8 : i64, sc.parallel_access}
    %eq3A_110 = arith.constant 1 : i32
    %eq3A_111 = arith.cmpi eq, %add3A, %eq3A_110 : i32
    %convert_element_type3A_112 = arith.extui %eq3A_111 : i1 to i32
    %cond3A_113 = arith.constant 0 : i32
    %cond3A_114 = arith.cmpi ne, %convert_element_type3A_112, %cond3A_113 : i32
    scf.if %cond3A_114 {
      %parallel_loop3A_425 = arith.constant 0 : i32
      %parallel_loop3A_426 = arith.constant 2048 : i32
      %parallel_loop3A_427 = arith.constant 1 : i32
      scf.for %parallel_loop3A_428 = %parallel_loop3A_425 to %parallel_loop3A_426 step %parallel_loop3A_427  : i32 {
        %parallel_loop3A_429 = arith.constant 16 : i32
        %parallel_loop3A_430 = arith.muli %parallel_loop3A_428, %parallel_loop3A_429 : i32
        %parallel_loop3A_431 = arith.index_cast %parallel_loop3A_430 : i32 to index
        %parallel_loop3A_432 = tpu.vector_load %arg7[%parallel_loop3A_431] {strides = array<i32>} : memref<32768xf32, #tpu.memory_space<vmem>>, vector<16xf32>,
        tpu.vector_store %arg7[%parallel_loop3A_431], %broadcast_in_dim3A_3 {strides = array<i32>} : memref<32768xf32, #tpu.memory_space<vmem>>, vector<16xf32>,
      } {sc.loop_unroll_factor = 8 : i64, sc.parallel_access}
    } else {
    }
    %dma_start3A_115 = arith.constant 0 : i32
    %dma_start3A_116 = tpu.memref_slice %arg8[%dma_start3A_115] : memref<8000xi32, #tpu.memory_space<vmem>> -> memref<4000xi32, #tpu.memory_space<vmem>>
    %dma_start3A_117 = arith.constant 100000 : i32
    %dma_start3A_118 = tpu.memref_slice %arg3[%dma_start3A_117] : memref<400000xi32, #tpu.memory_space<hbm>> -> memref<4000xi32, #tpu.memory_space<hbm>>
    %dma_start3A_119 = arith.constant 0 : i32
    %dma_start3A_120 = tpu.memref_slice %arg8[%dma_start3A_119] : memref<8000xi32, #tpu.memory_space<vmem>> -> memref<4000xi32, #tpu.memory_space<vmem>>
    %dma_start3A_121 = arith.constant 100000 : i32
    %dma_start3A_122 = tpu.memref_slice %arg3[%dma_start3A_121] : memref<400000xi32, #tpu.memory_space<hbm>> -> memref<4000xi32, #tpu.memory_space<hbm>>
    tpu.enqueue_dma source(%dma_start3A_122 : memref<4000xi32, #tpu.memory_space<hbm>>) target(%dma_start3A_120 : memref<4000xi32, #tpu.memory_space<vmem>>) target_semaphore(%arg11 : memref<!tpu.dma_semaphore, #tpu.memory_space<semaphore_mem>>)
    %add3A_123 = arith.constant 64 : i32
    %add3A_124 = arith.addi %add3A_123, %mul3A_2 : i32
    %mul3A_125 = arith.constant 100000 : i32
    %mul3A_126 = arith.muli %add3A_124, %mul3A_125 : i32
    %add3A_127 = arith.constant 0 : i32
    %add3A_128 = arith.addi %mul3A_126, %add3A_127 : i32
    %dma_start3A_129 = arith.constant 0 : i32
    %dma_start3A_130 = tpu.memref_slice %arg9[%dma_start3A_129] : memref<8000xf32, #tpu.memory_space<vmem>> -> memref<4000xf32, #tpu.memory_space<vmem>>
    %dma_start3A_131 = tpu.memref_slice %arg2[%add3A_128] : memref<25600000xf32, #tpu.memory_space<hbm>> -> memref<4000xf32, #tpu.memory_space<hbm>>
    %dma_start3A_132 = arith.constant 0 : i32
    %dma_start3A_133 = tpu.memref_slice %arg9[%dma_start3A_132] : memref<8000xf32, #tpu.memory_space<vmem>> -> memref<4000xf32, #tpu.memory_space<vmem>>
    %dma_start3A_134 = tpu.memref_slice %arg2[%add3A_128] : memref<25600000xf32, #tpu.memory_space<hbm>> -> memref<4000xf32, #tpu.memory_space<hbm>>
    tpu.enqueue_dma source(%dma_start3A_134 : memref<4000xf32, #tpu.memory_space<hbm>>) target(%dma_start3A_133 : memref<4000xf32, #tpu.memory_space<vmem>>) target_semaphore(%arg11 : memref<!tpu.dma_semaphore, #tpu.memory_space<semaphore_mem>>)
    %add3A_135 = arith.constant 64 : i32
    %add3A_136 = arith.addi %add3A_135, %mul3A_2 : i32
    %add3A_137 = arith.constant 1 : i32
    %add3A_138 = arith.addi %add3A_136, %add3A_137 : i32
    %mul3A_139 = arith.constant 100000 : i32
    %mul3A_140 = arith.muli %add3A_138, %mul3A_139 : i32
    %add3A_141 = arith.constant 0 : i32
    %add3A_142 = arith.addi %mul3A_140, %add3A_141 : i32
    %dma_start3A_143 = arith.constant 0 : i32
    %dma_start3A_144 = tpu.memref_slice %arg10[%dma_start3A_143] : memref<8000xf32, #tpu.memory_space<vmem>> -> memref<4000xf32, #tpu.memory_space<vmem>>
    %dma_start3A_145 = tpu.memref_slice %arg2[%add3A_142] : memref<25600000xf32, #tpu.memory_space<hbm>> -> memref<4000xf32, #tpu.memory_space<hbm>>
    %dma_start3A_146 = arith.constant 0 : i32
    %dma_start3A_147 = tpu.memref_slice %arg10[%dma_start3A_146] : memref<8000xf32, #tpu.memory_space<vmem>> -> memref<4000xf32, #tpu.memory_space<vmem>>
    %dma_start3A_148 = tpu.memref_slice %arg2[%add3A_142] : memref<25600000xf32, #tpu.memory_space<hbm>> -> memref<4000xf32, #tpu.memory_space<hbm>>
    tpu.enqueue_dma source(%dma_start3A_148 : memref<4000xf32, #tpu.memory_space<hbm>>) target(%dma_start3A_147 : memref<4000xf32, #tpu.memory_space<vmem>>) target_semaphore(%arg11 : memref<!tpu.dma_semaphore, #tpu.memory_space<semaphore_mem>>)
    %scan3A_149 = arith.constant 0 : i32
    %scan3A_150 = arith.constant 0 : i32
    %scan3A_151 = arith.constant 12 : i32
    %scan3A_152 = arith.addi %scan3A_150, %scan3A_151 : i32
    %scan3A_153 = arith.constant 1 : i32
    %scan3A_154 = scf.for %scan3A_425 = %scan3A_150 to %scan3A_152 step %scan3A_153 iter_args(%scan3A_426 = %scan3A_149) -> (i32)  : i32 {
      %mul3A_427 = arith.constant 2 : i32
      %mul3A_428 = arith.muli %mul3A_427, %scan3A_425 : i32
      %add3A_429 = arith.constant 1 : i32
      %add3A_430 = arith.addi %mul3A_428, %add3A_429 : i32
      %mul3A_431 = arith.constant 4000 : i32
      %mul3A_432 = arith.muli %add3A_430, %mul3A_431 : i32
      %add3A_433 = arith.constant 100000 : i32
      %add3A_434 = arith.addi %add3A_433, %mul3A_432 : i32
      %dma_start3A_435 = arith.constant 4000 : i32
      %dma_start3A_436 = tpu.memref_slice %arg8[%dma_start3A_435] : memref<8000xi32, #tpu.memory_space<vmem>> -> memref<4000xi32, #tpu.memory_space<vmem>>
      %dma_start3A_437 = tpu.memref_slice %arg3[%add3A_434] : memref<400000xi32, #tpu.memory_space<hbm>> -> memref<4000xi32, #tpu.memory_space<hbm>>
      %dma_start3A_438 = arith.constant 4000 : i32
      %dma_start3A_439 = tpu.memref_slice %arg8[%dma_start3A_438] : memref<8000xi32, #tpu.memory_space<vmem>> -> memref<4000xi32, #tpu.memory_space<vmem>>
      %dma_start3A_440 = tpu.memref_slice %arg3[%add3A_434] : memref<400000xi32, #tpu.memory_space<hbm>> -> memref<4000xi32, #tpu.memory_space<hbm>>
      tpu.enqueue_dma source(%dma_start3A_440 : memref<4000xi32, #tpu.memory_space<hbm>>) target(%dma_start3A_439 : memref<4000xi32, #tpu.memory_space<vmem>>) target_semaphore(%arg12 : memref<!tpu.dma_semaphore, #tpu.memory_space<semaphore_mem>>)
      %add3A_441 = arith.constant 64 : i32
      %add3A_442 = arith.addi %add3A_441, %mul3A_2 : i32
      %mul3A_443 = arith.constant 100000 : i32
      %mul3A_444 = arith.muli %add3A_442, %mul3A_443 : i32
      %mul3A_445 = arith.constant 4000 : i32
      %mul3A_446 = arith.muli %add3A_430, %mul3A_445 : i32
      %add3A_447 = arith.addi %mul3A_444, %mul3A_446 : i32
      %dma_start3A_448 = arith.constant 4000 : i32
      %dma_start3A_449 = tpu.memref_slice %arg9[%dma_start3A_448] : memref<8000xf32, #tpu.memory_space<vmem>> -> memref<4000xf32, #tpu.memory_space<vmem>>
      %dma_start3A_450 = tpu.memref_slice %arg2[%add3A_447] : memref<25600000xf32, #tpu.memory_space<hbm>> -> memref<4000xf32, #tpu.memory_space<hbm>>
      %dma_start3A_451 = arith.constant 4000 : i32
      %dma_start3A_452 = tpu.memref_slice %arg9[%dma_start3A_451] : memref<8000xf32, #tpu.memory_space<vmem>> -> memref<4000xf32, #tpu.memory_space<vmem>>
      %dma_start3A_453 = tpu.memref_slice %arg2[%add3A_447] : memref<25600000xf32, #tpu.memory_space<hbm>> -> memref<4000xf32, #tpu.memory_space<hbm>>
      tpu.enqueue_dma source(%dma_start3A_453 : memref<4000xf32, #tpu.memory_space<hbm>>) target(%dma_start3A_452 : memref<4000xf32, #tpu.memory_space<vmem>>) target_semaphore(%arg12 : memref<!tpu.dma_semaphore, #tpu.memory_space<semaphore_mem>>)
      %add3A_454 = arith.constant 64 : i32
      %add3A_455 = arith.addi %add3A_454, %mul3A_2 : i32
      %add3A_456 = arith.constant 1 : i32
      %add3A_457 = arith.addi %add3A_455, %add3A_456 : i32
      %mul3A_458 = arith.constant 100000 : i32
      %mul3A_459 = arith.muli %add3A_457, %mul3A_458 : i32
      %mul3A_460 = arith.constant 4000 : i32
      %mul3A_461 = arith.muli %add3A_430, %mul3A_460 : i32
      %add3A_462 = arith.addi %mul3A_459, %mul3A_461 : i32
      %dma_start3A_463 = arith.constant 4000 : i32
      %dma_start3A_464 = tpu.memref_slice %arg10[%dma_start3A_463] : memref<8000xf32, #tpu.memory_space<vmem>> -> memref<4000xf32, #tpu.memory_space<vmem>>
      %dma_start3A_465 = tpu.memref_slice %arg2[%add3A_462] : memref<25600000xf32, #tpu.memory_space<hbm>> -> memref<4000xf32, #tpu.memory_space<hbm>>
      %dma_start3A_466 = arith.constant 4000 : i32
      %dma_start3A_467 = tpu.memref_slice %arg10[%dma_start3A_466] : memref<8000xf32, #tpu.memory_space<vmem>> -> memref<4000xf32, #tpu.memory_space<vmem>>
      %dma_start3A_468 = tpu.memref_slice %arg2[%add3A_462] : memref<25600000xf32, #tpu.memory_space<hbm>> -> memref<4000xf32, #tpu.memory_space<hbm>>
      tpu.enqueue_dma source(%dma_start3A_468 : memref<4000xf32, #tpu.memory_space<hbm>>) target(%dma_start3A_467 : memref<4000xf32, #tpu.memory_space<vmem>>) target_semaphore(%arg12 : memref<!tpu.dma_semaphore, #tpu.memory_space<semaphore_mem>>)
      %mul3A_469 = arith.constant 4000 : i32
      %mul3A_470 = arith.muli %mul3A_428, %mul3A_469 : i32
      %add3A_471 = arith.constant 100000 : i32
      %add3A_472 = arith.addi %add3A_471, %mul3A_470 : i32
      %dma_wait3A_473 = arith.constant 0 : i32
      %dma_wait3A_474 = tpu.memref_slice %arg8[%dma_wait3A_473] : memref<8000xi32, #tpu.memory_space<vmem>> -> memref<4000xi32, #tpu.memory_space<vmem>>
      %dma_wait3A_475 = tpu.memref_slice %arg3[%add3A_472] : memref<400000xi32, #tpu.memory_space<hbm>> -> memref<4000xi32, #tpu.memory_space<hbm>>
      %dma_wait3A_476 = arith.constant 0 : i32
      %dma_wait3A_477 = tpu.memref_slice %arg8[%dma_wait3A_476] : memref<8000xi32, #tpu.memory_space<vmem>> -> memref<4000xi32, #tpu.memory_space<vmem>>
      %dma_wait3A_478 = tpu.memref_slice %arg3[%add3A_472] : memref<400000xi32, #tpu.memory_space<hbm>> -> memref<4000xi32, #tpu.memory_space<hbm>>
      tpu.wait_dma2 semaphore(%arg11 : memref<!tpu.dma_semaphore, #tpu.memory_space<semaphore_mem>>) src(%dma_wait3A_478 : memref<4000xi32, #tpu.memory_space<hbm>>) dst(%dma_wait3A_477 : memref<4000xi32, #tpu.memory_space<vmem>>)
      %add3A_479 = arith.constant 64 : i32
      %add3A_480 = arith.addi %add3A_479, %mul3A_2 : i32
      %mul3A_481 = arith.constant 100000 : i32
      %mul3A_482 = arith.muli %add3A_480, %mul3A_481 : i32
      %mul3A_483 = arith.constant 4000 : i32
      %mul3A_484 = arith.muli %mul3A_428, %mul3A_483 : i32
      %add3A_485 = arith.addi %mul3A_482, %mul3A_484 : i32
      %dma_wait3A_486 = arith.constant 0 : i32
      %dma_wait3A_487 = tpu.memref_slice %arg9[%dma_wait3A_486] : memref<8000xf32, #tpu.memory_space<vmem>> -> memref<4000xf32, #tpu.memory_space<vmem>>
      %dma_wait3A_488 = tpu.memref_slice %arg2[%add3A_485] : memref<25600000xf32, #tpu.memory_space<hbm>> -> memref<4000xf32, #tpu.memory_space<hbm>>
      %dma_wait3A_489 = arith.constant 0 : i32
      %dma_wait3A_490 = tpu.memref_slice %arg9[%dma_wait3A_489] : memref<8000xf32, #tpu.memory_space<vmem>> -> memref<4000xf32, #tpu.memory_space<vmem>>
      %dma_wait3A_491 = tpu.memref_slice %arg2[%add3A_485] : memref<25600000xf32, #tpu.memory_space<hbm>> -> memref<4000xf32, #tpu.memory_space<hbm>>
      tpu.wait_dma2 semaphore(%arg11 : memref<!tpu.dma_semaphore, #tpu.memory_space<semaphore_mem>>) src(%dma_wait3A_491 : memref<4000xf32, #tpu.memory_space<hbm>>) dst(%dma_wait3A_490 : memref<4000xf32, #tpu.memory_space<vmem>>)
      %add3A_492 = arith.constant 64 : i32
      %add3A_493 = arith.addi %add3A_492, %mul3A_2 : i32
      %add3A_494 = arith.constant 1 : i32
      %add3A_495 = arith.addi %add3A_493, %add3A_494 : i32
      %mul3A_496 = arith.constant 100000 : i32
      %mul3A_497 = arith.muli %add3A_495, %mul3A_496 : i32
      %mul3A_498 = arith.constant 4000 : i32
      %mul3A_499 = arith.muli %mul3A_428, %mul3A_498 : i32
      %add3A_500 = arith.addi %mul3A_497, %mul3A_499 : i32
      %dma_wait3A_501 = arith.constant 0 : i32
      %dma_wait3A_502 = tpu.memref_slice %arg10[%dma_wait3A_501] : memref<8000xf32, #tpu.memory_space<vmem>> -> memref<4000xf32, #tpu.memory_space<vmem>>
      %dma_wait3A_503 = tpu.memref_slice %arg2[%add3A_500] : memref<25600000xf32, #tpu.memory_space<hbm>> -> memref<4000xf32, #tpu.memory_space<hbm>>
      %dma_wait3A_504 = arith.constant 0 : i32
      %dma_wait3A_505 = tpu.memref_slice %arg10[%dma_wait3A_504] : memref<8000xf32, #tpu.memory_space<vmem>> -> memref<4000xf32, #tpu.memory_space<vmem>>
      %dma_wait3A_506 = tpu.memref_slice %arg2[%add3A_500] : memref<25600000xf32, #tpu.memory_space<hbm>> -> memref<4000xf32, #tpu.memory_space<hbm>>
      tpu.wait_dma2 semaphore(%arg11 : memref<!tpu.dma_semaphore, #tpu.memory_space<semaphore_mem>>) src(%dma_wait3A_506 : memref<4000xf32, #tpu.memory_space<hbm>>) dst(%dma_wait3A_505 : memref<4000xf32, #tpu.memory_space<vmem>>)
      %parallel_loop3A_507 = arith.constant 0 : i32
      %parallel_loop3A_508 = arith.constant 250 : i32
      %parallel_loop3A_509 = arith.constant 1 : i32
      scf.for %parallel_loop3A_570 = %parallel_loop3A_507 to %parallel_loop3A_508 step %parallel_loop3A_509  : i32 {
        %parallel_loop3A_571 = arith.constant 16 : i32
        %parallel_loop3A_572 = arith.muli %parallel_loop3A_570, %parallel_loop3A_571 : i32
        %parallel_loop3A_573 = arith.constant 0 : i32
        %parallel_loop3A_574 = arith.addi %parallel_loop3A_573, %parallel_loop3A_572 : i32
        %parallel_loop3A_575 = arith.index_cast %parallel_loop3A_574 : i32 to index
        %parallel_loop3A_576 = tpu.vector_load %arg8[%parallel_loop3A_575] {strides = array<i32>} : memref<8000xi32, #tpu.memory_space<vmem>>, vector<16xi32>,
        %parallel_loop3A_577 = arith.constant 16 : i32
        %parallel_loop3A_578 = arith.muli %parallel_loop3A_570, %parallel_loop3A_577 : i32
        %parallel_loop3A_579 = arith.constant 0 : i32
        %parallel_loop3A_580 = arith.addi %parallel_loop3A_579, %parallel_loop3A_578 : i32
        %parallel_loop3A_581 = arith.index_cast %parallel_loop3A_580 : i32 to index
        %parallel_loop3A_582 = tpu.vector_load %arg9[%parallel_loop3A_581] {strides = array<i32>} : memref<8000xf32, #tpu.memory_space<vmem>>, vector<16xf32>,
        tpu.vector_store_idx %arg6[%parallel_loop3A_576], %parallel_loop3A_582 {add = true} : memref<65536xf32, #tpu.memory_space<vmem>>[vector<16xi32>], vector<16xf32>,
        %parallel_loop3A_583 = arith.addi %parallel_loop3A_576, %broadcast_in_dim3A_7 : vector<16xi32>
        %parallel_loop3A_584 = arith.constant 16 : i32
        %parallel_loop3A_585 = arith.muli %parallel_loop3A_570, %parallel_loop3A_584 : i32
        %parallel_loop3A_586 = arith.constant 0 : i32
        %parallel_loop3A_587 = arith.addi %parallel_loop3A_586, %parallel_loop3A_585 : i32
        %parallel_loop3A_588 = arith.index_cast %parallel_loop3A_587 : i32 to index
        %parallel_loop3A_589 = tpu.vector_load %arg10[%parallel_loop3A_588] {strides = array<i32>} : memref<8000xf32, #tpu.memory_space<vmem>>, vector<16xf32>,
        tpu.vector_store_idx %arg6[%parallel_loop3A_583], %parallel_loop3A_589 {add = true} : memref<65536xf32, #tpu.memory_space<vmem>>[vector<16xi32>], vector<16xf32>,
      } {sc.loop_unroll_factor = 8 : i64, sc.parallel_access}
      %eq3A_510 = arith.constant 1 : i32
      %eq3A_511 = arith.cmpi eq, %add3A, %eq3A_510 : i32
      %convert_element_type3A_512 = arith.extui %eq3A_511 : i1 to i32
      %cond3A_513 = arith.constant 0 : i32
      %cond3A_514 = arith.cmpi ne, %convert_element_type3A_512, %cond3A_513 : i32
      scf.if %cond3A_514 {
        %parallel_loop3A_570 = arith.constant 0 : i32
        %parallel_loop3A_571 = arith.constant 250 : i32
        %parallel_loop3A_572 = arith.constant 1 : i32
        scf.for %parallel_loop3A_573 = %parallel_loop3A_570 to %parallel_loop3A_571 step %parallel_loop3A_572  : i32 {
          %parallel_loop3A_574 = arith.constant 16 : i32
          %parallel_loop3A_575 = arith.muli %parallel_loop3A_573, %parallel_loop3A_574 : i32
          %parallel_loop3A_576 = arith.constant 0 : i32
          %parallel_loop3A_577 = arith.addi %parallel_loop3A_576, %parallel_loop3A_575 : i32
          %parallel_loop3A_578 = arith.index_cast %parallel_loop3A_577 : i32 to index
          %parallel_loop3A_579 = tpu.vector_load %arg8[%parallel_loop3A_578] {strides = array<i32>} : memref<8000xi32, #tpu.memory_space<vmem>>, vector<16xi32>,
          tpu.vector_store_idx %arg7[%parallel_loop3A_579], %broadcast_in_dim3A_5 {add = true} : memref<32768xf32, #tpu.memory_space<vmem>>[vector<16xi32>], vector<16xf32>,
        } {sc.loop_unroll_factor = 8 : i64, sc.parallel_access}
      } else {
      }
      %add3A_515 = arith.constant 2 : i32
      %add3A_516 = arith.addi %mul3A_428, %add3A_515 : i32
      %lt3A = arith.constant 25 : i32
      %lt3A_517 = arith.cmpi slt, %add3A_516, %lt3A : i32
      %convert_element_type3A_518 = arith.extui %lt3A_517 : i1 to i32
      %cond3A_519 = arith.constant 0 : i32
      %cond3A_520 = arith.cmpi ne, %convert_element_type3A_518, %cond3A_519 : i32
      scf.if %cond3A_520 {
        %add3A_570 = arith.constant 2 : i32
        %add3A_571 = arith.addi %mul3A_428, %add3A_570 : i32
        %mul3A_572 = arith.constant 4000 : i32
        %mul3A_573 = arith.muli %add3A_571, %mul3A_572 : i32
        %add3A_574 = arith.constant 100000 : i32
        %add3A_575 = arith.addi %add3A_574, %mul3A_573 : i32
        %dma_start3A_576 = arith.constant 0 : i32
        %dma_start3A_577 = tpu.memref_slice %arg8[%dma_start3A_576] : memref<8000xi32, #tpu.memory_space<vmem>> -> memref<4000xi32, #tpu.memory_space<vmem>>
        %dma_start3A_578 = tpu.memref_slice %arg3[%add3A_575] : memref<400000xi32, #tpu.memory_space<hbm>> -> memref<4000xi32, #tpu.memory_space<hbm>>
        %dma_start3A_579 = arith.constant 0 : i32
        %dma_start3A_580 = tpu.memref_slice %arg8[%dma_start3A_579] : memref<8000xi32, #tpu.memory_space<vmem>> -> memref<4000xi32, #tpu.memory_space<vmem>>
        %dma_start3A_581 = tpu.memref_slice %arg3[%add3A_575] : memref<400000xi32, #tpu.memory_space<hbm>> -> memref<4000xi32, #tpu.memory_space<hbm>>
        tpu.enqueue_dma source(%dma_start3A_581 : memref<4000xi32, #tpu.memory_space<hbm>>) target(%dma_start3A_580 : memref<4000xi32, #tpu.memory_space<vmem>>) target_semaphore(%arg11 : memref<!tpu.dma_semaphore, #tpu.memory_space<semaphore_mem>>)
        %add3A_582 = arith.constant 64 : i32
        %add3A_583 = arith.addi %add3A_582, %mul3A_2 : i32
        %mul3A_584 = arith.constant 100000 : i32
        %mul3A_585 = arith.muli %add3A_583, %mul3A_584 : i32
        %mul3A_586 = arith.constant 4000 : i32
        %mul3A_587 = arith.muli %add3A_571, %mul3A_586 : i32
        %add3A_588 = arith.addi %mul3A_585, %mul3A_587 : i32
        %dma_start3A_589 = arith.constant 0 : i32
        %dma_start3A_590 = tpu.memref_slice %arg9[%dma_start3A_589] : memref<8000xf32, #tpu.memory_space<vmem>> -> memref<4000xf32, #tpu.memory_space<vmem>>
        %dma_start3A_591 = tpu.memref_slice %arg2[%add3A_588] : memref<25600000xf32, #tpu.memory_space<hbm>> -> memref<4000xf32, #tpu.memory_space<hbm>>
        %dma_start3A_592 = arith.constant 0 : i32
        %dma_start3A_593 = tpu.memref_slice %arg9[%dma_start3A_592] : memref<8000xf32, #tpu.memory_space<vmem>> -> memref<4000xf32, #tpu.memory_space<vmem>>
        %dma_start3A_594 = tpu.memref_slice %arg2[%add3A_588] : memref<25600000xf32, #tpu.memory_space<hbm>> -> memref<4000xf32, #tpu.memory_space<hbm>>
        tpu.enqueue_dma source(%dma_start3A_594 : memref<4000xf32, #tpu.memory_space<hbm>>) target(%dma_start3A_593 : memref<4000xf32, #tpu.memory_space<vmem>>) target_semaphore(%arg11 : memref<!tpu.dma_semaphore, #tpu.memory_space<semaphore_mem>>)
        %add3A_595 = arith.constant 64 : i32
        %add3A_596 = arith.addi %add3A_595, %mul3A_2 : i32
        %add3A_597 = arith.constant 1 : i32
        %add3A_598 = arith.addi %add3A_596, %add3A_597 : i32
        %mul3A_599 = arith.constant 100000 : i32
        %mul3A_600 = arith.muli %add3A_598, %mul3A_599 : i32
        %mul3A_601 = arith.constant 4000 : i32
        %mul3A_602 = arith.muli %add3A_571, %mul3A_601 : i32
        %add3A_603 = arith.addi %mul3A_600, %mul3A_602 : i32
        %dma_start3A_604 = arith.constant 0 : i32
        %dma_start3A_605 = tpu.memref_slice %arg10[%dma_start3A_604] : memref<8000xf32, #tpu.memory_space<vmem>> -> memref<4000xf32, #tpu.memory_space<vmem>>
        %dma_start3A_606 = tpu.memref_slice %arg2[%add3A_603] : memref<25600000xf32, #tpu.memory_space<hbm>> -> memref<4000xf32, #tpu.memory_space<hbm>>
        %dma_start3A_607 = arith.constant 0 : i32
        %dma_start3A_608 = tpu.memref_slice %arg10[%dma_start3A_607] : memref<8000xf32, #tpu.memory_space<vmem>> -> memref<4000xf32, #tpu.memory_space<vmem>>
        %dma_start3A_609 = tpu.memref_slice %arg2[%add3A_603] : memref<25600000xf32, #tpu.memory_space<hbm>> -> memref<4000xf32, #tpu.memory_space<hbm>>
        tpu.enqueue_dma source(%dma_start3A_609 : memref<4000xf32, #tpu.memory_space<hbm>>) target(%dma_start3A_608 : memref<4000xf32, #tpu.memory_space<vmem>>) target_semaphore(%arg11 : memref<!tpu.dma_semaphore, #tpu.memory_space<semaphore_mem>>)
      } else {
      }
      %add3A_521 = arith.constant 1 : i32
      %add3A_522 = arith.addi %mul3A_428, %add3A_521 : i32
      %mul3A_523 = arith.constant 4000 : i32
      %mul3A_524 = arith.muli %add3A_522, %mul3A_523 : i32
      %add3A_525 = arith.constant 100000 : i32
      %add3A_526 = arith.addi %add3A_525, %mul3A_524 : i32
      %dma_wait3A_527 = arith.constant 4000 : i32
      %dma_wait3A_528 = tpu.memref_slice %arg8[%dma_wait3A_527] : memref<8000xi32, #tpu.memory_space<vmem>> -> memref<4000xi32, #tpu.memory_space<vmem>>
      %dma_wait3A_529 = tpu.memref_slice %arg3[%add3A_526] : memref<400000xi32, #tpu.memory_space<hbm>> -> memref<4000xi32, #tpu.memory_space<hbm>>
      %dma_wait3A_530 = arith.constant 4000 : i32
      %dma_wait3A_531 = tpu.memref_slice %arg8[%dma_wait3A_530] : memref<8000xi32, #tpu.memory_space<vmem>> -> memref<4000xi32, #tpu.memory_space<vmem>>
      %dma_wait3A_532 = tpu.memref_slice %arg3[%add3A_526] : memref<400000xi32, #tpu.memory_space<hbm>> -> memref<4000xi32, #tpu.memory_space<hbm>>
      tpu.wait_dma2 semaphore(%arg12 : memref<!tpu.dma_semaphore, #tpu.memory_space<semaphore_mem>>) src(%dma_wait3A_532 : memref<4000xi32, #tpu.memory_space<hbm>>) dst(%dma_wait3A_531 : memref<4000xi32, #tpu.memory_space<vmem>>)
      %add3A_533 = arith.constant 64 : i32
      %add3A_534 = arith.addi %add3A_533, %mul3A_2 : i32
      %mul3A_535 = arith.constant 100000 : i32
      %mul3A_536 = arith.muli %add3A_534, %mul3A_535 : i32
      %mul3A_537 = arith.constant 4000 : i32
      %mul3A_538 = arith.muli %add3A_522, %mul3A_537 : i32
      %add3A_539 = arith.addi %mul3A_536, %mul3A_538 : i32
      %dma_wait3A_540 = arith.constant 4000 : i32
      %dma_wait3A_541 = tpu.memref_slice %arg9[%dma_wait3A_540] : memref<8000xf32, #tpu.memory_space<vmem>> -> memref<4000xf32, #tpu.memory_space<vmem>>
      %dma_wait3A_542 = tpu.memref_slice %arg2[%add3A_539] : memref<25600000xf32, #tpu.memory_space<hbm>> -> memref<4000xf32, #tpu.memory_space<hbm>>
      %dma_wait3A_543 = arith.constant 4000 : i32
      %dma_wait3A_544 = tpu.memref_slice %arg9[%dma_wait3A_543] : memref<8000xf32, #tpu.memory_space<vmem>> -> memref<4000xf32, #tpu.memory_space<vmem>>
      %dma_wait3A_545 = tpu.memref_slice %arg2[%add3A_539] : memref<25600000xf32, #tpu.memory_space<hbm>> -> memref<4000xf32, #tpu.memory_space<hbm>>
      tpu.wait_dma2 semaphore(%arg12 : memref<!tpu.dma_semaphore, #tpu.memory_space<semaphore_mem>>) src(%dma_wait3A_545 : memref<4000xf32, #tpu.memory_space<hbm>>) dst(%dma_wait3A_544 : memref<4000xf32, #tpu.memory_space<vmem>>)
      %add3A_546 = arith.constant 64 : i32
      %add3A_547 = arith.addi %add3A_546, %mul3A_2 : i32
      %add3A_548 = arith.constant 1 : i32
      %add3A_549 = arith.addi %add3A_547, %add3A_548 : i32
      %mul3A_550 = arith.constant 100000 : i32
      %mul3A_551 = arith.muli %add3A_549, %mul3A_550 : i32
      %mul3A_552 = arith.constant 4000 : i32
      %mul3A_553 = arith.muli %add3A_522, %mul3A_552 : i32
      %add3A_554 = arith.addi %mul3A_551, %mul3A_553 : i32
      %dma_wait3A_555 = arith.constant 4000 : i32
      %dma_wait3A_556 = tpu.memref_slice %arg10[%dma_wait3A_555] : memref<8000xf32, #tpu.memory_space<vmem>> -> memref<4000xf32, #tpu.memory_space<vmem>>
      %dma_wait3A_557 = tpu.memref_slice %arg2[%add3A_554] : memref<25600000xf32, #tpu.memory_space<hbm>> -> memref<4000xf32, #tpu.memory_space<hbm>>
      %dma_wait3A_558 = arith.constant 4000 : i32
      %dma_wait3A_559 = tpu.memref_slice %arg10[%dma_wait3A_558] : memref<8000xf32, #tpu.memory_space<vmem>> -> memref<4000xf32, #tpu.memory_space<vmem>>
      %dma_wait3A_560 = tpu.memref_slice %arg2[%add3A_554] : memref<25600000xf32, #tpu.memory_space<hbm>> -> memref<4000xf32, #tpu.memory_space<hbm>>
      tpu.wait_dma2 semaphore(%arg12 : memref<!tpu.dma_semaphore, #tpu.memory_space<semaphore_mem>>) src(%dma_wait3A_560 : memref<4000xf32, #tpu.memory_space<hbm>>) dst(%dma_wait3A_559 : memref<4000xf32, #tpu.memory_space<vmem>>)
      %parallel_loop3A_561 = arith.constant 0 : i32
      %parallel_loop3A_562 = arith.constant 250 : i32
      %parallel_loop3A_563 = arith.constant 1 : i32
      scf.for %parallel_loop3A_570 = %parallel_loop3A_561 to %parallel_loop3A_562 step %parallel_loop3A_563  : i32 {
        %parallel_loop3A_571 = arith.constant 16 : i32
        %parallel_loop3A_572 = arith.muli %parallel_loop3A_570, %parallel_loop3A_571 : i32
        %parallel_loop3A_573 = arith.constant 4000 : i32
        %parallel_loop3A_574 = arith.addi %parallel_loop3A_573, %parallel_loop3A_572 : i32
        %parallel_loop3A_575 = arith.index_cast %parallel_loop3A_574 : i32 to index
        %parallel_loop3A_576 = tpu.vector_load %arg8[%parallel_loop3A_575] {strides = array<i32>} : memref<8000xi32, #tpu.memory_space<vmem>>, vector<16xi32>,
        %parallel_loop3A_577 = arith.constant 16 : i32
        %parallel_loop3A_578 = arith.muli %parallel_loop3A_570, %parallel_loop3A_577 : i32
        %parallel_loop3A_579 = arith.constant 4000 : i32
        %parallel_loop3A_580 = arith.addi %parallel_loop3A_579, %parallel_loop3A_578 : i32
        %parallel_loop3A_581 = arith.index_cast %parallel_loop3A_580 : i32 to index
        %parallel_loop3A_582 = tpu.vector_load %arg9[%parallel_loop3A_581] {strides = array<i32>} : memref<8000xf32, #tpu.memory_space<vmem>>, vector<16xf32>,
        tpu.vector_store_idx %arg6[%parallel_loop3A_576], %parallel_loop3A_582 {add = true} : memref<65536xf32, #tpu.memory_space<vmem>>[vector<16xi32>], vector<16xf32>,
        %parallel_loop3A_583 = arith.addi %parallel_loop3A_576, %broadcast_in_dim3A_7 : vector<16xi32>
        %parallel_loop3A_584 = arith.constant 16 : i32
        %parallel_loop3A_585 = arith.muli %parallel_loop3A_570, %parallel_loop3A_584 : i32
        %parallel_loop3A_586 = arith.constant 4000 : i32
        %parallel_loop3A_587 = arith.addi %parallel_loop3A_586, %parallel_loop3A_585 : i32
        %parallel_loop3A_588 = arith.index_cast %parallel_loop3A_587 : i32 to index
        %parallel_loop3A_589 = tpu.vector_load %arg10[%parallel_loop3A_588] {strides = array<i32>} : memref<8000xf32, #tpu.memory_space<vmem>>, vector<16xf32>,
        tpu.vector_store_idx %arg6[%parallel_loop3A_583], %parallel_loop3A_589 {add = true} : memref<65536xf32, #tpu.memory_space<vmem>>[vector<16xi32>], vector<16xf32>,
      } {sc.loop_unroll_factor = 8 : i64, sc.parallel_access}
      %eq3A_564 = arith.constant 1 : i32
      %eq3A_565 = arith.cmpi eq, %add3A, %eq3A_564 : i32
      %convert_element_type3A_566 = arith.extui %eq3A_565 : i1 to i32
      %cond3A_567 = arith.constant 0 : i32
      %cond3A_568 = arith.cmpi ne, %convert_element_type3A_566, %cond3A_567 : i32
      scf.if %cond3A_568 {
        %parallel_loop3A_570 = arith.constant 0 : i32
        %parallel_loop3A_571 = arith.constant 250 : i32
        %parallel_loop3A_572 = arith.constant 1 : i32
        scf.for %parallel_loop3A_573 = %parallel_loop3A_570 to %parallel_loop3A_571 step %parallel_loop3A_572  : i32 {
          %parallel_loop3A_574 = arith.constant 16 : i32
          %parallel_loop3A_575 = arith.muli %parallel_loop3A_573, %parallel_loop3A_574 : i32
          %parallel_loop3A_576 = arith.constant 4000 : i32
          %parallel_loop3A_577 = arith.addi %parallel_loop3A_576, %parallel_loop3A_575 : i32
          %parallel_loop3A_578 = arith.index_cast %parallel_loop3A_577 : i32 to index
          %parallel_loop3A_579 = tpu.vector_load %arg8[%parallel_loop3A_578] {strides = array<i32>} : memref<8000xi32, #tpu.memory_space<vmem>>, vector<16xi32>,
          tpu.vector_store_idx %arg7[%parallel_loop3A_579], %broadcast_in_dim3A_5 {add = true} : memref<32768xf32, #tpu.memory_space<vmem>>[vector<16xi32>], vector<16xf32>,
        } {sc.loop_unroll_factor = 8 : i64, sc.parallel_access}
      } else {
      }
      %scan3A_569 = arith.constant 0 : i32
      scf.yield %scan3A_569 : i32
    }
    %scan3A_155 = arith.constant 12 : i32
    %dma_wait3A_156 = arith.constant 0 : i32
    %dma_wait3A_157 = tpu.memref_slice %arg8[%dma_wait3A_156] : memref<8000xi32, #tpu.memory_space<vmem>> -> memref<4000xi32, #tpu.memory_space<vmem>>
    %dma_wait3A_158 = arith.constant 196000 : i32
    %dma_wait3A_159 = tpu.memref_slice %arg3[%dma_wait3A_158] : memref<400000xi32, #tpu.memory_space<hbm>> -> memref<4000xi32, #tpu.memory_space<hbm>>
    %dma_wait3A_160 = arith.constant 0 : i32
    %dma_wait3A_161 = tpu.memref_slice %arg8[%dma_wait3A_160] : memref<8000xi32, #tpu.memory_space<vmem>> -> memref<4000xi32, #tpu.memory_space<vmem>>
    %dma_wait3A_162 = arith.constant 196000 : i32
    %dma_wait3A_163 = tpu.memref_slice %arg3[%dma_wait3A_162] : memref<400000xi32, #tpu.memory_space<hbm>> -> memref<4000xi32, #tpu.memory_space<hbm>>
    tpu.wait_dma2 semaphore(%arg11 : memref<!tpu.dma_semaphore, #tpu.memory_space<semaphore_mem>>) src(%dma_wait3A_163 : memref<4000xi32, #tpu.memory_space<hbm>>) dst(%dma_wait3A_161 : memref<4000xi32, #tpu.memory_space<vmem>>)
    %add3A_164 = arith.constant 64 : i32
    %add3A_165 = arith.addi %add3A_164, %mul3A_2 : i32
    %mul3A_166 = arith.constant 100000 : i32
    %mul3A_167 = arith.muli %add3A_165, %mul3A_166 : i32
    %add3A_168 = arith.constant 96000 : i32
    %add3A_169 = arith.addi %mul3A_167, %add3A_168 : i32
    %dma_wait3A_170 = arith.constant 0 : i32
    %dma_wait3A_171 = tpu.memref_slice %arg9[%dma_wait3A_170] : memref<8000xf32, #tpu.memory_space<vmem>> -> memref<4000xf32, #tpu.memory_space<vmem>>
    %dma_wait3A_172 = tpu.memref_slice %arg2[%add3A_169] : memref<25600000xf32, #tpu.memory_space<hbm>> -> memref<4000xf32, #tpu.memory_space<hbm>>
    %dma_wait3A_173 = arith.constant 0 : i32
    %dma_wait3A_174 = tpu.memref_slice %arg9[%dma_wait3A_173] : memref<8000xf32, #tpu.memory_space<vmem>> -> memref<4000xf32, #tpu.memory_space<vmem>>
    %dma_wait3A_175 = tpu.memref_slice %arg2[%add3A_169] : memref<25600000xf32, #tpu.memory_space<hbm>> -> memref<4000xf32, #tpu.memory_space<hbm>>
    tpu.wait_dma2 semaphore(%arg11 : memref<!tpu.dma_semaphore, #tpu.memory_space<semaphore_mem>>) src(%dma_wait3A_175 : memref<4000xf32, #tpu.memory_space<hbm>>) dst(%dma_wait3A_174 : memref<4000xf32, #tpu.memory_space<vmem>>)
    %add3A_176 = arith.constant 64 : i32
    %add3A_177 = arith.addi %add3A_176, %mul3A_2 : i32
    %add3A_178 = arith.constant 1 : i32
    %add3A_179 = arith.addi %add3A_177, %add3A_178 : i32
    %mul3A_180 = arith.constant 100000 : i32
    %mul3A_181 = arith.muli %add3A_179, %mul3A_180 : i32
    %add3A_182 = arith.constant 96000 : i32
    %add3A_183 = arith.addi %mul3A_181, %add3A_182 : i32
    %dma_wait3A_184 = arith.constant 0 : i32
    %dma_wait3A_185 = tpu.memref_slice %arg10[%dma_wait3A_184] : memref<8000xf32, #tpu.memory_space<vmem>> -> memref<4000xf32, #tpu.memory_space<vmem>>
    %dma_wait3A_186 = tpu.memref_slice %arg2[%add3A_183] : memref<25600000xf32, #tpu.memory_space<hbm>> -> memref<4000xf32, #tpu.memory_space<hbm>>
    %dma_wait3A_187 = arith.constant 0 : i32
    %dma_wait3A_188 = tpu.memref_slice %arg10[%dma_wait3A_187] : memref<8000xf32, #tpu.memory_space<vmem>> -> memref<4000xf32, #tpu.memory_space<vmem>>
    %dma_wait3A_189 = tpu.memref_slice %arg2[%add3A_183] : memref<25600000xf32, #tpu.memory_space<hbm>> -> memref<4000xf32, #tpu.memory_space<hbm>>
    tpu.wait_dma2 semaphore(%arg11 : memref<!tpu.dma_semaphore, #tpu.memory_space<semaphore_mem>>) src(%dma_wait3A_189 : memref<4000xf32, #tpu.memory_space<hbm>>) dst(%dma_wait3A_188 : memref<4000xf32, #tpu.memory_space<vmem>>)
    %parallel_loop3A_190 = arith.constant 0 : i32
    %parallel_loop3A_191 = arith.constant 250 : i32
    %parallel_loop3A_192 = arith.constant 1 : i32
    scf.for %parallel_loop3A_425 = %parallel_loop3A_190 to %parallel_loop3A_191 step %parallel_loop3A_192  : i32 {
      %parallel_loop3A_426 = arith.constant 16 : i32
      %parallel_loop3A_427 = arith.muli %parallel_loop3A_425, %parallel_loop3A_426 : i32
      %parallel_loop3A_428 = arith.constant 0 : i32
      %parallel_loop3A_429 = arith.addi %parallel_loop3A_428, %parallel_loop3A_427 : i32
      %parallel_loop3A_430 = arith.index_cast %parallel_loop3A_429 : i32 to index
      %parallel_loop3A_431 = tpu.vector_load %arg8[%parallel_loop3A_430] {strides = array<i32>} : memref<8000xi32, #tpu.memory_space<vmem>>, vector<16xi32>,
      %parallel_loop3A_432 = arith.constant 16 : i32
      %parallel_loop3A_433 = arith.muli %parallel_loop3A_425, %parallel_loop3A_432 : i32
      %parallel_loop3A_434 = arith.constant 0 : i32
      %parallel_loop3A_435 = arith.addi %parallel_loop3A_434, %parallel_loop3A_433 : i32
      %parallel_loop3A_436 = arith.index_cast %parallel_loop3A_435 : i32 to index
      %parallel_loop3A_437 = tpu.vector_load %arg9[%parallel_loop3A_436] {strides = array<i32>} : memref<8000xf32, #tpu.memory_space<vmem>>, vector<16xf32>,
      tpu.vector_store_idx %arg6[%parallel_loop3A_431], %parallel_loop3A_437 {add = true} : memref<65536xf32, #tpu.memory_space<vmem>>[vector<16xi32>], vector<16xf32>,
      %parallel_loop3A_438 = arith.addi %parallel_loop3A_431, %broadcast_in_dim3A_7 : vector<16xi32>
      %parallel_loop3A_439 = arith.constant 16 : i32
      %parallel_loop3A_440 = arith.muli %parallel_loop3A_425, %parallel_loop3A_439 : i32
      %parallel_loop3A_441 = arith.constant 0 : i32
      %parallel_loop3A_442 = arith.addi %parallel_loop3A_441, %parallel_loop3A_440 : i32
      %parallel_loop3A_443 = arith.index_cast %parallel_loop3A_442 : i32 to index
      %parallel_loop3A_444 = tpu.vector_load %arg10[%parallel_loop3A_443] {strides = array<i32>} : memref<8000xf32, #tpu.memory_space<vmem>>, vector<16xf32>,
      tpu.vector_store_idx %arg6[%parallel_loop3A_438], %parallel_loop3A_444 {add = true} : memref<65536xf32, #tpu.memory_space<vmem>>[vector<16xi32>], vector<16xf32>,
    } {sc.loop_unroll_factor = 8 : i64, sc.parallel_access}
    %eq3A_193 = arith.constant 1 : i32
    %eq3A_194 = arith.cmpi eq, %add3A, %eq3A_193 : i32
    %convert_element_type3A_195 = arith.extui %eq3A_194 : i1 to i32
    %cond3A_196 = arith.constant 0 : i32
    %cond3A_197 = arith.cmpi ne, %convert_element_type3A_195, %cond3A_196 : i32
    scf.if %cond3A_197 {
      %parallel_loop3A_425 = arith.constant 0 : i32
      %parallel_loop3A_426 = arith.constant 250 : i32
      %parallel_loop3A_427 = arith.constant 1 : i32
      scf.for %parallel_loop3A_428 = %parallel_loop3A_425 to %parallel_loop3A_426 step %parallel_loop3A_427  : i32 {
        %parallel_loop3A_429 = arith.constant 16 : i32
        %parallel_loop3A_430 = arith.muli %parallel_loop3A_428, %parallel_loop3A_429 : i32
        %parallel_loop3A_431 = arith.constant 0 : i32
        %parallel_loop3A_432 = arith.addi %parallel_loop3A_431, %parallel_loop3A_430 : i32
        %parallel_loop3A_433 = arith.index_cast %parallel_loop3A_432 : i32 to index
        %parallel_loop3A_434 = tpu.vector_load %arg8[%parallel_loop3A_433] {strides = array<i32>} : memref<8000xi32, #tpu.memory_space<vmem>>, vector<16xi32>,
        tpu.vector_store_idx %arg7[%parallel_loop3A_434], %broadcast_in_dim3A_5 {add = true} : memref<32768xf32, #tpu.memory_space<vmem>>[vector<16xi32>], vector<16xf32>,
      } {sc.loop_unroll_factor = 8 : i64, sc.parallel_access}
    } else {
    }
    %add3A_198 = arith.constant 64 : i32
    %add3A_199 = arith.addi %add3A_198, %mul3A_2 : i32
    %mul3A_200 = arith.constant 32768 : i32
    %mul3A_201 = arith.muli %add3A_199, %mul3A_200 : i32
    "tpu.region"() ({
      %run_scoped3A = tpu.sem_alloc : memref<!tpu.dma_semaphore, #tpu.memory_space<semaphore_mem>>
      %dma_start3A_425 = arith.constant 0 : i32
      %dma_start3A_426 = tpu.memref_slice %arg6[%dma_start3A_425] : memref<65536xf32, #tpu.memory_space<vmem>> -> memref<32768xf32, #tpu.memory_space<vmem>>
      %dma_start3A_427 = tpu.memref_slice %arg4[%mul3A_201] : memref<8388608xf32, #tpu.memory_space<hbm>> -> memref<32768xf32, #tpu.memory_space<hbm>>
      %dma_start3A_428 = tpu.memref_slice %arg4[%mul3A_201] : memref<8388608xf32, #tpu.memory_space<hbm>> -> memref<32768xf32, #tpu.memory_space<hbm>>
      %dma_start3A_429 = arith.constant 0 : i32
      %dma_start3A_430 = tpu.memref_slice %arg6[%dma_start3A_429] : memref<65536xf32, #tpu.memory_space<vmem>> -> memref<32768xf32, #tpu.memory_space<vmem>>
      tpu.enqueue_dma source(%dma_start3A_430 : memref<32768xf32, #tpu.memory_space<vmem>>) target(%dma_start3A_428 : memref<32768xf32, #tpu.memory_space<hbm>>) target_semaphore(%run_scoped3A : memref<!tpu.dma_semaphore, #tpu.memory_space<semaphore_mem>>)
      %dma_wait3A_431 = arith.constant 0 : i32
      %dma_wait3A_432 = tpu.memref_slice %arg6[%dma_wait3A_431] : memref<65536xf32, #tpu.memory_space<vmem>> -> memref<32768xf32, #tpu.memory_space<vmem>>
      %dma_wait3A_433 = tpu.memref_slice %arg4[%mul3A_201] : memref<8388608xf32, #tpu.memory_space<hbm>> -> memref<32768xf32, #tpu.memory_space<hbm>>
      %dma_wait3A_434 = tpu.memref_slice %arg4[%mul3A_201] : memref<8388608xf32, #tpu.memory_space<hbm>> -> memref<32768xf32, #tpu.memory_space<hbm>>
      %dma_wait3A_435 = arith.constant 0 : i32
      %dma_wait3A_436 = tpu.memref_slice %arg6[%dma_wait3A_435] : memref<65536xf32, #tpu.memory_space<vmem>> -> memref<32768xf32, #tpu.memory_space<vmem>>
      tpu.wait_dma2 semaphore(%run_scoped3A : memref<!tpu.dma_semaphore, #tpu.memory_space<semaphore_mem>>) src(%dma_wait3A_436 : memref<32768xf32, #tpu.memory_space<vmem>>) dst(%dma_wait3A_434 : memref<32768xf32, #tpu.memory_space<hbm>>)
      tpu.yield
    }) : () -> ()
    %add3A_202 = arith.constant 64 : i32
    %add3A_203 = arith.addi %add3A_202, %mul3A_2 : i32
    %add3A_204 = arith.constant 1 : i32
    %add3A_205 = arith.addi %add3A_203, %add3A_204 : i32
    %mul3A_206 = arith.constant 32768 : i32
    %mul3A_207 = arith.muli %add3A_205, %mul3A_206 : i32
    "tpu.region"() ({
      %run_scoped3A = tpu.sem_alloc : memref<!tpu.dma_semaphore, #tpu.memory_space<semaphore_mem>>
      %dma_start3A_425 = arith.constant 32768 : i32
      %dma_start3A_426 = tpu.memref_slice %arg6[%dma_start3A_425] : memref<65536xf32, #tpu.memory_space<vmem>> -> memref<32768xf32, #tpu.memory_space<vmem>>
      %dma_start3A_427 = tpu.memref_slice %arg4[%mul3A_207] : memref<8388608xf32, #tpu.memory_space<hbm>> -> memref<32768xf32, #tpu.memory_space<hbm>>
      %dma_start3A_428 = tpu.memref_slice %arg4[%mul3A_207] : memref<8388608xf32, #tpu.memory_space<hbm>> -> memref<32768xf32, #tpu.memory_space<hbm>>
      %dma_start3A_429 = arith.constant 32768 : i32
      %dma_start3A_430 = tpu.memref_slice %arg6[%dma_start3A_429] : memref<65536xf32, #tpu.memory_space<vmem>> -> memref<32768xf32, #tpu.memory_space<vmem>>
      tpu.enqueue_dma source(%dma_start3A_430 : memref<32768xf32, #tpu.memory_space<vmem>>) target(%dma_start3A_428 : memref<32768xf32, #tpu.memory_space<hbm>>) target_semaphore(%run_scoped3A : memref<!tpu.dma_semaphore, #tpu.memory_space<semaphore_mem>>)
      %dma_wait3A_431 = arith.constant 32768 : i32
      %dma_wait3A_432 = tpu.memref_slice %arg6[%dma_wait3A_431] : memref<65536xf32, #tpu.memory_space<vmem>> -> memref<32768xf32, #tpu.memory_space<vmem>>
      %dma_wait3A_433 = tpu.memref_slice %arg4[%mul3A_207] : memref<8388608xf32, #tpu.memory_space<hbm>> -> memref<32768xf32, #tpu.memory_space<hbm>>
      %dma_wait3A_434 = tpu.memref_slice %arg4[%mul3A_207] : memref<8388608xf32, #tpu.memory_space<hbm>> -> memref<32768xf32, #tpu.memory_space<hbm>>
      %dma_wait3A_435 = arith.constant 32768 : i32
      %dma_wait3A_436 = tpu.memref_slice %arg6[%dma_wait3A_435] : memref<65536xf32, #tpu.memory_space<vmem>> -> memref<32768xf32, #tpu.memory_space<vmem>>
      tpu.wait_dma2 semaphore(%run_scoped3A : memref<!tpu.dma_semaphore, #tpu.memory_space<semaphore_mem>>) src(%dma_wait3A_436 : memref<32768xf32, #tpu.memory_space<vmem>>) dst(%dma_wait3A_434 : memref<32768xf32, #tpu.memory_space<hbm>>)
      tpu.yield
    }) : () -> ()
    %eq3A_208 = arith.constant 1 : i32
    %eq3A_209 = arith.cmpi eq, %add3A, %eq3A_208 : i32
    %convert_element_type3A_210 = arith.extui %eq3A_209 : i1 to i32
    %cond3A_211 = arith.constant 0 : i32
    %cond3A_212 = arith.cmpi ne, %convert_element_type3A_210, %cond3A_211 : i32
    scf.if %cond3A_212 {
      "tpu.region"() ({
        %run_scoped3A = tpu.sem_alloc : memref<!tpu.dma_semaphore, #tpu.memory_space<semaphore_mem>>
        %dma_start3A_425 = arith.constant 0 : i32
        %dma_start3A_426 = tpu.memref_slice %arg7[%dma_start3A_425] : memref<32768xf32, #tpu.memory_space<vmem>> -> memref<32768xf32, #tpu.memory_space<vmem>>
        %dma_start3A_427 = arith.constant 32768 : i32
        %dma_start3A_428 = tpu.memref_slice %arg5[%dma_start3A_427] : memref<131072xf32, #tpu.memory_space<hbm>> -> memref<32768xf32, #tpu.memory_space<hbm>>
        %dma_start3A_429 = arith.constant 32768 : i32
        %dma_start3A_430 = tpu.memref_slice %arg5[%dma_start3A_429] : memref<131072xf32, #tpu.memory_space<hbm>> -> memref<32768xf32, #tpu.memory_space<hbm>>
        %dma_start3A_431 = arith.constant 0 : i32
        %dma_start3A_432 = tpu.memref_slice %arg7[%dma_start3A_431] : memref<32768xf32, #tpu.memory_space<vmem>> -> memref<32768xf32, #tpu.memory_space<vmem>>
        tpu.enqueue_dma source(%dma_start3A_432 : memref<32768xf32, #tpu.memory_space<vmem>>) target(%dma_start3A_430 : memref<32768xf32, #tpu.memory_space<hbm>>) target_semaphore(%run_scoped3A : memref<!tpu.dma_semaphore, #tpu.memory_space<semaphore_mem>>)
        %dma_wait3A_433 = arith.constant 0 : i32
        %dma_wait3A_434 = tpu.memref_slice %arg7[%dma_wait3A_433] : memref<32768xf32, #tpu.memory_space<vmem>> -> memref<32768xf32, #tpu.memory_space<vmem>>
        %dma_wait3A_435 = arith.constant 32768 : i32
        %dma_wait3A_436 = tpu.memref_slice %arg5[%dma_wait3A_435] : memref<131072xf32, #tpu.memory_space<hbm>> -> memref<32768xf32, #tpu.memory_space<hbm>>
        %dma_wait3A_437 = arith.constant 32768 : i32
        %dma_wait3A_438 = tpu.memref_slice %arg5[%dma_wait3A_437] : memref<131072xf32, #tpu.memory_space<hbm>> -> memref<32768xf32, #tpu.memory_space<hbm>>
        %dma_wait3A_439 = arith.constant 0 : i32
        %dma_wait3A_440 = tpu.memref_slice %arg7[%dma_wait3A_439] : memref<32768xf32, #tpu.memory_space<vmem>> -> memref<32768xf32, #tpu.memory_space<vmem>>
        tpu.wait_dma2 semaphore(%run_scoped3A : memref<!tpu.dma_semaphore, #tpu.memory_space<semaphore_mem>>) src(%dma_wait3A_440 : memref<32768xf32, #tpu.memory_space<vmem>>) dst(%dma_wait3A_438 : memref<32768xf32, #tpu.memory_space<hbm>>)
        tpu.yield
      }) : () -> ()
    } else {
    }
    %parallel_loop3A_213 = arith.constant 0 : i32
    %parallel_loop3A_214 = arith.constant 4096 : i32
    %parallel_loop3A_215 = arith.constant 1 : i32
    scf.for %parallel_loop3A_425 = %parallel_loop3A_213 to %parallel_loop3A_214 step %parallel_loop3A_215  : i32 {
      %parallel_loop3A_426 = arith.constant 16 : i32
      %parallel_loop3A_427 = arith.muli %parallel_loop3A_425, %parallel_loop3A_426 : i32
      %parallel_loop3A_428 = arith.index_cast %parallel_loop3A_427 : i32 to index
      %parallel_loop3A_429 = tpu.vector_load %arg6[%parallel_loop3A_428] {strides = array<i32>} : memref<65536xf32, #tpu.memory_space<vmem>>, vector<16xf32>,
      tpu.vector_store %arg6[%parallel_loop3A_428], %broadcast_in_dim3A_3 {strides = array<i32>} : memref<65536xf32, #tpu.memory_space<vmem>>, vector<16xf32>,
    } {sc.loop_unroll_factor = 8 : i64, sc.parallel_access}
    %eq3A_216 = arith.constant 2 : i32
    %eq3A_217 = arith.cmpi eq, %add3A, %eq3A_216 : i32
    %convert_element_type3A_218 = arith.extui %eq3A_217 : i1 to i32
    %cond3A_219 = arith.constant 0 : i32
    %cond3A_220 = arith.cmpi ne, %convert_element_type3A_218, %cond3A_219 : i32
    scf.if %cond3A_220 {
      %parallel_loop3A_425 = arith.constant 0 : i32
      %parallel_loop3A_426 = arith.constant 2048 : i32
      %parallel_loop3A_427 = arith.constant 1 : i32
      scf.for %parallel_loop3A_428 = %parallel_loop3A_425 to %parallel_loop3A_426 step %parallel_loop3A_427  : i32 {
        %parallel_loop3A_429 = arith.constant 16 : i32
        %parallel_loop3A_430 = arith.muli %parallel_loop3A_428, %parallel_loop3A_429 : i32
        %parallel_loop3A_431 = arith.index_cast %parallel_loop3A_430 : i32 to index
        %parallel_loop3A_432 = tpu.vector_load %arg7[%parallel_loop3A_431] {strides = array<i32>} : memref<32768xf32, #tpu.memory_space<vmem>>, vector<16xf32>,
        tpu.vector_store %arg7[%parallel_loop3A_431], %broadcast_in_dim3A_3 {strides = array<i32>} : memref<32768xf32, #tpu.memory_space<vmem>>, vector<16xf32>,
      } {sc.loop_unroll_factor = 8 : i64, sc.parallel_access}
    } else {
    }
    %dma_start3A_221 = arith.constant 0 : i32
    %dma_start3A_222 = tpu.memref_slice %arg8[%dma_start3A_221] : memref<8000xi32, #tpu.memory_space<vmem>> -> memref<4000xi32, #tpu.memory_space<vmem>>
    %dma_start3A_223 = arith.constant 200000 : i32
    %dma_start3A_224 = tpu.memref_slice %arg3[%dma_start3A_223] : memref<400000xi32, #tpu.memory_space<hbm>> -> memref<4000xi32, #tpu.memory_space<hbm>>
    %dma_start3A_225 = arith.constant 0 : i32
    %dma_start3A_226 = tpu.memref_slice %arg8[%dma_start3A_225] : memref<8000xi32, #tpu.memory_space<vmem>> -> memref<4000xi32, #tpu.memory_space<vmem>>
    %dma_start3A_227 = arith.constant 200000 : i32
    %dma_start3A_228 = tpu.memref_slice %arg3[%dma_start3A_227] : memref<400000xi32, #tpu.memory_space<hbm>> -> memref<4000xi32, #tpu.memory_space<hbm>>
    tpu.enqueue_dma source(%dma_start3A_228 : memref<4000xi32, #tpu.memory_space<hbm>>) target(%dma_start3A_226 : memref<4000xi32, #tpu.memory_space<vmem>>) target_semaphore(%arg11 : memref<!tpu.dma_semaphore, #tpu.memory_space<semaphore_mem>>)
    %add3A_229 = arith.constant 128 : i32
    %add3A_230 = arith.addi %add3A_229, %mul3A_2 : i32
    %mul3A_231 = arith.constant 100000 : i32
    %mul3A_232 = arith.muli %add3A_230, %mul3A_231 : i32
    %add3A_233 = arith.constant 0 : i32
    %add3A_234 = arith.addi %mul3A_232, %add3A_233 : i32
    %dma_start3A_235 = arith.constant 0 : i32
    %dma_start3A_236 = tpu.memref_slice %arg9[%dma_start3A_235] : memref<8000xf32, #tpu.memory_space<vmem>> -> memref<4000xf32, #tpu.memory_space<vmem>>
    %dma_start3A_237 = tpu.memref_slice %arg2[%add3A_234] : memref<25600000xf32, #tpu.memory_space<hbm>> -> memref<4000xf32, #tpu.memory_space<hbm>>
    %dma_start3A_238 = arith.constant 0 : i32
    %dma_start3A_239 = tpu.memref_slice %arg9[%dma_start3A_238] : memref<8000xf32, #tpu.memory_space<vmem>> -> memref<4000xf32, #tpu.memory_space<vmem>>
    %dma_start3A_240 = tpu.memref_slice %arg2[%add3A_234] : memref<25600000xf32, #tpu.memory_space<hbm>> -> memref<4000xf32, #tpu.memory_space<hbm>>
    tpu.enqueue_dma source(%dma_start3A_240 : memref<4000xf32, #tpu.memory_space<hbm>>) target(%dma_start3A_239 : memref<4000xf32, #tpu.memory_space<vmem>>) target_semaphore(%arg11 : memref<!tpu.dma_semaphore, #tpu.memory_space<semaphore_mem>>)
    %add3A_241 = arith.constant 128 : i32
    %add3A_242 = arith.addi %add3A_241, %mul3A_2 : i32
    %add3A_243 = arith.constant 1 : i32
    %add3A_244 = arith.addi %add3A_242, %add3A_243 : i32
    %mul3A_245 = arith.constant 100000 : i32
    %mul3A_246 = arith.muli %add3A_244, %mul3A_245 : i32
    %add3A_247 = arith.constant 0 : i32
    %add3A_248 = arith.addi %mul3A_246, %add3A_247 : i32
    %dma_start3A_249 = arith.constant 0 : i32
    %dma_start3A_250 = tpu.memref_slice %arg10[%dma_start3A_249] : memref<8000xf32, #tpu.memory_space<vmem>> -> memref<4000xf32, #tpu.memory_space<vmem>>
    %dma_start3A_251 = tpu.memref_slice %arg2[%add3A_248] : memref<25600000xf32, #tpu.memory_space<hbm>> -> memref<4000xf32, #tpu.memory_space<hbm>>
    %dma_start3A_252 = arith.constant 0 : i32
    %dma_start3A_253 = tpu.memref_slice %arg10[%dma_start3A_252] : memref<8000xf32, #tpu.memory_space<vmem>> -> memref<4000xf32, #tpu.memory_space<vmem>>
    %dma_start3A_254 = tpu.memref_slice %arg2[%add3A_248] : memref<25600000xf32, #tpu.memory_space<hbm>> -> memref<4000xf32, #tpu.memory_space<hbm>>
    tpu.enqueue_dma source(%dma_start3A_254 : memref<4000xf32, #tpu.memory_space<hbm>>) target(%dma_start3A_253 : memref<4000xf32, #tpu.memory_space<vmem>>) target_semaphore(%arg11 : memref<!tpu.dma_semaphore, #tpu.memory_space<semaphore_mem>>)
    %scan3A_255 = arith.constant 0 : i32
    %scan3A_256 = arith.constant 0 : i32
    %scan3A_257 = arith.constant 12 : i32
    %scan3A_258 = arith.addi %scan3A_256, %scan3A_257 : i32
    %scan3A_259 = arith.constant 1 : i32
    %scan3A_260 = scf.for %scan3A_425 = %scan3A_256 to %scan3A_258 step %scan3A_259 iter_args(%scan3A_426 = %scan3A_255) -> (i32)  : i32 {
      %mul3A_427 = arith.constant 2 : i32
      %mul3A_428 = arith.muli %mul3A_427, %scan3A_425 : i32
      %add3A_429 = arith.constant 1 : i32
      %add3A_430 = arith.addi %mul3A_428, %add3A_429 : i32
      %mul3A_431 = arith.constant 4000 : i32
      %mul3A_432 = arith.muli %add3A_430, %mul3A_431 : i32
      %add3A_433 = arith.constant 200000 : i32
      %add3A_434 = arith.addi %add3A_433, %mul3A_432 : i32
      %dma_start3A_435 = arith.constant 4000 : i32
      %dma_start3A_436 = tpu.memref_slice %arg8[%dma_start3A_435] : memref<8000xi32, #tpu.memory_space<vmem>> -> memref<4000xi32, #tpu.memory_space<vmem>>
      %dma_start3A_437 = tpu.memref_slice %arg3[%add3A_434] : memref<400000xi32, #tpu.memory_space<hbm>> -> memref<4000xi32, #tpu.memory_space<hbm>>
      %dma_start3A_438 = arith.constant 4000 : i32
      %dma_start3A_439 = tpu.memref_slice %arg8[%dma_start3A_438] : memref<8000xi32, #tpu.memory_space<vmem>> -> memref<4000xi32, #tpu.memory_space<vmem>>
      %dma_start3A_440 = tpu.memref_slice %arg3[%add3A_434] : memref<400000xi32, #tpu.memory_space<hbm>> -> memref<4000xi32, #tpu.memory_space<hbm>>
      tpu.enqueue_dma source(%dma_start3A_440 : memref<4000xi32, #tpu.memory_space<hbm>>) target(%dma_start3A_439 : memref<4000xi32, #tpu.memory_space<vmem>>) target_semaphore(%arg12 : memref<!tpu.dma_semaphore, #tpu.memory_space<semaphore_mem>>)
      %add3A_441 = arith.constant 128 : i32
      %add3A_442 = arith.addi %add3A_441, %mul3A_2 : i32
      %mul3A_443 = arith.constant 100000 : i32
      %mul3A_444 = arith.muli %add3A_442, %mul3A_443 : i32
      %mul3A_445 = arith.constant 4000 : i32
      %mul3A_446 = arith.muli %add3A_430, %mul3A_445 : i32
      %add3A_447 = arith.addi %mul3A_444, %mul3A_446 : i32
      %dma_start3A_448 = arith.constant 4000 : i32
      %dma_start3A_449 = tpu.memref_slice %arg9[%dma_start3A_448] : memref<8000xf32, #tpu.memory_space<vmem>> -> memref<4000xf32, #tpu.memory_space<vmem>>
      %dma_start3A_450 = tpu.memref_slice %arg2[%add3A_447] : memref<25600000xf32, #tpu.memory_space<hbm>> -> memref<4000xf32, #tpu.memory_space<hbm>>
      %dma_start3A_451 = arith.constant 4000 : i32
      %dma_start3A_452 = tpu.memref_slice %arg9[%dma_start3A_451] : memref<8000xf32, #tpu.memory_space<vmem>> -> memref<4000xf32, #tpu.memory_space<vmem>>
      %dma_start3A_453 = tpu.memref_slice %arg2[%add3A_447] : memref<25600000xf32, #tpu.memory_space<hbm>> -> memref<4000xf32, #tpu.memory_space<hbm>>
      tpu.enqueue_dma source(%dma_start3A_453 : memref<4000xf32, #tpu.memory_space<hbm>>) target(%dma_start3A_452 : memref<4000xf32, #tpu.memory_space<vmem>>) target_semaphore(%arg12 : memref<!tpu.dma_semaphore, #tpu.memory_space<semaphore_mem>>)
      %add3A_454 = arith.constant 128 : i32
      %add3A_455 = arith.addi %add3A_454, %mul3A_2 : i32
      %add3A_456 = arith.constant 1 : i32
      %add3A_457 = arith.addi %add3A_455, %add3A_456 : i32
      %mul3A_458 = arith.constant 100000 : i32
      %mul3A_459 = arith.muli %add3A_457, %mul3A_458 : i32
      %mul3A_460 = arith.constant 4000 : i32
      %mul3A_461 = arith.muli %add3A_430, %mul3A_460 : i32
      %add3A_462 = arith.addi %mul3A_459, %mul3A_461 : i32
      %dma_start3A_463 = arith.constant 4000 : i32
      %dma_start3A_464 = tpu.memref_slice %arg10[%dma_start3A_463] : memref<8000xf32, #tpu.memory_space<vmem>> -> memref<4000xf32, #tpu.memory_space<vmem>>
      %dma_start3A_465 = tpu.memref_slice %arg2[%add3A_462] : memref<25600000xf32, #tpu.memory_space<hbm>> -> memref<4000xf32, #tpu.memory_space<hbm>>
      %dma_start3A_466 = arith.constant 4000 : i32
      %dma_start3A_467 = tpu.memref_slice %arg10[%dma_start3A_466] : memref<8000xf32, #tpu.memory_space<vmem>> -> memref<4000xf32, #tpu.memory_space<vmem>>
      %dma_start3A_468 = tpu.memref_slice %arg2[%add3A_462] : memref<25600000xf32, #tpu.memory_space<hbm>> -> memref<4000xf32, #tpu.memory_space<hbm>>
      tpu.enqueue_dma source(%dma_start3A_468 : memref<4000xf32, #tpu.memory_space<hbm>>) target(%dma_start3A_467 : memref<4000xf32, #tpu.memory_space<vmem>>) target_semaphore(%arg12 : memref<!tpu.dma_semaphore, #tpu.memory_space<semaphore_mem>>)
      %mul3A_469 = arith.constant 4000 : i32
      %mul3A_470 = arith.muli %mul3A_428, %mul3A_469 : i32
      %add3A_471 = arith.constant 200000 : i32
      %add3A_472 = arith.addi %add3A_471, %mul3A_470 : i32
      %dma_wait3A_473 = arith.constant 0 : i32
      %dma_wait3A_474 = tpu.memref_slice %arg8[%dma_wait3A_473] : memref<8000xi32, #tpu.memory_space<vmem>> -> memref<4000xi32, #tpu.memory_space<vmem>>
      %dma_wait3A_475 = tpu.memref_slice %arg3[%add3A_472] : memref<400000xi32, #tpu.memory_space<hbm>> -> memref<4000xi32, #tpu.memory_space<hbm>>
      %dma_wait3A_476 = arith.constant 0 : i32
      %dma_wait3A_477 = tpu.memref_slice %arg8[%dma_wait3A_476] : memref<8000xi32, #tpu.memory_space<vmem>> -> memref<4000xi32, #tpu.memory_space<vmem>>
      %dma_wait3A_478 = tpu.memref_slice %arg3[%add3A_472] : memref<400000xi32, #tpu.memory_space<hbm>> -> memref<4000xi32, #tpu.memory_space<hbm>>
      tpu.wait_dma2 semaphore(%arg11 : memref<!tpu.dma_semaphore, #tpu.memory_space<semaphore_mem>>) src(%dma_wait3A_478 : memref<4000xi32, #tpu.memory_space<hbm>>) dst(%dma_wait3A_477 : memref<4000xi32, #tpu.memory_space<vmem>>)
      %add3A_479 = arith.constant 128 : i32
      %add3A_480 = arith.addi %add3A_479, %mul3A_2 : i32
      %mul3A_481 = arith.constant 100000 : i32
      %mul3A_482 = arith.muli %add3A_480, %mul3A_481 : i32
      %mul3A_483 = arith.constant 4000 : i32
      %mul3A_484 = arith.muli %mul3A_428, %mul3A_483 : i32
      %add3A_485 = arith.addi %mul3A_482, %mul3A_484 : i32
      %dma_wait3A_486 = arith.constant 0 : i32
      %dma_wait3A_487 = tpu.memref_slice %arg9[%dma_wait3A_486] : memref<8000xf32, #tpu.memory_space<vmem>> -> memref<4000xf32, #tpu.memory_space<vmem>>
      %dma_wait3A_488 = tpu.memref_slice %arg2[%add3A_485] : memref<25600000xf32, #tpu.memory_space<hbm>> -> memref<4000xf32, #tpu.memory_space<hbm>>
      %dma_wait3A_489 = arith.constant 0 : i32
      %dma_wait3A_490 = tpu.memref_slice %arg9[%dma_wait3A_489] : memref<8000xf32, #tpu.memory_space<vmem>> -> memref<4000xf32, #tpu.memory_space<vmem>>
      %dma_wait3A_491 = tpu.memref_slice %arg2[%add3A_485] : memref<25600000xf32, #tpu.memory_space<hbm>> -> memref<4000xf32, #tpu.memory_space<hbm>>
      tpu.wait_dma2 semaphore(%arg11 : memref<!tpu.dma_semaphore, #tpu.memory_space<semaphore_mem>>) src(%dma_wait3A_491 : memref<4000xf32, #tpu.memory_space<hbm>>) dst(%dma_wait3A_490 : memref<4000xf32, #tpu.memory_space<vmem>>)
      %add3A_492 = arith.constant 128 : i32
      %add3A_493 = arith.addi %add3A_492, %mul3A_2 : i32
      %add3A_494 = arith.constant 1 : i32
      %add3A_495 = arith.addi %add3A_493, %add3A_494 : i32
      %mul3A_496 = arith.constant 100000 : i32
      %mul3A_497 = arith.muli %add3A_495, %mul3A_496 : i32
      %mul3A_498 = arith.constant 4000 : i32
      %mul3A_499 = arith.muli %mul3A_428, %mul3A_498 : i32
      %add3A_500 = arith.addi %mul3A_497, %mul3A_499 : i32
      %dma_wait3A_501 = arith.constant 0 : i32
      %dma_wait3A_502 = tpu.memref_slice %arg10[%dma_wait3A_501] : memref<8000xf32, #tpu.memory_space<vmem>> -> memref<4000xf32, #tpu.memory_space<vmem>>
      %dma_wait3A_503 = tpu.memref_slice %arg2[%add3A_500] : memref<25600000xf32, #tpu.memory_space<hbm>> -> memref<4000xf32, #tpu.memory_space<hbm>>
      %dma_wait3A_504 = arith.constant 0 : i32
      %dma_wait3A_505 = tpu.memref_slice %arg10[%dma_wait3A_504] : memref<8000xf32, #tpu.memory_space<vmem>> -> memref<4000xf32, #tpu.memory_space<vmem>>
      %dma_wait3A_506 = tpu.memref_slice %arg2[%add3A_500] : memref<25600000xf32, #tpu.memory_space<hbm>> -> memref<4000xf32, #tpu.memory_space<hbm>>
      tpu.wait_dma2 semaphore(%arg11 : memref<!tpu.dma_semaphore, #tpu.memory_space<semaphore_mem>>) src(%dma_wait3A_506 : memref<4000xf32, #tpu.memory_space<hbm>>) dst(%dma_wait3A_505 : memref<4000xf32, #tpu.memory_space<vmem>>)
      %parallel_loop3A_507 = arith.constant 0 : i32
      %parallel_loop3A_508 = arith.constant 250 : i32
      %parallel_loop3A_509 = arith.constant 1 : i32
      scf.for %parallel_loop3A_570 = %parallel_loop3A_507 to %parallel_loop3A_508 step %parallel_loop3A_509  : i32 {
        %parallel_loop3A_571 = arith.constant 16 : i32
        %parallel_loop3A_572 = arith.muli %parallel_loop3A_570, %parallel_loop3A_571 : i32
        %parallel_loop3A_573 = arith.constant 0 : i32
        %parallel_loop3A_574 = arith.addi %parallel_loop3A_573, %parallel_loop3A_572 : i32
        %parallel_loop3A_575 = arith.index_cast %parallel_loop3A_574 : i32 to index
        %parallel_loop3A_576 = tpu.vector_load %arg8[%parallel_loop3A_575] {strides = array<i32>} : memref<8000xi32, #tpu.memory_space<vmem>>, vector<16xi32>,
        %parallel_loop3A_577 = arith.constant 16 : i32
        %parallel_loop3A_578 = arith.muli %parallel_loop3A_570, %parallel_loop3A_577 : i32
        %parallel_loop3A_579 = arith.constant 0 : i32
        %parallel_loop3A_580 = arith.addi %parallel_loop3A_579, %parallel_loop3A_578 : i32
        %parallel_loop3A_581 = arith.index_cast %parallel_loop3A_580 : i32 to index
        %parallel_loop3A_582 = tpu.vector_load %arg9[%parallel_loop3A_581] {strides = array<i32>} : memref<8000xf32, #tpu.memory_space<vmem>>, vector<16xf32>,
        tpu.vector_store_idx %arg6[%parallel_loop3A_576], %parallel_loop3A_582 {add = true} : memref<65536xf32, #tpu.memory_space<vmem>>[vector<16xi32>], vector<16xf32>,
        %parallel_loop3A_583 = arith.addi %parallel_loop3A_576, %broadcast_in_dim3A_7 : vector<16xi32>
        %parallel_loop3A_584 = arith.constant 16 : i32
        %parallel_loop3A_585 = arith.muli %parallel_loop3A_570, %parallel_loop3A_584 : i32
        %parallel_loop3A_586 = arith.constant 0 : i32
        %parallel_loop3A_587 = arith.addi %parallel_loop3A_586, %parallel_loop3A_585 : i32
        %parallel_loop3A_588 = arith.index_cast %parallel_loop3A_587 : i32 to index
        %parallel_loop3A_589 = tpu.vector_load %arg10[%parallel_loop3A_588] {strides = array<i32>} : memref<8000xf32, #tpu.memory_space<vmem>>, vector<16xf32>,
        tpu.vector_store_idx %arg6[%parallel_loop3A_583], %parallel_loop3A_589 {add = true} : memref<65536xf32, #tpu.memory_space<vmem>>[vector<16xi32>], vector<16xf32>,
      } {sc.loop_unroll_factor = 8 : i64, sc.parallel_access}
      %eq3A_510 = arith.constant 2 : i32
      %eq3A_511 = arith.cmpi eq, %add3A, %eq3A_510 : i32
      %convert_element_type3A_512 = arith.extui %eq3A_511 : i1 to i32
      %cond3A_513 = arith.constant 0 : i32
      %cond3A_514 = arith.cmpi ne, %convert_element_type3A_512, %cond3A_513 : i32
      scf.if %cond3A_514 {
        %parallel_loop3A_570 = arith.constant 0 : i32
        %parallel_loop3A_571 = arith.constant 250 : i32
        %parallel_loop3A_572 = arith.constant 1 : i32
        scf.for %parallel_loop3A_573 = %parallel_loop3A_570 to %parallel_loop3A_571 step %parallel_loop3A_572  : i32 {
          %parallel_loop3A_574 = arith.constant 16 : i32
          %parallel_loop3A_575 = arith.muli %parallel_loop3A_573, %parallel_loop3A_574 : i32
          %parallel_loop3A_576 = arith.constant 0 : i32
          %parallel_loop3A_577 = arith.addi %parallel_loop3A_576, %parallel_loop3A_575 : i32
          %parallel_loop3A_578 = arith.index_cast %parallel_loop3A_577 : i32 to index
          %parallel_loop3A_579 = tpu.vector_load %arg8[%parallel_loop3A_578] {strides = array<i32>} : memref<8000xi32, #tpu.memory_space<vmem>>, vector<16xi32>,
          tpu.vector_store_idx %arg7[%parallel_loop3A_579], %broadcast_in_dim3A_5 {add = true} : memref<32768xf32, #tpu.memory_space<vmem>>[vector<16xi32>], vector<16xf32>,
        } {sc.loop_unroll_factor = 8 : i64, sc.parallel_access}
      } else {
      }
      %add3A_515 = arith.constant 2 : i32
      %add3A_516 = arith.addi %mul3A_428, %add3A_515 : i32
      %lt3A = arith.constant 25 : i32
      %lt3A_517 = arith.cmpi slt, %add3A_516, %lt3A : i32
      %convert_element_type3A_518 = arith.extui %lt3A_517 : i1 to i32
      %cond3A_519 = arith.constant 0 : i32
      %cond3A_520 = arith.cmpi ne, %convert_element_type3A_518, %cond3A_519 : i32
      scf.if %cond3A_520 {
        %add3A_570 = arith.constant 2 : i32
        %add3A_571 = arith.addi %mul3A_428, %add3A_570 : i32
        %mul3A_572 = arith.constant 4000 : i32
        %mul3A_573 = arith.muli %add3A_571, %mul3A_572 : i32
        %add3A_574 = arith.constant 200000 : i32
        %add3A_575 = arith.addi %add3A_574, %mul3A_573 : i32
        %dma_start3A_576 = arith.constant 0 : i32
        %dma_start3A_577 = tpu.memref_slice %arg8[%dma_start3A_576] : memref<8000xi32, #tpu.memory_space<vmem>> -> memref<4000xi32, #tpu.memory_space<vmem>>
        %dma_start3A_578 = tpu.memref_slice %arg3[%add3A_575] : memref<400000xi32, #tpu.memory_space<hbm>> -> memref<4000xi32, #tpu.memory_space<hbm>>
        %dma_start3A_579 = arith.constant 0 : i32
        %dma_start3A_580 = tpu.memref_slice %arg8[%dma_start3A_579] : memref<8000xi32, #tpu.memory_space<vmem>> -> memref<4000xi32, #tpu.memory_space<vmem>>
        %dma_start3A_581 = tpu.memref_slice %arg3[%add3A_575] : memref<400000xi32, #tpu.memory_space<hbm>> -> memref<4000xi32, #tpu.memory_space<hbm>>
        tpu.enqueue_dma source(%dma_start3A_581 : memref<4000xi32, #tpu.memory_space<hbm>>) target(%dma_start3A_580 : memref<4000xi32, #tpu.memory_space<vmem>>) target_semaphore(%arg11 : memref<!tpu.dma_semaphore, #tpu.memory_space<semaphore_mem>>)
        %add3A_582 = arith.constant 128 : i32
        %add3A_583 = arith.addi %add3A_582, %mul3A_2 : i32
        %mul3A_584 = arith.constant 100000 : i32
        %mul3A_585 = arith.muli %add3A_583, %mul3A_584 : i32
        %mul3A_586 = arith.constant 4000 : i32
        %mul3A_587 = arith.muli %add3A_571, %mul3A_586 : i32
        %add3A_588 = arith.addi %mul3A_585, %mul3A_587 : i32
        %dma_start3A_589 = arith.constant 0 : i32
        %dma_start3A_590 = tpu.memref_slice %arg9[%dma_start3A_589] : memref<8000xf32, #tpu.memory_space<vmem>> -> memref<4000xf32, #tpu.memory_space<vmem>>
        %dma_start3A_591 = tpu.memref_slice %arg2[%add3A_588] : memref<25600000xf32, #tpu.memory_space<hbm>> -> memref<4000xf32, #tpu.memory_space<hbm>>
        %dma_start3A_592 = arith.constant 0 : i32
        %dma_start3A_593 = tpu.memref_slice %arg9[%dma_start3A_592] : memref<8000xf32, #tpu.memory_space<vmem>> -> memref<4000xf32, #tpu.memory_space<vmem>>
        %dma_start3A_594 = tpu.memref_slice %arg2[%add3A_588] : memref<25600000xf32, #tpu.memory_space<hbm>> -> memref<4000xf32, #tpu.memory_space<hbm>>
        tpu.enqueue_dma source(%dma_start3A_594 : memref<4000xf32, #tpu.memory_space<hbm>>) target(%dma_start3A_593 : memref<4000xf32, #tpu.memory_space<vmem>>) target_semaphore(%arg11 : memref<!tpu.dma_semaphore, #tpu.memory_space<semaphore_mem>>)
        %add3A_595 = arith.constant 128 : i32
        %add3A_596 = arith.addi %add3A_595, %mul3A_2 : i32
        %add3A_597 = arith.constant 1 : i32
        %add3A_598 = arith.addi %add3A_596, %add3A_597 : i32
        %mul3A_599 = arith.constant 100000 : i32
        %mul3A_600 = arith.muli %add3A_598, %mul3A_599 : i32
        %mul3A_601 = arith.constant 4000 : i32
        %mul3A_602 = arith.muli %add3A_571, %mul3A_601 : i32
        %add3A_603 = arith.addi %mul3A_600, %mul3A_602 : i32
        %dma_start3A_604 = arith.constant 0 : i32
        %dma_start3A_605 = tpu.memref_slice %arg10[%dma_start3A_604] : memref<8000xf32, #tpu.memory_space<vmem>> -> memref<4000xf32, #tpu.memory_space<vmem>>
        %dma_start3A_606 = tpu.memref_slice %arg2[%add3A_603] : memref<25600000xf32, #tpu.memory_space<hbm>> -> memref<4000xf32, #tpu.memory_space<hbm>>
        %dma_start3A_607 = arith.constant 0 : i32
        %dma_start3A_608 = tpu.memref_slice %arg10[%dma_start3A_607] : memref<8000xf32, #tpu.memory_space<vmem>> -> memref<4000xf32, #tpu.memory_space<vmem>>
        %dma_start3A_609 = tpu.memref_slice %arg2[%add3A_603] : memref<25600000xf32, #tpu.memory_space<hbm>> -> memref<4000xf32, #tpu.memory_space<hbm>>
        tpu.enqueue_dma source(%dma_start3A_609 : memref<4000xf32, #tpu.memory_space<hbm>>) target(%dma_start3A_608 : memref<4000xf32, #tpu.memory_space<vmem>>) target_semaphore(%arg11 : memref<!tpu.dma_semaphore, #tpu.memory_space<semaphore_mem>>)
      } else {
      }
      %add3A_521 = arith.constant 1 : i32
      %add3A_522 = arith.addi %mul3A_428, %add3A_521 : i32
      %mul3A_523 = arith.constant 4000 : i32
      %mul3A_524 = arith.muli %add3A_522, %mul3A_523 : i32
      %add3A_525 = arith.constant 200000 : i32
      %add3A_526 = arith.addi %add3A_525, %mul3A_524 : i32
      %dma_wait3A_527 = arith.constant 4000 : i32
      %dma_wait3A_528 = tpu.memref_slice %arg8[%dma_wait3A_527] : memref<8000xi32, #tpu.memory_space<vmem>> -> memref<4000xi32, #tpu.memory_space<vmem>>
      %dma_wait3A_529 = tpu.memref_slice %arg3[%add3A_526] : memref<400000xi32, #tpu.memory_space<hbm>> -> memref<4000xi32, #tpu.memory_space<hbm>>
      %dma_wait3A_530 = arith.constant 4000 : i32
      %dma_wait3A_531 = tpu.memref_slice %arg8[%dma_wait3A_530] : memref<8000xi32, #tpu.memory_space<vmem>> -> memref<4000xi32, #tpu.memory_space<vmem>>
      %dma_wait3A_532 = tpu.memref_slice %arg3[%add3A_526] : memref<400000xi32, #tpu.memory_space<hbm>> -> memref<4000xi32, #tpu.memory_space<hbm>>
      tpu.wait_dma2 semaphore(%arg12 : memref<!tpu.dma_semaphore, #tpu.memory_space<semaphore_mem>>) src(%dma_wait3A_532 : memref<4000xi32, #tpu.memory_space<hbm>>) dst(%dma_wait3A_531 : memref<4000xi32, #tpu.memory_space<vmem>>)
      %add3A_533 = arith.constant 128 : i32
      %add3A_534 = arith.addi %add3A_533, %mul3A_2 : i32
      %mul3A_535 = arith.constant 100000 : i32
      %mul3A_536 = arith.muli %add3A_534, %mul3A_535 : i32
      %mul3A_537 = arith.constant 4000 : i32
      %mul3A_538 = arith.muli %add3A_522, %mul3A_537 : i32
      %add3A_539 = arith.addi %mul3A_536, %mul3A_538 : i32
      %dma_wait3A_540 = arith.constant 4000 : i32
      %dma_wait3A_541 = tpu.memref_slice %arg9[%dma_wait3A_540] : memref<8000xf32, #tpu.memory_space<vmem>> -> memref<4000xf32, #tpu.memory_space<vmem>>
      %dma_wait3A_542 = tpu.memref_slice %arg2[%add3A_539] : memref<25600000xf32, #tpu.memory_space<hbm>> -> memref<4000xf32, #tpu.memory_space<hbm>>
      %dma_wait3A_543 = arith.constant 4000 : i32
      %dma_wait3A_544 = tpu.memref_slice %arg9[%dma_wait3A_543] : memref<8000xf32, #tpu.memory_space<vmem>> -> memref<4000xf32, #tpu.memory_space<vmem>>
      %dma_wait3A_545 = tpu.memref_slice %arg2[%add3A_539] : memref<25600000xf32, #tpu.memory_space<hbm>> -> memref<4000xf32, #tpu.memory_space<hbm>>
      tpu.wait_dma2 semaphore(%arg12 : memref<!tpu.dma_semaphore, #tpu.memory_space<semaphore_mem>>) src(%dma_wait3A_545 : memref<4000xf32, #tpu.memory_space<hbm>>) dst(%dma_wait3A_544 : memref<4000xf32, #tpu.memory_space<vmem>>)
      %add3A_546 = arith.constant 128 : i32
      %add3A_547 = arith.addi %add3A_546, %mul3A_2 : i32
      %add3A_548 = arith.constant 1 : i32
      %add3A_549 = arith.addi %add3A_547, %add3A_548 : i32
      %mul3A_550 = arith.constant 100000 : i32
      %mul3A_551 = arith.muli %add3A_549, %mul3A_550 : i32
      %mul3A_552 = arith.constant 4000 : i32
      %mul3A_553 = arith.muli %add3A_522, %mul3A_552 : i32
      %add3A_554 = arith.addi %mul3A_551, %mul3A_553 : i32
      %dma_wait3A_555 = arith.constant 4000 : i32
      %dma_wait3A_556 = tpu.memref_slice %arg10[%dma_wait3A_555] : memref<8000xf32, #tpu.memory_space<vmem>> -> memref<4000xf32, #tpu.memory_space<vmem>>
      %dma_wait3A_557 = tpu.memref_slice %arg2[%add3A_554] : memref<25600000xf32, #tpu.memory_space<hbm>> -> memref<4000xf32, #tpu.memory_space<hbm>>
      %dma_wait3A_558 = arith.constant 4000 : i32
      %dma_wait3A_559 = tpu.memref_slice %arg10[%dma_wait3A_558] : memref<8000xf32, #tpu.memory_space<vmem>> -> memref<4000xf32, #tpu.memory_space<vmem>>
      %dma_wait3A_560 = tpu.memref_slice %arg2[%add3A_554] : memref<25600000xf32, #tpu.memory_space<hbm>> -> memref<4000xf32, #tpu.memory_space<hbm>>
      tpu.wait_dma2 semaphore(%arg12 : memref<!tpu.dma_semaphore, #tpu.memory_space<semaphore_mem>>) src(%dma_wait3A_560 : memref<4000xf32, #tpu.memory_space<hbm>>) dst(%dma_wait3A_559 : memref<4000xf32, #tpu.memory_space<vmem>>)
      %parallel_loop3A_561 = arith.constant 0 : i32
      %parallel_loop3A_562 = arith.constant 250 : i32
      %parallel_loop3A_563 = arith.constant 1 : i32
      scf.for %parallel_loop3A_570 = %parallel_loop3A_561 to %parallel_loop3A_562 step %parallel_loop3A_563  : i32 {
        %parallel_loop3A_571 = arith.constant 16 : i32
        %parallel_loop3A_572 = arith.muli %parallel_loop3A_570, %parallel_loop3A_571 : i32
        %parallel_loop3A_573 = arith.constant 4000 : i32
        %parallel_loop3A_574 = arith.addi %parallel_loop3A_573, %parallel_loop3A_572 : i32
        %parallel_loop3A_575 = arith.index_cast %parallel_loop3A_574 : i32 to index
        %parallel_loop3A_576 = tpu.vector_load %arg8[%parallel_loop3A_575] {strides = array<i32>} : memref<8000xi32, #tpu.memory_space<vmem>>, vector<16xi32>,
        %parallel_loop3A_577 = arith.constant 16 : i32
        %parallel_loop3A_578 = arith.muli %parallel_loop3A_570, %parallel_loop3A_577 : i32
        %parallel_loop3A_579 = arith.constant 4000 : i32
        %parallel_loop3A_580 = arith.addi %parallel_loop3A_579, %parallel_loop3A_578 : i32
        %parallel_loop3A_581 = arith.index_cast %parallel_loop3A_580 : i32 to index
        %parallel_loop3A_582 = tpu.vector_load %arg9[%parallel_loop3A_581] {strides = array<i32>} : memref<8000xf32, #tpu.memory_space<vmem>>, vector<16xf32>,
        tpu.vector_store_idx %arg6[%parallel_loop3A_576], %parallel_loop3A_582 {add = true} : memref<65536xf32, #tpu.memory_space<vmem>>[vector<16xi32>], vector<16xf32>,
        %parallel_loop3A_583 = arith.addi %parallel_loop3A_576, %broadcast_in_dim3A_7 : vector<16xi32>
        %parallel_loop3A_584 = arith.constant 16 : i32
        %parallel_loop3A_585 = arith.muli %parallel_loop3A_570, %parallel_loop3A_584 : i32
        %parallel_loop3A_586 = arith.constant 4000 : i32
        %parallel_loop3A_587 = arith.addi %parallel_loop3A_586, %parallel_loop3A_585 : i32
        %parallel_loop3A_588 = arith.index_cast %parallel_loop3A_587 : i32 to index
        %parallel_loop3A_589 = tpu.vector_load %arg10[%parallel_loop3A_588] {strides = array<i32>} : memref<8000xf32, #tpu.memory_space<vmem>>, vector<16xf32>,
        tpu.vector_store_idx %arg6[%parallel_loop3A_583], %parallel_loop3A_589 {add = true} : memref<65536xf32, #tpu.memory_space<vmem>>[vector<16xi32>], vector<16xf32>,
      } {sc.loop_unroll_factor = 8 : i64, sc.parallel_access}
      %eq3A_564 = arith.constant 2 : i32
      %eq3A_565 = arith.cmpi eq, %add3A, %eq3A_564 : i32
      %convert_element_type3A_566 = arith.extui %eq3A_565 : i1 to i32
      %cond3A_567 = arith.constant 0 : i32
      %cond3A_568 = arith.cmpi ne, %convert_element_type3A_566, %cond3A_567 : i32
      scf.if %cond3A_568 {
        %parallel_loop3A_570 = arith.constant 0 : i32
        %parallel_loop3A_571 = arith.constant 250 : i32
        %parallel_loop3A_572 = arith.constant 1 : i32
        scf.for %parallel_loop3A_573 = %parallel_loop3A_570 to %parallel_loop3A_571 step %parallel_loop3A_572  : i32 {
          %parallel_loop3A_574 = arith.constant 16 : i32
          %parallel_loop3A_575 = arith.muli %parallel_loop3A_573, %parallel_loop3A_574 : i32
          %parallel_loop3A_576 = arith.constant 4000 : i32
          %parallel_loop3A_577 = arith.addi %parallel_loop3A_576, %parallel_loop3A_575 : i32
          %parallel_loop3A_578 = arith.index_cast %parallel_loop3A_577 : i32 to index
          %parallel_loop3A_579 = tpu.vector_load %arg8[%parallel_loop3A_578] {strides = array<i32>} : memref<8000xi32, #tpu.memory_space<vmem>>, vector<16xi32>,
          tpu.vector_store_idx %arg7[%parallel_loop3A_579], %broadcast_in_dim3A_5 {add = true} : memref<32768xf32, #tpu.memory_space<vmem>>[vector<16xi32>], vector<16xf32>,
        } {sc.loop_unroll_factor = 8 : i64, sc.parallel_access}
      } else {
      }
      %scan3A_569 = arith.constant 0 : i32
      scf.yield %scan3A_569 : i32
    }
    %scan3A_261 = arith.constant 12 : i32
    %dma_wait3A_262 = arith.constant 0 : i32
    %dma_wait3A_263 = tpu.memref_slice %arg8[%dma_wait3A_262] : memref<8000xi32, #tpu.memory_space<vmem>> -> memref<4000xi32, #tpu.memory_space<vmem>>
    %dma_wait3A_264 = arith.constant 296000 : i32
    %dma_wait3A_265 = tpu.memref_slice %arg3[%dma_wait3A_264] : memref<400000xi32, #tpu.memory_space<hbm>> -> memref<4000xi32, #tpu.memory_space<hbm>>
    %dma_wait3A_266 = arith.constant 0 : i32
    %dma_wait3A_267 = tpu.memref_slice %arg8[%dma_wait3A_266] : memref<8000xi32, #tpu.memory_space<vmem>> -> memref<4000xi32, #tpu.memory_space<vmem>>
    %dma_wait3A_268 = arith.constant 296000 : i32
    %dma_wait3A_269 = tpu.memref_slice %arg3[%dma_wait3A_268] : memref<400000xi32, #tpu.memory_space<hbm>> -> memref<4000xi32, #tpu.memory_space<hbm>>
    tpu.wait_dma2 semaphore(%arg11 : memref<!tpu.dma_semaphore, #tpu.memory_space<semaphore_mem>>) src(%dma_wait3A_269 : memref<4000xi32, #tpu.memory_space<hbm>>) dst(%dma_wait3A_267 : memref<4000xi32, #tpu.memory_space<vmem>>)
    %add3A_270 = arith.constant 128 : i32
    %add3A_271 = arith.addi %add3A_270, %mul3A_2 : i32
    %mul3A_272 = arith.constant 100000 : i32
    %mul3A_273 = arith.muli %add3A_271, %mul3A_272 : i32
    %add3A_274 = arith.constant 96000 : i32
    %add3A_275 = arith.addi %mul3A_273, %add3A_274 : i32
    %dma_wait3A_276 = arith.constant 0 : i32
    %dma_wait3A_277 = tpu.memref_slice %arg9[%dma_wait3A_276] : memref<8000xf32, #tpu.memory_space<vmem>> -> memref<4000xf32, #tpu.memory_space<vmem>>
    %dma_wait3A_278 = tpu.memref_slice %arg2[%add3A_275] : memref<25600000xf32, #tpu.memory_space<hbm>> -> memref<4000xf32, #tpu.memory_space<hbm>>
    %dma_wait3A_279 = arith.constant 0 : i32
    %dma_wait3A_280 = tpu.memref_slice %arg9[%dma_wait3A_279] : memref<8000xf32, #tpu.memory_space<vmem>> -> memref<4000xf32, #tpu.memory_space<vmem>>
    %dma_wait3A_281 = tpu.memref_slice %arg2[%add3A_275] : memref<25600000xf32, #tpu.memory_space<hbm>> -> memref<4000xf32, #tpu.memory_space<hbm>>
    tpu.wait_dma2 semaphore(%arg11 : memref<!tpu.dma_semaphore, #tpu.memory_space<semaphore_mem>>) src(%dma_wait3A_281 : memref<4000xf32, #tpu.memory_space<hbm>>) dst(%dma_wait3A_280 : memref<4000xf32, #tpu.memory_space<vmem>>)
    %add3A_282 = arith.constant 128 : i32
    %add3A_283 = arith.addi %add3A_282, %mul3A_2 : i32
    %add3A_284 = arith.constant 1 : i32
    %add3A_285 = arith.addi %add3A_283, %add3A_284 : i32
    %mul3A_286 = arith.constant 100000 : i32
    %mul3A_287 = arith.muli %add3A_285, %mul3A_286 : i32
    %add3A_288 = arith.constant 96000 : i32
    %add3A_289 = arith.addi %mul3A_287, %add3A_288 : i32
    %dma_wait3A_290 = arith.constant 0 : i32
    %dma_wait3A_291 = tpu.memref_slice %arg10[%dma_wait3A_290] : memref<8000xf32, #tpu.memory_space<vmem>> -> memref<4000xf32, #tpu.memory_space<vmem>>
    %dma_wait3A_292 = tpu.memref_slice %arg2[%add3A_289] : memref<25600000xf32, #tpu.memory_space<hbm>> -> memref<4000xf32, #tpu.memory_space<hbm>>
    %dma_wait3A_293 = arith.constant 0 : i32
    %dma_wait3A_294 = tpu.memref_slice %arg10[%dma_wait3A_293] : memref<8000xf32, #tpu.memory_space<vmem>> -> memref<4000xf32, #tpu.memory_space<vmem>>
    %dma_wait3A_295 = tpu.memref_slice %arg2[%add3A_289] : memref<25600000xf32, #tpu.memory_space<hbm>> -> memref<4000xf32, #tpu.memory_space<hbm>>
    tpu.wait_dma2 semaphore(%arg11 : memref<!tpu.dma_semaphore, #tpu.memory_space<semaphore_mem>>) src(%dma_wait3A_295 : memref<4000xf32, #tpu.memory_space<hbm>>) dst(%dma_wait3A_294 : memref<4000xf32, #tpu.memory_space<vmem>>)
    %parallel_loop3A_296 = arith.constant 0 : i32
    %parallel_loop3A_297 = arith.constant 250 : i32
    %parallel_loop3A_298 = arith.constant 1 : i32
    scf.for %parallel_loop3A_425 = %parallel_loop3A_296 to %parallel_loop3A_297 step %parallel_loop3A_298  : i32 {
      %parallel_loop3A_426 = arith.constant 16 : i32
      %parallel_loop3A_427 = arith.muli %parallel_loop3A_425, %parallel_loop3A_426 : i32
      %parallel_loop3A_428 = arith.constant 0 : i32
      %parallel_loop3A_429 = arith.addi %parallel_loop3A_428, %parallel_loop3A_427 : i32
      %parallel_loop3A_430 = arith.index_cast %parallel_loop3A_429 : i32 to index
      %parallel_loop3A_431 = tpu.vector_load %arg8[%parallel_loop3A_430] {strides = array<i32>} : memref<8000xi32, #tpu.memory_space<vmem>>, vector<16xi32>,
      %parallel_loop3A_432 = arith.constant 16 : i32
      %parallel_loop3A_433 = arith.muli %parallel_loop3A_425, %parallel_loop3A_432 : i32
      %parallel_loop3A_434 = arith.constant 0 : i32
      %parallel_loop3A_435 = arith.addi %parallel_loop3A_434, %parallel_loop3A_433 : i32
      %parallel_loop3A_436 = arith.index_cast %parallel_loop3A_435 : i32 to index
      %parallel_loop3A_437 = tpu.vector_load %arg9[%parallel_loop3A_436] {strides = array<i32>} : memref<8000xf32, #tpu.memory_space<vmem>>, vector<16xf32>,
      tpu.vector_store_idx %arg6[%parallel_loop3A_431], %parallel_loop3A_437 {add = true} : memref<65536xf32, #tpu.memory_space<vmem>>[vector<16xi32>], vector<16xf32>,
      %parallel_loop3A_438 = arith.addi %parallel_loop3A_431, %broadcast_in_dim3A_7 : vector<16xi32>
      %parallel_loop3A_439 = arith.constant 16 : i32
      %parallel_loop3A_440 = arith.muli %parallel_loop3A_425, %parallel_loop3A_439 : i32
      %parallel_loop3A_441 = arith.constant 0 : i32
      %parallel_loop3A_442 = arith.addi %parallel_loop3A_441, %parallel_loop3A_440 : i32
      %parallel_loop3A_443 = arith.index_cast %parallel_loop3A_442 : i32 to index
      %parallel_loop3A_444 = tpu.vector_load %arg10[%parallel_loop3A_443] {strides = array<i32>} : memref<8000xf32, #tpu.memory_space<vmem>>, vector<16xf32>,
      tpu.vector_store_idx %arg6[%parallel_loop3A_438], %parallel_loop3A_444 {add = true} : memref<65536xf32, #tpu.memory_space<vmem>>[vector<16xi32>], vector<16xf32>,
    } {sc.loop_unroll_factor = 8 : i64, sc.parallel_access}
    %eq3A_299 = arith.constant 2 : i32
    %eq3A_300 = arith.cmpi eq, %add3A, %eq3A_299 : i32
    %convert_element_type3A_301 = arith.extui %eq3A_300 : i1 to i32
    %cond3A_302 = arith.constant 0 : i32
    %cond3A_303 = arith.cmpi ne, %convert_element_type3A_301, %cond3A_302 : i32
    scf.if %cond3A_303 {
      %parallel_loop3A_425 = arith.constant 0 : i32
      %parallel_loop3A_426 = arith.constant 250 : i32
      %parallel_loop3A_427 = arith.constant 1 : i32
      scf.for %parallel_loop3A_428 = %parallel_loop3A_425 to %parallel_loop3A_426 step %parallel_loop3A_427  : i32 {
        %parallel_loop3A_429 = arith.constant 16 : i32
        %parallel_loop3A_430 = arith.muli %parallel_loop3A_428, %parallel_loop3A_429 : i32
        %parallel_loop3A_431 = arith.constant 0 : i32
        %parallel_loop3A_432 = arith.addi %parallel_loop3A_431, %parallel_loop3A_430 : i32
        %parallel_loop3A_433 = arith.index_cast %parallel_loop3A_432 : i32 to index
        %parallel_loop3A_434 = tpu.vector_load %arg8[%parallel_loop3A_433] {strides = array<i32>} : memref<8000xi32, #tpu.memory_space<vmem>>, vector<16xi32>,
        tpu.vector_store_idx %arg7[%parallel_loop3A_434], %broadcast_in_dim3A_5 {add = true} : memref<32768xf32, #tpu.memory_space<vmem>>[vector<16xi32>], vector<16xf32>,
      } {sc.loop_unroll_factor = 8 : i64, sc.parallel_access}
    } else {
    }
    %add3A_304 = arith.constant 128 : i32
    %add3A_305 = arith.addi %add3A_304, %mul3A_2 : i32
    %mul3A_306 = arith.constant 32768 : i32
    %mul3A_307 = arith.muli %add3A_305, %mul3A_306 : i32
    "tpu.region"() ({
      %run_scoped3A = tpu.sem_alloc : memref<!tpu.dma_semaphore, #tpu.memory_space<semaphore_mem>>
      %dma_start3A_425 = arith.constant 0 : i32
      %dma_start3A_426 = tpu.memref_slice %arg6[%dma_start3A_425] : memref<65536xf32, #tpu.memory_space<vmem>> -> memref<32768xf32, #tpu.memory_space<vmem>>
      %dma_start3A_427 = tpu.memref_slice %arg4[%mul3A_307] : memref<8388608xf32, #tpu.memory_space<hbm>> -> memref<32768xf32, #tpu.memory_space<hbm>>
      %dma_start3A_428 = tpu.memref_slice %arg4[%mul3A_307] : memref<8388608xf32, #tpu.memory_space<hbm>> -> memref<32768xf32, #tpu.memory_space<hbm>>
      %dma_start3A_429 = arith.constant 0 : i32
      %dma_start3A_430 = tpu.memref_slice %arg6[%dma_start3A_429] : memref<65536xf32, #tpu.memory_space<vmem>> -> memref<32768xf32, #tpu.memory_space<vmem>>
      tpu.enqueue_dma source(%dma_start3A_430 : memref<32768xf32, #tpu.memory_space<vmem>>) target(%dma_start3A_428 : memref<32768xf32, #tpu.memory_space<hbm>>) target_semaphore(%run_scoped3A : memref<!tpu.dma_semaphore, #tpu.memory_space<semaphore_mem>>)
      %dma_wait3A_431 = arith.constant 0 : i32
      %dma_wait3A_432 = tpu.memref_slice %arg6[%dma_wait3A_431] : memref<65536xf32, #tpu.memory_space<vmem>> -> memref<32768xf32, #tpu.memory_space<vmem>>
      %dma_wait3A_433 = tpu.memref_slice %arg4[%mul3A_307] : memref<8388608xf32, #tpu.memory_space<hbm>> -> memref<32768xf32, #tpu.memory_space<hbm>>
      %dma_wait3A_434 = tpu.memref_slice %arg4[%mul3A_307] : memref<8388608xf32, #tpu.memory_space<hbm>> -> memref<32768xf32, #tpu.memory_space<hbm>>
      %dma_wait3A_435 = arith.constant 0 : i32
      %dma_wait3A_436 = tpu.memref_slice %arg6[%dma_wait3A_435] : memref<65536xf32, #tpu.memory_space<vmem>> -> memref<32768xf32, #tpu.memory_space<vmem>>
      tpu.wait_dma2 semaphore(%run_scoped3A : memref<!tpu.dma_semaphore, #tpu.memory_space<semaphore_mem>>) src(%dma_wait3A_436 : memref<32768xf32, #tpu.memory_space<vmem>>) dst(%dma_wait3A_434 : memref<32768xf32, #tpu.memory_space<hbm>>)
      tpu.yield
    }) : () -> ()
    %add3A_308 = arith.constant 128 : i32
    %add3A_309 = arith.addi %add3A_308, %mul3A_2 : i32
    %add3A_310 = arith.constant 1 : i32
    %add3A_311 = arith.addi %add3A_309, %add3A_310 : i32
    %mul3A_312 = arith.constant 32768 : i32
    %mul3A_313 = arith.muli %add3A_311, %mul3A_312 : i32
    "tpu.region"() ({
      %run_scoped3A = tpu.sem_alloc : memref<!tpu.dma_semaphore, #tpu.memory_space<semaphore_mem>>
      %dma_start3A_425 = arith.constant 32768 : i32
      %dma_start3A_426 = tpu.memref_slice %arg6[%dma_start3A_425] : memref<65536xf32, #tpu.memory_space<vmem>> -> memref<32768xf32, #tpu.memory_space<vmem>>
      %dma_start3A_427 = tpu.memref_slice %arg4[%mul3A_313] : memref<8388608xf32, #tpu.memory_space<hbm>> -> memref<32768xf32, #tpu.memory_space<hbm>>
      %dma_start3A_428 = tpu.memref_slice %arg4[%mul3A_313] : memref<8388608xf32, #tpu.memory_space<hbm>> -> memref<32768xf32, #tpu.memory_space<hbm>>
      %dma_start3A_429 = arith.constant 32768 : i32
      %dma_start3A_430 = tpu.memref_slice %arg6[%dma_start3A_429] : memref<65536xf32, #tpu.memory_space<vmem>> -> memref<32768xf32, #tpu.memory_space<vmem>>
      tpu.enqueue_dma source(%dma_start3A_430 : memref<32768xf32, #tpu.memory_space<vmem>>) target(%dma_start3A_428 : memref<32768xf32, #tpu.memory_space<hbm>>) target_semaphore(%run_scoped3A : memref<!tpu.dma_semaphore, #tpu.memory_space<semaphore_mem>>)
      %dma_wait3A_431 = arith.constant 32768 : i32
      %dma_wait3A_432 = tpu.memref_slice %arg6[%dma_wait3A_431] : memref<65536xf32, #tpu.memory_space<vmem>> -> memref<32768xf32, #tpu.memory_space<vmem>>
      %dma_wait3A_433 = tpu.memref_slice %arg4[%mul3A_313] : memref<8388608xf32, #tpu.memory_space<hbm>> -> memref<32768xf32, #tpu.memory_space<hbm>>
      %dma_wait3A_434 = tpu.memref_slice %arg4[%mul3A_313] : memref<8388608xf32, #tpu.memory_space<hbm>> -> memref<32768xf32, #tpu.memory_space<hbm>>
      %dma_wait3A_435 = arith.constant 32768 : i32
      %dma_wait3A_436 = tpu.memref_slice %arg6[%dma_wait3A_435] : memref<65536xf32, #tpu.memory_space<vmem>> -> memref<32768xf32, #tpu.memory_space<vmem>>
      tpu.wait_dma2 semaphore(%run_scoped3A : memref<!tpu.dma_semaphore, #tpu.memory_space<semaphore_mem>>) src(%dma_wait3A_436 : memref<32768xf32, #tpu.memory_space<vmem>>) dst(%dma_wait3A_434 : memref<32768xf32, #tpu.memory_space<hbm>>)
      tpu.yield
    }) : () -> ()
    %eq3A_314 = arith.constant 2 : i32
    %eq3A_315 = arith.cmpi eq, %add3A, %eq3A_314 : i32
    %convert_element_type3A_316 = arith.extui %eq3A_315 : i1 to i32
    %cond3A_317 = arith.constant 0 : i32
    %cond3A_318 = arith.cmpi ne, %convert_element_type3A_316, %cond3A_317 : i32
    scf.if %cond3A_318 {
      "tpu.region"() ({
        %run_scoped3A = tpu.sem_alloc : memref<!tpu.dma_semaphore, #tpu.memory_space<semaphore_mem>>
        %dma_start3A_425 = arith.constant 0 : i32
        %dma_start3A_426 = tpu.memref_slice %arg7[%dma_start3A_425] : memref<32768xf32, #tpu.memory_space<vmem>> -> memref<32768xf32, #tpu.memory_space<vmem>>
        %dma_start3A_427 = arith.constant 65536 : i32
        %dma_start3A_428 = tpu.memref_slice %arg5[%dma_start3A_427] : memref<131072xf32, #tpu.memory_space<hbm>> -> memref<32768xf32, #tpu.memory_space<hbm>>
        %dma_start3A_429 = arith.constant 65536 : i32
        %dma_start3A_430 = tpu.memref_slice %arg5[%dma_start3A_429] : memref<131072xf32, #tpu.memory_space<hbm>> -> memref<32768xf32, #tpu.memory_space<hbm>>
        %dma_start3A_431 = arith.constant 0 : i32
        %dma_start3A_432 = tpu.memref_slice %arg7[%dma_start3A_431] : memref<32768xf32, #tpu.memory_space<vmem>> -> memref<32768xf32, #tpu.memory_space<vmem>>
        tpu.enqueue_dma source(%dma_start3A_432 : memref<32768xf32, #tpu.memory_space<vmem>>) target(%dma_start3A_430 : memref<32768xf32, #tpu.memory_space<hbm>>) target_semaphore(%run_scoped3A : memref<!tpu.dma_semaphore, #tpu.memory_space<semaphore_mem>>)
        %dma_wait3A_433 = arith.constant 0 : i32
        %dma_wait3A_434 = tpu.memref_slice %arg7[%dma_wait3A_433] : memref<32768xf32, #tpu.memory_space<vmem>> -> memref<32768xf32, #tpu.memory_space<vmem>>
        %dma_wait3A_435 = arith.constant 65536 : i32
        %dma_wait3A_436 = tpu.memref_slice %arg5[%dma_wait3A_435] : memref<131072xf32, #tpu.memory_space<hbm>> -> memref<32768xf32, #tpu.memory_space<hbm>>
        %dma_wait3A_437 = arith.constant 65536 : i32
        %dma_wait3A_438 = tpu.memref_slice %arg5[%dma_wait3A_437] : memref<131072xf32, #tpu.memory_space<hbm>> -> memref<32768xf32, #tpu.memory_space<hbm>>
        %dma_wait3A_439 = arith.constant 0 : i32
        %dma_wait3A_440 = tpu.memref_slice %arg7[%dma_wait3A_439] : memref<32768xf32, #tpu.memory_space<vmem>> -> memref<32768xf32, #tpu.memory_space<vmem>>
        tpu.wait_dma2 semaphore(%run_scoped3A : memref<!tpu.dma_semaphore, #tpu.memory_space<semaphore_mem>>) src(%dma_wait3A_440 : memref<32768xf32, #tpu.memory_space<vmem>>) dst(%dma_wait3A_438 : memref<32768xf32, #tpu.memory_space<hbm>>)
        tpu.yield
      }) : () -> ()
    } else {
    }
    %parallel_loop3A_319 = arith.constant 0 : i32
    %parallel_loop3A_320 = arith.constant 4096 : i32
    %parallel_loop3A_321 = arith.constant 1 : i32
    scf.for %parallel_loop3A_425 = %parallel_loop3A_319 to %parallel_loop3A_320 step %parallel_loop3A_321  : i32 {
      %parallel_loop3A_426 = arith.constant 16 : i32
      %parallel_loop3A_427 = arith.muli %parallel_loop3A_425, %parallel_loop3A_426 : i32
      %parallel_loop3A_428 = arith.index_cast %parallel_loop3A_427 : i32 to index
      %parallel_loop3A_429 = tpu.vector_load %arg6[%parallel_loop3A_428] {strides = array<i32>} : memref<65536xf32, #tpu.memory_space<vmem>>, vector<16xf32>,
      tpu.vector_store %arg6[%parallel_loop3A_428], %broadcast_in_dim3A_3 {strides = array<i32>} : memref<65536xf32, #tpu.memory_space<vmem>>, vector<16xf32>,
    } {sc.loop_unroll_factor = 8 : i64, sc.parallel_access}
    %eq3A_322 = arith.constant 3 : i32
    %eq3A_323 = arith.cmpi eq, %add3A, %eq3A_322 : i32
    %convert_element_type3A_324 = arith.extui %eq3A_323 : i1 to i32
    %cond3A_325 = arith.constant 0 : i32
    %cond3A_326 = arith.cmpi ne, %convert_element_type3A_324, %cond3A_325 : i32
    scf.if %cond3A_326 {
      %parallel_loop3A_425 = arith.constant 0 : i32
      %parallel_loop3A_426 = arith.constant 2048 : i32
      %parallel_loop3A_427 = arith.constant 1 : i32
      scf.for %parallel_loop3A_428 = %parallel_loop3A_425 to %parallel_loop3A_426 step %parallel_loop3A_427  : i32 {
        %parallel_loop3A_429 = arith.constant 16 : i32
        %parallel_loop3A_430 = arith.muli %parallel_loop3A_428, %parallel_loop3A_429 : i32
        %parallel_loop3A_431 = arith.index_cast %parallel_loop3A_430 : i32 to index
        %parallel_loop3A_432 = tpu.vector_load %arg7[%parallel_loop3A_431] {strides = array<i32>} : memref<32768xf32, #tpu.memory_space<vmem>>, vector<16xf32>,
        tpu.vector_store %arg7[%parallel_loop3A_431], %broadcast_in_dim3A_3 {strides = array<i32>} : memref<32768xf32, #tpu.memory_space<vmem>>, vector<16xf32>,
      } {sc.loop_unroll_factor = 8 : i64, sc.parallel_access}
    } else {
    }
    %dma_start3A_327 = arith.constant 0 : i32
    %dma_start3A_328 = tpu.memref_slice %arg8[%dma_start3A_327] : memref<8000xi32, #tpu.memory_space<vmem>> -> memref<4000xi32, #tpu.memory_space<vmem>>
    %dma_start3A_329 = arith.constant 300000 : i32
    %dma_start3A_330 = tpu.memref_slice %arg3[%dma_start3A_329] : memref<400000xi32, #tpu.memory_space<hbm>> -> memref<4000xi32, #tpu.memory_space<hbm>>
    %dma_start3A_331 = arith.constant 0 : i32
    %dma_start3A_332 = tpu.memref_slice %arg8[%dma_start3A_331] : memref<8000xi32, #tpu.memory_space<vmem>> -> memref<4000xi32, #tpu.memory_space<vmem>>
    %dma_start3A_333 = arith.constant 300000 : i32
    %dma_start3A_334 = tpu.memref_slice %arg3[%dma_start3A_333] : memref<400000xi32, #tpu.memory_space<hbm>> -> memref<4000xi32, #tpu.memory_space<hbm>>
    tpu.enqueue_dma source(%dma_start3A_334 : memref<4000xi32, #tpu.memory_space<hbm>>) target(%dma_start3A_332 : memref<4000xi32, #tpu.memory_space<vmem>>) target_semaphore(%arg11 : memref<!tpu.dma_semaphore, #tpu.memory_space<semaphore_mem>>)
    %add3A_335 = arith.constant 192 : i32
    %add3A_336 = arith.addi %add3A_335, %mul3A_2 : i32
    %mul3A_337 = arith.constant 100000 : i32
    %mul3A_338 = arith.muli %add3A_336, %mul3A_337 : i32
    %add3A_339 = arith.constant 0 : i32
    %add3A_340 = arith.addi %mul3A_338, %add3A_339 : i32
    %dma_start3A_341 = arith.constant 0 : i32
    %dma_start3A_342 = tpu.memref_slice %arg9[%dma_start3A_341] : memref<8000xf32, #tpu.memory_space<vmem>> -> memref<4000xf32, #tpu.memory_space<vmem>>
    %dma_start3A_343 = tpu.memref_slice %arg2[%add3A_340] : memref<25600000xf32, #tpu.memory_space<hbm>> -> memref<4000xf32, #tpu.memory_space<hbm>>
    %dma_start3A_344 = arith.constant 0 : i32
    %dma_start3A_345 = tpu.memref_slice %arg9[%dma_start3A_344] : memref<8000xf32, #tpu.memory_space<vmem>> -> memref<4000xf32, #tpu.memory_space<vmem>>
    %dma_start3A_346 = tpu.memref_slice %arg2[%add3A_340] : memref<25600000xf32, #tpu.memory_space<hbm>> -> memref<4000xf32, #tpu.memory_space<hbm>>
    tpu.enqueue_dma source(%dma_start3A_346 : memref<4000xf32, #tpu.memory_space<hbm>>) target(%dma_start3A_345 : memref<4000xf32, #tpu.memory_space<vmem>>) target_semaphore(%arg11 : memref<!tpu.dma_semaphore, #tpu.memory_space<semaphore_mem>>)
    %add3A_347 = arith.constant 192 : i32
    %add3A_348 = arith.addi %add3A_347, %mul3A_2 : i32
    %add3A_349 = arith.constant 1 : i32
    %add3A_350 = arith.addi %add3A_348, %add3A_349 : i32
    %mul3A_351 = arith.constant 100000 : i32
    %mul3A_352 = arith.muli %add3A_350, %mul3A_351 : i32
    %add3A_353 = arith.constant 0 : i32
    %add3A_354 = arith.addi %mul3A_352, %add3A_353 : i32
    %dma_start3A_355 = arith.constant 0 : i32
    %dma_start3A_356 = tpu.memref_slice %arg10[%dma_start3A_355] : memref<8000xf32, #tpu.memory_space<vmem>> -> memref<4000xf32, #tpu.memory_space<vmem>>
    %dma_start3A_357 = tpu.memref_slice %arg2[%add3A_354] : memref<25600000xf32, #tpu.memory_space<hbm>> -> memref<4000xf32, #tpu.memory_space<hbm>>
    %dma_start3A_358 = arith.constant 0 : i32
    %dma_start3A_359 = tpu.memref_slice %arg10[%dma_start3A_358] : memref<8000xf32, #tpu.memory_space<vmem>> -> memref<4000xf32, #tpu.memory_space<vmem>>
    %dma_start3A_360 = tpu.memref_slice %arg2[%add3A_354] : memref<25600000xf32, #tpu.memory_space<hbm>> -> memref<4000xf32, #tpu.memory_space<hbm>>
    tpu.enqueue_dma source(%dma_start3A_360 : memref<4000xf32, #tpu.memory_space<hbm>>) target(%dma_start3A_359 : memref<4000xf32, #tpu.memory_space<vmem>>) target_semaphore(%arg11 : memref<!tpu.dma_semaphore, #tpu.memory_space<semaphore_mem>>)
    %scan3A_361 = arith.constant 0 : i32
    %scan3A_362 = arith.constant 0 : i32
    %scan3A_363 = arith.constant 12 : i32
    %scan3A_364 = arith.addi %scan3A_362, %scan3A_363 : i32
    %scan3A_365 = arith.constant 1 : i32
    %scan3A_366 = scf.for %scan3A_425 = %scan3A_362 to %scan3A_364 step %scan3A_365 iter_args(%scan3A_426 = %scan3A_361) -> (i32)  : i32 {
      %mul3A_427 = arith.constant 2 : i32
      %mul3A_428 = arith.muli %mul3A_427, %scan3A_425 : i32
      %add3A_429 = arith.constant 1 : i32
      %add3A_430 = arith.addi %mul3A_428, %add3A_429 : i32
      %mul3A_431 = arith.constant 4000 : i32
      %mul3A_432 = arith.muli %add3A_430, %mul3A_431 : i32
      %add3A_433 = arith.constant 300000 : i32
      %add3A_434 = arith.addi %add3A_433, %mul3A_432 : i32
      %dma_start3A_435 = arith.constant 4000 : i32
      %dma_start3A_436 = tpu.memref_slice %arg8[%dma_start3A_435] : memref<8000xi32, #tpu.memory_space<vmem>> -> memref<4000xi32, #tpu.memory_space<vmem>>
      %dma_start3A_437 = tpu.memref_slice %arg3[%add3A_434] : memref<400000xi32, #tpu.memory_space<hbm>> -> memref<4000xi32, #tpu.memory_space<hbm>>
      %dma_start3A_438 = arith.constant 4000 : i32
      %dma_start3A_439 = tpu.memref_slice %arg8[%dma_start3A_438] : memref<8000xi32, #tpu.memory_space<vmem>> -> memref<4000xi32, #tpu.memory_space<vmem>>
      %dma_start3A_440 = tpu.memref_slice %arg3[%add3A_434] : memref<400000xi32, #tpu.memory_space<hbm>> -> memref<4000xi32, #tpu.memory_space<hbm>>
      tpu.enqueue_dma source(%dma_start3A_440 : memref<4000xi32, #tpu.memory_space<hbm>>) target(%dma_start3A_439 : memref<4000xi32, #tpu.memory_space<vmem>>) target_semaphore(%arg12 : memref<!tpu.dma_semaphore, #tpu.memory_space<semaphore_mem>>)
      %add3A_441 = arith.constant 192 : i32
      %add3A_442 = arith.addi %add3A_441, %mul3A_2 : i32
      %mul3A_443 = arith.constant 100000 : i32
      %mul3A_444 = arith.muli %add3A_442, %mul3A_443 : i32
      %mul3A_445 = arith.constant 4000 : i32
      %mul3A_446 = arith.muli %add3A_430, %mul3A_445 : i32
      %add3A_447 = arith.addi %mul3A_444, %mul3A_446 : i32
      %dma_start3A_448 = arith.constant 4000 : i32
      %dma_start3A_449 = tpu.memref_slice %arg9[%dma_start3A_448] : memref<8000xf32, #tpu.memory_space<vmem>> -> memref<4000xf32, #tpu.memory_space<vmem>>
      %dma_start3A_450 = tpu.memref_slice %arg2[%add3A_447] : memref<25600000xf32, #tpu.memory_space<hbm>> -> memref<4000xf32, #tpu.memory_space<hbm>>
      %dma_start3A_451 = arith.constant 4000 : i32
      %dma_start3A_452 = tpu.memref_slice %arg9[%dma_start3A_451] : memref<8000xf32, #tpu.memory_space<vmem>> -> memref<4000xf32, #tpu.memory_space<vmem>>
      %dma_start3A_453 = tpu.memref_slice %arg2[%add3A_447] : memref<25600000xf32, #tpu.memory_space<hbm>> -> memref<4000xf32, #tpu.memory_space<hbm>>
      tpu.enqueue_dma source(%dma_start3A_453 : memref<4000xf32, #tpu.memory_space<hbm>>) target(%dma_start3A_452 : memref<4000xf32, #tpu.memory_space<vmem>>) target_semaphore(%arg12 : memref<!tpu.dma_semaphore, #tpu.memory_space<semaphore_mem>>)
      %add3A_454 = arith.constant 192 : i32
      %add3A_455 = arith.addi %add3A_454, %mul3A_2 : i32
      %add3A_456 = arith.constant 1 : i32
      %add3A_457 = arith.addi %add3A_455, %add3A_456 : i32
      %mul3A_458 = arith.constant 100000 : i32
      %mul3A_459 = arith.muli %add3A_457, %mul3A_458 : i32
      %mul3A_460 = arith.constant 4000 : i32
      %mul3A_461 = arith.muli %add3A_430, %mul3A_460 : i32
      %add3A_462 = arith.addi %mul3A_459, %mul3A_461 : i32
      %dma_start3A_463 = arith.constant 4000 : i32
      %dma_start3A_464 = tpu.memref_slice %arg10[%dma_start3A_463] : memref<8000xf32, #tpu.memory_space<vmem>> -> memref<4000xf32, #tpu.memory_space<vmem>>
      %dma_start3A_465 = tpu.memref_slice %arg2[%add3A_462] : memref<25600000xf32, #tpu.memory_space<hbm>> -> memref<4000xf32, #tpu.memory_space<hbm>>
      %dma_start3A_466 = arith.constant 4000 : i32
      %dma_start3A_467 = tpu.memref_slice %arg10[%dma_start3A_466] : memref<8000xf32, #tpu.memory_space<vmem>> -> memref<4000xf32, #tpu.memory_space<vmem>>
      %dma_start3A_468 = tpu.memref_slice %arg2[%add3A_462] : memref<25600000xf32, #tpu.memory_space<hbm>> -> memref<4000xf32, #tpu.memory_space<hbm>>
      tpu.enqueue_dma source(%dma_start3A_468 : memref<4000xf32, #tpu.memory_space<hbm>>) target(%dma_start3A_467 : memref<4000xf32, #tpu.memory_space<vmem>>) target_semaphore(%arg12 : memref<!tpu.dma_semaphore, #tpu.memory_space<semaphore_mem>>)
      %mul3A_469 = arith.constant 4000 : i32
      %mul3A_470 = arith.muli %mul3A_428, %mul3A_469 : i32
      %add3A_471 = arith.constant 300000 : i32
      %add3A_472 = arith.addi %add3A_471, %mul3A_470 : i32
      %dma_wait3A_473 = arith.constant 0 : i32
      %dma_wait3A_474 = tpu.memref_slice %arg8[%dma_wait3A_473] : memref<8000xi32, #tpu.memory_space<vmem>> -> memref<4000xi32, #tpu.memory_space<vmem>>
      %dma_wait3A_475 = tpu.memref_slice %arg3[%add3A_472] : memref<400000xi32, #tpu.memory_space<hbm>> -> memref<4000xi32, #tpu.memory_space<hbm>>
      %dma_wait3A_476 = arith.constant 0 : i32
      %dma_wait3A_477 = tpu.memref_slice %arg8[%dma_wait3A_476] : memref<8000xi32, #tpu.memory_space<vmem>> -> memref<4000xi32, #tpu.memory_space<vmem>>
      %dma_wait3A_478 = tpu.memref_slice %arg3[%add3A_472] : memref<400000xi32, #tpu.memory_space<hbm>> -> memref<4000xi32, #tpu.memory_space<hbm>>
      tpu.wait_dma2 semaphore(%arg11 : memref<!tpu.dma_semaphore, #tpu.memory_space<semaphore_mem>>) src(%dma_wait3A_478 : memref<4000xi32, #tpu.memory_space<hbm>>) dst(%dma_wait3A_477 : memref<4000xi32, #tpu.memory_space<vmem>>)
      %add3A_479 = arith.constant 192 : i32
      %add3A_480 = arith.addi %add3A_479, %mul3A_2 : i32
      %mul3A_481 = arith.constant 100000 : i32
      %mul3A_482 = arith.muli %add3A_480, %mul3A_481 : i32
      %mul3A_483 = arith.constant 4000 : i32
      %mul3A_484 = arith.muli %mul3A_428, %mul3A_483 : i32
      %add3A_485 = arith.addi %mul3A_482, %mul3A_484 : i32
      %dma_wait3A_486 = arith.constant 0 : i32
      %dma_wait3A_487 = tpu.memref_slice %arg9[%dma_wait3A_486] : memref<8000xf32, #tpu.memory_space<vmem>> -> memref<4000xf32, #tpu.memory_space<vmem>>
      %dma_wait3A_488 = tpu.memref_slice %arg2[%add3A_485] : memref<25600000xf32, #tpu.memory_space<hbm>> -> memref<4000xf32, #tpu.memory_space<hbm>>
      %dma_wait3A_489 = arith.constant 0 : i32
      %dma_wait3A_490 = tpu.memref_slice %arg9[%dma_wait3A_489] : memref<8000xf32, #tpu.memory_space<vmem>> -> memref<4000xf32, #tpu.memory_space<vmem>>
      %dma_wait3A_491 = tpu.memref_slice %arg2[%add3A_485] : memref<25600000xf32, #tpu.memory_space<hbm>> -> memref<4000xf32, #tpu.memory_space<hbm>>
      tpu.wait_dma2 semaphore(%arg11 : memref<!tpu.dma_semaphore, #tpu.memory_space<semaphore_mem>>) src(%dma_wait3A_491 : memref<4000xf32, #tpu.memory_space<hbm>>) dst(%dma_wait3A_490 : memref<4000xf32, #tpu.memory_space<vmem>>)
      %add3A_492 = arith.constant 192 : i32
      %add3A_493 = arith.addi %add3A_492, %mul3A_2 : i32
      %add3A_494 = arith.constant 1 : i32
      %add3A_495 = arith.addi %add3A_493, %add3A_494 : i32
      %mul3A_496 = arith.constant 100000 : i32
      %mul3A_497 = arith.muli %add3A_495, %mul3A_496 : i32
      %mul3A_498 = arith.constant 4000 : i32
      %mul3A_499 = arith.muli %mul3A_428, %mul3A_498 : i32
      %add3A_500 = arith.addi %mul3A_497, %mul3A_499 : i32
      %dma_wait3A_501 = arith.constant 0 : i32
      %dma_wait3A_502 = tpu.memref_slice %arg10[%dma_wait3A_501] : memref<8000xf32, #tpu.memory_space<vmem>> -> memref<4000xf32, #tpu.memory_space<vmem>>
      %dma_wait3A_503 = tpu.memref_slice %arg2[%add3A_500] : memref<25600000xf32, #tpu.memory_space<hbm>> -> memref<4000xf32, #tpu.memory_space<hbm>>
      %dma_wait3A_504 = arith.constant 0 : i32
      %dma_wait3A_505 = tpu.memref_slice %arg10[%dma_wait3A_504] : memref<8000xf32, #tpu.memory_space<vmem>> -> memref<4000xf32, #tpu.memory_space<vmem>>
      %dma_wait3A_506 = tpu.memref_slice %arg2[%add3A_500] : memref<25600000xf32, #tpu.memory_space<hbm>> -> memref<4000xf32, #tpu.memory_space<hbm>>
      tpu.wait_dma2 semaphore(%arg11 : memref<!tpu.dma_semaphore, #tpu.memory_space<semaphore_mem>>) src(%dma_wait3A_506 : memref<4000xf32, #tpu.memory_space<hbm>>) dst(%dma_wait3A_505 : memref<4000xf32, #tpu.memory_space<vmem>>)
      %parallel_loop3A_507 = arith.constant 0 : i32
      %parallel_loop3A_508 = arith.constant 250 : i32
      %parallel_loop3A_509 = arith.constant 1 : i32
      scf.for %parallel_loop3A_570 = %parallel_loop3A_507 to %parallel_loop3A_508 step %parallel_loop3A_509  : i32 {
        %parallel_loop3A_571 = arith.constant 16 : i32
        %parallel_loop3A_572 = arith.muli %parallel_loop3A_570, %parallel_loop3A_571 : i32
        %parallel_loop3A_573 = arith.constant 0 : i32
        %parallel_loop3A_574 = arith.addi %parallel_loop3A_573, %parallel_loop3A_572 : i32
        %parallel_loop3A_575 = arith.index_cast %parallel_loop3A_574 : i32 to index
        %parallel_loop3A_576 = tpu.vector_load %arg8[%parallel_loop3A_575] {strides = array<i32>} : memref<8000xi32, #tpu.memory_space<vmem>>, vector<16xi32>,
        %parallel_loop3A_577 = arith.constant 16 : i32
        %parallel_loop3A_578 = arith.muli %parallel_loop3A_570, %parallel_loop3A_577 : i32
        %parallel_loop3A_579 = arith.constant 0 : i32
        %parallel_loop3A_580 = arith.addi %parallel_loop3A_579, %parallel_loop3A_578 : i32
        %parallel_loop3A_581 = arith.index_cast %parallel_loop3A_580 : i32 to index
        %parallel_loop3A_582 = tpu.vector_load %arg9[%parallel_loop3A_581] {strides = array<i32>} : memref<8000xf32, #tpu.memory_space<vmem>>, vector<16xf32>,
        tpu.vector_store_idx %arg6[%parallel_loop3A_576], %parallel_loop3A_582 {add = true} : memref<65536xf32, #tpu.memory_space<vmem>>[vector<16xi32>], vector<16xf32>,
        %parallel_loop3A_583 = arith.addi %parallel_loop3A_576, %broadcast_in_dim3A_7 : vector<16xi32>
        %parallel_loop3A_584 = arith.constant 16 : i32
        %parallel_loop3A_585 = arith.muli %parallel_loop3A_570, %parallel_loop3A_584 : i32
        %parallel_loop3A_586 = arith.constant 0 : i32
        %parallel_loop3A_587 = arith.addi %parallel_loop3A_586, %parallel_loop3A_585 : i32
        %parallel_loop3A_588 = arith.index_cast %parallel_loop3A_587 : i32 to index
        %parallel_loop3A_589 = tpu.vector_load %arg10[%parallel_loop3A_588] {strides = array<i32>} : memref<8000xf32, #tpu.memory_space<vmem>>, vector<16xf32>,
        tpu.vector_store_idx %arg6[%parallel_loop3A_583], %parallel_loop3A_589 {add = true} : memref<65536xf32, #tpu.memory_space<vmem>>[vector<16xi32>], vector<16xf32>,
      } {sc.loop_unroll_factor = 8 : i64, sc.parallel_access}
      %eq3A_510 = arith.constant 3 : i32
      %eq3A_511 = arith.cmpi eq, %add3A, %eq3A_510 : i32
      %convert_element_type3A_512 = arith.extui %eq3A_511 : i1 to i32
      %cond3A_513 = arith.constant 0 : i32
      %cond3A_514 = arith.cmpi ne, %convert_element_type3A_512, %cond3A_513 : i32
      scf.if %cond3A_514 {
        %parallel_loop3A_570 = arith.constant 0 : i32
        %parallel_loop3A_571 = arith.constant 250 : i32
        %parallel_loop3A_572 = arith.constant 1 : i32
        scf.for %parallel_loop3A_573 = %parallel_loop3A_570 to %parallel_loop3A_571 step %parallel_loop3A_572  : i32 {
          %parallel_loop3A_574 = arith.constant 16 : i32
          %parallel_loop3A_575 = arith.muli %parallel_loop3A_573, %parallel_loop3A_574 : i32
          %parallel_loop3A_576 = arith.constant 0 : i32
          %parallel_loop3A_577 = arith.addi %parallel_loop3A_576, %parallel_loop3A_575 : i32
          %parallel_loop3A_578 = arith.index_cast %parallel_loop3A_577 : i32 to index
          %parallel_loop3A_579 = tpu.vector_load %arg8[%parallel_loop3A_578] {strides = array<i32>} : memref<8000xi32, #tpu.memory_space<vmem>>, vector<16xi32>,
          tpu.vector_store_idx %arg7[%parallel_loop3A_579], %broadcast_in_dim3A_5 {add = true} : memref<32768xf32, #tpu.memory_space<vmem>>[vector<16xi32>], vector<16xf32>,
        } {sc.loop_unroll_factor = 8 : i64, sc.parallel_access}
      } else {
      }
      %add3A_515 = arith.constant 2 : i32
      %add3A_516 = arith.addi %mul3A_428, %add3A_515 : i32
      %lt3A = arith.constant 25 : i32
      %lt3A_517 = arith.cmpi slt, %add3A_516, %lt3A : i32
      %convert_element_type3A_518 = arith.extui %lt3A_517 : i1 to i32
      %cond3A_519 = arith.constant 0 : i32
      %cond3A_520 = arith.cmpi ne, %convert_element_type3A_518, %cond3A_519 : i32
      scf.if %cond3A_520 {
        %add3A_570 = arith.constant 2 : i32
        %add3A_571 = arith.addi %mul3A_428, %add3A_570 : i32
        %mul3A_572 = arith.constant 4000 : i32
        %mul3A_573 = arith.muli %add3A_571, %mul3A_572 : i32
        %add3A_574 = arith.constant 300000 : i32
        %add3A_575 = arith.addi %add3A_574, %mul3A_573 : i32
        %dma_start3A_576 = arith.constant 0 : i32
        %dma_start3A_577 = tpu.memref_slice %arg8[%dma_start3A_576] : memref<8000xi32, #tpu.memory_space<vmem>> -> memref<4000xi32, #tpu.memory_space<vmem>>
        %dma_start3A_578 = tpu.memref_slice %arg3[%add3A_575] : memref<400000xi32, #tpu.memory_space<hbm>> -> memref<4000xi32, #tpu.memory_space<hbm>>
        %dma_start3A_579 = arith.constant 0 : i32
        %dma_start3A_580 = tpu.memref_slice %arg8[%dma_start3A_579] : memref<8000xi32, #tpu.memory_space<vmem>> -> memref<4000xi32, #tpu.memory_space<vmem>>
        %dma_start3A_581 = tpu.memref_slice %arg3[%add3A_575] : memref<400000xi32, #tpu.memory_space<hbm>> -> memref<4000xi32, #tpu.memory_space<hbm>>
        tpu.enqueue_dma source(%dma_start3A_581 : memref<4000xi32, #tpu.memory_space<hbm>>) target(%dma_start3A_580 : memref<4000xi32, #tpu.memory_space<vmem>>) target_semaphore(%arg11 : memref<!tpu.dma_semaphore, #tpu.memory_space<semaphore_mem>>)
        %add3A_582 = arith.constant 192 : i32
        %add3A_583 = arith.addi %add3A_582, %mul3A_2 : i32
        %mul3A_584 = arith.constant 100000 : i32
        %mul3A_585 = arith.muli %add3A_583, %mul3A_584 : i32
        %mul3A_586 = arith.constant 4000 : i32
        %mul3A_587 = arith.muli %add3A_571, %mul3A_586 : i32
        %add3A_588 = arith.addi %mul3A_585, %mul3A_587 : i32
        %dma_start3A_589 = arith.constant 0 : i32
        %dma_start3A_590 = tpu.memref_slice %arg9[%dma_start3A_589] : memref<8000xf32, #tpu.memory_space<vmem>> -> memref<4000xf32, #tpu.memory_space<vmem>>
        %dma_start3A_591 = tpu.memref_slice %arg2[%add3A_588] : memref<25600000xf32, #tpu.memory_space<hbm>> -> memref<4000xf32, #tpu.memory_space<hbm>>
        %dma_start3A_592 = arith.constant 0 : i32
        %dma_start3A_593 = tpu.memref_slice %arg9[%dma_start3A_592] : memref<8000xf32, #tpu.memory_space<vmem>> -> memref<4000xf32, #tpu.memory_space<vmem>>
        %dma_start3A_594 = tpu.memref_slice %arg2[%add3A_588] : memref<25600000xf32, #tpu.memory_space<hbm>> -> memref<4000xf32, #tpu.memory_space<hbm>>
        tpu.enqueue_dma source(%dma_start3A_594 : memref<4000xf32, #tpu.memory_space<hbm>>) target(%dma_start3A_593 : memref<4000xf32, #tpu.memory_space<vmem>>) target_semaphore(%arg11 : memref<!tpu.dma_semaphore, #tpu.memory_space<semaphore_mem>>)
        %add3A_595 = arith.constant 192 : i32
        %add3A_596 = arith.addi %add3A_595, %mul3A_2 : i32
        %add3A_597 = arith.constant 1 : i32
        %add3A_598 = arith.addi %add3A_596, %add3A_597 : i32
        %mul3A_599 = arith.constant 100000 : i32
        %mul3A_600 = arith.muli %add3A_598, %mul3A_599 : i32
        %mul3A_601 = arith.constant 4000 : i32
        %mul3A_602 = arith.muli %add3A_571, %mul3A_601 : i32
        %add3A_603 = arith.addi %mul3A_600, %mul3A_602 : i32
        %dma_start3A_604 = arith.constant 0 : i32
        %dma_start3A_605 = tpu.memref_slice %arg10[%dma_start3A_604] : memref<8000xf32, #tpu.memory_space<vmem>> -> memref<4000xf32, #tpu.memory_space<vmem>>
        %dma_start3A_606 = tpu.memref_slice %arg2[%add3A_603] : memref<25600000xf32, #tpu.memory_space<hbm>> -> memref<4000xf32, #tpu.memory_space<hbm>>
        %dma_start3A_607 = arith.constant 0 : i32
        %dma_start3A_608 = tpu.memref_slice %arg10[%dma_start3A_607] : memref<8000xf32, #tpu.memory_space<vmem>> -> memref<4000xf32, #tpu.memory_space<vmem>>
        %dma_start3A_609 = tpu.memref_slice %arg2[%add3A_603] : memref<25600000xf32, #tpu.memory_space<hbm>> -> memref<4000xf32, #tpu.memory_space<hbm>>
        tpu.enqueue_dma source(%dma_start3A_609 : memref<4000xf32, #tpu.memory_space<hbm>>) target(%dma_start3A_608 : memref<4000xf32, #tpu.memory_space<vmem>>) target_semaphore(%arg11 : memref<!tpu.dma_semaphore, #tpu.memory_space<semaphore_mem>>)
      } else {
      }
      %add3A_521 = arith.constant 1 : i32
      %add3A_522 = arith.addi %mul3A_428, %add3A_521 : i32
      %mul3A_523 = arith.constant 4000 : i32
      %mul3A_524 = arith.muli %add3A_522, %mul3A_523 : i32
      %add3A_525 = arith.constant 300000 : i32
      %add3A_526 = arith.addi %add3A_525, %mul3A_524 : i32
      %dma_wait3A_527 = arith.constant 4000 : i32
      %dma_wait3A_528 = tpu.memref_slice %arg8[%dma_wait3A_527] : memref<8000xi32, #tpu.memory_space<vmem>> -> memref<4000xi32, #tpu.memory_space<vmem>>
      %dma_wait3A_529 = tpu.memref_slice %arg3[%add3A_526] : memref<400000xi32, #tpu.memory_space<hbm>> -> memref<4000xi32, #tpu.memory_space<hbm>>
      %dma_wait3A_530 = arith.constant 4000 : i32
      %dma_wait3A_531 = tpu.memref_slice %arg8[%dma_wait3A_530] : memref<8000xi32, #tpu.memory_space<vmem>> -> memref<4000xi32, #tpu.memory_space<vmem>>
      %dma_wait3A_532 = tpu.memref_slice %arg3[%add3A_526] : memref<400000xi32, #tpu.memory_space<hbm>> -> memref<4000xi32, #tpu.memory_space<hbm>>
      tpu.wait_dma2 semaphore(%arg12 : memref<!tpu.dma_semaphore, #tpu.memory_space<semaphore_mem>>) src(%dma_wait3A_532 : memref<4000xi32, #tpu.memory_space<hbm>>) dst(%dma_wait3A_531 : memref<4000xi32, #tpu.memory_space<vmem>>)
      %add3A_533 = arith.constant 192 : i32
      %add3A_534 = arith.addi %add3A_533, %mul3A_2 : i32
      %mul3A_535 = arith.constant 100000 : i32
      %mul3A_536 = arith.muli %add3A_534, %mul3A_535 : i32
      %mul3A_537 = arith.constant 4000 : i32
      %mul3A_538 = arith.muli %add3A_522, %mul3A_537 : i32
      %add3A_539 = arith.addi %mul3A_536, %mul3A_538 : i32
      %dma_wait3A_540 = arith.constant 4000 : i32
      %dma_wait3A_541 = tpu.memref_slice %arg9[%dma_wait3A_540] : memref<8000xf32, #tpu.memory_space<vmem>> -> memref<4000xf32, #tpu.memory_space<vmem>>
      %dma_wait3A_542 = tpu.memref_slice %arg2[%add3A_539] : memref<25600000xf32, #tpu.memory_space<hbm>> -> memref<4000xf32, #tpu.memory_space<hbm>>
      %dma_wait3A_543 = arith.constant 4000 : i32
      %dma_wait3A_544 = tpu.memref_slice %arg9[%dma_wait3A_543] : memref<8000xf32, #tpu.memory_space<vmem>> -> memref<4000xf32, #tpu.memory_space<vmem>>
      %dma_wait3A_545 = tpu.memref_slice %arg2[%add3A_539] : memref<25600000xf32, #tpu.memory_space<hbm>> -> memref<4000xf32, #tpu.memory_space<hbm>>
      tpu.wait_dma2 semaphore(%arg12 : memref<!tpu.dma_semaphore, #tpu.memory_space<semaphore_mem>>) src(%dma_wait3A_545 : memref<4000xf32, #tpu.memory_space<hbm>>) dst(%dma_wait3A_544 : memref<4000xf32, #tpu.memory_space<vmem>>)
      %add3A_546 = arith.constant 192 : i32
      %add3A_547 = arith.addi %add3A_546, %mul3A_2 : i32
      %add3A_548 = arith.constant 1 : i32
      %add3A_549 = arith.addi %add3A_547, %add3A_548 : i32
      %mul3A_550 = arith.constant 100000 : i32
      %mul3A_551 = arith.muli %add3A_549, %mul3A_550 : i32
      %mul3A_552 = arith.constant 4000 : i32
      %mul3A_553 = arith.muli %add3A_522, %mul3A_552 : i32
      %add3A_554 = arith.addi %mul3A_551, %mul3A_553 : i32
      %dma_wait3A_555 = arith.constant 4000 : i32
      %dma_wait3A_556 = tpu.memref_slice %arg10[%dma_wait3A_555] : memref<8000xf32, #tpu.memory_space<vmem>> -> memref<4000xf32, #tpu.memory_space<vmem>>
      %dma_wait3A_557 = tpu.memref_slice %arg2[%add3A_554] : memref<25600000xf32, #tpu.memory_space<hbm>> -> memref<4000xf32, #tpu.memory_space<hbm>>
      %dma_wait3A_558 = arith.constant 4000 : i32
      %dma_wait3A_559 = tpu.memref_slice %arg10[%dma_wait3A_558] : memref<8000xf32, #tpu.memory_space<vmem>> -> memref<4000xf32, #tpu.memory_space<vmem>>
      %dma_wait3A_560 = tpu.memref_slice %arg2[%add3A_554] : memref<25600000xf32, #tpu.memory_space<hbm>> -> memref<4000xf32, #tpu.memory_space<hbm>>
      tpu.wait_dma2 semaphore(%arg12 : memref<!tpu.dma_semaphore, #tpu.memory_space<semaphore_mem>>) src(%dma_wait3A_560 : memref<4000xf32, #tpu.memory_space<hbm>>) dst(%dma_wait3A_559 : memref<4000xf32, #tpu.memory_space<vmem>>)
      %parallel_loop3A_561 = arith.constant 0 : i32
      %parallel_loop3A_562 = arith.constant 250 : i32
      %parallel_loop3A_563 = arith.constant 1 : i32
      scf.for %parallel_loop3A_570 = %parallel_loop3A_561 to %parallel_loop3A_562 step %parallel_loop3A_563  : i32 {
        %parallel_loop3A_571 = arith.constant 16 : i32
        %parallel_loop3A_572 = arith.muli %parallel_loop3A_570, %parallel_loop3A_571 : i32
        %parallel_loop3A_573 = arith.constant 4000 : i32
        %parallel_loop3A_574 = arith.addi %parallel_loop3A_573, %parallel_loop3A_572 : i32
        %parallel_loop3A_575 = arith.index_cast %parallel_loop3A_574 : i32 to index
        %parallel_loop3A_576 = tpu.vector_load %arg8[%parallel_loop3A_575] {strides = array<i32>} : memref<8000xi32, #tpu.memory_space<vmem>>, vector<16xi32>,
        %parallel_loop3A_577 = arith.constant 16 : i32
        %parallel_loop3A_578 = arith.muli %parallel_loop3A_570, %parallel_loop3A_577 : i32
        %parallel_loop3A_579 = arith.constant 4000 : i32
        %parallel_loop3A_580 = arith.addi %parallel_loop3A_579, %parallel_loop3A_578 : i32
        %parallel_loop3A_581 = arith.index_cast %parallel_loop3A_580 : i32 to index
        %parallel_loop3A_582 = tpu.vector_load %arg9[%parallel_loop3A_581] {strides = array<i32>} : memref<8000xf32, #tpu.memory_space<vmem>>, vector<16xf32>,
        tpu.vector_store_idx %arg6[%parallel_loop3A_576], %parallel_loop3A_582 {add = true} : memref<65536xf32, #tpu.memory_space<vmem>>[vector<16xi32>], vector<16xf32>,
        %parallel_loop3A_583 = arith.addi %parallel_loop3A_576, %broadcast_in_dim3A_7 : vector<16xi32>
        %parallel_loop3A_584 = arith.constant 16 : i32
        %parallel_loop3A_585 = arith.muli %parallel_loop3A_570, %parallel_loop3A_584 : i32
        %parallel_loop3A_586 = arith.constant 4000 : i32
        %parallel_loop3A_587 = arith.addi %parallel_loop3A_586, %parallel_loop3A_585 : i32
        %parallel_loop3A_588 = arith.index_cast %parallel_loop3A_587 : i32 to index
        %parallel_loop3A_589 = tpu.vector_load %arg10[%parallel_loop3A_588] {strides = array<i32>} : memref<8000xf32, #tpu.memory_space<vmem>>, vector<16xf32>,
        tpu.vector_store_idx %arg6[%parallel_loop3A_583], %parallel_loop3A_589 {add = true} : memref<65536xf32, #tpu.memory_space<vmem>>[vector<16xi32>], vector<16xf32>,
      } {sc.loop_unroll_factor = 8 : i64, sc.parallel_access}
      %eq3A_564 = arith.constant 3 : i32
      %eq3A_565 = arith.cmpi eq, %add3A, %eq3A_564 : i32
      %convert_element_type3A_566 = arith.extui %eq3A_565 : i1 to i32
      %cond3A_567 = arith.constant 0 : i32
      %cond3A_568 = arith.cmpi ne, %convert_element_type3A_566, %cond3A_567 : i32
      scf.if %cond3A_568 {
        %parallel_loop3A_570 = arith.constant 0 : i32
        %parallel_loop3A_571 = arith.constant 250 : i32
        %parallel_loop3A_572 = arith.constant 1 : i32
        scf.for %parallel_loop3A_573 = %parallel_loop3A_570 to %parallel_loop3A_571 step %parallel_loop3A_572  : i32 {
          %parallel_loop3A_574 = arith.constant 16 : i32
          %parallel_loop3A_575 = arith.muli %parallel_loop3A_573, %parallel_loop3A_574 : i32
          %parallel_loop3A_576 = arith.constant 4000 : i32
          %parallel_loop3A_577 = arith.addi %parallel_loop3A_576, %parallel_loop3A_575 : i32
          %parallel_loop3A_578 = arith.index_cast %parallel_loop3A_577 : i32 to index
          %parallel_loop3A_579 = tpu.vector_load %arg8[%parallel_loop3A_578] {strides = array<i32>} : memref<8000xi32, #tpu.memory_space<vmem>>, vector<16xi32>,
          tpu.vector_store_idx %arg7[%parallel_loop3A_579], %broadcast_in_dim3A_5 {add = true} : memref<32768xf32, #tpu.memory_space<vmem>>[vector<16xi32>], vector<16xf32>,
        } {sc.loop_unroll_factor = 8 : i64, sc.parallel_access}
      } else {
      }
      %scan3A_569 = arith.constant 0 : i32
      scf.yield %scan3A_569 : i32
    }
    %scan3A_367 = arith.constant 12 : i32
    %dma_wait3A_368 = arith.constant 0 : i32
    %dma_wait3A_369 = tpu.memref_slice %arg8[%dma_wait3A_368] : memref<8000xi32, #tpu.memory_space<vmem>> -> memref<4000xi32, #tpu.memory_space<vmem>>
    %dma_wait3A_370 = arith.constant 396000 : i32
    %dma_wait3A_371 = tpu.memref_slice %arg3[%dma_wait3A_370] : memref<400000xi32, #tpu.memory_space<hbm>> -> memref<4000xi32, #tpu.memory_space<hbm>>
    %dma_wait3A_372 = arith.constant 0 : i32
    %dma_wait3A_373 = tpu.memref_slice %arg8[%dma_wait3A_372] : memref<8000xi32, #tpu.memory_space<vmem>> -> memref<4000xi32, #tpu.memory_space<vmem>>
    %dma_wait3A_374 = arith.constant 396000 : i32
    %dma_wait3A_375 = tpu.memref_slice %arg3[%dma_wait3A_374] : memref<400000xi32, #tpu.memory_space<hbm>> -> memref<4000xi32, #tpu.memory_space<hbm>>
    tpu.wait_dma2 semaphore(%arg11 : memref<!tpu.dma_semaphore, #tpu.memory_space<semaphore_mem>>) src(%dma_wait3A_375 : memref<4000xi32, #tpu.memory_space<hbm>>) dst(%dma_wait3A_373 : memref<4000xi32, #tpu.memory_space<vmem>>)
    %add3A_376 = arith.constant 192 : i32
    %add3A_377 = arith.addi %add3A_376, %mul3A_2 : i32
    %mul3A_378 = arith.constant 100000 : i32
    %mul3A_379 = arith.muli %add3A_377, %mul3A_378 : i32
    %add3A_380 = arith.constant 96000 : i32
    %add3A_381 = arith.addi %mul3A_379, %add3A_380 : i32
    %dma_wait3A_382 = arith.constant 0 : i32
    %dma_wait3A_383 = tpu.memref_slice %arg9[%dma_wait3A_382] : memref<8000xf32, #tpu.memory_space<vmem>> -> memref<4000xf32, #tpu.memory_space<vmem>>
    %dma_wait3A_384 = tpu.memref_slice %arg2[%add3A_381] : memref<25600000xf32, #tpu.memory_space<hbm>> -> memref<4000xf32, #tpu.memory_space<hbm>>
    %dma_wait3A_385 = arith.constant 0 : i32
    %dma_wait3A_386 = tpu.memref_slice %arg9[%dma_wait3A_385] : memref<8000xf32, #tpu.memory_space<vmem>> -> memref<4000xf32, #tpu.memory_space<vmem>>
    %dma_wait3A_387 = tpu.memref_slice %arg2[%add3A_381] : memref<25600000xf32, #tpu.memory_space<hbm>> -> memref<4000xf32, #tpu.memory_space<hbm>>
    tpu.wait_dma2 semaphore(%arg11 : memref<!tpu.dma_semaphore, #tpu.memory_space<semaphore_mem>>) src(%dma_wait3A_387 : memref<4000xf32, #tpu.memory_space<hbm>>) dst(%dma_wait3A_386 : memref<4000xf32, #tpu.memory_space<vmem>>)
    %add3A_388 = arith.constant 192 : i32
    %add3A_389 = arith.addi %add3A_388, %mul3A_2 : i32
    %add3A_390 = arith.constant 1 : i32
    %add3A_391 = arith.addi %add3A_389, %add3A_390 : i32
    %mul3A_392 = arith.constant 100000 : i32
    %mul3A_393 = arith.muli %add3A_391, %mul3A_392 : i32
    %add3A_394 = arith.constant 96000 : i32
    %add3A_395 = arith.addi %mul3A_393, %add3A_394 : i32
    %dma_wait3A_396 = arith.constant 0 : i32
    %dma_wait3A_397 = tpu.memref_slice %arg10[%dma_wait3A_396] : memref<8000xf32, #tpu.memory_space<vmem>> -> memref<4000xf32, #tpu.memory_space<vmem>>
    %dma_wait3A_398 = tpu.memref_slice %arg2[%add3A_395] : memref<25600000xf32, #tpu.memory_space<hbm>> -> memref<4000xf32, #tpu.memory_space<hbm>>
    %dma_wait3A_399 = arith.constant 0 : i32
    %dma_wait3A_400 = tpu.memref_slice %arg10[%dma_wait3A_399] : memref<8000xf32, #tpu.memory_space<vmem>> -> memref<4000xf32, #tpu.memory_space<vmem>>
    %dma_wait3A_401 = tpu.memref_slice %arg2[%add3A_395] : memref<25600000xf32, #tpu.memory_space<hbm>> -> memref<4000xf32, #tpu.memory_space<hbm>>
    tpu.wait_dma2 semaphore(%arg11 : memref<!tpu.dma_semaphore, #tpu.memory_space<semaphore_mem>>) src(%dma_wait3A_401 : memref<4000xf32, #tpu.memory_space<hbm>>) dst(%dma_wait3A_400 : memref<4000xf32, #tpu.memory_space<vmem>>)
    %parallel_loop3A_402 = arith.constant 0 : i32
    %parallel_loop3A_403 = arith.constant 250 : i32
    %parallel_loop3A_404 = arith.constant 1 : i32
    scf.for %parallel_loop3A_425 = %parallel_loop3A_402 to %parallel_loop3A_403 step %parallel_loop3A_404  : i32 {
      %parallel_loop3A_426 = arith.constant 16 : i32
      %parallel_loop3A_427 = arith.muli %parallel_loop3A_425, %parallel_loop3A_426 : i32
      %parallel_loop3A_428 = arith.constant 0 : i32
      %parallel_loop3A_429 = arith.addi %parallel_loop3A_428, %parallel_loop3A_427 : i32
      %parallel_loop3A_430 = arith.index_cast %parallel_loop3A_429 : i32 to index
      %parallel_loop3A_431 = tpu.vector_load %arg8[%parallel_loop3A_430] {strides = array<i32>} : memref<8000xi32, #tpu.memory_space<vmem>>, vector<16xi32>,
      %parallel_loop3A_432 = arith.constant 16 : i32
      %parallel_loop3A_433 = arith.muli %parallel_loop3A_425, %parallel_loop3A_432 : i32
      %parallel_loop3A_434 = arith.constant 0 : i32
      %parallel_loop3A_435 = arith.addi %parallel_loop3A_434, %parallel_loop3A_433 : i32
      %parallel_loop3A_436 = arith.index_cast %parallel_loop3A_435 : i32 to index
      %parallel_loop3A_437 = tpu.vector_load %arg9[%parallel_loop3A_436] {strides = array<i32>} : memref<8000xf32, #tpu.memory_space<vmem>>, vector<16xf32>,
      tpu.vector_store_idx %arg6[%parallel_loop3A_431], %parallel_loop3A_437 {add = true} : memref<65536xf32, #tpu.memory_space<vmem>>[vector<16xi32>], vector<16xf32>,
      %parallel_loop3A_438 = arith.addi %parallel_loop3A_431, %broadcast_in_dim3A_7 : vector<16xi32>
      %parallel_loop3A_439 = arith.constant 16 : i32
      %parallel_loop3A_440 = arith.muli %parallel_loop3A_425, %parallel_loop3A_439 : i32
      %parallel_loop3A_441 = arith.constant 0 : i32
      %parallel_loop3A_442 = arith.addi %parallel_loop3A_441, %parallel_loop3A_440 : i32
      %parallel_loop3A_443 = arith.index_cast %parallel_loop3A_442 : i32 to index
      %parallel_loop3A_444 = tpu.vector_load %arg10[%parallel_loop3A_443] {strides = array<i32>} : memref<8000xf32, #tpu.memory_space<vmem>>, vector<16xf32>,
      tpu.vector_store_idx %arg6[%parallel_loop3A_438], %parallel_loop3A_444 {add = true} : memref<65536xf32, #tpu.memory_space<vmem>>[vector<16xi32>], vector<16xf32>,
    } {sc.loop_unroll_factor = 8 : i64, sc.parallel_access}
    %eq3A_405 = arith.constant 3 : i32
    %eq3A_406 = arith.cmpi eq, %add3A, %eq3A_405 : i32
    %convert_element_type3A_407 = arith.extui %eq3A_406 : i1 to i32
    %cond3A_408 = arith.constant 0 : i32
    %cond3A_409 = arith.cmpi ne, %convert_element_type3A_407, %cond3A_408 : i32
    scf.if %cond3A_409 {
      %parallel_loop3A_425 = arith.constant 0 : i32
      %parallel_loop3A_426 = arith.constant 250 : i32
      %parallel_loop3A_427 = arith.constant 1 : i32
      scf.for %parallel_loop3A_428 = %parallel_loop3A_425 to %parallel_loop3A_426 step %parallel_loop3A_427  : i32 {
        %parallel_loop3A_429 = arith.constant 16 : i32
        %parallel_loop3A_430 = arith.muli %parallel_loop3A_428, %parallel_loop3A_429 : i32
        %parallel_loop3A_431 = arith.constant 0 : i32
        %parallel_loop3A_432 = arith.addi %parallel_loop3A_431, %parallel_loop3A_430 : i32
        %parallel_loop3A_433 = arith.index_cast %parallel_loop3A_432 : i32 to index
        %parallel_loop3A_434 = tpu.vector_load %arg8[%parallel_loop3A_433] {strides = array<i32>} : memref<8000xi32, #tpu.memory_space<vmem>>, vector<16xi32>,
        tpu.vector_store_idx %arg7[%parallel_loop3A_434], %broadcast_in_dim3A_5 {add = true} : memref<32768xf32, #tpu.memory_space<vmem>>[vector<16xi32>], vector<16xf32>,
      } {sc.loop_unroll_factor = 8 : i64, sc.parallel_access}
    } else {
    }
    %add3A_410 = arith.constant 192 : i32
    %add3A_411 = arith.addi %add3A_410, %mul3A_2 : i32
    %mul3A_412 = arith.constant 32768 : i32
    %mul3A_413 = arith.muli %add3A_411, %mul3A_412 : i32
    "tpu.region"() ({
      %run_scoped3A = tpu.sem_alloc : memref<!tpu.dma_semaphore, #tpu.memory_space<semaphore_mem>>
      %dma_start3A_425 = arith.constant 0 : i32
      %dma_start3A_426 = tpu.memref_slice %arg6[%dma_start3A_425] : memref<65536xf32, #tpu.memory_space<vmem>> -> memref<32768xf32, #tpu.memory_space<vmem>>
      %dma_start3A_427 = tpu.memref_slice %arg4[%mul3A_413] : memref<8388608xf32, #tpu.memory_space<hbm>> -> memref<32768xf32, #tpu.memory_space<hbm>>
      %dma_start3A_428 = tpu.memref_slice %arg4[%mul3A_413] : memref<8388608xf32, #tpu.memory_space<hbm>> -> memref<32768xf32, #tpu.memory_space<hbm>>
      %dma_start3A_429 = arith.constant 0 : i32
      %dma_start3A_430 = tpu.memref_slice %arg6[%dma_start3A_429] : memref<65536xf32, #tpu.memory_space<vmem>> -> memref<32768xf32, #tpu.memory_space<vmem>>
      tpu.enqueue_dma source(%dma_start3A_430 : memref<32768xf32, #tpu.memory_space<vmem>>) target(%dma_start3A_428 : memref<32768xf32, #tpu.memory_space<hbm>>) target_semaphore(%run_scoped3A : memref<!tpu.dma_semaphore, #tpu.memory_space<semaphore_mem>>)
      %dma_wait3A_431 = arith.constant 0 : i32
      %dma_wait3A_432 = tpu.memref_slice %arg6[%dma_wait3A_431] : memref<65536xf32, #tpu.memory_space<vmem>> -> memref<32768xf32, #tpu.memory_space<vmem>>
      %dma_wait3A_433 = tpu.memref_slice %arg4[%mul3A_413] : memref<8388608xf32, #tpu.memory_space<hbm>> -> memref<32768xf32, #tpu.memory_space<hbm>>
      %dma_wait3A_434 = tpu.memref_slice %arg4[%mul3A_413] : memref<8388608xf32, #tpu.memory_space<hbm>> -> memref<32768xf32, #tpu.memory_space<hbm>>
      %dma_wait3A_435 = arith.constant 0 : i32
      %dma_wait3A_436 = tpu.memref_slice %arg6[%dma_wait3A_435] : memref<65536xf32, #tpu.memory_space<vmem>> -> memref<32768xf32, #tpu.memory_space<vmem>>
      tpu.wait_dma2 semaphore(%run_scoped3A : memref<!tpu.dma_semaphore, #tpu.memory_space<semaphore_mem>>) src(%dma_wait3A_436 : memref<32768xf32, #tpu.memory_space<vmem>>) dst(%dma_wait3A_434 : memref<32768xf32, #tpu.memory_space<hbm>>)
      tpu.yield
    }) : () -> ()
    %add3A_414 = arith.constant 192 : i32
    %add3A_415 = arith.addi %add3A_414, %mul3A_2 : i32
    %add3A_416 = arith.constant 1 : i32
    %add3A_417 = arith.addi %add3A_415, %add3A_416 : i32
    %mul3A_418 = arith.constant 32768 : i32
    %mul3A_419 = arith.muli %add3A_417, %mul3A_418 : i32
    "tpu.region"() ({
      %run_scoped3A = tpu.sem_alloc : memref<!tpu.dma_semaphore, #tpu.memory_space<semaphore_mem>>
      %dma_start3A_425 = arith.constant 32768 : i32
      %dma_start3A_426 = tpu.memref_slice %arg6[%dma_start3A_425] : memref<65536xf32, #tpu.memory_space<vmem>> -> memref<32768xf32, #tpu.memory_space<vmem>>
      %dma_start3A_427 = tpu.memref_slice %arg4[%mul3A_419] : memref<8388608xf32, #tpu.memory_space<hbm>> -> memref<32768xf32, #tpu.memory_space<hbm>>
      %dma_start3A_428 = tpu.memref_slice %arg4[%mul3A_419] : memref<8388608xf32, #tpu.memory_space<hbm>> -> memref<32768xf32, #tpu.memory_space<hbm>>
      %dma_start3A_429 = arith.constant 32768 : i32
      %dma_start3A_430 = tpu.memref_slice %arg6[%dma_start3A_429] : memref<65536xf32, #tpu.memory_space<vmem>> -> memref<32768xf32, #tpu.memory_space<vmem>>
      tpu.enqueue_dma source(%dma_start3A_430 : memref<32768xf32, #tpu.memory_space<vmem>>) target(%dma_start3A_428 : memref<32768xf32, #tpu.memory_space<hbm>>) target_semaphore(%run_scoped3A : memref<!tpu.dma_semaphore, #tpu.memory_space<semaphore_mem>>)
      %dma_wait3A_431 = arith.constant 32768 : i32
      %dma_wait3A_432 = tpu.memref_slice %arg6[%dma_wait3A_431] : memref<65536xf32, #tpu.memory_space<vmem>> -> memref<32768xf32, #tpu.memory_space<vmem>>
      %dma_wait3A_433 = tpu.memref_slice %arg4[%mul3A_419] : memref<8388608xf32, #tpu.memory_space<hbm>> -> memref<32768xf32, #tpu.memory_space<hbm>>
      %dma_wait3A_434 = tpu.memref_slice %arg4[%mul3A_419] : memref<8388608xf32, #tpu.memory_space<hbm>> -> memref<32768xf32, #tpu.memory_space<hbm>>
      %dma_wait3A_435 = arith.constant 32768 : i32
      %dma_wait3A_436 = tpu.memref_slice %arg6[%dma_wait3A_435] : memref<65536xf32, #tpu.memory_space<vmem>> -> memref<32768xf32, #tpu.memory_space<vmem>>
      tpu.wait_dma2 semaphore(%run_scoped3A : memref<!tpu.dma_semaphore, #tpu.memory_space<semaphore_mem>>) src(%dma_wait3A_436 : memref<32768xf32, #tpu.memory_space<vmem>>) dst(%dma_wait3A_434 : memref<32768xf32, #tpu.memory_space<hbm>>)
      tpu.yield
    }) : () -> ()
    %eq3A_420 = arith.constant 3 : i32
    %eq3A_421 = arith.cmpi eq, %add3A, %eq3A_420 : i32
    %convert_element_type3A_422 = arith.extui %eq3A_421 : i1 to i32
    %cond3A_423 = arith.constant 0 : i32
    %cond3A_424 = arith.cmpi ne, %convert_element_type3A_422, %cond3A_423 : i32
    scf.if %cond3A_424 {
      "tpu.region"() ({
        %run_scoped3A = tpu.sem_alloc : memref<!tpu.dma_semaphore, #tpu.memory_space<semaphore_mem>>
        %dma_start3A_425 = arith.constant 0 : i32
        %dma_start3A_426 = tpu.memref_slice %arg7[%dma_start3A_425] : memref<32768xf32, #tpu.memory_space<vmem>> -> memref<32768xf32, #tpu.memory_space<vmem>>
        %dma_start3A_427 = arith.constant 98304 : i32
        %dma_start3A_428 = tpu.memref_slice %arg5[%dma_start3A_427] : memref<131072xf32, #tpu.memory_space<hbm>> -> memref<32768xf32, #tpu.memory_space<hbm>>
        %dma_start3A_429 = arith.constant 98304 : i32
        %dma_start3A_430 = tpu.memref_slice %arg5[%dma_start3A_429] : memref<131072xf32, #tpu.memory_space<hbm>> -> memref<32768xf32, #tpu.memory_space<hbm>>
        %dma_start3A_431 = arith.constant 0 : i32
        %dma_start3A_432 = tpu.memref_slice %arg7[%dma_start3A_431] : memref<32768xf32, #tpu.memory_space<vmem>> -> memref<32768xf32, #tpu.memory_space<vmem>>
        tpu.enqueue_dma source(%dma_start3A_432 : memref<32768xf32, #tpu.memory_space<vmem>>) target(%dma_start3A_430 : memref<32768xf32, #tpu.memory_space<hbm>>) target_semaphore(%run_scoped3A : memref<!tpu.dma_semaphore, #tpu.memory_space<semaphore_mem>>)
        %dma_wait3A_433 = arith.constant 0 : i32
        %dma_wait3A_434 = tpu.memref_slice %arg7[%dma_wait3A_433] : memref<32768xf32, #tpu.memory_space<vmem>> -> memref<32768xf32, #tpu.memory_space<vmem>>
        %dma_wait3A_435 = arith.constant 98304 : i32
        %dma_wait3A_436 = tpu.memref_slice %arg5[%dma_wait3A_435] : memref<131072xf32, #tpu.memory_space<hbm>> -> memref<32768xf32, #tpu.memory_space<hbm>>
        %dma_wait3A_437 = arith.constant 98304 : i32
        %dma_wait3A_438 = tpu.memref_slice %arg5[%dma_wait3A_437] : memref<131072xf32, #tpu.memory_space<hbm>> -> memref<32768xf32, #tpu.memory_space<hbm>>
        %dma_wait3A_439 = arith.constant 0 : i32
        %dma_wait3A_440 = tpu.memref_slice %arg7[%dma_wait3A_439] : memref<32768xf32, #tpu.memory_space<vmem>> -> memref<32768xf32, #tpu.memory_space<vmem>>
        tpu.wait_dma2 semaphore(%run_scoped3A : memref<!tpu.dma_semaphore, #tpu.memory_space<semaphore_mem>>) src(%dma_wait3A_440 : memref<32768xf32, #tpu.memory_space<vmem>>) dst(%dma_wait3A_438 : memref<32768xf32, #tpu.memory_space<hbm>>)
        tpu.yield
      }) : () -> ()
    } else {
    }
    return
  }
}

module attributes {stable_mosaic.version = 14 : i64} {
  func.func @_coords_body(%arg0: i32, %arg1: memref<1x3x100000xf32, #tpu.memory_space<vmem>>, %arg2: memref<1x3x100000xf32, #tpu.memory_space<vmem>>, %arg3: memref<1x1x100000xi32, #tpu.memory_space<vmem>>) attributes {dimension_semantics = [#tpu.dimension_semantics<arbitrary>], iteration_bounds = array<i64: 4>, scalar_prefetch = 0 : i64, scratch_operands = 0 : i64, tpu.core_type = #tpu.core_type<tc>, window_params = [{transform_indices = @transform_0, window_bounds = array<i64: 1, 3, 100000>}, {transform_indices = @transform_1, window_bounds = array<i64: 1, 3, 100000>}, {transform_indices = @transform_2, window_bounds = array<i64: 1, 1, 100000>}]} {
    %get3A = arith.constant 0 : index
    %get3A_0 = arith.constant 0 : index
    %get3A_1 = arith.constant 0 : index
    %get3A_2 = vector.load %arg1[%get3A, %get3A_0, %get3A_1] : memref<1x3x100000xf32, #tpu.memory_space<vmem>>, vector<1x3x100000xf32>
    %get3A_3 = vector.shape_cast %get3A_2 : vector<1x3x100000xf32> to vector<3x100000xf32>
    %reduce_sum3A = arith.constant dense<0.000000e+00> : vector<3xf32>
    %reduce_sum3A_4 = vector.multi_reduction <add>, %get3A_3, %reduce_sum3A [1] : vector<3x100000xf32> to vector<3xf32>
    %broadcast_in_dim3A = vector.shape_cast %reduce_sum3A_4 : vector<3xf32> to vector<3x1xf32>
    %div3A = arith.constant 1.000000e+05 : f32
    %div3A_5 = vector.broadcast %div3A : f32 to vector<3x1xf32>
    %div3A_6 = arith.divf %broadcast_in_dim3A, %div3A_5 : vector<3x1xf32>
    %sub3A = vector.broadcast %div3A_6 : vector<3x1xf32> to vector<3x100000xf32>
    %sub3A_7 = arith.subf %get3A_3, %sub3A : vector<3x100000xf32>
    %mul3A = arith.mulf %sub3A_7, %sub3A_7 : vector<3x100000xf32>
    %reduce_sum3A_8 = arith.constant dense<0.000000e+00> : vector<100000xf32>
    %reduce_sum3A_9 = vector.multi_reduction <add>, %mul3A, %reduce_sum3A_8 [0] : vector<3x100000xf32> to vector<100000xf32>
    %broadcast_in_dim3A_10 = vector.shape_cast %reduce_sum3A_9 : vector<100000xf32> to vector<1x100000xf32>
    %sqrt3A = math.sqrt %broadcast_in_dim3A_10 : vector<1x100000xf32>
    %reduce_max3A = vector.shape_cast %sqrt3A : vector<1x100000xf32> to vector<1x1x100000xf32>
    %reduce_max3A_11 = arith.constant dense<0xFF800000> : vector<1xf32>
    %reduce_max3A_12 = vector.multi_reduction <maximumf>, %reduce_max3A, %reduce_max3A_11 [1, 2] : vector<1x1x100000xf32> to vector<1xf32>
    %reduce_max3A_13 = vector.shape_cast %reduce_max3A_12 : vector<1xf32> to vector<1x1x1xf32>
    %reduce_max3A_14 = vector.extract %reduce_max3A_13[0, 0, 0] : f32 from vector<1x1x1xf32>
    %mul3A_15 = arith.constant 2.000000e+00 : f32
    %mul3A_16 = arith.mulf %reduce_max3A_14, %mul3A_15 : f32
    %div3A_17 = vector.broadcast %mul3A_16 : f32 to vector<3x100000xf32>
    %div3A_18 = arith.divf %sub3A_7, %div3A_17 : vector<3x100000xf32>
    %add3A = arith.constant 5.000000e-01 : f32
    %add3A_19 = vector.broadcast %add3A : f32 to vector<3x100000xf32>
    %add3A_20 = arith.addf %div3A_18, %add3A_19 : vector<3x100000xf32>
    %mul3A_21 = arith.constant 3.200000e+01 : f32
    %mul3A_22 = vector.broadcast %mul3A_21 : f32 to vector<3x100000xf32>
    %mul3A_23 = arith.mulf %add3A_20, %mul3A_22 : vector<3x100000xf32>
    %jit3A = arith.constant 0 : i32
    %jit3A_24 = arith.constant 31 : i32
    %convert_element_type3A = arith.sitofp %jit3A : i32 to f32
    %max3A = vector.broadcast %convert_element_type3A : f32 to vector<3x100000xf32>
    %max3A_25 = arith.maximumf %max3A, %mul3A_23 : vector<3x100000xf32>
    %convert_element_type3A_26 = arith.sitofp %jit3A_24 : i32 to f32
    %min3A = vector.broadcast %convert_element_type3A_26 : f32 to vector<3x100000xf32>
    %min3A_27 = arith.minimumf %min3A, %max3A_25 : vector<3x100000xf32>
    %swap3A = arith.constant 0 : index
    %swap3A_28 = arith.constant 0 : index
    %swap3A_29 = arith.constant 0 : index
    %swap3A_30 = vector.load %arg2[%swap3A, %swap3A_28, %swap3A_29] : memref<1x3x100000xf32, #tpu.memory_space<vmem>>, vector<1x3x100000xf32>
    %swap3A_31 = vector.shape_cast %swap3A_30 : vector<1x3x100000xf32> to vector<3x100000xf32>
    %swap3A_32 = vector.shape_cast %min3A_27 : vector<3x100000xf32> to vector<1x3x100000xf32>
    tpu.vector_store %arg2[%swap3A, %swap3A_28, %swap3A_29], %swap3A_32 {strides = array<i32>} : memref<1x3x100000xf32, #tpu.memory_space<vmem>>, vector<1x3x100000xf32>,
    %round3A = math.roundeven %min3A_27 : vector<3x100000xf32>
    %convert_element_type3A_33 = arith.fptosi %round3A : vector<3x100000xf32> to vector<3x100000xi32>
    %slice3A = vector.extract_strided_slice %convert_element_type3A_33 {offsets = [0, 0], sizes = [1, 100000], strides = [1, 1]} : vector<3x100000xi32> to vector<1x100000xi32>
    %squeeze3A = vector.shape_cast %slice3A : vector<1x100000xi32> to vector<100000xi32>
    %mul3A_34 = arith.constant 1024 : i32
    %mul3A_35 = vector.broadcast %mul3A_34 : i32 to vector<100000xi32>
    %mul3A_36 = arith.muli %squeeze3A, %mul3A_35 : vector<100000xi32>
    %slice3A_37 = vector.extract_strided_slice %convert_element_type3A_33 {offsets = [1, 0], sizes = [1, 100000], strides = [1, 1]} : vector<3x100000xi32> to vector<1x100000xi32>
    %squeeze3A_38 = vector.shape_cast %slice3A_37 : vector<1x100000xi32> to vector<100000xi32>
    %mul3A_39 = arith.constant 32 : i32
    %mul3A_40 = vector.broadcast %mul3A_39 : i32 to vector<100000xi32>
    %mul3A_41 = arith.muli %squeeze3A_38, %mul3A_40 : vector<100000xi32>
    %add3A_42 = arith.addi %mul3A_36, %mul3A_41 : vector<100000xi32>
    %slice3A_43 = vector.extract_strided_slice %convert_element_type3A_33 {offsets = [2, 0], sizes = [1, 100000], strides = [1, 1]} : vector<3x100000xi32> to vector<1x100000xi32>
    %squeeze3A_44 = vector.shape_cast %slice3A_43 : vector<1x100000xi32> to vector<100000xi32>
    %add3A_45 = arith.addi %add3A_42, %squeeze3A_44 : vector<100000xi32>
    %swap3A_46 = arith.constant 0 : index
    %swap3A_47 = arith.constant 0 : index
    %swap3A_48 = arith.constant 0 : index
    %swap3A_49 = vector.load %arg3[%swap3A_46, %swap3A_47, %swap3A_48] : memref<1x1x100000xi32, #tpu.memory_space<vmem>>, vector<1x1x100000xi32>
    %swap3A_50 = vector.shape_cast %swap3A_49 : vector<1x1x100000xi32> to vector<100000xi32>
    %swap3A_51 = vector.shape_cast %add3A_45 : vector<100000xi32> to vector<1x1x100000xi32>
    tpu.vector_store %arg3[%swap3A_46, %swap3A_47, %swap3A_48], %swap3A_51 {strides = array<i32>} : memref<1x1x100000xi32, #tpu.memory_space<vmem>>, vector<1x1x100000xi32>,
    return
  }
  func.func @transform_0(%arg0: i32) -> (i32, i32, i32) {
    %c0_i32 = arith.constant 0 : i32
    %c0_i32_0 = arith.constant 0 : i32
    %c0_i32_1 = arith.constant 0 : i32
    return %arg0, %c0_i32, %c0_i32_0 : i32, i32, i32
  }
  func.func @transform_1(%arg0: i32) -> (i32, i32, i32) {
    %c0_i32 = arith.constant 0 : i32
    %c0_i32_0 = arith.constant 0 : i32
    %c0_i32_1 = arith.constant 0 : i32
    return %arg0, %c0_i32, %c0_i32_0 : i32, i32, i32
  }
  func.func @transform_2(%arg0: i32) -> (i32, i32, i32) {
    %c0_i32 = arith.constant 0 : i32
    %c0_i32_0 = arith.constant 0 : i32
    %c0_i32_1 = arith.constant 0 : i32
    return %arg0, %c0_i32, %c0_i32_0 : i32, i32, i32
  }
}

module attributes {stable_mosaic.version = 14 : i64} {
  func.func @_div_body(%arg0: i32, %arg1: i32, %arg2: memref<262144xf32, #tpu.memory_space<vmem>>, %arg3: memref<32768xf32, #tpu.memory_space<vmem>>, %arg4: memref<1x8x32768xf32, #tpu.memory_space<vmem>>) attributes {dimension_semantics = [#tpu.dimension_semantics<arbitrary>, #tpu.dimension_semantics<arbitrary>], iteration_bounds = array<i64: 4, 8>, scalar_prefetch = 0 : i64, scratch_operands = 0 : i64, tpu.core_type = #tpu.core_type<tc>, window_params = [{transform_indices = @transform_0, window_bounds = array<i64: 262144>}, {transform_indices = @transform_1, window_bounds = array<i64: 32768>}, {transform_indices = @transform_2, window_bounds = array<i64: 1, 8, 32768>}]} {
    %get3A = arith.constant 0 : index
    %get3A_0 = vector.load %arg3[%get3A] : memref<32768xf32, #tpu.memory_space<vmem>>, vector<32768xf32>
    %max3A = arith.constant 1.000000e+00 : f32
    %max3A_1 = vector.broadcast %max3A : f32 to vector<32768xf32>
    %max3A_2 = arith.maximumf %get3A_0, %max3A_1 : vector<32768xf32>
    %div3A = arith.constant 1.000000e+00 : f32
    %div3A_3 = vector.broadcast %div3A : f32 to vector<32768xf32>
    %div3A_4 = arith.divf %div3A_3, %max3A_2 : vector<32768xf32>
    %get3A_5 = arith.constant 0 : index
    %get3A_6 = vector.load %arg2[%get3A_5] : memref<262144xf32, #tpu.memory_space<vmem>>, vector<262144xf32>
    %reshape3A = vector.shape_cast %get3A_6 : vector<262144xf32> to vector<8x32768xf32>
    %broadcast_in_dim3A = vector.shape_cast %div3A_4 : vector<32768xf32> to vector<1x32768xf32>
    %mul3A = vector.broadcast %broadcast_in_dim3A : vector<1x32768xf32> to vector<8x32768xf32>
    %mul3A_7 = arith.mulf %reshape3A, %mul3A : vector<8x32768xf32>
    %swap3A = arith.constant 0 : index
    %swap3A_8 = arith.constant 0 : index
    %swap3A_9 = arith.constant 0 : index
    %swap3A_10 = vector.load %arg4[%swap3A, %swap3A_8, %swap3A_9] : memref<1x8x32768xf32, #tpu.memory_space<vmem>>, vector<1x8x32768xf32>
    %swap3A_11 = vector.shape_cast %swap3A_10 : vector<1x8x32768xf32> to vector<8x32768xf32>
    %swap3A_12 = vector.shape_cast %mul3A_7 : vector<8x32768xf32> to vector<1x8x32768xf32>
    tpu.vector_store %arg4[%swap3A, %swap3A_8, %swap3A_9], %swap3A_12 {strides = array<i32>} : memref<1x8x32768xf32, #tpu.memory_space<vmem>>, vector<1x8x32768xf32>,
    return
  }
  func.func @transform_0(%arg0: i32, %arg1: i32) -> i32 {
    %mul3A = arith.constant 8 : i32
    %mul3A_0 = arith.muli %arg0, %mul3A : i32
    %add3A = arith.addi %mul3A_0, %arg1 : i32
    %c0_i32 = arith.constant 0 : i32
    return %add3A : i32
  }
  func.func @transform_1(%arg0: i32, %arg1: i32) -> i32 {
    %c0_i32 = arith.constant 0 : i32
    return %arg0 : i32
  }
  func.func @transform_2(%arg0: i32, %arg1: i32) -> (i32, i32, i32) {
    %c0_i32 = arith.constant 0 : i32
    %c0_i32_0 = arith.constant 0 : i32
    return %arg0, %arg1, %c0_i32 : i32, i32, i32
  }
}

</mosaic_0001>

<sc_bundles>
// kernel: kernel.5.cloned.1.call-start
scs
__scs_entry_jumppad:
0x0: {  	(pc) =	sbr.rel $0x88, $3  }
0x1: {  	(tag) =	ssettag $0x0;
	lr =	simm.s32 $0x1  }
0x2: {  	[smem:$0x3F9F] =	sst lr;
	_ =	strace $0xD0000000  }
0x3: {  	_ = 	snop  }
0x4: {  	_ = 	snop  }
0x5: {  	_ = 	snop  }
0x6: {  	_ = 	snop  }
0x7: {  	_ = 	snop  }
__scs_overlays_trampoline_lowered:
0x8: {  	[smem:$0x3FAE] =	sst s0  }
0x9: {  	[smem:$0x3FAF] =	sst s1  }
0xa: {  	[smem:$0x3FB0] =	sst s2  }
0xb: {  	[smem:$0x3FB1] =	sst s3  }
0xc: {  	[smem:$0x3FB2] =	sst s4  }
0xd: {  	[smem:$0x3FB3] =	sst s5  }
0xe: {  	[smem:$0x3FB4] =	sst s6  }
0xf: {  	[smem:$0x3FB5] =	sst s7  }
0x10: {  	[smem:$0x3FB6] =	sst s8  }
0x11: {  	[smem:$0x3FB7] =	sst s9;
	s0 =	simm.s32 @!p0 $0x0  }
0x12: {  	s1 =	sld [smem:$0x3F9D];
	s0 =	simm.s32 @p0 $0x1  }
0x13: {  	[smem:$0x3FB8] =	sst s0;
	s0 =	simm.s32 @!p1 $0x0  }
0x14: {  	s2 =	sld [smem:$0x3F9C];
	s0 =	simm.s32 @p1 $0x1  }
0x15: {  	[smem:$0x3FB9] =	sst s0;
	s0 =	simm.s32 @!p2 $0x0  }
0x16: {  	s3 =	sld [smem:$0x3FDB];
	s0 =	simm.s32 @p2 $0x1  }
0x17: {  	s4 =	simm.s32 $0x1BF5;
	[smem:$0x3FBB] =	sst s0  }
0x18: {  	s0 =	sld [smem:$0x3F9E];
	_ =	swait.ge [sflag:s4], $0x0  }
0x19: {  	s7 =	sld [smem:$0x3F9F]  }
0x1a: {  	s8 =	sadd.s32 $0xFFFFE003, lr  }
0x1b: {  	s9 =	sadd.s32 $0xFFFFFEF7, lr;
	s5 =	simm.s32 $0xFFFFFFFF;
	p2 =	slt.u32 s8, $0xFFFFF086  }
0x1c: {  	p1 =	slt.u32 s9, $0xF7A;
	s5 =	simm.s32 @!p2 $0x0  }
0x1d: {  	s5 =	simm.s32 @p1 $0x1;
	p0 =	seq.s32 s7, s2  }
0x1e: {  	s7 =	smul.u32 @!p0 $0xF7A, s2;
	p2 =	seq.s32 @!p0 s5, $0x0  }
0x1f: {  	s9 =	smul.u32 $0xF7A, s1;
	s8 =	simm.s32 @!p0 $0x1BF5;
	p2 =	por !p2, p0  }
0x20: {  	[sflag:s8] =	ssyncset.s32 @!p0 $0xFFFFF086;
	s6 =	sadd.s32 @!p0 s3, s7;
	s7 =	simm.s32 @!p0 $0x108  }
0x21: {  	s3 =	sadd.s32 s3, s9;
	s6 =	sadd.s32 @!p0 $0x88, s6;
	s7 =	simm.s32 @p2 $0x1082  }
0x22: {  	[simem:s7], [sflag:s8] =	dma.local @!p0 [hbm:s6], $0xF7A  }
0x23: {  	s9 =	sor.u32 $0xD0000000, s2;
	s6 =	simm.s32 $0x108;
	_ =	swait.ge @!p0 [sflag:s8], $0x0  }
0x24: {  	s3 =	sadd.s32 $0x88, s3;
	s6 =	simm.s32 @!p1 $0x1082;
	[sflag:s4] =	ssyncset.s32 $0xFFFFF086  }
0x25: {  	[simem:s6], [sflag:s4] =	dma.local [hbm:s3], $0xF7A  }
0x26: {  	[smem:$0x3F9F] =	sst s1;
	(tag) =	ssettag s2;
	_ =	strace s9  }
0x27: {  	s1 =	sld [smem:$0x3FAF]  }
0x28: {  	s2 =	sld [smem:$0x3FB0]  }
0x29: {  	s4 =	sld [smem:$0x3FB2]  }
0x2a: {  	p0 =	seq.s32 s5, $0x0;
	s5 =	sld [smem:$0x3FB3]  }
0x2b: {  	s6 =	sld [smem:$0x3FB4]  }
0x2c: {  	s7 =	sld [smem:$0x3FB5]  }
0x2d: {  	s3 =	simm.s32 $0x108;
	s8 =	sld [smem:$0x3FB6]  }
0x2e: {  	s3 =	simm.s32 @!p0 $0x1082;
	s9 =	sld [smem:$0x3FB7]  }
0x2f: {  	lr =	sadd.s32 s0, s3;
	s0 =	sld [smem:$0x3FAE]  }
0x30: {  	s3 =	sld [smem:$0x3FB1]  }
0x31: {  	[smem:$0x3FBA] =	sst s10  }
0x32: {  	s10 =	sld [smem:$0x3FB8];
	_ =	sdelay $0x3  }
0x33: {  	p0 =	seq.s32 s10, $0x1;
	s10 =	sld [smem:$0x3FBA];
	_ =	sdelay $0x3  }
0x34: {  	[smem:$0x3FBA] =	sst s10  }
0x35: {  	s10 =	sld [smem:$0x3FB9];
	_ =	sdelay $0x3  }
0x36: {  	p1 =	seq.s32 s10, $0x1;
	s10 =	sld [smem:$0x3FBA];
	_ =	sdelay $0x3  }
0x37: {  	[smem:$0x3FBA] =	sst s10  }
0x38: {  	s10 =	sld [smem:$0x3FBB]  }
0x39: {  	_ = 	snop;
	(pc) =	sbr.ind lr, $3  }
0x3a: {  	_ = 	snop  }
0x3b: {  	_ = 	snop  }
0x3c: {  	p2 =	seq.s32 s10, $0x1;
	s10 =	sld [smem:$0x3FBA]  }
0x3d: {  	_ =	shalt  }
0x3e: {  	_ =	shalt  }
0x3f: {  	_ =	shalt  }
0x40: {  	_ =	shalt  }
0x41: {  	_ =	shalt  }
0x42: {  	_ =	shalt  }
0x43: {  	_ =	shalt  }
0x44: {  	_ =	shalt  }
0x45: {  	_ =	shalt  }
0x46: {  	_ =	shalt  }
0x47: {  	_ =	shalt  }
0x48: {  	_ =	shalt  }
0x49: {  	_ =	shalt  }
0x4a: {  	_ =	shalt  }
0x4b: {  	_ =	shalt  }
0x4c: {  	_ =	shalt  }
0x4d: {  	_ =	shalt  }
0x4e: {  	_ =	shalt  }
0x4f: {  	_ =	shalt  }
0x50: {  	_ =	shalt  }
0x51: {  	_ =	shalt  }
0x52: {  	_ =	shalt  }
0x53: {  	_ =	shalt  }
0x54: {  	_ =	shalt  }
0x55: {  	_ =	shalt  }
0x56: {  	_ =	shalt  }
0x57: {  	_ =	shalt  }
0x58: {  	_ =	shalt  }
0x59: {  	_ =	shalt  }
0x5a: {  	_ =	shalt  }
0x5b: {  	_ =	shalt  }
0x5c: {  	_ =	shalt  }
0x5d: {  	_ =	shalt  }
0x5e: {  	_ =	shalt  }
0x5f: {  	_ =	shalt  }
0x60: {  	_ =	shalt  }
0x61: {  	_ =	shalt  }
0x62: {  	_ =	shalt  }
0x63: {  	_ =	shalt  }
0x64: {  	_ =	shalt  }
0x65: {  	_ =	shalt  }
0x66: {  	_ =	shalt  }
0x67: {  	_ =	shalt  }
0x68: {  	_ =	shalt  }
0x69: {  	_ =	shalt  }
0x6a: {  	_ =	shalt  }
0x6b: {  	_ =	shalt  }
0x6c: {  	_ =	shalt  }
0x6d: {  	_ =	shalt  }
0x6e: {  	_ =	shalt  }
0x6f: {  	_ =	shalt  }
0x70: {  	_ =	shalt  }
0x71: {  	_ =	shalt  }
0x72: {  	_ =	shalt  }
0x73: {  	_ =	shalt  }
0x74: {  	_ =	shalt  }
0x75: {  	_ =	shalt  }
0x76: {  	_ =	shalt  }
0x77: {  	_ =	shalt  }
0x78: {  	_ =	shalt  }
0x79: {  	_ =	shalt  }
0x7a: {  	_ =	shalt  }
0x7b: {  	_ =	shalt  }
0x7c: {  	_ =	shalt  }
0x7d: {  	_ =	shalt  }
0x7e: {  	_ =	shalt  }
0x7f: {  	_ =	shalt  }
0x80: {  	_ =	shalt  }
0x81: {  	_ =	shalt  }
0x82: {  	_ =	shalt  }
0x83: {  	_ =	shalt  }
0x84: {  	_ =	shalt  }
0x85: {  	_ =	shalt  }
0x86: {  	_ =	shalt  }
0x87: {  	_ =	shalt  }
.Lfunc_end0:
.L_simem_size_0:
called_computation_lowered:
.L_overlay_start_0:
0x88: {  	s2 =	sld [smem:$0x3FD9]  }
0x89: {  	s3 =	sld [smem:$0x3FFE];
	_ =	sdelay $0x1  }
0x8a: {  	s1 =	srdreg.scid  }
0x8b: {  	s0 =	sand.u32 $0x1, s1  }
0x8c: {  	s14 =	sshll.u32 s0, $0xA;
	s2 =	sadd.s32 s3, s2  }
0x8d: {  	s2 =	sadd.s32 s2, s14  }
0x8e: {  	[smem:$0x3FC6] =	sst s2  }
0x8f: {  	_ = 	snop  }
0x90: {  	s2 =	sld [smem:$0x3FD0];
	_ =	sdelay $0x2  }
0x91: {  	s15 =	simm.s32 $0xA;
	s4 =	simm.s32 $0x10  }
0x92: {  	[smem:s4], [sflag:s15] =	dma.local [hbm:s2], $0x1  }
0x93: {  	_ =	swait.eq [sflag:s15], $0x1  }
0x94: {  	[sflag:s15] =	ssyncset.done $0x0  }
0x95: {  	[sflag:s15] =	ssyncadd.s32 $0xFFFFFFFF  }
0x96: {  	s16 =	sld [smem:$0x10];
	(tm) =	ssettm $0x1  }
0x97: {  	s17 =	sld [smem:$0x3FFB];
	_ =	sdelay $0x3  }
0x98: {  	_ =	strace s17  }
0x99: {  	s3 =	sld [smem:$0x3FFC];
	_ =	sdelay $0x3  }
0x9a: {  	_ =	strace s3  }
0x9b: {  	s3 =	sld [smem:$0x3FFD];
	_ =	sdelay $0x3  }
0x9c: {  	_ =	strace s3  }
0x9d: {  	_ =	strace $0x8FFFFFFF  }
0x9e: {  	s18 =	sld [smem:$0x3FDB];
	_ =	sdelay $0x1  }
0x9f: {  	s19 =	simm.s32 $_scs_section_size  }
0xa0: {  	s5 =	simm.s32 $_size__tile_overlayer_lowered;
	s6 =	simm.s32 $_tile_overlayer_lowered  }
0xa1: {  	s22 =	simm.s32 $0x1BFF;
	s21 =	sshll.u32 s6, $0x1;
	s3 =	sadd.s32 s19, s18  }
0xa2: {  	s7 =	simm.s32 $0x0;
	s20 =	sshll.u32 s5, $0x1;
	s5 =	sadd.s32 s21, s3  }
0xa3: {  	[timem:s7], [sflag:s22] =	dma.local [hbm:s5], s20  }
0xa4: {  	_ =	swait.ge [sflag:s22], s20  }
0xa5: {  	s4 =	ssub.s32 $0x0, s20;
	[sflag:s22] =	ssyncset.done $0x0  }
0xa6: {  	[sflag:s22] =	ssyncadd.s32 s4;
	_ =	sdelay $0x1  }
0xa7: {  	s23 =	simm.s32 $0x1B8B  }
0xa8: {  	_ =	swait.ge [sflag:s23], $0x1  }
0xa9: {  	[sflag:s23] =	ssyncset.done $0x0  }
0xaa: {  	s25 =	simm.s32 $0x1B8E;
	s24 =	sld [smem:$0x3FFE];
	[sflag:s23] =	ssyncadd.s32 $0xFFFFFFFF  }
0xab: {  	s26 =	simm.s32 $execute0_lowered;
	[smem:$0x3FD2] =	sst s25  }
0xac: {  	s5 =	sshll.u32 s26, $0x1;
	_ =	strace $0x80000046;
	[dreg:$0x1] =	wrdreg $0xFFFFFFFF  }
0xad: {  	s28 =	simm.s32 $_size_execute0_lowered;
	s3 =	sadd.s32 s3, s5;
	[dreg:$0x0] =	wrdreg $0x0  }
0xae: {  	s5 =	sshll.u32 s28, $0x1;
	[dreg:$0x2] =	wrdreg s3  }
0xaf: {  	[dreg:$0x3] =	wrdreg s5  }
0xb0: {  	[dreg:$0x4] =	wrdreg $0xC0  }
0xb1: {  	_ =	task [dreg:s7], $0x5FFFF  }
0xb2: {  	[dreg:$0x1] =	wrdreg $0xFFFFFFFF  }
0xb3: {  	[dreg:$0x0] =	wrdreg $0x60  }
0xb4: {  	[dreg:$0x2] =	wrdreg s24  }
0xb5: {  	[dreg:$0x3] =	wrdreg s16  }
0xb6: {  	[dreg:$0x4] =	wrdreg $0x9  }
0xb7: {  	_ =	task.clear_ibuf [dreg:s7], $0x5FFFF;
	_ =	strace $0x90000046  }
0xb8: {  	s29 =	simm.s32 $0x9;
	_ =	strace $0x80000048  }
0xb9: {  	_ =	swait.ge [sflag:s29], $0x1  }
0xba: {  	[sflag:s29] =	ssyncadd.s32 $0xFFFFFFFF  }
0xbb: {  	_ =	strace $0x90000048  }
0xbc: {  	_ =	sfence  }
0xbd: {  	s30 =	sld [smem:$0x0];
	_ =	sdelay $0x2  }
0xbe: {  	s31 =	sshll.u32 s1, $0xD;
	s1 =	sshrl.u32 s1, $0x2  }
0xbf: {  	s3 =	sand.u32 $0x4000, s31;
	s1 =	sadd.s32 s1, s30  }
0xc0: {  	s0 =	sor.u32 s3, s0;
	s1 =	sshll.u32 s1, $0x11  }
0xc1: {  	s0 =	sor.u32 s1, s0  }
0xc2: {  	s0 =	sadd.s32 $0x8F2B, s0  }
0xc3: {  	[sflag:s0] =	ssyncadd.remote.s32 $0x1  }
0xc4: {  	_ =	sfence.sel $0xFFFF  }
0xc5: {  	[dreg:$0x0] =	wrdreg $0xFFFFFFFF;
	(pc) =	sbr.abs _section_cstart, $3  }
0xc6: {  	[dreg:$0x1] =	wrdreg $0xFFFFFFFF  }
0xc7: {  	_ =	task.clear_ibuf [dreg:s7], $0x2FFFF;
	_ =	strace $0x9FFFFFFF  }
0xc8: {  	(tm) =	ssettm $0x7FFFFFFF  }
0xc9: {  	_ =	shalt  }
tec
execute0_lowered:
.L_overlay_start_1:
0x0: {  	(tag) =	ssettag $0x1  }
0x1: {  	s0 =	rddreg [dreg:$0x0]  }
0x2: {  	s1 =	rddreg [dreg:$0x1];
	s3 =	srdreg.scid  }
0x3: {  	s4 =	stileid.u32;
	s2 =	simm.s32 $0x0;
	s28 =	simm.s32 $0x0  }
0x4: {  	s3 =	sand.u32 $0x1, s3;
	s4 =	sshll.u32 s4, $0x1;
	[smem:$0x7FF] =	sst s2  }
0x5: {  	s5 =	sadd.s32 $0xCC00, s0;
	s29 =	sadd.s32 $0x800, s0;
	s6 =	sor.u32 s3, s4  }
0x6: {  	s7 =	ssub.s32 $0x2, s3;
	_ =	strace $0x80000047;
	s3 =	smul.u32 $0x30D40, s6  }
0x7: {  	s8 =	sshllo.u32 s6, $0x1;
	s9 =	sshrl.u32 s7, $0x1;
	s12 =	sshll.u32 s6, $0x1  }
0x8: {  	s17 =	sshll.u32 s6, $0xD;
	p0 =	sne.s32 s6, $0x0;
	p1 =	sne.s32 s6, $0x1  }
0x9: {  	p2 =	sne.s32 s6, $0x2;
	p3 =	sne.s32 s6, $0x3;
	s4 =	smul.u32 $0x186A0, s8  }
0xa: {  	s7 =	ssub.s32 s7, s9;
	s8 =	sshll.u32 s8, $0xC;
	s18 =	sor.u32 $0x40, s12  }
0xb: {  	s19 =	sor.u32 $0x41, s12;
	s20 =	sor.u32 $0x80, s12;
	s14 =	sor.u32 $0x81, s12  }
0xc: {  	s21 =	sor.u32 $0xC0, s12;
	s22 =	sor.u32 $0xC1, s12;
	s10 =	smul.u32 $0x186A0, s18  }
0xd: {  	s15 =	sshrl.u32 s3, $0x3;
	s8 =	sadd.s32 s1, s8;
	s11 =	smul.u32 $0x186A0, s19  }
0xe: {  	s13 =	smul.u32 $0x186A0, s20;
	s23 =	sshll.u32 s14, $0xC;
	s24 =	sshll.u32 s21, $0xC  }
0xf: {  	s9 =	sadd.s32 s5, s15;
	s16 =	sshrl.u32 s4, $0x3;
	[dreg:$0x6] =	wrdreg s8  }
0x10: {  	s8 =	sshll.u32 s18, $0xC;
	s12 =	sadd.s32 s1, s23;
	[dreg:$0x3] =	wrdreg s9  }
0x11: {  	s15 =	smul.u32 $0x186A0, s14;
	s25 =	sadd.s32 s1, s24;
	[dreg:$0xa] =	wrdreg s12  }
0x12: {  	s23 =	sadd.s32 $0x38D4, s0;
	s24 =	sadd.s32 $0x31B000, s0;
	[dreg:$0xb] =	wrdreg s25  }
0x13: {  	s9 =	sadd.s32 s5, s16;
	s8 =	sadd.s32 s1, s8;
	[dreg:$0x14] =	wrdreg s23  }
0x14: {  	s16 =	sshll.u32 s22, $0xC;
	s26 =	sshrl.u32 s10, $0x3;
	[dreg:$0x15] =	wrdreg s24  }
0x15: {  	s30 =	sshrl.u32 s11, $0x3;
	s31 =	sshrl.u32 s13, $0x3;
	[dreg:$0x4] =	wrdreg s9  }
0x16: {  	s25 =	sadd.s32 $0x69A8, s0;
	s23 =	simm.s32 $0x10000;
	[dreg:$0x7] =	wrdreg s8  }
0x17: {  	s9 =	sadd.s32 s1, s17;
	s8 =	sshll.u32 s20, $0xC;
	[dreg:$0x16] =	wrdreg s25  }
0x18: {  	s20 =	smul.u32 $0x186A0, s21;
	s12 =	sadd.s32 s5, s31;
	[dreg:$0x5] =	wrdreg s9  }
0x19: {  	s21 =	smul.u32 $0x186A0, s22;
	s22 =	sadd.s32 $0x31A000, s0;
	[dreg:$0xf] =	wrdreg s12  }
0x1a: {  	s24 =	simm.s32 $0x2;
	s31 =	smax.u32 s7, $0x1;
	[dreg:$0x13] =	wrdreg s22  }
0x1b: {  	s9 =	sshll.u32 s19, $0xC;
	s8 =	sadd.s32 s1, s8;
	[dreg:$0x1a] =	wrdreg s31  }
0x1c: {  	s14 =	sshrl.u32 s15, $0x3;
	s9 =	sadd.s32 s1, s9;
	[dreg:$0x9] =	wrdreg s8  }
0x1d: {  	s25 =	simm.s32 $0x3;
	s1 =	sadd.s32 s1, s16;
	[dreg:$0x8] =	wrdreg s9  }
0x1e: {  	s12 =	simm.s32 $0x18000;
	[dreg:$0xc] =	wrdreg s1;
	s1 =	sadd.s32 s5, s26  }
0x1f: {  	s16 =	sshrl.u32 s20, $0x3;
	s9 =	sadd.s32 s5, s30;
	[dreg:$0xd] =	wrdreg s1  }
0x20: {  	s17 =	sshrl.u32 s21, $0x3;
	s18 =	sadd.s32 s5, s16;
	[dreg:$0xe] =	wrdreg s9  }
0x21: {  	s22 =	simm.s32 $0x1;
	s19 =	sadd.s32 s5, s17;
	[dreg:$0x11] =	wrdreg s18  }
.Ltmp0:
0x22: {  	s26 =	sadd.s32 $0x31C000, s0;
	[dreg:$0x12] =	wrdreg s19;
	(pc) =	sbr.rel .LBB2_1-.Ltmp0, $4  }
0x23: {  	s30 =	sadd.s32 $0x9A7C, s0;
	s0 =	sadd.s32 $0x31D000, s0;
	[dreg:$0x17] =	wrdreg s26  }
0x24: {  	s16 =	simm.s32 $0x1BF00;
	s17 =	simm.s32 $0x18FA0;
	[dreg:$0x18] =	wrdreg s30  }
0x25: {  	s1 =	sadd.s32 s5, s14;
	[dreg:$0x19] =	wrdreg s0;
	s14 =	simm.s32 $0x19F80  }
0x26: {  	v0 =	vimm.f32 $0.0e+00;
	v1 =	vimm.f32 $1.000000000e+00;
	s18 =	simm.s32 $0x1AF20;
	s19 =	simm.s32 $0x1CEA0;
	[dreg:$0x10] =	wrdreg s1  }
.LBB2_129:
0x27: {  	s0 =	rddreg [dreg:$0xb]  }
0x28: {  	[hbm4b:s0+s2] =	stream.linear.scatter [tilespmem:s2], [sflag:$0x3], $0x8000, $0x38;
	[tilespmem:$0x1DE80] =	vst v63  }
0x29: {  	_ =	swait.ge [sflag:s25], $0x8000  }
0x2a: {  	[sflag:s25] =	ssyncset.done $0x0  }
0x2b: {  	s1 =	simm.s32 $0x8000;
	s30 =	rddreg [dreg:$0xc];
	[sflag:s25] =	ssyncadd.s32 $0xFFFF8000  }
0x2c: {  	[hbm4b:s30+s2] =	stream.linear.scatter [tilespmem:s1], [sflag:$0x3], $0x8000, $0x38;
	[tilespmem:$0x1DE80] =	vst v63  }
0x2d: {  	_ =	swait.ge [sflag:s25], $0x8000  }
0x2e: {  	s0 =	simm.s32 @!p3 $0x0;
	[sflag:s25] =	ssyncset.done $0x0  }
0x2f: {  	s1 =	simm.s32 @!p3 $0x10000;
	s6 =	rddreg [dreg:$0x19];
	[sflag:s25] =	ssyncadd.s32 $0xFFFF8000  }
0x30: {  	[hbm4b:s6+s0] =	stream.linear.scatter @!p3 [tilespmem:s1], [sflag:$0x3], $0x8000, $0x38;
	[tilespmem:$0x1DE80] =	vst v63  }
0x31: {  	s0 =	simm.s32 @!p3 $0x3  }
0x32: {  	_ =	swait.ge @!p3 [sflag:s0], $0x8000  }
0x33: {  	s28 =	sadd.s32 $0x1, s28;
	s31 =	rddreg [dreg:$0x1a]  }
0x34: {  	p4 =	sne.s32 s28, s31  }
.Ltmp1:
0x35: {  	_ = 	snop;
	(pc) =	sbr.rel @!p4 .LBB2_130-.Ltmp1, $3  }
0x36: {  	_ =	sdelay $0x1  }
0x37: {  	[sflag:s0] =	ssyncset.done @!p3 $0x0  }
0x38: {  	[sflag:s0] =	ssyncadd.s32 @!p3 $0xFFFF8000  }
.LBB2_1:
0x39: {  	s0 =	simm.s32 $0x40  }
0x3a: {  	[tilespmem:s0+$0xFFFFFFC0] =	vst v0  }
0x3b: {  	[tilespmem:s0+$0x30] =	vst v0  }
0x3c: {  	[tilespmem:s0+$0x20] =	vst v0  }
0x3d: {  	[tilespmem:s0+$0x10] =	vst v0  }
0x3e: {  	[tilespmem:s0+$0x0] =	vst v0  }
0x3f: {  	[tilespmem:s0+$0xFFFFFFF0] =	vst v0  }
0x40: {  	s1 =	simm.s32 $0x0;
	[tilespmem:s0+$0xFFFFFFE0] =	vst v0  }
.LBB2_2:
0x41: {  	s1 =	sadd.s32 $0x8, s1;
	[tilespmem:s0+$0xFFFFFFD0] =	vst v0;
	s0 =	sadd.s32 $0x80, s0  }
0x42: {  	[tilespmem:s0+$0xFFFFFFC0] =	vst v0;
	p4 =	slt.u32 s1, $0xFF8  }
0x43: {  	[tilespmem:s0+$0x30] =	vst v0  }
.Ltmp2:
0x44: {  	[tilespmem:s0+$0x20] =	vst v0;
	(pc) =	sbr.rel @p4 .LBB2_2-.Ltmp2, $4  }
0x45: {  	[tilespmem:s0+$0x10] =	vst v0  }
0x46: {  	[tilespmem:s0+$0x0] =	vst v0  }
0x47: {  	[tilespmem:s0+$0xFFFFFFF0] =	vst v0  }
0x48: {  	[tilespmem:s0+$0xFFFFFFE0] =	vst v0  }
.Ltmp3:
0x49: {  	(pc) =	sbr.rel @p0 .LBB2_7-.Ltmp3, $2  }
0x4a: {  	_ =	sdelay $0x2  }
0x4b: {  	[tilespmem:s0+$0xFFFFFFD0] =	vst v0  }
0x4c: {  	s0 =	simm.s32 $0x10040  }
0x4d: {  	[tilespmem:s0+$0xFFFFFFC0] =	vst v0  }
0x4e: {  	[tilespmem:s0+$0x30] =	vst v0  }
0x4f: {  	[tilespmem:s0+$0x20] =	vst v0  }
0x50: {  	[tilespmem:s0+$0x10] =	vst v0  }
0x51: {  	[tilespmem:s0+$0x0] =	vst v0  }
0x52: {  	[tilespmem:s0+$0xFFFFFFF0] =	vst v0  }
0x53: {  	s1 =	simm.s32 $0x0;
	[tilespmem:s0+$0xFFFFFFE0] =	vst v0  }
.LBB2_5:
0x54: {  	s1 =	sadd.s32 $0x8, s1;
	[tilespmem:s0+$0xFFFFFFD0] =	vst v0;
	s0 =	sadd.s32 $0x80, s0  }
0x55: {  	[tilespmem:s0+$0xFFFFFFC0] =	vst v0;
	p4 =	slt.u32 s1, $0x7F8  }
0x56: {  	[tilespmem:s0+$0x30] =	vst v0  }
.Ltmp4:
0x57: {  	[tilespmem:s0+$0x20] =	vst v0;
	(pc) =	sbr.rel @p4 .LBB2_5-.Ltmp4, $4  }
0x58: {  	[tilespmem:s0+$0x10] =	vst v0  }
0x59: {  	[tilespmem:s0+$0x0] =	vst v0  }
0x5a: {  	[tilespmem:s0+$0xFFFFFFF0] =	vst v0  }
0x5b: {  	[tilespmem:s0+$0xFFFFFFE0] =	vst v0  }
0x5c: {  	[tilespmem:s0+$0xFFFFFFD0] =	vst v0  }
.LBB2_7:
0x5d: {  	s30 =	simm.s32 $0x0  }
0x5e: {  	[tilespmem:s12], [sflag:$0x1] =	stream.linear.gather [hbm4b:s29+s30], $0xFA0, $0x38;
	[tilespmem:$0x1DE80] =	vst v63  }
.Ltmp5:
0x5f: {  	_ = 	snop;
	(pc) =	sbr.rel .LBB2_8-.Ltmp5, $4  }
0x60: {  	s0 =	rddreg [dreg:$0x3]  }
0x61: {  	[tilespmem:s14], [sflag:$0x1] =	stream.linear.gather [hbm4b:s0+s30], $0xFA0, $0x38;
	[tilespmem:$0x1DE80] =	vst v63  }
0x62: {  	s26 =	rddreg [dreg:$0x4];
	s31 =	simm.s32 $0x0  }
0x63: {  	[tilespmem:s16], [sflag:$0x1] =	stream.linear.gather [hbm4b:s26+s30], $0xFA0, $0x38;
	[tilespmem:$0x1DE80] =	vst v63  }
.LBB2_24:
0x64: {  	s31 =	sadd.s32 $0x1, s31  }
0x65: {  	p4 =	sne.s32 s31, $0xC  }
.Ltmp6:
0x66: {  	_ = 	snop;
	(pc) =	sbr.rel @!p4 .LBB2_25-.Ltmp6, $1  }
0x67: {  	_ =	sdelay $0x3  }
.LBB2_8:
0x68: {  	s0 =	smul.u32 $0x1F40, s31;
	_ =	sdelay $0x1  }
0x69: {  	s1 =	sadd.s32 $0xFA0, s0  }
0x6a: {  	s6 =	sshrl.u32 s1, $0x3  }
0x6b: {  	s26 =	sadd.s32 s3, s1;
	s6 =	sadd.s32 s29, s6  }
0x6c: {  	[tilespmem:s17], [sflag:$0x2] =	stream.linear.gather [hbm4b:s6+s2], $0xFA0, $0x38;
	[tilespmem:$0x1DE80] =	vst v63  }
0x6d: {  	s1 =	sadd.s32 s4, s1;
	s6 =	sshrl.u32 s26, $0x3  }
0x6e: {  	s1 =	sshrl.u32 s1, $0x3;
	s6 =	sadd.s32 s5, s6  }
0x6f: {  	[tilespmem:s18], [sflag:$0x2] =	stream.linear.gather [hbm4b:s6+s2], $0xFA0, $0x38;
	[tilespmem:$0x1DE80] =	vst v63  }
0x70: {  	s1 =	sadd.s32 s5, s1  }
0x71: {  	[tilespmem:s19], [sflag:$0x2] =	stream.linear.gather [hbm4b:s1+s2], $0xFA0, $0x38;
	[tilespmem:$0x1DE80] =	vst v63  }
0x72: {  	_ =	swait.ge [sflag:s22], $0xFA0  }
0x73: {  	[sflag:s22] =	ssyncset.done $0x0  }
0x74: {  	[sflag:s22] =	ssyncadd.s32 $0xFFFFF060  }
0x75: {  	_ =	swait.ge [sflag:s22], $0xFA0  }
0x76: {  	[sflag:s22] =	ssyncset.done $0x0  }
0x77: {  	[sflag:s22] =	ssyncadd.s32 $0xFFFFF060  }
0x78: {  	_ =	swait.ge [sflag:s22], $0xFA0  }
0x79: {  	[sflag:s22] =	ssyncset.done $0x0  }
0x7a: {  	s7 =	simm.s32 $0x18040;
	[sflag:s22] =	ssyncadd.s32 $0xFFFFF060  }
0x7b: {  	v2 =	vld [tilespmem:s7+$0x30]  }
0x7c: {  	v3 =	vld [tilespmem:s7+$0xFFFFFFD0]  }
0x7d: {  	s1 =	simm.s32 $0x19FC0;
	v4 =	vld [tilespmem:s7+$0xFFFFFFE0]  }
0x7e: {  	v5 =	vld [tilespmem:s1+$0x30]  }
0x7f: {  	v6 =	vld [tilespmem:s7+$0xFFFFFFF0]  }
0x80: {  	v7 =	vld [tilespmem:s7+$0x0]  }
0x81: {  	v8 =	vld [tilespmem:s7+$0x10]  }
0x82: {  	v9 =	vld [tilespmem:s7+$0x20]  }
0x83: {  	v10 =	vld [tilespmem:s7+$0xFFFFFFC0]  }
0x84: {  	v11 =	vld [tilespmem:s1+$0xFFFFFFC0]  }
0x85: {  	v12 =	vld [tilespmem:s1+$0xFFFFFFD0]  }
0x86: {  	v13 =	vld [tilespmem:s1+$0xFFFFFFE0]  }
0x87: {  	v59 =	vld [tilespmem:s1+$0x0]  }
0x88: {  	v14 =	vld [tilespmem:s1+$0x10]  }
0x89: {  	v15 =	vld [tilespmem:s1+$0x20]  }
0x8a: {  	[tilespmem:v2+s30+$0x0] =	vst.idx.add.f32.msk $0xffff, v5  }
0x8b: {  	s6 =	simm.s32 $0x1BF40;
	[tilespmem:v10+s30+$0x0] =	vst.idx.add.f32.msk $0xffff, v11  }
0x8c: {  	v2 =	vadd.s32 $0x8000, v2;
	v5 =	vld [tilespmem:s6+$0x30]  }
0x8d: {  	[tilespmem:v3+s30+$0x0] =	vst.idx.add.f32.msk $0xffff, v12  }
0x8e: {  	[tilespmem:v4+s30+$0x0] =	vst.idx.add.f32.msk $0xffff, v13  }
0x8f: {  	[tilespmem:v7+s30+$0x0] =	vst.idx.add.f32.msk $0xffff, v59  }
0x90: {  	[tilespmem:v8+s30+$0x0] =	vst.idx.add.f32.msk $0xffff, v14  }
0x91: {  	[tilespmem:v2+s30+$0x0] =	vst.idx.add.f32.msk $0xffff, v5  }
0x92: {  	v2 =	vld [tilespmem:s1+$0xFFFFFFF0]  }
0x93: {  	[tilespmem:v9+s30+$0x0] =	vst.idx.add.f32.msk $0xffff, v15  }
0x94: {  	v60 =	vld [tilespmem:s6+$0xFFFFFFD0]  }
0x95: {  	v61 =	vld [tilespmem:s6+$0xFFFFFFE0]  }
0x96: {  	v3 =	vadd.s32 $0x8000, v3;
	v63 =	vld [tilespmem:s6+$0x0]  }
0x97: {  	[tilespmem:v6+s30+$0x0] =	vst.idx.add.f32.msk $0xffff, v2  }
0x98: {  	v10 =	vadd.s32 $0x8000, v10;
	v2 =	vld [tilespmem:s6+$0xFFFFFFC0]  }
0x99: {  	v4 =	vadd.s32 $0x8000, v4;
	v14 =	vld [tilespmem:s6+$0x10]  }
0x9a: {  	v7 =	vadd.s32 $0x8000, v7;
	v15 =	vld [tilespmem:s6+$0x20]  }
0x9b: {  	v8 =	vadd.s32 $0x8000, v8;
	[tilespmem:v3+s30+$0x0] =	vst.idx.add.f32.msk $0xffff, v60  }
0x9c: {  	v6 =	vadd.s32 $0x8000, v6;
	v62 =	vld [tilespmem:s6+$0xFFFFFFF0]  }
0x9d: {  	[tilespmem:v10+s30+$0x0] =	vst.idx.add.f32.msk $0xffff, v2;
	v2 =	vadd.s32 $0x8000, v9  }
0x9e: {  	[tilespmem:v4+s30+$0x0] =	vst.idx.add.f32.msk $0xffff, v61  }
0x9f: {  	[tilespmem:v7+s30+$0x0] =	vst.idx.add.f32.msk $0xffff, v63  }
0xa0: {  	[tilespmem:v8+s30+$0x0] =	vst.idx.add.f32.msk $0xffff, v14  }
0xa1: {  	[tilespmem:v6+s30+$0x0] =	vst.idx.add.f32.msk $0xffff, v62  }
0xa2: {  	s8 =	simm.s32 $0x180C0;
	s7 =	simm.s32 $0x0;
	[tilespmem:v2+s30+$0x0] =	vst.idx.add.f32.msk $0xffff, v15  }
.LBB2_9:
0xa3: {  	v2 =	vld [tilespmem:s8+$0x30];
	s7 =	sadd.s32 $0x8, s7  }
0xa4: {  	v3 =	vld [tilespmem:s8+$0xFFFFFFD0];
	p4 =	slt.u32 s7, $0xF0  }
0xa5: {  	s1 =	sadd.s32 $0x80, s1;
	v4 =	vld [tilespmem:s8+$0xFFFFFFE0]  }
0xa6: {  	v5 =	vld [tilespmem:s1+$0x30]  }
0xa7: {  	v6 =	vld [tilespmem:s8+$0xFFFFFFF0]  }
0xa8: {  	v7 =	vld [tilespmem:s8+$0x0]  }
0xa9: {  	v8 =	vadd.s32 $0x8000, v3;
	v9 =	vld [tilespmem:s8+$0x10]  }
0xaa: {  	s9 =	simm.s32 $0x0;
	v10 =	vadd.s32 $0x8000, v4;
	v11 =	vld [tilespmem:s8+$0x20]  }
0xab: {  	s6 =	sadd.s32 $0x80, s6;
	[tilespmem:v2+s9+$0x0] =	vst.idx.add.f32.msk $0xffff, v5  }
0xac: {  	v2 =	vadd.s32 $0x8000, v2;
	v5 =	vadd.s32 $0x8000, v6;
	v12 =	vld [tilespmem:s6+$0x30]  }
0xad: {  	v13 =	vld [tilespmem:s8+$0xFFFFFFC0];
	v14 =	vadd.s32 $0x8000, v7  }
0xae: {  	v15 =	vld [tilespmem:s1+$0xFFFFFFC0];
	v16 =	vadd.s32 $0x8000, v9  }
0xaf: {  	v17 =	vld [tilespmem:s1+$0xFFFFFFD0];
	v18 =	vadd.s32 $0x8000, v11  }
0xb0: {  	v19 =	vld [tilespmem:s1+$0xFFFFFFE0]  }
0xb1: {  	[tilespmem:v2+s9+$0x0] =	vst.idx.add.f32.msk $0xffff, v12  }
0xb2: {  	v2 =	vadd.s32 $0x8000, v13;
	v12 =	vld [tilespmem:s1+$0xFFFFFFF0]  }
0xb3: {  	v20 =	vld [tilespmem:s1+$0x0]  }
0xb4: {  	v21 =	vld [tilespmem:s1+$0x10]  }
0xb5: {  	v22 =	vld [tilespmem:s1+$0x20]  }
0xb6: {  	[tilespmem:v13+s9+$0x0] =	vst.idx.add.f32.msk $0xffff, v15  }
0xb7: {  	[tilespmem:v3+s9+$0x0] =	vst.idx.add.f32.msk $0xffff, v17  }
0xb8: {  	[tilespmem:v4+s9+$0x0] =	vst.idx.add.f32.msk $0xffff, v19  }
0xb9: {  	[tilespmem:v6+s9+$0x0] =	vst.idx.add.f32.msk $0xffff, v12  }
0xba: {  	[tilespmem:v7+s9+$0x0] =	vst.idx.add.f32.msk $0xffff, v20  }
0xbb: {  	[tilespmem:v9+s9+$0x0] =	vst.idx.add.f32.msk $0xffff, v21  }
0xbc: {  	[tilespmem:v11+s9+$0x0] =	vst.idx.add.f32.msk $0xffff, v22  }
0xbd: {  	v3 =	vld [tilespmem:s6+$0xFFFFFFC0]  }
0xbe: {  	v4 =	vld [tilespmem:s6+$0xFFFFFFD0]  }
0xbf: {  	v6 =	vld [tilespmem:s6+$0xFFFFFFE0]  }
0xc0: {  	v7 =	vld [tilespmem:s6+$0xFFFFFFF0]  }
0xc1: {  	v9 =	vld [tilespmem:s6+$0x0]  }
0xc2: {  	v11 =	vld [tilespmem:s6+$0x10]  }
0xc3: {  	v12 =	vld [tilespmem:s6+$0x20]  }
0xc4: {  	[tilespmem:v2+s9+$0x0] =	vst.idx.add.f32.msk $0xffff, v3  }
0xc5: {  	[tilespmem:v8+s9+$0x0] =	vst.idx.add.f32.msk $0xffff, v4  }
.Ltmp7:
0xc6: {  	[tilespmem:v10+s9+$0x0] =	vst.idx.add.f32.msk $0xffff, v6;
	(pc) =	sbr.rel @p4 .LBB2_9-.Ltmp7, $4  }
0xc7: {  	[tilespmem:v5+s9+$0x0] =	vst.idx.add.f32.msk $0xffff, v7  }
0xc8: {  	[tilespmem:v14+s9+$0x0] =	vst.idx.add.f32.msk $0xffff, v9  }
0xc9: {  	[tilespmem:v16+s9+$0x0] =	vst.idx.add.f32.msk $0xffff, v11  }
0xca: {  	s8 =	sadd.s32 $0x80, s8;
	[tilespmem:v18+s9+$0x0] =	vst.idx.add.f32.msk $0xffff, v12  }
.LBB2_10:
0xcb: {  	s1 =	sshra.s32 s9, $0x2  }
0xcc: {  	v2 =	vld [tilespmem:s1+$0x18F80];
	_ =	sdelay $0x2  }
0xcd: {  	v3 =	vld [tilespmem:s1+$0x1AF00];
	_ =	sdelay $0x4  }
0xce: {  	[tilespmem:v2+s2+$0x0] =	vst.idx.add.f32.msk $0xffff, v3  }
0xcf: {  	p4 =	sne.s32 s9, $0x40;
	v2 =	vadd.s32 $0x8000, v2;
	v3 =	vld [tilespmem:s1+$0x1CE80]  }
.Ltmp8:
0xd0: {  	_ = 	snop;
	(pc) =	sbr.rel @p4 .LBB2_10-.Ltmp8, $2  }
0xd1: {  	_ =	sdelay $0x2  }
0xd2: {  	s9 =	sadd.s32 $0x40, s9;
	[tilespmem:v2+s2+$0x0] =	vst.idx.add.f32.msk $0xffff, v3  }
.Ltmp9:
0xd3: {  	(pc) =	sbr.rel @p0 .LBB2_16-.Ltmp9, $1  }
0xd4: {  	_ =	sdelay $0x3  }
0xd5: {  	s1 =	simm.s32 $0x18040  }
0xd6: {  	v3 =	vld [tilespmem:s1+$0xFFFFFFC0]  }
0xd7: {  	v4 =	vld [tilespmem:s1+$0x30]  }
0xd8: {  	v5 =	vld [tilespmem:s1+$0x20]  }
0xd9: {  	v6 =	vld [tilespmem:s1+$0x10]  }
0xda: {  	v7 =	vld [tilespmem:s1+$0x0]  }
0xdb: {  	v8 =	vld [tilespmem:s1+$0xFFFFFFF0]  }
0xdc: {  	v9 =	vld [tilespmem:s1+$0xFFFFFFE0]  }
0xdd: {  	v2 =	vld [tilespmem:s1+$0xFFFFFFD0]  }
0xde: {  	[tilespmem:v3+s23+$0x0] =	vst.idx.add.f32.msk $0xffff, v1  }
0xdf: {  	[tilespmem:v4+s23+$0x0] =	vst.idx.add.f32.msk $0xffff, v1  }
0xe0: {  	[tilespmem:v5+s23+$0x0] =	vst.idx.add.f32.msk $0xffff, v1  }
0xe1: {  	[tilespmem:v6+s23+$0x0] =	vst.idx.add.f32.msk $0xffff, v1  }
0xe2: {  	[tilespmem:v7+s23+$0x0] =	vst.idx.add.f32.msk $0xffff, v1  }
0xe3: {  	[tilespmem:v8+s23+$0x0] =	vst.idx.add.f32.msk $0xffff, v1  }
0xe4: {  	s6 =	simm.s32 $0x0;
	[tilespmem:v9+s23+$0x0] =	vst.idx.add.f32.msk $0xffff, v1  }
.LBB2_13:
0xe5: {  	s6 =	sadd.s32 $0x8, s6;
	[tilespmem:v2+s23+$0x0] =	vst.idx.add.f32.msk $0xffff, v1;
	s1 =	sadd.s32 $0x80, s1  }
0xe6: {  	v3 =	vld [tilespmem:s1+$0xFFFFFFC0];
	p4 =	slt.u32 s6, $0xF0  }
0xe7: {  	v4 =	vld [tilespmem:s1+$0x30]  }
0xe8: {  	v5 =	vld [tilespmem:s1+$0x20]  }
0xe9: {  	v6 =	vld [tilespmem:s1+$0x10]  }
0xea: {  	v7 =	vld [tilespmem:s1+$0x0]  }
0xeb: {  	v8 =	vld [tilespmem:s1+$0xFFFFFFF0]  }
0xec: {  	v9 =	vld [tilespmem:s1+$0xFFFFFFE0]  }
0xed: {  	v2 =	vld [tilespmem:s1+$0xFFFFFFD0]  }
0xee: {  	[tilespmem:v3+s23+$0x0] =	vst.idx.add.f32.msk $0xffff, v1  }
0xef: {  	[tilespmem:v4+s23+$0x0] =	vst.idx.add.f32.msk $0xffff, v1  }
.Ltmp10:
0xf0: {  	[tilespmem:v5+s23+$0x0] =	vst.idx.add.f32.msk $0xffff, v1;
	(pc) =	sbr.rel @p4 .LBB2_13-.Ltmp10, $4  }
0xf1: {  	[tilespmem:v6+s23+$0x0] =	vst.idx.add.f32.msk $0xffff, v1  }
0xf2: {  	[tilespmem:v7+s23+$0x0] =	vst.idx.add.f32.msk $0xffff, v1  }
0xf3: {  	[tilespmem:v8+s23+$0x0] =	vst.idx.add.f32.msk $0xffff, v1  }
0xf4: {  	[tilespmem:v9+s23+$0x0] =	vst.idx.add.f32.msk $0xffff, v1  }
0xf5: {  	_ =	sdelay $0x3  }
0xf6: {  	[tilespmem:v2+s23+$0x0] =	vst.idx.add.f32.msk $0xffff, v1;
	s1 =	simm.s32 $0x0  }
.LBB2_15:
0xf7: {  	s6 =	sshra.s32 s1, $0x2  }
0xf8: {  	v2 =	vld [tilespmem:s6+$0x18F80];
	_ =	sdelay $0x2  }
0xf9: {  	p4 =	sne.s32 s1, $0x40  }
.Ltmp11:
0xfa: {  	_ = 	snop;
	(pc) =	sbr.rel @p4 .LBB2_15-.Ltmp11, $2  }
0xfb: {  	_ =	sdelay $0x2  }
0xfc: {  	s1 =	sadd.s32 $0x40, s1;
	[tilespmem:v2+s23+$0x0] =	vst.idx.add.f32.msk $0xffff, v1  }
.LBB2_16:
0xfd: {  	s0 =	sadd.s32 $0x1F40, s0  }
0xfe: {  	s1 =	sshrl.u32 s0, $0x3  }
0xff: {  	s26 =	sadd.s32 s3, s0;
	s1 =	sadd.s32 s29, s1  }
0x100: {  	[tilespmem:s12], [sflag:$0x1] =	stream.linear.gather [hbm4b:s1+s2], $0xFA0, $0x38;
	[tilespmem:$0x1DE80] =	vst v63  }
0x101: {  	s0 =	sadd.s32 s4, s0;
	s1 =	sshrl.u32 s26, $0x3  }
0x102: {  	s0 =	sshrl.u32 s0, $0x3;
	s1 =	sadd.s32 s5, s1  }
0x103: {  	[tilespmem:s14], [sflag:$0x1] =	stream.linear.gather [hbm4b:s1+s2], $0xFA0, $0x38;
	[tilespmem:$0x1DE80] =	vst v63  }
0x104: {  	s0 =	sadd.s32 s5, s0  }
0x105: {  	[tilespmem:s16], [sflag:$0x1] =	stream.linear.gather [hbm4b:s0+s2], $0xFA0, $0x38;
	[tilespmem:$0x1DE80] =	vst v63  }
0x106: {  	_ =	swait.ge [sflag:s24], $0xFA0  }
0x107: {  	[sflag:s24] =	ssyncset.done $0x0  }
0x108: {  	[sflag:s24] =	ssyncadd.s32 $0xFFFFF060  }
0x109: {  	_ =	swait.ge [sflag:s24], $0xFA0  }
0x10a: {  	[sflag:s24] =	ssyncset.done $0x0  }
0x10b: {  	[sflag:s24] =	ssyncadd.s32 $0xFFFFF060  }
0x10c: {  	_ =	swait.ge [sflag:s24], $0xFA0  }
0x10d: {  	[sflag:s24] =	ssyncset.done $0x0  }
0x10e: {  	s7 =	simm.s32 $0x19010;
	[sflag:s24] =	ssyncadd.s32 $0xFFFFF060  }
0x10f: {  	v2 =	vld [tilespmem:s7+$0x0]  }
0x110: {  	v3 =	vld [tilespmem:s7+$0xFFFFFFA0]  }
0x111: {  	s1 =	simm.s32 $0x1AF90;
	v4 =	vld [tilespmem:s7+$0xFFFFFFB0]  }
0x112: {  	v5 =	vld [tilespmem:s1+$0x0]  }
0x113: {  	v6 =	vld [tilespmem:s7+$0xFFFFFFC0]  }
0x114: {  	v7 =	vld [tilespmem:s7+$0xFFFFFFD0]  }
0x115: {  	v8 =	vld [tilespmem:s7+$0xFFFFFFE0]  }
0x116: {  	v9 =	vld [tilespmem:s7+$0xFFFFFFF0]  }
0x117: {  	v10 =	vld [tilespmem:s7+$0xFFFFFF90]  }
0x118: {  	v11 =	vld [tilespmem:s1+$0xFFFFFF90]  }
0x119: {  	v12 =	vld [tilespmem:s1+$0xFFFFFFA0]  }
0x11a: {  	v13 =	vld [tilespmem:s1+$0xFFFFFFB0]  }
0x11b: {  	v59 =	vld [tilespmem:s1+$0xFFFFFFD0]  }
0x11c: {  	v14 =	vld [tilespmem:s1+$0xFFFFFFE0]  }
0x11d: {  	s0 =	simm.s32 $0x0;
	v15 =	vld [tilespmem:s1+$0xFFFFFFF0]  }
0x11e: {  	[tilespmem:v2+s0+$0x0] =	vst.idx.add.f32.msk $0xffff, v5  }
0x11f: {  	s6 =	simm.s32 $0x1CF10;
	[tilespmem:v10+s0+$0x0] =	vst.idx.add.f32.msk $0xffff, v11  }
0x120: {  	v2 =	vadd.s32 $0x8000, v2;
	v5 =	vld [tilespmem:s6+$0x0]  }
0x121: {  	[tilespmem:v3+s0+$0x0] =	vst.idx.add.f32.msk $0xffff, v12  }
0x122: {  	[tilespmem:v4+s0+$0x0] =	vst.idx.add.f32.msk $0xffff, v13  }
0x123: {  	[tilespmem:v7+s0+$0x0] =	vst.idx.add.f32.msk $0xffff, v59  }
0x124: {  	[tilespmem:v8+s0+$0x0] =	vst.idx.add.f32.msk $0xffff, v14  }
0x125: {  	[tilespmem:v2+s0+$0x0] =	vst.idx.add.f32.msk $0xffff, v5  }
0x126: {  	v2 =	vld [tilespmem:s1+$0xFFFFFFC0]  }
0x127: {  	[tilespmem:v9+s0+$0x0] =	vst.idx.add.f32.msk $0xffff, v15  }
0x128: {  	v60 =	vld [tilespmem:s6+$0xFFFFFFA0]  }
0x129: {  	v61 =	vld [tilespmem:s6+$0xFFFFFFB0]  }
0x12a: {  	v3 =	vadd.s32 $0x8000, v3;
	v63 =	vld [tilespmem:s6+$0xFFFFFFD0]  }
0x12b: {  	[tilespmem:v6+s0+$0x0] =	vst.idx.add.f32.msk $0xffff, v2  }
0x12c: {  	v10 =	vadd.s32 $0x8000, v10;
	v2 =	vld [tilespmem:s6+$0xFFFFFF90]  }
0x12d: {  	v4 =	vadd.s32 $0x8000, v4;
	v14 =	vld [tilespmem:s6+$0xFFFFFFE0]  }
0x12e: {  	v7 =	vadd.s32 $0x8000, v7;
	v15 =	vld [tilespmem:s6+$0xFFFFFFF0]  }
0x12f: {  	v8 =	vadd.s32 $0x8000, v8;
	[tilespmem:v3+s0+$0x0] =	vst.idx.add.f32.msk $0xffff, v60  }
0x130: {  	v6 =	vadd.s32 $0x8000, v6;
	v62 =	vld [tilespmem:s6+$0xFFFFFFC0]  }
0x131: {  	[tilespmem:v10+s0+$0x0] =	vst.idx.add.f32.msk $0xffff, v2;
	v2 =	vadd.s32 $0x8000, v9  }
0x132: {  	[tilespmem:v4+s0+$0x0] =	vst.idx.add.f32.msk $0xffff, v61  }
0x133: {  	[tilespmem:v7+s0+$0x0] =	vst.idx.add.f32.msk $0xffff, v63  }
0x134: {  	[tilespmem:v8+s0+$0x0] =	vst.idx.add.f32.msk $0xffff, v14  }
0x135: {  	[tilespmem:v6+s0+$0x0] =	vst.idx.add.f32.msk $0xffff, v62  }
0x136: {  	s8 =	simm.s32 $0x19090;
	s7 =	simm.s32 $0x0;
	[tilespmem:v2+s0+$0x0] =	vst.idx.add.f32.msk $0xffff, v15  }
.LBB2_17:
0x137: {  	v2 =	vld [tilespmem:s8+$0x0];
	s7 =	sadd.s32 $0x8, s7  }
0x138: {  	v3 =	vld [tilespmem:s8+$0xFFFFFFA0];
	p4 =	slt.u32 s7, $0xF0  }
0x139: {  	s1 =	sadd.s32 $0x80, s1;
	v4 =	vld [tilespmem:s8+$0xFFFFFFB0]  }
0x13a: {  	v5 =	vld [tilespmem:s1+$0x0]  }
0x13b: {  	v6 =	vld [tilespmem:s8+$0xFFFFFFC0]  }
0x13c: {  	v7 =	vld [tilespmem:s8+$0xFFFFFFD0]  }
0x13d: {  	v8 =	vadd.s32 $0x8000, v3;
	v9 =	vld [tilespmem:s8+$0xFFFFFFE0]  }
0x13e: {  	v10 =	vadd.s32 $0x8000, v4;
	v11 =	vld [tilespmem:s8+$0xFFFFFFF0]  }
0x13f: {  	s6 =	sadd.s32 $0x80, s6;
	[tilespmem:v2+s0+$0x0] =	vst.idx.add.f32.msk $0xffff, v5  }
0x140: {  	v2 =	vadd.s32 $0x8000, v2;
	v5 =	vadd.s32 $0x8000, v6;
	v12 =	vld [tilespmem:s6+$0x0]  }
0x141: {  	v13 =	vld [tilespmem:s8+$0xFFFFFF90];
	v14 =	vadd.s32 $0x8000, v7  }
0x142: {  	v15 =	vld [tilespmem:s1+$0xFFFFFF90];
	v16 =	vadd.s32 $0x8000, v9  }
0x143: {  	v17 =	vld [tilespmem:s1+$0xFFFFFFA0];
	v18 =	vadd.s32 $0x8000, v11  }
0x144: {  	v19 =	vld [tilespmem:s1+$0xFFFFFFB0]  }
0x145: {  	[tilespmem:v2+s0+$0x0] =	vst.idx.add.f32.msk $0xffff, v12  }
0x146: {  	v2 =	vadd.s32 $0x8000, v13;
	v12 =	vld [tilespmem:s1+$0xFFFFFFC0]  }
0x147: {  	v20 =	vld [tilespmem:s1+$0xFFFFFFD0]  }
0x148: {  	v21 =	vld [tilespmem:s1+$0xFFFFFFE0]  }
0x149: {  	v22 =	vld [tilespmem:s1+$0xFFFFFFF0]  }
0x14a: {  	[tilespmem:v13+s0+$0x0] =	vst.idx.add.f32.msk $0xffff, v15  }
0x14b: {  	[tilespmem:v3+s0+$0x0] =	vst.idx.add.f32.msk $0xffff, v17  }
0x14c: {  	[tilespmem:v4+s0+$0x0] =	vst.idx.add.f32.msk $0xffff, v19  }
0x14d: {  	[tilespmem:v6+s0+$0x0] =	vst.idx.add.f32.msk $0xffff, v12  }
0x14e: {  	[tilespmem:v7+s0+$0x0] =	vst.idx.add.f32.msk $0xffff, v20  }
0x14f: {  	[tilespmem:v9+s0+$0x0] =	vst.idx.add.f32.msk $0xffff, v21  }
0x150: {  	[tilespmem:v11+s0+$0x0] =	vst.idx.add.f32.msk $0xffff, v22  }
0x151: {  	v3 =	vld [tilespmem:s6+$0xFFFFFF90]  }
0x152: {  	v4 =	vld [tilespmem:s6+$0xFFFFFFA0]  }
0x153: {  	v6 =	vld [tilespmem:s6+$0xFFFFFFB0]  }
0x154: {  	v7 =	vld [tilespmem:s6+$0xFFFFFFC0]  }
0x155: {  	v9 =	vld [tilespmem:s6+$0xFFFFFFD0]  }
0x156: {  	v11 =	vld [tilespmem:s6+$0xFFFFFFE0]  }
0x157: {  	v12 =	vld [tilespmem:s6+$0xFFFFFFF0]  }
0x158: {  	[tilespmem:v2+s0+$0x0] =	vst.idx.add.f32.msk $0xffff, v3  }
0x159: {  	[tilespmem:v8+s0+$0x0] =	vst.idx.add.f32.msk $0xffff, v4  }
.Ltmp12:
0x15a: {  	[tilespmem:v10+s0+$0x0] =	vst.idx.add.f32.msk $0xffff, v6;
	(pc) =	sbr.rel @p4 .LBB2_17-.Ltmp12, $4  }
0x15b: {  	[tilespmem:v5+s0+$0x0] =	vst.idx.add.f32.msk $0xffff, v7  }
0x15c: {  	[tilespmem:v14+s0+$0x0] =	vst.idx.add.f32.msk $0xffff, v9  }
0x15d: {  	[tilespmem:v16+s0+$0x0] =	vst.idx.add.f32.msk $0xffff, v11  }
0x15e: {  	s8 =	sadd.s32 $0x80, s8;
	[tilespmem:v18+s0+$0x0] =	vst.idx.add.f32.msk $0xffff, v12  }
.LBB2_18:
0x15f: {  	s1 =	sshra.s32 s0, $0x2  }
0x160: {  	v2 =	vld [tilespmem:s1+$0x19F20];
	_ =	sdelay $0x2  }
0x161: {  	v3 =	vld [tilespmem:s1+$0x1BEA0];
	_ =	sdelay $0x4  }
0x162: {  	[tilespmem:v2+s2+$0x0] =	vst.idx.add.f32.msk $0xffff, v3  }
0x163: {  	p4 =	sne.s32 s0, $0x40;
	v2 =	vadd.s32 $0x8000, v2;
	v3 =	vld [tilespmem:s1+$0x1DE20]  }
.Ltmp13:
0x164: {  	_ = 	snop;
	(pc) =	sbr.rel @p4 .LBB2_18-.Ltmp13, $2  }
0x165: {  	_ =	sdelay $0x2  }
0x166: {  	s0 =	sadd.s32 $0x40, s0;
	[tilespmem:v2+s2+$0x0] =	vst.idx.add.f32.msk $0xffff, v3  }
.Ltmp14:
0x167: {  	(pc) =	sbr.rel @p0 .LBB2_24-.Ltmp14, $1  }
0x168: {  	_ =	sdelay $0x3  }
0x169: {  	s0 =	simm.s32 $0x19010  }
0x16a: {  	v3 =	vld [tilespmem:s0+$0xFFFFFF90]  }
0x16b: {  	v4 =	vld [tilespmem:s0+$0x0]  }
0x16c: {  	v5 =	vld [tilespmem:s0+$0xFFFFFFF0]  }
0x16d: {  	v6 =	vld [tilespmem:s0+$0xFFFFFFE0]  }
0x16e: {  	v7 =	vld [tilespmem:s0+$0xFFFFFFD0]  }
0x16f: {  	v8 =	vld [tilespmem:s0+$0xFFFFFFC0]  }
0x170: {  	v9 =	vld [tilespmem:s0+$0xFFFFFFB0]  }
0x171: {  	v2 =	vld [tilespmem:s0+$0xFFFFFFA0]  }
0x172: {  	[tilespmem:v3+s23+$0x0] =	vst.idx.add.f32.msk $0xffff, v1  }
0x173: {  	[tilespmem:v4+s23+$0x0] =	vst.idx.add.f32.msk $0xffff, v1  }
0x174: {  	[tilespmem:v5+s23+$0x0] =	vst.idx.add.f32.msk $0xffff, v1  }
0x175: {  	[tilespmem:v6+s23+$0x0] =	vst.idx.add.f32.msk $0xffff, v1  }
0x176: {  	[tilespmem:v7+s23+$0x0] =	vst.idx.add.f32.msk $0xffff, v1  }
0x177: {  	[tilespmem:v8+s23+$0x0] =	vst.idx.add.f32.msk $0xffff, v1  }
0x178: {  	s1 =	simm.s32 $0x0;
	[tilespmem:v9+s23+$0x0] =	vst.idx.add.f32.msk $0xffff, v1  }
.LBB2_21:
0x179: {  	s1 =	sadd.s32 $0x8, s1;
	[tilespmem:v2+s23+$0x0] =	vst.idx.add.f32.msk $0xffff, v1;
	s0 =	sadd.s32 $0x80, s0  }
0x17a: {  	v3 =	vld [tilespmem:s0+$0xFFFFFF90];
	p4 =	slt.u32 s1, $0xF0  }
0x17b: {  	v4 =	vld [tilespmem:s0+$0x0]  }
0x17c: {  	v5 =	vld [tilespmem:s0+$0xFFFFFFF0]  }
0x17d: {  	v6 =	vld [tilespmem:s0+$0xFFFFFFE0]  }
0x17e: {  	v7 =	vld [tilespmem:s0+$0xFFFFFFD0]  }
0x17f: {  	v8 =	vld [tilespmem:s0+$0xFFFFFFC0]  }
0x180: {  	v9 =	vld [tilespmem:s0+$0xFFFFFFB0]  }
0x181: {  	v2 =	vld [tilespmem:s0+$0xFFFFFFA0]  }
0x182: {  	[tilespmem:v3+s23+$0x0] =	vst.idx.add.f32.msk $0xffff, v1  }
0x183: {  	[tilespmem:v4+s23+$0x0] =	vst.idx.add.f32.msk $0xffff, v1  }
.Ltmp15:
0x184: {  	[tilespmem:v5+s23+$0x0] =	vst.idx.add.f32.msk $0xffff, v1;
	(pc) =	sbr.rel @p4 .LBB2_21-.Ltmp15, $4  }
0x185: {  	[tilespmem:v6+s23+$0x0] =	vst.idx.add.f32.msk $0xffff, v1  }
0x186: {  	[tilespmem:v7+s23+$0x0] =	vst.idx.add.f32.msk $0xffff, v1  }
0x187: {  	[tilespmem:v8+s23+$0x0] =	vst.idx.add.f32.msk $0xffff, v1  }
0x188: {  	[tilespmem:v9+s23+$0x0] =	vst.idx.add.f32.msk $0xffff, v1  }
0x189: {  	_ =	sdelay $0x3  }
0x18a: {  	[tilespmem:v2+s23+$0x0] =	vst.idx.add.f32.msk $0xffff, v1;
	s0 =	simm.s32 $0x0  }
.LBB2_23:
0x18b: {  	s1 =	sshra.s32 s0, $0x2  }
0x18c: {  	v2 =	vld [tilespmem:s1+$0x19F20];
	_ =	sdelay $0x2  }
0x18d: {  	p4 =	sne.s32 s0, $0x40  }
.Ltmp16:
0x18e: {  	_ = 	snop;
	(pc) =	sbr.rel @p4 .LBB2_23-.Ltmp16, $2  }
0x18f: {  	_ =	sdelay $0x2  }
0x190: {  	s0 =	sadd.s32 $0x40, s0;
	[tilespmem:v2+s23+$0x0] =	vst.idx.add.f32.msk $0xffff, v1  }
.Ltmp17:
0x191: {  	_ = 	snop;
	(pc) =	sbr.rel .LBB2_24-.Ltmp17, $1  }
0x192: {  	_ =	sdelay $0x3  }
.LBB2_25:
0x193: {  	_ =	swait.ge [sflag:s22], $0xFA0  }
0x194: {  	[sflag:s22] =	ssyncset.done $0x0  }
0x195: {  	[sflag:s22] =	ssyncadd.s32 $0xFFFFF060  }
0x196: {  	_ =	swait.ge [sflag:s22], $0xFA0  }
0x197: {  	[sflag:s22] =	ssyncset.done $0x0  }
0x198: {  	[sflag:s22] =	ssyncadd.s32 $0xFFFFF060  }
0x199: {  	_ =	swait.ge [sflag:s22], $0xFA0  }
0x19a: {  	[sflag:s22] =	ssyncset.done $0x0  }
0x19b: {  	s7 =	simm.s32 $0x18040;
	[sflag:s22] =	ssyncadd.s32 $0xFFFFF060  }
0x19c: {  	v2 =	vld [tilespmem:s7+$0x30]  }
0x19d: {  	v3 =	vld [tilespmem:s7+$0xFFFFFFD0]  }
0x19e: {  	s1 =	simm.s32 $0x19FC0;
	v4 =	vld [tilespmem:s7+$0xFFFFFFE0]  }
0x19f: {  	v5 =	vld [tilespmem:s1+$0x30]  }
0x1a0: {  	v6 =	vld [tilespmem:s7+$0xFFFFFFF0]  }
0x1a1: {  	v7 =	vld [tilespmem:s7+$0x0]  }
0x1a2: {  	v8 =	vld [tilespmem:s7+$0x10]  }
0x1a3: {  	v9 =	vld [tilespmem:s7+$0x20]  }
0x1a4: {  	v10 =	vld [tilespmem:s7+$0xFFFFFFC0]  }
0x1a5: {  	v11 =	vld [tilespmem:s1+$0xFFFFFFC0]  }
0x1a6: {  	v12 =	vld [tilespmem:s1+$0xFFFFFFD0]  }
0x1a7: {  	v13 =	vld [tilespmem:s1+$0xFFFFFFE0]  }
0x1a8: {  	v59 =	vld [tilespmem:s1+$0x0]  }
0x1a9: {  	v14 =	vld [tilespmem:s1+$0x10]  }
0x1aa: {  	s0 =	simm.s32 $0x0;
	v15 =	vld [tilespmem:s1+$0x20]  }
0x1ab: {  	[tilespmem:v2+s0+$0x0] =	vst.idx.add.f32.msk $0xffff, v5  }
0x1ac: {  	s6 =	simm.s32 $0x1BF40;
	[tilespmem:v10+s0+$0x0] =	vst.idx.add.f32.msk $0xffff, v11  }
0x1ad: {  	v2 =	vadd.s32 $0x8000, v2;
	v5 =	vld [tilespmem:s6+$0x30]  }
0x1ae: {  	[tilespmem:v3+s0+$0x0] =	vst.idx.add.f32.msk $0xffff, v12  }
0x1af: {  	[tilespmem:v4+s0+$0x0] =	vst.idx.add.f32.msk $0xffff, v13  }
0x1b0: {  	[tilespmem:v7+s0+$0x0] =	vst.idx.add.f32.msk $0xffff, v59  }
0x1b1: {  	[tilespmem:v8+s0+$0x0] =	vst.idx.add.f32.msk $0xffff, v14  }
0x1b2: {  	[tilespmem:v2+s0+$0x0] =	vst.idx.add.f32.msk $0xffff, v5  }
0x1b3: {  	v2 =	vld [tilespmem:s1+$0xFFFFFFF0]  }
0x1b4: {  	[tilespmem:v9+s0+$0x0] =	vst.idx.add.f32.msk $0xffff, v15  }
0x1b5: {  	v60 =	vld [tilespmem:s6+$0xFFFFFFD0]  }
0x1b6: {  	v61 =	vld [tilespmem:s6+$0xFFFFFFE0]  }
0x1b7: {  	v3 =	vadd.s32 $0x8000, v3;
	v63 =	vld [tilespmem:s6+$0x0]  }
0x1b8: {  	[tilespmem:v6+s0+$0x0] =	vst.idx.add.f32.msk $0xffff, v2  }
0x1b9: {  	v10 =	vadd.s32 $0x8000, v10;
	v2 =	vld [tilespmem:s6+$0xFFFFFFC0]  }
0x1ba: {  	v4 =	vadd.s32 $0x8000, v4;
	v14 =	vld [tilespmem:s6+$0x10]  }
0x1bb: {  	v7 =	vadd.s32 $0x8000, v7;
	v15 =	vld [tilespmem:s6+$0x20]  }
0x1bc: {  	v8 =	vadd.s32 $0x8000, v8;
	[tilespmem:v3+s0+$0x0] =	vst.idx.add.f32.msk $0xffff, v60  }
0x1bd: {  	v6 =	vadd.s32 $0x8000, v6;
	v62 =	vld [tilespmem:s6+$0xFFFFFFF0]  }
0x1be: {  	[tilespmem:v10+s0+$0x0] =	vst.idx.add.f32.msk $0xffff, v2;
	v2 =	vadd.s32 $0x8000, v9  }
0x1bf: {  	[tilespmem:v4+s0+$0x0] =	vst.idx.add.f32.msk $0xffff, v61  }
0x1c0: {  	[tilespmem:v7+s0+$0x0] =	vst.idx.add.f32.msk $0xffff, v63  }
0x1c1: {  	[tilespmem:v8+s0+$0x0] =	vst.idx.add.f32.msk $0xffff, v14  }
0x1c2: {  	[tilespmem:v6+s0+$0x0] =	vst.idx.add.f32.msk $0xffff, v62  }
0x1c3: {  	s8 =	simm.s32 $0x180C0;
	s7 =	simm.s32 $0x0;
	[tilespmem:v2+s0+$0x0] =	vst.idx.add.f32.msk $0xffff, v15  }
.LBB2_26:
0x1c4: {  	v2 =	vld [tilespmem:s8+$0x30];
	s7 =	sadd.s32 $0x8, s7  }
0x1c5: {  	v3 =	vld [tilespmem:s8+$0xFFFFFFD0];
	p4 =	slt.u32 s7, $0xF0  }
0x1c6: {  	s1 =	sadd.s32 $0x80, s1;
	v4 =	vld [tilespmem:s8+$0xFFFFFFE0]  }
0x1c7: {  	v5 =	vld [tilespmem:s1+$0x30]  }
0x1c8: {  	v6 =	vld [tilespmem:s8+$0xFFFFFFF0]  }
0x1c9: {  	v7 =	vld [tilespmem:s8+$0x0]  }
0x1ca: {  	v8 =	vadd.s32 $0x8000, v3;
	v9 =	vld [tilespmem:s8+$0x10]  }
0x1cb: {  	v10 =	vadd.s32 $0x8000, v4;
	v11 =	vld [tilespmem:s8+$0x20]  }
0x1cc: {  	s6 =	sadd.s32 $0x80, s6;
	[tilespmem:v2+s0+$0x0] =	vst.idx.add.f32.msk $0xffff, v5  }
0x1cd: {  	v2 =	vadd.s32 $0x8000, v2;
	v5 =	vadd.s32 $0x8000, v6;
	v12 =	vld [tilespmem:s6+$0x30]  }
0x1ce: {  	v13 =	vld [tilespmem:s8+$0xFFFFFFC0];
	v14 =	vadd.s32 $0x8000, v7  }
0x1cf: {  	v15 =	vld [tilespmem:s1+$0xFFFFFFC0];
	v16 =	vadd.s32 $0x8000, v9  }
0x1d0: {  	v17 =	vld [tilespmem:s1+$0xFFFFFFD0];
	v18 =	vadd.s32 $0x8000, v11  }
0x1d1: {  	v19 =	vld [tilespmem:s1+$0xFFFFFFE0]  }
0x1d2: {  	[tilespmem:v2+s0+$0x0] =	vst.idx.add.f32.msk $0xffff, v12  }
0x1d3: {  	v2 =	vadd.s32 $0x8000, v13;
	v12 =	vld [tilespmem:s1+$0xFFFFFFF0]  }
0x1d4: {  	v20 =	vld [tilespmem:s1+$0x0]  }
0x1d5: {  	v21 =	vld [tilespmem:s1+$0x10]  }
0x1d6: {  	v22 =	vld [tilespmem:s1+$0x20]  }
0x1d7: {  	[tilespmem:v13+s0+$0x0] =	vst.idx.add.f32.msk $0xffff, v15  }
0x1d8: {  	[tilespmem:v3+s0+$0x0] =	vst.idx.add.f32.msk $0xffff, v17  }
0x1d9: {  	[tilespmem:v4+s0+$0x0] =	vst.idx.add.f32.msk $0xffff, v19  }
0x1da: {  	[tilespmem:v6+s0+$0x0] =	vst.idx.add.f32.msk $0xffff, v12  }
0x1db: {  	[tilespmem:v7+s0+$0x0] =	vst.idx.add.f32.msk $0xffff, v20  }
0x1dc: {  	[tilespmem:v9+s0+$0x0] =	vst.idx.add.f32.msk $0xffff, v21  }
0x1dd: {  	[tilespmem:v11+s0+$0x0] =	vst.idx.add.f32.msk $0xffff, v22  }
0x1de: {  	v3 =	vld [tilespmem:s6+$0xFFFFFFC0]  }
0x1df: {  	v4 =	vld [tilespmem:s6+$0xFFFFFFD0]  }
0x1e0: {  	v6 =	vld [tilespmem:s6+$0xFFFFFFE0]  }
0x1e1: {  	v7 =	vld [tilespmem:s6+$0xFFFFFFF0]  }
0x1e2: {  	v9 =	vld [tilespmem:s6+$0x0]  }
0x1e3: {  	v11 =	vld [tilespmem:s6+$0x10]  }
0x1e4: {  	v12 =	vld [tilespmem:s6+$0x20]  }
0x1e5: {  	[tilespmem:v2+s0+$0x0] =	vst.idx.add.f32.msk $0xffff, v3  }
0x1e6: {  	[tilespmem:v8+s0+$0x0] =	vst.idx.add.f32.msk $0xffff, v4  }
.Ltmp18:
0x1e7: {  	[tilespmem:v10+s0+$0x0] =	vst.idx.add.f32.msk $0xffff, v6;
	(pc) =	sbr.rel @p4 .LBB2_26-.Ltmp18, $4  }
0x1e8: {  	[tilespmem:v5+s0+$0x0] =	vst.idx.add.f32.msk $0xffff, v7  }
0x1e9: {  	[tilespmem:v14+s0+$0x0] =	vst.idx.add.f32.msk $0xffff, v9  }
0x1ea: {  	[tilespmem:v16+s0+$0x0] =	vst.idx.add.f32.msk $0xffff, v11  }
0x1eb: {  	s8 =	sadd.s32 $0x80, s8;
	[tilespmem:v18+s0+$0x0] =	vst.idx.add.f32.msk $0xffff, v12  }
.LBB2_27:
0x1ec: {  	s1 =	sshra.s32 s0, $0x2  }
0x1ed: {  	v2 =	vld [tilespmem:s1+$0x18F80];
	_ =	sdelay $0x2  }
0x1ee: {  	v3 =	vld [tilespmem:s1+$0x1AF00];
	_ =	sdelay $0x4  }
0x1ef: {  	[tilespmem:v2+s2+$0x0] =	vst.idx.add.f32.msk $0xffff, v3  }
0x1f0: {  	p4 =	sne.s32 s0, $0x40;
	v2 =	vadd.s32 $0x8000, v2;
	v3 =	vld [tilespmem:s1+$0x1CE80]  }
.Ltmp19:
0x1f1: {  	_ = 	snop;
	(pc) =	sbr.rel @p4 .LBB2_27-.Ltmp19, $2  }
0x1f2: {  	_ =	sdelay $0x2  }
0x1f3: {  	s0 =	sadd.s32 $0x40, s0;
	[tilespmem:v2+s2+$0x0] =	vst.idx.add.f32.msk $0xffff, v3  }
.Ltmp20:
0x1f4: {  	(pc) =	sbr.rel @p0 .LBB2_33-.Ltmp20, $1  }
0x1f5: {  	_ =	sdelay $0x3  }
0x1f6: {  	s0 =	simm.s32 $0x18040  }
0x1f7: {  	v3 =	vld [tilespmem:s0+$0xFFFFFFC0]  }
0x1f8: {  	v4 =	vld [tilespmem:s0+$0x30]  }
0x1f9: {  	v5 =	vld [tilespmem:s0+$0x20]  }
0x1fa: {  	v6 =	vld [tilespmem:s0+$0x10]  }
0x1fb: {  	v7 =	vld [tilespmem:s0+$0x0]  }
0x1fc: {  	v8 =	vld [tilespmem:s0+$0xFFFFFFF0]  }
0x1fd: {  	v9 =	vld [tilespmem:s0+$0xFFFFFFE0]  }
0x1fe: {  	v2 =	vld [tilespmem:s0+$0xFFFFFFD0]  }
0x1ff: {  	[tilespmem:v3+s23+$0x0] =	vst.idx.add.f32.msk $0xffff, v1  }
0x200: {  	[tilespmem:v4+s23+$0x0] =	vst.idx.add.f32.msk $0xffff, v1  }
0x201: {  	[tilespmem:v5+s23+$0x0] =	vst.idx.add.f32.msk $0xffff, v1  }
0x202: {  	[tilespmem:v6+s23+$0x0] =	vst.idx.add.f32.msk $0xffff, v1  }
0x203: {  	[tilespmem:v7+s23+$0x0] =	vst.idx.add.f32.msk $0xffff, v1  }
0x204: {  	[tilespmem:v8+s23+$0x0] =	vst.idx.add.f32.msk $0xffff, v1  }
0x205: {  	s1 =	simm.s32 $0x0;
	[tilespmem:v9+s23+$0x0] =	vst.idx.add.f32.msk $0xffff, v1  }
.LBB2_30:
0x206: {  	s1 =	sadd.s32 $0x8, s1;
	[tilespmem:v2+s23+$0x0] =	vst.idx.add.f32.msk $0xffff, v1;
	s0 =	sadd.s32 $0x80, s0  }
0x207: {  	v3 =	vld [tilespmem:s0+$0xFFFFFFC0];
	p4 =	slt.u32 s1, $0xF0  }
0x208: {  	v4 =	vld [tilespmem:s0+$0x30]  }
0x209: {  	v5 =	vld [tilespmem:s0+$0x20]  }
0x20a: {  	v6 =	vld [tilespmem:s0+$0x10]  }
0x20b: {  	v7 =	vld [tilespmem:s0+$0x0]  }
0x20c: {  	v8 =	vld [tilespmem:s0+$0xFFFFFFF0]  }
0x20d: {  	v9 =	vld [tilespmem:s0+$0xFFFFFFE0]  }
0x20e: {  	v2 =	vld [tilespmem:s0+$0xFFFFFFD0]  }
0x20f: {  	[tilespmem:v3+s23+$0x0] =	vst.idx.add.f32.msk $0xffff, v1  }
0x210: {  	[tilespmem:v4+s23+$0x0] =	vst.idx.add.f32.msk $0xffff, v1  }
.Ltmp21:
0x211: {  	[tilespmem:v5+s23+$0x0] =	vst.idx.add.f32.msk $0xffff, v1;
	(pc) =	sbr.rel @p4 .LBB2_30-.Ltmp21, $4  }
0x212: {  	[tilespmem:v6+s23+$0x0] =	vst.idx.add.f32.msk $0xffff, v1  }
0x213: {  	[tilespmem:v7+s23+$0x0] =	vst.idx.add.f32.msk $0xffff, v1  }
0x214: {  	[tilespmem:v8+s23+$0x0] =	vst.idx.add.f32.msk $0xffff, v1  }
0x215: {  	[tilespmem:v9+s23+$0x0] =	vst.idx.add.f32.msk $0xffff, v1  }
0x216: {  	_ =	sdelay $0x3  }
0x217: {  	[tilespmem:v2+s23+$0x0] =	vst.idx.add.f32.msk $0xffff, v1;
	s0 =	simm.s32 $0x0  }
.LBB2_32:
0x218: {  	s1 =	sshra.s32 s0, $0x2  }
0x219: {  	v2 =	vld [tilespmem:s1+$0x18F80];
	_ =	sdelay $0x2  }
0x21a: {  	p4 =	sne.s32 s0, $0x40  }
.Ltmp22:
0x21b: {  	_ = 	snop;
	(pc) =	sbr.rel @p4 .LBB2_32-.Ltmp22, $2  }
0x21c: {  	_ =	sdelay $0x2  }
0x21d: {  	s0 =	sadd.s32 $0x40, s0;
	[tilespmem:v2+s23+$0x0] =	vst.idx.add.f32.msk $0xffff, v1  }
.LBB2_33:
0x21e: {  	s0 =	rddreg [dreg:$0x5]  }
0x21f: {  	[hbm4b:s0+s2] =	stream.linear.scatter [tilespmem:s2], [sflag:$0x3], $0x8000, $0x38;
	[tilespmem:$0x1DE80] =	vst v63  }
0x220: {  	_ =	swait.ge [sflag:s25], $0x8000  }
0x221: {  	[sflag:s25] =	ssyncset.done $0x0  }
0x222: {  	s1 =	simm.s32 $0x8000;
	s31 =	rddreg [dreg:$0x6];
	[sflag:s25] =	ssyncadd.s32 $0xFFFF8000  }
0x223: {  	[hbm4b:s31+s2] =	stream.linear.scatter [tilespmem:s1], [sflag:$0x3], $0x8000, $0x38;
	[tilespmem:$0x1DE80] =	vst v63  }
0x224: {  	_ =	swait.ge [sflag:s25], $0x8000  }
0x225: {  	s0 =	simm.s32 @!p0 $0x0;
	[sflag:s25] =	ssyncset.done $0x0  }
0x226: {  	s1 =	simm.s32 @!p0 $0x10000;
	s6 =	rddreg [dreg:$0x13];
	[sflag:s25] =	ssyncadd.s32 $0xFFFF8000  }
0x227: {  	[hbm4b:s6+s0] =	stream.linear.scatter @!p0 [tilespmem:s1], [sflag:$0x3], $0x8000, $0x38;
	[tilespmem:$0x1DE80] =	vst v63  }
0x228: {  	s0 =	simm.s32 @!p0 $0x3  }
0x229: {  	_ =	swait.ge @!p0 [sflag:s0], $0x8000  }
0x22a: {  	[sflag:s0] =	ssyncset.done @!p0 $0x0  }
0x22b: {  	[sflag:s0] =	ssyncadd.s32 @!p0 $0xFFFF8000;
	s0 =	simm.s32 $0x40  }
0x22c: {  	[tilespmem:s0+$0xFFFFFFC0] =	vst v0  }
0x22d: {  	[tilespmem:s0+$0x30] =	vst v0  }
0x22e: {  	[tilespmem:s0+$0x20] =	vst v0  }
0x22f: {  	[tilespmem:s0+$0x10] =	vst v0  }
0x230: {  	[tilespmem:s0+$0x0] =	vst v0  }
0x231: {  	[tilespmem:s0+$0xFFFFFFF0] =	vst v0  }
0x232: {  	s1 =	simm.s32 $0x0;
	[tilespmem:s0+$0xFFFFFFE0] =	vst v0  }
.LBB2_34:
0x233: {  	s1 =	sadd.s32 $0x8, s1;
	[tilespmem:s0+$0xFFFFFFD0] =	vst v0;
	s0 =	sadd.s32 $0x80, s0  }
0x234: {  	[tilespmem:s0+$0xFFFFFFC0] =	vst v0;
	p4 =	slt.u32 s1, $0xFF8  }
0x235: {  	[tilespmem:s0+$0x30] =	vst v0  }
.Ltmp23:
0x236: {  	[tilespmem:s0+$0x20] =	vst v0;
	(pc) =	sbr.rel @p4 .LBB2_34-.Ltmp23, $4  }
0x237: {  	[tilespmem:s0+$0x10] =	vst v0  }
0x238: {  	[tilespmem:s0+$0x0] =	vst v0  }
0x239: {  	[tilespmem:s0+$0xFFFFFFF0] =	vst v0  }
0x23a: {  	[tilespmem:s0+$0xFFFFFFE0] =	vst v0  }
.Ltmp24:
0x23b: {  	(pc) =	sbr.rel @p1 .LBB2_39-.Ltmp24, $2  }
0x23c: {  	_ =	sdelay $0x2  }
0x23d: {  	[tilespmem:s0+$0xFFFFFFD0] =	vst v0  }
0x23e: {  	s0 =	simm.s32 $0x10040  }
0x23f: {  	[tilespmem:s0+$0xFFFFFFC0] =	vst v0  }
0x240: {  	[tilespmem:s0+$0x30] =	vst v0  }
0x241: {  	[tilespmem:s0+$0x20] =	vst v0  }
0x242: {  	[tilespmem:s0+$0x10] =	vst v0  }
0x243: {  	[tilespmem:s0+$0x0] =	vst v0  }
0x244: {  	[tilespmem:s0+$0xFFFFFFF0] =	vst v0  }
0x245: {  	s1 =	simm.s32 $0x0;
	[tilespmem:s0+$0xFFFFFFE0] =	vst v0  }
.LBB2_37:
0x246: {  	s1 =	sadd.s32 $0x8, s1;
	[tilespmem:s0+$0xFFFFFFD0] =	vst v0;
	s0 =	sadd.s32 $0x80, s0  }
0x247: {  	[tilespmem:s0+$0xFFFFFFC0] =	vst v0;
	p4 =	slt.u32 s1, $0x7F8  }
0x248: {  	[tilespmem:s0+$0x30] =	vst v0  }
.Ltmp25:
0x249: {  	[tilespmem:s0+$0x20] =	vst v0;
	(pc) =	sbr.rel @p4 .LBB2_37-.Ltmp25, $4  }
0x24a: {  	[tilespmem:s0+$0x10] =	vst v0  }
0x24b: {  	[tilespmem:s0+$0x0] =	vst v0  }
0x24c: {  	[tilespmem:s0+$0xFFFFFFF0] =	vst v0  }
0x24d: {  	[tilespmem:s0+$0xFFFFFFE0] =	vst v0  }
0x24e: {  	[tilespmem:s0+$0xFFFFFFD0] =	vst v0  }
.LBB2_39:
0x24f: {  	s30 =	simm.s32 $0x0;
	s0 =	rddreg [dreg:$0x14]  }
0x250: {  	[tilespmem:s12], [sflag:$0x1] =	stream.linear.gather [hbm4b:s0+s30], $0xFA0, $0x38;
	[tilespmem:$0x1DE80] =	vst v63  }
.Ltmp26:
0x251: {  	_ = 	snop;
	(pc) =	sbr.rel .LBB2_40-.Ltmp26, $4  }
0x252: {  	s9 =	rddreg [dreg:$0xd]  }
0x253: {  	[tilespmem:s14], [sflag:$0x1] =	stream.linear.gather [hbm4b:s9+s30], $0xFA0, $0x38;
	[tilespmem:$0x1DE80] =	vst v63  }
0x254: {  	s26 =	rddreg [dreg:$0xe];
	s31 =	simm.s32 $0x0  }
0x255: {  	[tilespmem:s16], [sflag:$0x1] =	stream.linear.gather [hbm4b:s26+s30], $0xFA0, $0x38;
	[tilespmem:$0x1DE80] =	vst v63  }
.LBB2_56:
0x256: {  	s31 =	sadd.s32 $0x1, s31  }
0x257: {  	p4 =	sne.s32 s31, $0xC  }
.Ltmp27:
0x258: {  	_ = 	snop;
	(pc) =	sbr.rel @!p4 .LBB2_57-.Ltmp27, $1  }
0x259: {  	_ =	sdelay $0x3  }
.LBB2_40:
0x25a: {  	s0 =	smul.u32 $0x1F40, s31;
	_ =	sdelay $0x1  }
0x25b: {  	s1 =	sshrl.u32 s0, $0x3  }
0x25c: {  	s6 =	sadd.s32 $0xFA0, s0;
	s1 =	sadd.s32 s29, s1  }
0x25d: {  	s26 =	sadd.s32 s10, s6;
	s7 =	sadd.s32 $0x32C8, s1  }
0x25e: {  	[tilespmem:s17], [sflag:$0x2] =	stream.linear.gather [hbm4b:s7+s2], $0xFA0, $0x38;
	[tilespmem:$0x1DE80] =	vst v63  }
0x25f: {  	s6 =	sadd.s32 s11, s6;
	s7 =	sshrl.u32 s26, $0x3  }
0x260: {  	s6 =	sshrl.u32 s6, $0x3;
	s7 =	sadd.s32 s5, s7  }
0x261: {  	[tilespmem:s18], [sflag:$0x2] =	stream.linear.gather [hbm4b:s7+s2], $0xFA0, $0x38;
	[tilespmem:$0x1DE80] =	vst v63  }
0x262: {  	s6 =	sadd.s32 s5, s6  }
0x263: {  	[tilespmem:s19], [sflag:$0x2] =	stream.linear.gather [hbm4b:s6+s2], $0xFA0, $0x38;
	[tilespmem:$0x1DE80] =	vst v63  }
0x264: {  	_ =	swait.ge [sflag:s22], $0xFA0  }
0x265: {  	[sflag:s22] =	ssyncset.done $0x0  }
0x266: {  	[sflag:s22] =	ssyncadd.s32 $0xFFFFF060  }
0x267: {  	_ =	swait.ge [sflag:s22], $0xFA0  }
0x268: {  	[sflag:s22] =	ssyncset.done $0x0  }
0x269: {  	[sflag:s22] =	ssyncadd.s32 $0xFFFFF060  }
0x26a: {  	_ =	swait.ge [sflag:s22], $0xFA0  }
0x26b: {  	[sflag:s22] =	ssyncset.done $0x0  }
0x26c: {  	s8 =	simm.s32 $0x18040;
	[sflag:s22] =	ssyncadd.s32 $0xFFFFF060  }
0x26d: {  	v2 =	vld [tilespmem:s8+$0x30]  }
0x26e: {  	v3 =	vld [tilespmem:s8+$0xFFFFFFD0]  }
0x26f: {  	s6 =	simm.s32 $0x19FC0;
	v4 =	vld [tilespmem:s8+$0xFFFFFFE0]  }
0x270: {  	v5 =	vld [tilespmem:s6+$0x30]  }
0x271: {  	v6 =	vld [tilespmem:s8+$0xFFFFFFF0]  }
0x272: {  	v7 =	vld [tilespmem:s8+$0x0]  }
0x273: {  	v8 =	vld [tilespmem:s8+$0x10]  }
0x274: {  	v9 =	vld [tilespmem:s8+$0x20]  }
0x275: {  	v10 =	vld [tilespmem:s8+$0xFFFFFFC0]  }
0x276: {  	v11 =	vld [tilespmem:s6+$0xFFFFFFC0]  }
0x277: {  	v12 =	vld [tilespmem:s6+$0xFFFFFFD0]  }
0x278: {  	v13 =	vld [tilespmem:s6+$0xFFFFFFE0]  }
0x279: {  	v59 =	vld [tilespmem:s6+$0x0]  }
0x27a: {  	v14 =	vld [tilespmem:s6+$0x10]  }
0x27b: {  	v15 =	vld [tilespmem:s6+$0x20]  }
0x27c: {  	[tilespmem:v2+s30+$0x0] =	vst.idx.add.f32.msk $0xffff, v5  }
0x27d: {  	s7 =	simm.s32 $0x1BF40;
	[tilespmem:v10+s30+$0x0] =	vst.idx.add.f32.msk $0xffff, v11  }
0x27e: {  	v2 =	vadd.s32 $0x8000, v2;
	v5 =	vld [tilespmem:s7+$0x30]  }
0x27f: {  	[tilespmem:v3+s30+$0x0] =	vst.idx.add.f32.msk $0xffff, v12  }
0x280: {  	[tilespmem:v4+s30+$0x0] =	vst.idx.add.f32.msk $0xffff, v13  }
0x281: {  	[tilespmem:v7+s30+$0x0] =	vst.idx.add.f32.msk $0xffff, v59  }
0x282: {  	[tilespmem:v8+s30+$0x0] =	vst.idx.add.f32.msk $0xffff, v14  }
0x283: {  	[tilespmem:v2+s30+$0x0] =	vst.idx.add.f32.msk $0xffff, v5  }
0x284: {  	v2 =	vld [tilespmem:s6+$0xFFFFFFF0]  }
0x285: {  	[tilespmem:v9+s30+$0x0] =	vst.idx.add.f32.msk $0xffff, v15  }
0x286: {  	v60 =	vld [tilespmem:s7+$0xFFFFFFD0]  }
0x287: {  	v61 =	vld [tilespmem:s7+$0xFFFFFFE0]  }
0x288: {  	v3 =	vadd.s32 $0x8000, v3;
	v63 =	vld [tilespmem:s7+$0x0]  }
0x289: {  	[tilespmem:v6+s30+$0x0] =	vst.idx.add.f32.msk $0xffff, v2  }
0x28a: {  	v10 =	vadd.s32 $0x8000, v10;
	v2 =	vld [tilespmem:s7+$0xFFFFFFC0]  }
0x28b: {  	v4 =	vadd.s32 $0x8000, v4;
	v14 =	vld [tilespmem:s7+$0x10]  }
0x28c: {  	v7 =	vadd.s32 $0x8000, v7;
	v15 =	vld [tilespmem:s7+$0x20]  }
0x28d: {  	v8 =	vadd.s32 $0x8000, v8;
	[tilespmem:v3+s30+$0x0] =	vst.idx.add.f32.msk $0xffff, v60  }
0x28e: {  	v6 =	vadd.s32 $0x8000, v6;
	v62 =	vld [tilespmem:s7+$0xFFFFFFF0]  }
0x28f: {  	[tilespmem:v10+s30+$0x0] =	vst.idx.add.f32.msk $0xffff, v2;
	v2 =	vadd.s32 $0x8000, v9  }
0x290: {  	[tilespmem:v4+s30+$0x0] =	vst.idx.add.f32.msk $0xffff, v61  }
0x291: {  	[tilespmem:v7+s30+$0x0] =	vst.idx.add.f32.msk $0xffff, v63  }
0x292: {  	[tilespmem:v8+s30+$0x0] =	vst.idx.add.f32.msk $0xffff, v14  }
0x293: {  	[tilespmem:v6+s30+$0x0] =	vst.idx.add.f32.msk $0xffff, v62  }
0x294: {  	s9 =	simm.s32 $0x180C0;
	s8 =	simm.s32 $0x0;
	[tilespmem:v2+s30+$0x0] =	vst.idx.add.f32.msk $0xffff, v15  }
.LBB2_41:
0x295: {  	v2 =	vld [tilespmem:s9+$0x30];
	s8 =	sadd.s32 $0x8, s8  }
0x296: {  	v3 =	vld [tilespmem:s9+$0xFFFFFFD0];
	p4 =	slt.u32 s8, $0xF0  }
0x297: {  	s6 =	sadd.s32 $0x80, s6;
	v4 =	vld [tilespmem:s9+$0xFFFFFFE0]  }
0x298: {  	v5 =	vld [tilespmem:s6+$0x30]  }
0x299: {  	v6 =	vld [tilespmem:s9+$0xFFFFFFF0]  }
0x29a: {  	v7 =	vld [tilespmem:s9+$0x0]  }
0x29b: {  	v8 =	vadd.s32 $0x8000, v3;
	v9 =	vld [tilespmem:s9+$0x10]  }
0x29c: {  	s26 =	simm.s32 $0x0;
	v10 =	vadd.s32 $0x8000, v4;
	v11 =	vld [tilespmem:s9+$0x20]  }
0x29d: {  	s7 =	sadd.s32 $0x80, s7;
	[tilespmem:v2+s26+$0x0] =	vst.idx.add.f32.msk $0xffff, v5  }
0x29e: {  	v2 =	vadd.s32 $0x8000, v2;
	v5 =	vadd.s32 $0x8000, v6;
	v12 =	vld [tilespmem:s7+$0x30]  }
0x29f: {  	v13 =	vld [tilespmem:s9+$0xFFFFFFC0];
	v14 =	vadd.s32 $0x8000, v7  }
0x2a0: {  	v15 =	vld [tilespmem:s6+$0xFFFFFFC0];
	v16 =	vadd.s32 $0x8000, v9  }
0x2a1: {  	v17 =	vld [tilespmem:s6+$0xFFFFFFD0];
	v18 =	vadd.s32 $0x8000, v11  }
0x2a2: {  	v19 =	vld [tilespmem:s6+$0xFFFFFFE0]  }
0x2a3: {  	[tilespmem:v2+s26+$0x0] =	vst.idx.add.f32.msk $0xffff, v12  }
0x2a4: {  	v2 =	vadd.s32 $0x8000, v13;
	v12 =	vld [tilespmem:s6+$0xFFFFFFF0]  }
0x2a5: {  	v20 =	vld [tilespmem:s6+$0x0]  }
0x2a6: {  	v21 =	vld [tilespmem:s6+$0x10]  }
0x2a7: {  	v22 =	vld [tilespmem:s6+$0x20]  }
0x2a8: {  	[tilespmem:v13+s26+$0x0] =	vst.idx.add.f32.msk $0xffff, v15  }
0x2a9: {  	[tilespmem:v3+s26+$0x0] =	vst.idx.add.f32.msk $0xffff, v17  }
0x2aa: {  	[tilespmem:v4+s26+$0x0] =	vst.idx.add.f32.msk $0xffff, v19  }
0x2ab: {  	[tilespmem:v6+s26+$0x0] =	vst.idx.add.f32.msk $0xffff, v12  }
0x2ac: {  	[tilespmem:v7+s26+$0x0] =	vst.idx.add.f32.msk $0xffff, v20  }
0x2ad: {  	[tilespmem:v9+s26+$0x0] =	vst.idx.add.f32.msk $0xffff, v21  }
0x2ae: {  	[tilespmem:v11+s26+$0x0] =	vst.idx.add.f32.msk $0xffff, v22  }
0x2af: {  	v3 =	vld [tilespmem:s7+$0xFFFFFFC0]  }
0x2b0: {  	v4 =	vld [tilespmem:s7+$0xFFFFFFD0]  }
0x2b1: {  	v6 =	vld [tilespmem:s7+$0xFFFFFFE0]  }
0x2b2: {  	v7 =	vld [tilespmem:s7+$0xFFFFFFF0]  }
0x2b3: {  	v9 =	vld [tilespmem:s7+$0x0]  }
0x2b4: {  	v11 =	vld [tilespmem:s7+$0x10]  }
0x2b5: {  	v12 =	vld [tilespmem:s7+$0x20]  }
0x2b6: {  	[tilespmem:v2+s26+$0x0] =	vst.idx.add.f32.msk $0xffff, v3  }
0x2b7: {  	[tilespmem:v8+s26+$0x0] =	vst.idx.add.f32.msk $0xffff, v4  }
.Ltmp28:
0x2b8: {  	[tilespmem:v10+s26+$0x0] =	vst.idx.add.f32.msk $0xffff, v6;
	(pc) =	sbr.rel @p4 .LBB2_41-.Ltmp28, $4  }
0x2b9: {  	[tilespmem:v5+s26+$0x0] =	vst.idx.add.f32.msk $0xffff, v7  }
0x2ba: {  	[tilespmem:v14+s26+$0x0] =	vst.idx.add.f32.msk $0xffff, v9  }
0x2bb: {  	[tilespmem:v16+s26+$0x0] =	vst.idx.add.f32.msk $0xffff, v11  }
0x2bc: {  	s9 =	sadd.s32 $0x80, s9;
	[tilespmem:v18+s26+$0x0] =	vst.idx.add.f32.msk $0xffff, v12  }
.LBB2_42:
0x2bd: {  	s6 =	sshra.s32 s26, $0x2  }
0x2be: {  	v2 =	vld [tilespmem:s6+$0x18F80];
	_ =	sdelay $0x2  }
0x2bf: {  	v3 =	vld [tilespmem:s6+$0x1AF00];
	_ =	sdelay $0x4  }
0x2c0: {  	[tilespmem:v2+s2+$0x0] =	vst.idx.add.f32.msk $0xffff, v3  }
0x2c1: {  	p4 =	sne.s32 s26, $0x40;
	v2 =	vadd.s32 $0x8000, v2;
	v3 =	vld [tilespmem:s6+$0x1CE80]  }
.Ltmp29:
0x2c2: {  	_ = 	snop;
	(pc) =	sbr.rel @p4 .LBB2_42-.Ltmp29, $2  }
0x2c3: {  	_ =	sdelay $0x2  }
0x2c4: {  	s26 =	sadd.s32 $0x40, s26;
	[tilespmem:v2+s2+$0x0] =	vst.idx.add.f32.msk $0xffff, v3  }
.Ltmp30:
0x2c5: {  	(pc) =	sbr.rel @p1 .LBB2_48-.Ltmp30, $1  }
0x2c6: {  	_ =	sdelay $0x3  }
0x2c7: {  	s6 =	simm.s32 $0x18040  }
0x2c8: {  	v3 =	vld [tilespmem:s6+$0xFFFFFFC0]  }
0x2c9: {  	v4 =	vld [tilespmem:s6+$0x30]  }
0x2ca: {  	v5 =	vld [tilespmem:s6+$0x20]  }
0x2cb: {  	v6 =	vld [tilespmem:s6+$0x10]  }
0x2cc: {  	v7 =	vld [tilespmem:s6+$0x0]  }
0x2cd: {  	v8 =	vld [tilespmem:s6+$0xFFFFFFF0]  }
0x2ce: {  	v9 =	vld [tilespmem:s6+$0xFFFFFFE0]  }
0x2cf: {  	v2 =	vld [tilespmem:s6+$0xFFFFFFD0]  }
0x2d0: {  	[tilespmem:v3+s23+$0x0] =	vst.idx.add.f32.msk $0xffff, v1  }
0x2d1: {  	[tilespmem:v4+s23+$0x0] =	vst.idx.add.f32.msk $0xffff, v1  }
0x2d2: {  	[tilespmem:v5+s23+$0x0] =	vst.idx.add.f32.msk $0xffff, v1  }
0x2d3: {  	[tilespmem:v6+s23+$0x0] =	vst.idx.add.f32.msk $0xffff, v1  }
0x2d4: {  	[tilespmem:v7+s23+$0x0] =	vst.idx.add.f32.msk $0xffff, v1  }
0x2d5: {  	[tilespmem:v8+s23+$0x0] =	vst.idx.add.f32.msk $0xffff, v1  }
0x2d6: {  	s7 =	simm.s32 $0x0;
	[tilespmem:v9+s23+$0x0] =	vst.idx.add.f32.msk $0xffff, v1  }
.LBB2_45:
0x2d7: {  	s7 =	sadd.s32 $0x8, s7;
	[tilespmem:v2+s23+$0x0] =	vst.idx.add.f32.msk $0xffff, v1;
	s6 =	sadd.s32 $0x80, s6  }
0x2d8: {  	v3 =	vld [tilespmem:s6+$0xFFFFFFC0];
	p4 =	slt.u32 s7, $0xF0  }
0x2d9: {  	v4 =	vld [tilespmem:s6+$0x30]  }
0x2da: {  	v5 =	vld [tilespmem:s6+$0x20]  }
0x2db: {  	v6 =	vld [tilespmem:s6+$0x10]  }
0x2dc: {  	v7 =	vld [tilespmem:s6+$0x0]  }
0x2dd: {  	v8 =	vld [tilespmem:s6+$0xFFFFFFF0]  }
0x2de: {  	v9 =	vld [tilespmem:s6+$0xFFFFFFE0]  }
0x2df: {  	v2 =	vld [tilespmem:s6+$0xFFFFFFD0]  }
0x2e0: {  	[tilespmem:v3+s23+$0x0] =	vst.idx.add.f32.msk $0xffff, v1  }
0x2e1: {  	[tilespmem:v4+s23+$0x0] =	vst.idx.add.f32.msk $0xffff, v1  }
.Ltmp31:
0x2e2: {  	[tilespmem:v5+s23+$0x0] =	vst.idx.add.f32.msk $0xffff, v1;
	(pc) =	sbr.rel @p4 .LBB2_45-.Ltmp31, $4  }
0x2e3: {  	[tilespmem:v6+s23+$0x0] =	vst.idx.add.f32.msk $0xffff, v1  }
0x2e4: {  	[tilespmem:v7+s23+$0x0] =	vst.idx.add.f32.msk $0xffff, v1  }
0x2e5: {  	[tilespmem:v8+s23+$0x0] =	vst.idx.add.f32.msk $0xffff, v1  }
0x2e6: {  	[tilespmem:v9+s23+$0x0] =	vst.idx.add.f32.msk $0xffff, v1  }
0x2e7: {  	_ =	sdelay $0x3  }
0x2e8: {  	[tilespmem:v2+s23+$0x0] =	vst.idx.add.f32.msk $0xffff, v1;
	s6 =	simm.s32 $0x0  }
.LBB2_47:
0x2e9: {  	s7 =	sshra.s32 s6, $0x2  }
0x2ea: {  	v2 =	vld [tilespmem:s7+$0x18F80];
	_ =	sdelay $0x2  }
0x2eb: {  	p4 =	sne.s32 s6, $0x40  }
.Ltmp32:
0x2ec: {  	_ = 	snop;
	(pc) =	sbr.rel @p4 .LBB2_47-.Ltmp32, $2  }
0x2ed: {  	_ =	sdelay $0x2  }
0x2ee: {  	s6 =	sadd.s32 $0x40, s6;
	[tilespmem:v2+s23+$0x0] =	vst.idx.add.f32.msk $0xffff, v1  }
.LBB2_48:
0x2ef: {  	s0 =	sadd.s32 $0x1F40, s0;
	s1 =	sadd.s32 $0x34BC, s1  }
0x2f0: {  	[tilespmem:s12], [sflag:$0x1] =	stream.linear.gather [hbm4b:s1+s2], $0xFA0, $0x38;
	[tilespmem:$0x1DE80] =	vst v63  }
0x2f1: {  	s26 =	sadd.s32 s10, s0  }
0x2f2: {  	s0 =	sadd.s32 s11, s0;
	s1 =	sshrl.u32 s26, $0x3  }
0x2f3: {  	s0 =	sshrl.u32 s0, $0x3;
	s1 =	sadd.s32 s5, s1  }
0x2f4: {  	[tilespmem:s14], [sflag:$0x1] =	stream.linear.gather [hbm4b:s1+s2], $0xFA0, $0x38;
	[tilespmem:$0x1DE80] =	vst v63  }
0x2f5: {  	s0 =	sadd.s32 s5, s0  }
0x2f6: {  	[tilespmem:s16], [sflag:$0x1] =	stream.linear.gather [hbm4b:s0+s2], $0xFA0, $0x38;
	[tilespmem:$0x1DE80] =	vst v63  }
0x2f7: {  	_ =	swait.ge [sflag:s24], $0xFA0  }
0x2f8: {  	[sflag:s24] =	ssyncset.done $0x0  }
0x2f9: {  	[sflag:s24] =	ssyncadd.s32 $0xFFFFF060  }
0x2fa: {  	_ =	swait.ge [sflag:s24], $0xFA0  }
0x2fb: {  	[sflag:s24] =	ssyncset.done $0x0  }
0x2fc: {  	[sflag:s24] =	ssyncadd.s32 $0xFFFFF060  }
0x2fd: {  	_ =	swait.ge [sflag:s24], $0xFA0  }
0x2fe: {  	[sflag:s24] =	ssyncset.done $0x0  }
0x2ff: {  	s7 =	simm.s32 $0x19010;
	[sflag:s24] =	ssyncadd.s32 $0xFFFFF060  }
0x300: {  	v2 =	vld [tilespmem:s7+$0x0]  }
0x301: {  	v3 =	vld [tilespmem:s7+$0xFFFFFFA0]  }
0x302: {  	s1 =	simm.s32 $0x1AF90;
	v4 =	vld [tilespmem:s7+$0xFFFFFFB0]  }
0x303: {  	v5 =	vld [tilespmem:s1+$0x0]  }
0x304: {  	v6 =	vld [tilespmem:s7+$0xFFFFFFC0]  }
0x305: {  	v7 =	vld [tilespmem:s7+$0xFFFFFFD0]  }
0x306: {  	v8 =	vld [tilespmem:s7+$0xFFFFFFE0]  }
0x307: {  	v9 =	vld [tilespmem:s7+$0xFFFFFFF0]  }
0x308: {  	v10 =	vld [tilespmem:s7+$0xFFFFFF90]  }
0x309: {  	v11 =	vld [tilespmem:s1+$0xFFFFFF90]  }
0x30a: {  	v12 =	vld [tilespmem:s1+$0xFFFFFFA0]  }
0x30b: {  	v13 =	vld [tilespmem:s1+$0xFFFFFFB0]  }
0x30c: {  	v59 =	vld [tilespmem:s1+$0xFFFFFFD0]  }
0x30d: {  	v14 =	vld [tilespmem:s1+$0xFFFFFFE0]  }
0x30e: {  	s0 =	simm.s32 $0x0;
	v15 =	vld [tilespmem:s1+$0xFFFFFFF0]  }
0x30f: {  	[tilespmem:v2+s0+$0x0] =	vst.idx.add.f32.msk $0xffff, v5  }
0x310: {  	s6 =	simm.s32 $0x1CF10;
	[tilespmem:v10+s0+$0x0] =	vst.idx.add.f32.msk $0xffff, v11  }
0x311: {  	v2 =	vadd.s32 $0x8000, v2;
	v5 =	vld [tilespmem:s6+$0x0]  }
0x312: {  	[tilespmem:v3+s0+$0x0] =	vst.idx.add.f32.msk $0xffff, v12  }
0x313: {  	[tilespmem:v4+s0+$0x0] =	vst.idx.add.f32.msk $0xffff, v13  }
0x314: {  	[tilespmem:v7+s0+$0x0] =	vst.idx.add.f32.msk $0xffff, v59  }
0x315: {  	[tilespmem:v8+s0+$0x0] =	vst.idx.add.f32.msk $0xffff, v14  }
0x316: {  	[tilespmem:v2+s0+$0x0] =	vst.idx.add.f32.msk $0xffff, v5  }
0x317: {  	v2 =	vld [tilespmem:s1+$0xFFFFFFC0]  }
0x318: {  	[tilespmem:v9+s0+$0x0] =	vst.idx.add.f32.msk $0xffff, v15  }
0x319: {  	v60 =	vld [tilespmem:s6+$0xFFFFFFA0]  }
0x31a: {  	v61 =	vld [tilespmem:s6+$0xFFFFFFB0]  }
0x31b: {  	v3 =	vadd.s32 $0x8000, v3;
	v63 =	vld [tilespmem:s6+$0xFFFFFFD0]  }
0x31c: {  	[tilespmem:v6+s0+$0x0] =	vst.idx.add.f32.msk $0xffff, v2  }
0x31d: {  	v10 =	vadd.s32 $0x8000, v10;
	v2 =	vld [tilespmem:s6+$0xFFFFFF90]  }
0x31e: {  	v4 =	vadd.s32 $0x8000, v4;
	v14 =	vld [tilespmem:s6+$0xFFFFFFE0]  }
0x31f: {  	v7 =	vadd.s32 $0x8000, v7;
	v15 =	vld [tilespmem:s6+$0xFFFFFFF0]  }
0x320: {  	v8 =	vadd.s32 $0x8000, v8;
	[tilespmem:v3+s0+$0x0] =	vst.idx.add.f32.msk $0xffff, v60  }
0x321: {  	v6 =	vadd.s32 $0x8000, v6;
	v62 =	vld [tilespmem:s6+$0xFFFFFFC0]  }
0x322: {  	[tilespmem:v10+s0+$0x0] =	vst.idx.add.f32.msk $0xffff, v2;
	v2 =	vadd.s32 $0x8000, v9  }
0x323: {  	[tilespmem:v4+s0+$0x0] =	vst.idx.add.f32.msk $0xffff, v61  }
0x324: {  	[tilespmem:v7+s0+$0x0] =	vst.idx.add.f32.msk $0xffff, v63  }
0x325: {  	[tilespmem:v8+s0+$0x0] =	vst.idx.add.f32.msk $0xffff, v14  }
0x326: {  	[tilespmem:v6+s0+$0x0] =	vst.idx.add.f32.msk $0xffff, v62  }
0x327: {  	s8 =	simm.s32 $0x19090;
	s7 =	simm.s32 $0x0;
	[tilespmem:v2+s0+$0x0] =	vst.idx.add.f32.msk $0xffff, v15  }
.LBB2_49:
0x328: {  	v2 =	vld [tilespmem:s8+$0x0];
	s7 =	sadd.s32 $0x8, s7  }
0x329: {  	v3 =	vld [tilespmem:s8+$0xFFFFFFA0];
	p4 =	slt.u32 s7, $0xF0  }
0x32a: {  	s1 =	sadd.s32 $0x80, s1;
	v4 =	vld [tilespmem:s8+$0xFFFFFFB0]  }
0x32b: {  	v5 =	vld [tilespmem:s1+$0x0]  }
0x32c: {  	v6 =	vld [tilespmem:s8+$0xFFFFFFC0]  }
0x32d: {  	v7 =	vld [tilespmem:s8+$0xFFFFFFD0]  }
0x32e: {  	v8 =	vadd.s32 $0x8000, v3;
	v9 =	vld [tilespmem:s8+$0xFFFFFFE0]  }
0x32f: {  	v10 =	vadd.s32 $0x8000, v4;
	v11 =	vld [tilespmem:s8+$0xFFFFFFF0]  }
0x330: {  	s6 =	sadd.s32 $0x80, s6;
	[tilespmem:v2+s0+$0x0] =	vst.idx.add.f32.msk $0xffff, v5  }
0x331: {  	v2 =	vadd.s32 $0x8000, v2;
	v5 =	vadd.s32 $0x8000, v6;
	v12 =	vld [tilespmem:s6+$0x0]  }
0x332: {  	v13 =	vld [tilespmem:s8+$0xFFFFFF90];
	v14 =	vadd.s32 $0x8000, v7  }
0x333: {  	v15 =	vld [tilespmem:s1+$0xFFFFFF90];
	v16 =	vadd.s32 $0x8000, v9  }
0x334: {  	v17 =	vld [tilespmem:s1+$0xFFFFFFA0];
	v18 =	vadd.s32 $0x8000, v11  }
0x335: {  	v19 =	vld [tilespmem:s1+$0xFFFFFFB0]  }
0x336: {  	[tilespmem:v2+s0+$0x0] =	vst.idx.add.f32.msk $0xffff, v12  }
0x337: {  	v2 =	vadd.s32 $0x8000, v13;
	v12 =	vld [tilespmem:s1+$0xFFFFFFC0]  }
0x338: {  	v20 =	vld [tilespmem:s1+$0xFFFFFFD0]  }
0x339: {  	v21 =	vld [tilespmem:s1+$0xFFFFFFE0]  }
0x33a: {  	v22 =	vld [tilespmem:s1+$0xFFFFFFF0]  }
0x33b: {  	[tilespmem:v13+s0+$0x0] =	vst.idx.add.f32.msk $0xffff, v15  }
0x33c: {  	[tilespmem:v3+s0+$0x0] =	vst.idx.add.f32.msk $0xffff, v17  }
0x33d: {  	[tilespmem:v4+s0+$0x0] =	vst.idx.add.f32.msk $0xffff, v19  }
0x33e: {  	[tilespmem:v6+s0+$0x0] =	vst.idx.add.f32.msk $0xffff, v12  }
0x33f: {  	[tilespmem:v7+s0+$0x0] =	vst.idx.add.f32.msk $0xffff, v20  }
0x340: {  	[tilespmem:v9+s0+$0x0] =	vst.idx.add.f32.msk $0xffff, v21  }
0x341: {  	[tilespmem:v11+s0+$0x0] =	vst.idx.add.f32.msk $0xffff, v22  }
0x342: {  	v3 =	vld [tilespmem:s6+$0xFFFFFF90]  }
0x343: {  	v4 =	vld [tilespmem:s6+$0xFFFFFFA0]  }
0x344: {  	v6 =	vld [tilespmem:s6+$0xFFFFFFB0]  }
0x345: {  	v7 =	vld [tilespmem:s6+$0xFFFFFFC0]  }
0x346: {  	v9 =	vld [tilespmem:s6+$0xFFFFFFD0]  }
0x347: {  	v11 =	vld [tilespmem:s6+$0xFFFFFFE0]  }
0x348: {  	v12 =	vld [tilespmem:s6+$0xFFFFFFF0]  }
0x349: {  	[tilespmem:v2+s0+$0x0] =	vst.idx.add.f32.msk $0xffff, v3  }
0x34a: {  	[tilespmem:v8+s0+$0x0] =	vst.idx.add.f32.msk $0xffff, v4  }
.Ltmp33:
0x34b: {  	[tilespmem:v10+s0+$0x0] =	vst.idx.add.f32.msk $0xffff, v6;
	(pc) =	sbr.rel @p4 .LBB2_49-.Ltmp33, $4  }
0x34c: {  	[tilespmem:v5+s0+$0x0] =	vst.idx.add.f32.msk $0xffff, v7  }
0x34d: {  	[tilespmem:v14+s0+$0x0] =	vst.idx.add.f32.msk $0xffff, v9  }
0x34e: {  	[tilespmem:v16+s0+$0x0] =	vst.idx.add.f32.msk $0xffff, v11  }
0x34f: {  	s8 =	sadd.s32 $0x80, s8;
	[tilespmem:v18+s0+$0x0] =	vst.idx.add.f32.msk $0xffff, v12  }
.LBB2_50:
0x350: {  	s1 =	sshra.s32 s0, $0x2  }
0x351: {  	v2 =	vld [tilespmem:s1+$0x19F20];
	_ =	sdelay $0x2  }
0x352: {  	v3 =	vld [tilespmem:s1+$0x1BEA0];
	_ =	sdelay $0x4  }
0x353: {  	[tilespmem:v2+s2+$0x0] =	vst.idx.add.f32.msk $0xffff, v3  }
0x354: {  	p4 =	sne.s32 s0, $0x40;
	v2 =	vadd.s32 $0x8000, v2;
	v3 =	vld [tilespmem:s1+$0x1DE20]  }
.Ltmp34:
0x355: {  	_ = 	snop;
	(pc) =	sbr.rel @p4 .LBB2_50-.Ltmp34, $2  }
0x356: {  	_ =	sdelay $0x2  }
0x357: {  	s0 =	sadd.s32 $0x40, s0;
	[tilespmem:v2+s2+$0x0] =	vst.idx.add.f32.msk $0xffff, v3  }
.Ltmp35:
0x358: {  	(pc) =	sbr.rel @p1 .LBB2_56-.Ltmp35, $1  }
0x359: {  	_ =	sdelay $0x3  }
0x35a: {  	s0 =	simm.s32 $0x19010  }
0x35b: {  	v3 =	vld [tilespmem:s0+$0xFFFFFF90]  }
0x35c: {  	v4 =	vld [tilespmem:s0+$0x0]  }
0x35d: {  	v5 =	vld [tilespmem:s0+$0xFFFFFFF0]  }
0x35e: {  	v6 =	vld [tilespmem:s0+$0xFFFFFFE0]  }
0x35f: {  	v7 =	vld [tilespmem:s0+$0xFFFFFFD0]  }
0x360: {  	v8 =	vld [tilespmem:s0+$0xFFFFFFC0]  }
0x361: {  	v9 =	vld [tilespmem:s0+$0xFFFFFFB0]  }
0x362: {  	v2 =	vld [tilespmem:s0+$0xFFFFFFA0]  }
0x363: {  	[tilespmem:v3+s23+$0x0] =	vst.idx.add.f32.msk $0xffff, v1  }
0x364: {  	[tilespmem:v4+s23+$0x0] =	vst.idx.add.f32.msk $0xffff, v1  }
0x365: {  	[tilespmem:v5+s23+$0x0] =	vst.idx.add.f32.msk $0xffff, v1  }
0x366: {  	[tilespmem:v6+s23+$0x0] =	vst.idx.add.f32.msk $0xffff, v1  }
0x367: {  	[tilespmem:v7+s23+$0x0] =	vst.idx.add.f32.msk $0xffff, v1  }
0x368: {  	[tilespmem:v8+s23+$0x0] =	vst.idx.add.f32.msk $0xffff, v1  }
0x369: {  	s1 =	simm.s32 $0x0;
	[tilespmem:v9+s23+$0x0] =	vst.idx.add.f32.msk $0xffff, v1  }
.LBB2_53:
0x36a: {  	s1 =	sadd.s32 $0x8, s1;
	[tilespmem:v2+s23+$0x0] =	vst.idx.add.f32.msk $0xffff, v1;
	s0 =	sadd.s32 $0x80, s0  }
0x36b: {  	v3 =	vld [tilespmem:s0+$0xFFFFFF90];
	p4 =	slt.u32 s1, $0xF0  }
0x36c: {  	v4 =	vld [tilespmem:s0+$0x0]  }
0x36d: {  	v5 =	vld [tilespmem:s0+$0xFFFFFFF0]  }
0x36e: {  	v6 =	vld [tilespmem:s0+$0xFFFFFFE0]  }
0x36f: {  	v7 =	vld [tilespmem:s0+$0xFFFFFFD0]  }
0x370: {  	v8 =	vld [tilespmem:s0+$0xFFFFFFC0]  }
0x371: {  	v9 =	vld [tilespmem:s0+$0xFFFFFFB0]  }
0x372: {  	v2 =	vld [tilespmem:s0+$0xFFFFFFA0]  }
0x373: {  	[tilespmem:v3+s23+$0x0] =	vst.idx.add.f32.msk $0xffff, v1  }
0x374: {  	[tilespmem:v4+s23+$0x0] =	vst.idx.add.f32.msk $0xffff, v1  }
.Ltmp36:
0x375: {  	[tilespmem:v5+s23+$0x0] =	vst.idx.add.f32.msk $0xffff, v1;
	(pc) =	sbr.rel @p4 .LBB2_53-.Ltmp36, $4  }
0x376: {  	[tilespmem:v6+s23+$0x0] =	vst.idx.add.f32.msk $0xffff, v1  }
0x377: {  	[tilespmem:v7+s23+$0x0] =	vst.idx.add.f32.msk $0xffff, v1  }
0x378: {  	[tilespmem:v8+s23+$0x0] =	vst.idx.add.f32.msk $0xffff, v1  }
0x379: {  	[tilespmem:v9+s23+$0x0] =	vst.idx.add.f32.msk $0xffff, v1  }
0x37a: {  	_ =	sdelay $0x3  }
0x37b: {  	[tilespmem:v2+s23+$0x0] =	vst.idx.add.f32.msk $0xffff, v1;
	s0 =	simm.s32 $0x0  }
.LBB2_55:
0x37c: {  	s1 =	sshra.s32 s0, $0x2  }
0x37d: {  	v2 =	vld [tilespmem:s1+$0x19F20];
	_ =	sdelay $0x2  }
0x37e: {  	p4 =	sne.s32 s0, $0x40  }
.Ltmp37:
0x37f: {  	_ = 	snop;
	(pc) =	sbr.rel @p4 .LBB2_55-.Ltmp37, $2  }
0x380: {  	_ =	sdelay $0x2  }
0x381: {  	s0 =	sadd.s32 $0x40, s0;
	[tilespmem:v2+s23+$0x0] =	vst.idx.add.f32.msk $0xffff, v1  }
.Ltmp38:
0x382: {  	_ = 	snop;
	(pc) =	sbr.rel .LBB2_56-.Ltmp38, $1  }
0x383: {  	_ =	sdelay $0x3  }
.LBB2_57:
0x384: {  	_ =	swait.ge [sflag:s22], $0xFA0  }
0x385: {  	[sflag:s22] =	ssyncset.done $0x0  }
0x386: {  	[sflag:s22] =	ssyncadd.s32 $0xFFFFF060  }
0x387: {  	_ =	swait.ge [sflag:s22], $0xFA0  }
0x388: {  	[sflag:s22] =	ssyncset.done $0x0  }
0x389: {  	[sflag:s22] =	ssyncadd.s32 $0xFFFFF060  }
0x38a: {  	_ =	swait.ge [sflag:s22], $0xFA0  }
0x38b: {  	[sflag:s22] =	ssyncset.done $0x0  }
0x38c: {  	s7 =	simm.s32 $0x18040;
	[sflag:s22] =	ssyncadd.s32 $0xFFFFF060  }
0x38d: {  	v2 =	vld [tilespmem:s7+$0x30]  }
0x38e: {  	v3 =	vld [tilespmem:s7+$0xFFFFFFD0]  }
0x38f: {  	s1 =	simm.s32 $0x19FC0;
	v4 =	vld [tilespmem:s7+$0xFFFFFFE0]  }
0x390: {  	v5 =	vld [tilespmem:s1+$0x30]  }
0x391: {  	v6 =	vld [tilespmem:s7+$0xFFFFFFF0]  }
0x392: {  	v7 =	vld [tilespmem:s7+$0x0]  }
0x393: {  	v8 =	vld [tilespmem:s7+$0x10]  }
0x394: {  	v9 =	vld [tilespmem:s7+$0x20]  }
0x395: {  	v10 =	vld [tilespmem:s7+$0xFFFFFFC0]  }
0x396: {  	v11 =	vld [tilespmem:s1+$0xFFFFFFC0]  }
0x397: {  	v12 =	vld [tilespmem:s1+$0xFFFFFFD0]  }
0x398: {  	v13 =	vld [tilespmem:s1+$0xFFFFFFE0]  }
0x399: {  	v59 =	vld [tilespmem:s1+$0x0]  }
0x39a: {  	v14 =	vld [tilespmem:s1+$0x10]  }
0x39b: {  	s0 =	simm.s32 $0x0;
	v15 =	vld [tilespmem:s1+$0x20]  }
0x39c: {  	[tilespmem:v2+s0+$0x0] =	vst.idx.add.f32.msk $0xffff, v5  }
0x39d: {  	s6 =	simm.s32 $0x1BF40;
	[tilespmem:v10+s0+$0x0] =	vst.idx.add.f32.msk $0xffff, v11  }
0x39e: {  	v2 =	vadd.s32 $0x8000, v2;
	v5 =	vld [tilespmem:s6+$0x30]  }
0x39f: {  	[tilespmem:v3+s0+$0x0] =	vst.idx.add.f32.msk $0xffff, v12  }
0x3a0: {  	[tilespmem:v4+s0+$0x0] =	vst.idx.add.f32.msk $0xffff, v13  }
0x3a1: {  	[tilespmem:v7+s0+$0x0] =	vst.idx.add.f32.msk $0xffff, v59  }
0x3a2: {  	[tilespmem:v8+s0+$0x0] =	vst.idx.add.f32.msk $0xffff, v14  }
0x3a3: {  	[tilespmem:v2+s0+$0x0] =	vst.idx.add.f32.msk $0xffff, v5  }
0x3a4: {  	v2 =	vld [tilespmem:s1+$0xFFFFFFF0]  }
0x3a5: {  	[tilespmem:v9+s0+$0x0] =	vst.idx.add.f32.msk $0xffff, v15  }
0x3a6: {  	v60 =	vld [tilespmem:s6+$0xFFFFFFD0]  }
0x3a7: {  	v61 =	vld [tilespmem:s6+$0xFFFFFFE0]  }
0x3a8: {  	v3 =	vadd.s32 $0x8000, v3;
	v63 =	vld [tilespmem:s6+$0x0]  }
0x3a9: {  	[tilespmem:v6+s0+$0x0] =	vst.idx.add.f32.msk $0xffff, v2  }
0x3aa: {  	v10 =	vadd.s32 $0x8000, v10;
	v2 =	vld [tilespmem:s6+$0xFFFFFFC0]  }
0x3ab: {  	v4 =	vadd.s32 $0x8000, v4;
	v14 =	vld [tilespmem:s6+$0x10]  }
0x3ac: {  	v7 =	vadd.s32 $0x8000, v7;
	v15 =	vld [tilespmem:s6+$0x20]  }
0x3ad: {  	v8 =	vadd.s32 $0x8000, v8;
	[tilespmem:v3+s0+$0x0] =	vst.idx.add.f32.msk $0xffff, v60  }
0x3ae: {  	v6 =	vadd.s32 $0x8000, v6;
	v62 =	vld [tilespmem:s6+$0xFFFFFFF0]  }
0x3af: {  	[tilespmem:v10+s0+$0x0] =	vst.idx.add.f32.msk $0xffff, v2;
	v2 =	vadd.s32 $0x8000, v9  }
0x3b0: {  	[tilespmem:v4+s0+$0x0] =	vst.idx.add.f32.msk $0xffff, v61  }
0x3b1: {  	[tilespmem:v7+s0+$0x0] =	vst.idx.add.f32.msk $0xffff, v63  }
0x3b2: {  	[tilespmem:v8+s0+$0x0] =	vst.idx.add.f32.msk $0xffff, v14  }
0x3b3: {  	[tilespmem:v6+s0+$0x0] =	vst.idx.add.f32.msk $0xffff, v62  }
0x3b4: {  	s8 =	simm.s32 $0x180C0;
	s7 =	simm.s32 $0x0;
	[tilespmem:v2+s0+$0x0] =	vst.idx.add.f32.msk $0xffff, v15  }
.LBB2_58:
0x3b5: {  	v2 =	vld [tilespmem:s8+$0x30];
	s7 =	sadd.s32 $0x8, s7  }
0x3b6: {  	v3 =	vld [tilespmem:s8+$0xFFFFFFD0];
	p4 =	slt.u32 s7, $0xF0  }
0x3b7: {  	s1 =	sadd.s32 $0x80, s1;
	v4 =	vld [tilespmem:s8+$0xFFFFFFE0]  }
0x3b8: {  	v5 =	vld [tilespmem:s1+$0x30]  }
0x3b9: {  	v6 =	vld [tilespmem:s8+$0xFFFFFFF0]  }
0x3ba: {  	v7 =	vld [tilespmem:s8+$0x0]  }
0x3bb: {  	v8 =	vadd.s32 $0x8000, v3;
	v9 =	vld [tilespmem:s8+$0x10]  }
0x3bc: {  	v10 =	vadd.s32 $0x8000, v4;
	v11 =	vld [tilespmem:s8+$0x20]  }
0x3bd: {  	s6 =	sadd.s32 $0x80, s6;
	[tilespmem:v2+s0+$0x0] =	vst.idx.add.f32.msk $0xffff, v5  }
0x3be: {  	v2 =	vadd.s32 $0x8000, v2;
	v5 =	vadd.s32 $0x8000, v6;
	v12 =	vld [tilespmem:s6+$0x30]  }
0x3bf: {  	v13 =	vld [tilespmem:s8+$0xFFFFFFC0];
	v14 =	vadd.s32 $0x8000, v7  }
0x3c0: {  	v15 =	vld [tilespmem:s1+$0xFFFFFFC0];
	v16 =	vadd.s32 $0x8000, v9  }
0x3c1: {  	v17 =	vld [tilespmem:s1+$0xFFFFFFD0];
	v18 =	vadd.s32 $0x8000, v11  }
0x3c2: {  	v19 =	vld [tilespmem:s1+$0xFFFFFFE0]  }
0x3c3: {  	[tilespmem:v2+s0+$0x0] =	vst.idx.add.f32.msk $0xffff, v12  }
0x3c4: {  	v2 =	vadd.s32 $0x8000, v13;
	v12 =	vld [tilespmem:s1+$0xFFFFFFF0]  }
0x3c5: {  	v20 =	vld [tilespmem:s1+$0x0]  }
0x3c6: {  	v21 =	vld [tilespmem:s1+$0x10]  }
0x3c7: {  	v22 =	vld [tilespmem:s1+$0x20]  }
0x3c8: {  	[tilespmem:v13+s0+$0x0] =	vst.idx.add.f32.msk $0xffff, v15  }
0x3c9: {  	[tilespmem:v3+s0+$0x0] =	vst.idx.add.f32.msk $0xffff, v17  }
0x3ca: {  	[tilespmem:v4+s0+$0x0] =	vst.idx.add.f32.msk $0xffff, v19  }
0x3cb: {  	[tilespmem:v6+s0+$0x0] =	vst.idx.add.f32.msk $0xffff, v12  }
0x3cc: {  	[tilespmem:v7+s0+$0x0] =	vst.idx.add.f32.msk $0xffff, v20  }
0x3cd: {  	[tilespmem:v9+s0+$0x0] =	vst.idx.add.f32.msk $0xffff, v21  }
0x3ce: {  	[tilespmem:v11+s0+$0x0] =	vst.idx.add.f32.msk $0xffff, v22  }
0x3cf: {  	v3 =	vld [tilespmem:s6+$0xFFFFFFC0]  }
0x3d0: {  	v4 =	vld [tilespmem:s6+$0xFFFFFFD0]  }
0x3d1: {  	v6 =	vld [tilespmem:s6+$0xFFFFFFE0]  }
0x3d2: {  	v7 =	vld [tilespmem:s6+$0xFFFFFFF0]  }
0x3d3: {  	v9 =	vld [tilespmem:s6+$0x0]  }
0x3d4: {  	v11 =	vld [tilespmem:s6+$0x10]  }
0x3d5: {  	v12 =	vld [tilespmem:s6+$0x20]  }
0x3d6: {  	[tilespmem:v2+s0+$0x0] =	vst.idx.add.f32.msk $0xffff, v3  }
0x3d7: {  	[tilespmem:v8+s0+$0x0] =	vst.idx.add.f32.msk $0xffff, v4  }
.Ltmp39:
0x3d8: {  	[tilespmem:v10+s0+$0x0] =	vst.idx.add.f32.msk $0xffff, v6;
	(pc) =	sbr.rel @p4 .LBB2_58-.Ltmp39, $4  }
0x3d9: {  	[tilespmem:v5+s0+$0x0] =	vst.idx.add.f32.msk $0xffff, v7  }
0x3da: {  	[tilespmem:v14+s0+$0x0] =	vst.idx.add.f32.msk $0xffff, v9  }
0x3db: {  	[tilespmem:v16+s0+$0x0] =	vst.idx.add.f32.msk $0xffff, v11  }
0x3dc: {  	s8 =	sadd.s32 $0x80, s8;
	[tilespmem:v18+s0+$0x0] =	vst.idx.add.f32.msk $0xffff, v12  }
.LBB2_59:
0x3dd: {  	s1 =	sshra.s32 s0, $0x2  }
0x3de: {  	v2 =	vld [tilespmem:s1+$0x18F80];
	_ =	sdelay $0x2  }
0x3df: {  	v3 =	vld [tilespmem:s1+$0x1AF00];
	_ =	sdelay $0x4  }
0x3e0: {  	[tilespmem:v2+s2+$0x0] =	vst.idx.add.f32.msk $0xffff, v3  }
0x3e1: {  	p4 =	sne.s32 s0, $0x40;
	v2 =	vadd.s32 $0x8000, v2;
	v3 =	vld [tilespmem:s1+$0x1CE80]  }
.Ltmp40:
0x3e2: {  	_ = 	snop;
	(pc) =	sbr.rel @p4 .LBB2_59-.Ltmp40, $2  }
0x3e3: {  	_ =	sdelay $0x2  }
0x3e4: {  	s0 =	sadd.s32 $0x40, s0;
	[tilespmem:v2+s2+$0x0] =	vst.idx.add.f32.msk $0xffff, v3  }
.Ltmp41:
0x3e5: {  	(pc) =	sbr.rel @p1 .LBB2_65-.Ltmp41, $1  }
0x3e6: {  	_ =	sdelay $0x3  }
0x3e7: {  	s0 =	simm.s32 $0x18040  }
0x3e8: {  	v3 =	vld [tilespmem:s0+$0xFFFFFFC0]  }
0x3e9: {  	v4 =	vld [tilespmem:s0+$0x30]  }
0x3ea: {  	v5 =	vld [tilespmem:s0+$0x20]  }
0x3eb: {  	v6 =	vld [tilespmem:s0+$0x10]  }
0x3ec: {  	v7 =	vld [tilespmem:s0+$0x0]  }
0x3ed: {  	v8 =	vld [tilespmem:s0+$0xFFFFFFF0]  }
0x3ee: {  	v9 =	vld [tilespmem:s0+$0xFFFFFFE0]  }
0x3ef: {  	v2 =	vld [tilespmem:s0+$0xFFFFFFD0]  }
0x3f0: {  	[tilespmem:v3+s23+$0x0] =	vst.idx.add.f32.msk $0xffff, v1  }
0x3f1: {  	[tilespmem:v4+s23+$0x0] =	vst.idx.add.f32.msk $0xffff, v1  }
0x3f2: {  	[tilespmem:v5+s23+$0x0] =	vst.idx.add.f32.msk $0xffff, v1  }
0x3f3: {  	[tilespmem:v6+s23+$0x0] =	vst.idx.add.f32.msk $0xffff, v1  }
0x3f4: {  	[tilespmem:v7+s23+$0x0] =	vst.idx.add.f32.msk $0xffff, v1  }
0x3f5: {  	[tilespmem:v8+s23+$0x0] =	vst.idx.add.f32.msk $0xffff, v1  }
0x3f6: {  	s1 =	simm.s32 $0x0;
	[tilespmem:v9+s23+$0x0] =	vst.idx.add.f32.msk $0xffff, v1  }
.LBB2_62:
0x3f7: {  	s1 =	sadd.s32 $0x8, s1;
	[tilespmem:v2+s23+$0x0] =	vst.idx.add.f32.msk $0xffff, v1;
	s0 =	sadd.s32 $0x80, s0  }
0x3f8: {  	v3 =	vld [tilespmem:s0+$0xFFFFFFC0];
	p4 =	slt.u32 s1, $0xF0  }
0x3f9: {  	v4 =	vld [tilespmem:s0+$0x30]  }
0x3fa: {  	v5 =	vld [tilespmem:s0+$0x20]  }
0x3fb: {  	v6 =	vld [tilespmem:s0+$0x10]  }
0x3fc: {  	v7 =	vld [tilespmem:s0+$0x0]  }
0x3fd: {  	v8 =	vld [tilespmem:s0+$0xFFFFFFF0]  }
0x3fe: {  	v9 =	vld [tilespmem:s0+$0xFFFFFFE0]  }
0x3ff: {  	v2 =	vld [tilespmem:s0+$0xFFFFFFD0]  }
0x400: {  	[tilespmem:v3+s23+$0x0] =	vst.idx.add.f32.msk $0xffff, v1  }
0x401: {  	[tilespmem:v4+s23+$0x0] =	vst.idx.add.f32.msk $0xffff, v1  }
.Ltmp42:
0x402: {  	[tilespmem:v5+s23+$0x0] =	vst.idx.add.f32.msk $0xffff, v1;
	(pc) =	sbr.rel @p4 .LBB2_62-.Ltmp42, $4  }
0x403: {  	[tilespmem:v6+s23+$0x0] =	vst.idx.add.f32.msk $0xffff, v1  }
0x404: {  	[tilespmem:v7+s23+$0x0] =	vst.idx.add.f32.msk $0xffff, v1  }
0x405: {  	[tilespmem:v8+s23+$0x0] =	vst.idx.add.f32.msk $0xffff, v1  }
0x406: {  	[tilespmem:v9+s23+$0x0] =	vst.idx.add.f32.msk $0xffff, v1  }
0x407: {  	_ =	sdelay $0x3  }
0x408: {  	[tilespmem:v2+s23+$0x0] =	vst.idx.add.f32.msk $0xffff, v1;
	s0 =	simm.s32 $0x0  }
.LBB2_64:
0x409: {  	s1 =	sshra.s32 s0, $0x2  }
0x40a: {  	v2 =	vld [tilespmem:s1+$0x18F80];
	_ =	sdelay $0x2  }
0x40b: {  	p4 =	sne.s32 s0, $0x40  }
.Ltmp43:
0x40c: {  	_ = 	snop;
	(pc) =	sbr.rel @p4 .LBB2_64-.Ltmp43, $2  }
0x40d: {  	_ =	sdelay $0x2  }
0x40e: {  	s0 =	sadd.s32 $0x40, s0;
	[tilespmem:v2+s23+$0x0] =	vst.idx.add.f32.msk $0xffff, v1  }
.LBB2_65:
0x40f: {  	s0 =	rddreg [dreg:$0x7]  }
0x410: {  	[hbm4b:s0+s2] =	stream.linear.scatter [tilespmem:s2], [sflag:$0x3], $0x8000, $0x38;
	[tilespmem:$0x1DE80] =	vst v63  }
0x411: {  	_ =	swait.ge [sflag:s25], $0x8000  }
0x412: {  	[sflag:s25] =	ssyncset.done $0x0  }
0x413: {  	s1 =	simm.s32 $0x8000;
	s31 =	rddreg [dreg:$0x8];
	[sflag:s25] =	ssyncadd.s32 $0xFFFF8000  }
0x414: {  	[hbm4b:s31+s2] =	stream.linear.scatter [tilespmem:s1], [sflag:$0x3], $0x8000, $0x38;
	[tilespmem:$0x1DE80] =	vst v63  }
0x415: {  	_ =	swait.ge [sflag:s25], $0x8000  }
0x416: {  	s0 =	simm.s32 @!p1 $0x0;
	[sflag:s25] =	ssyncset.done $0x0  }
0x417: {  	s1 =	simm.s32 @!p1 $0x10000;
	s6 =	rddreg [dreg:$0x15];
	[sflag:s25] =	ssyncadd.s32 $0xFFFF8000  }
0x418: {  	[hbm4b:s6+s0] =	stream.linear.scatter @!p1 [tilespmem:s1], [sflag:$0x3], $0x8000, $0x38;
	[tilespmem:$0x1DE80] =	vst v63  }
0x419: {  	s0 =	simm.s32 @!p1 $0x3  }
0x41a: {  	_ =	swait.ge @!p1 [sflag:s0], $0x8000  }
0x41b: {  	[sflag:s0] =	ssyncset.done @!p1 $0x0  }
0x41c: {  	[sflag:s0] =	ssyncadd.s32 @!p1 $0xFFFF8000;
	s0 =	simm.s32 $0x40  }
0x41d: {  	[tilespmem:s0+$0xFFFFFFC0] =	vst v0  }
0x41e: {  	[tilespmem:s0+$0x30] =	vst v0  }
0x41f: {  	[tilespmem:s0+$0x20] =	vst v0  }
0x420: {  	[tilespmem:s0+$0x10] =	vst v0  }
0x421: {  	[tilespmem:s0+$0x0] =	vst v0  }
0x422: {  	[tilespmem:s0+$0xFFFFFFF0] =	vst v0  }
0x423: {  	s1 =	simm.s32 $0x0;
	[tilespmem:s0+$0xFFFFFFE0] =	vst v0  }
.LBB2_66:
0x424: {  	s1 =	sadd.s32 $0x8, s1;
	[tilespmem:s0+$0xFFFFFFD0] =	vst v0;
	s0 =	sadd.s32 $0x80, s0  }
0x425: {  	[tilespmem:s0+$0xFFFFFFC0] =	vst v0;
	p4 =	slt.u32 s1, $0xFF8  }
0x426: {  	[tilespmem:s0+$0x30] =	vst v0  }
.Ltmp44:
0x427: {  	[tilespmem:s0+$0x20] =	vst v0;
	(pc) =	sbr.rel @p4 .LBB2_66-.Ltmp44, $4  }
0x428: {  	[tilespmem:s0+$0x10] =	vst v0  }
0x429: {  	[tilespmem:s0+$0x0] =	vst v0  }
0x42a: {  	[tilespmem:s0+$0xFFFFFFF0] =	vst v0  }
0x42b: {  	[tilespmem:s0+$0xFFFFFFE0] =	vst v0  }
.Ltmp45:
0x42c: {  	(pc) =	sbr.rel @p2 .LBB2_71-.Ltmp45, $2  }
0x42d: {  	_ =	sdelay $0x2  }
0x42e: {  	[tilespmem:s0+$0xFFFFFFD0] =	vst v0  }
0x42f: {  	s0 =	simm.s32 $0x10040  }
0x430: {  	[tilespmem:s0+$0xFFFFFFC0] =	vst v0  }
0x431: {  	[tilespmem:s0+$0x30] =	vst v0  }
0x432: {  	[tilespmem:s0+$0x20] =	vst v0  }
0x433: {  	[tilespmem:s0+$0x10] =	vst v0  }
0x434: {  	[tilespmem:s0+$0x0] =	vst v0  }
0x435: {  	[tilespmem:s0+$0xFFFFFFF0] =	vst v0  }
0x436: {  	s1 =	simm.s32 $0x0;
	[tilespmem:s0+$0xFFFFFFE0] =	vst v0  }
.LBB2_69:
0x437: {  	s1 =	sadd.s32 $0x8, s1;
	[tilespmem:s0+$0xFFFFFFD0] =	vst v0;
	s0 =	sadd.s32 $0x80, s0  }
0x438: {  	[tilespmem:s0+$0xFFFFFFC0] =	vst v0;
	p4 =	slt.u32 s1, $0x7F8  }
0x439: {  	[tilespmem:s0+$0x30] =	vst v0  }
.Ltmp46:
0x43a: {  	[tilespmem:s0+$0x20] =	vst v0;
	(pc) =	sbr.rel @p4 .LBB2_69-.Ltmp46, $4  }
0x43b: {  	[tilespmem:s0+$0x10] =	vst v0  }
0x43c: {  	[tilespmem:s0+$0x0] =	vst v0  }
0x43d: {  	[tilespmem:s0+$0xFFFFFFF0] =	vst v0  }
0x43e: {  	[tilespmem:s0+$0xFFFFFFE0] =	vst v0  }
0x43f: {  	[tilespmem:s0+$0xFFFFFFD0] =	vst v0  }
.LBB2_71:
0x440: {  	s30 =	simm.s32 $0x0;
	s0 =	rddreg [dreg:$0x16]  }
0x441: {  	[tilespmem:s12], [sflag:$0x1] =	stream.linear.gather [hbm4b:s0+s30], $0xFA0, $0x38;
	[tilespmem:$0x1DE80] =	vst v63  }
.Ltmp47:
0x442: {  	_ = 	snop;
	(pc) =	sbr.rel .LBB2_72-.Ltmp47, $4  }
0x443: {  	s9 =	rddreg [dreg:$0xf]  }
0x444: {  	[tilespmem:s14], [sflag:$0x1] =	stream.linear.gather [hbm4b:s9+s30], $0xFA0, $0x38;
	[tilespmem:$0x1DE80] =	vst v63  }
0x445: {  	s26 =	rddreg [dreg:$0x10];
	s31 =	simm.s32 $0x0  }
0x446: {  	[tilespmem:s16], [sflag:$0x1] =	stream.linear.gather [hbm4b:s26+s30], $0xFA0, $0x38;
	[tilespmem:$0x1DE80] =	vst v63  }
.LBB2_88:
0x447: {  	s31 =	sadd.s32 $0x1, s31  }
0x448: {  	p4 =	sne.s32 s31, $0xC  }
.Ltmp48:
0x449: {  	_ = 	snop;
	(pc) =	sbr.rel @!p4 .LBB2_89-.Ltmp48, $1  }
0x44a: {  	_ =	sdelay $0x3  }
.LBB2_72:
0x44b: {  	s0 =	smul.u32 $0x1F40, s31;
	_ =	sdelay $0x1  }
0x44c: {  	s1 =	sshrl.u32 s0, $0x3  }
0x44d: {  	s6 =	sadd.s32 $0xFA0, s0;
	s1 =	sadd.s32 s29, s1  }
0x44e: {  	s26 =	sadd.s32 s13, s6;
	s7 =	sadd.s32 $0x639C, s1  }
0x44f: {  	[tilespmem:s17], [sflag:$0x2] =	stream.linear.gather [hbm4b:s7+s2], $0xFA0, $0x38;
	[tilespmem:$0x1DE80] =	vst v63  }
0x450: {  	s6 =	sadd.s32 s15, s6;
	s7 =	sshrl.u32 s26, $0x3  }
0x451: {  	s6 =	sshrl.u32 s6, $0x3;
	s7 =	sadd.s32 s5, s7  }
0x452: {  	[tilespmem:s18], [sflag:$0x2] =	stream.linear.gather [hbm4b:s7+s2], $0xFA0, $0x38;
	[tilespmem:$0x1DE80] =	vst v63  }
0x453: {  	s6 =	sadd.s32 s5, s6  }
0x454: {  	[tilespmem:s19], [sflag:$0x2] =	stream.linear.gather [hbm4b:s6+s2], $0xFA0, $0x38;
	[tilespmem:$0x1DE80] =	vst v63  }
0x455: {  	_ =	swait.ge [sflag:s22], $0xFA0  }
0x456: {  	[sflag:s22] =	ssyncset.done $0x0  }
0x457: {  	[sflag:s22] =	ssyncadd.s32 $0xFFFFF060  }
0x458: {  	_ =	swait.ge [sflag:s22], $0xFA0  }
0x459: {  	[sflag:s22] =	ssyncset.done $0x0  }
0x45a: {  	[sflag:s22] =	ssyncadd.s32 $0xFFFFF060  }
0x45b: {  	_ =	swait.ge [sflag:s22], $0xFA0  }
0x45c: {  	[sflag:s22] =	ssyncset.done $0x0  }
0x45d: {  	s8 =	simm.s32 $0x18040;
	[sflag:s22] =	ssyncadd.s32 $0xFFFFF060  }
0x45e: {  	v2 =	vld [tilespmem:s8+$0x30]  }
0x45f: {  	v3 =	vld [tilespmem:s8+$0xFFFFFFD0]  }
0x460: {  	s6 =	simm.s32 $0x19FC0;
	v4 =	vld [tilespmem:s8+$0xFFFFFFE0]  }
0x461: {  	v5 =	vld [tilespmem:s6+$0x30]  }
0x462: {  	v6 =	vld [tilespmem:s8+$0xFFFFFFF0]  }
0x463: {  	v7 =	vld [tilespmem:s8+$0x0]  }
0x464: {  	v8 =	vld [tilespmem:s8+$0x10]  }
0x465: {  	v9 =	vld [tilespmem:s8+$0x20]  }
0x466: {  	v10 =	vld [tilespmem:s8+$0xFFFFFFC0]  }
0x467: {  	v11 =	vld [tilespmem:s6+$0xFFFFFFC0]  }
0x468: {  	v12 =	vld [tilespmem:s6+$0xFFFFFFD0]  }
0x469: {  	v13 =	vld [tilespmem:s6+$0xFFFFFFE0]  }
0x46a: {  	v59 =	vld [tilespmem:s6+$0x0]  }
0x46b: {  	v14 =	vld [tilespmem:s6+$0x10]  }
0x46c: {  	v15 =	vld [tilespmem:s6+$0x20]  }
0x46d: {  	[tilespmem:v2+s30+$0x0] =	vst.idx.add.f32.msk $0xffff, v5  }
0x46e: {  	s7 =	simm.s32 $0x1BF40;
	[tilespmem:v10+s30+$0x0] =	vst.idx.add.f32.msk $0xffff, v11  }
0x46f: {  	v2 =	vadd.s32 $0x8000, v2;
	v5 =	vld [tilespmem:s7+$0x30]  }
0x470: {  	[tilespmem:v3+s30+$0x0] =	vst.idx.add.f32.msk $0xffff, v12  }
0x471: {  	[tilespmem:v4+s30+$0x0] =	vst.idx.add.f32.msk $0xffff, v13  }
0x472: {  	[tilespmem:v7+s30+$0x0] =	vst.idx.add.f32.msk $0xffff, v59  }
0x473: {  	[tilespmem:v8+s30+$0x0] =	vst.idx.add.f32.msk $0xffff, v14  }
0x474: {  	[tilespmem:v2+s30+$0x0] =	vst.idx.add.f32.msk $0xffff, v5  }
0x475: {  	v2 =	vld [tilespmem:s6+$0xFFFFFFF0]  }
0x476: {  	[tilespmem:v9+s30+$0x0] =	vst.idx.add.f32.msk $0xffff, v15  }
0x477: {  	v60 =	vld [tilespmem:s7+$0xFFFFFFD0]  }
0x478: {  	v61 =	vld [tilespmem:s7+$0xFFFFFFE0]  }
0x479: {  	v3 =	vadd.s32 $0x8000, v3;
	v63 =	vld [tilespmem:s7+$0x0]  }
0x47a: {  	[tilespmem:v6+s30+$0x0] =	vst.idx.add.f32.msk $0xffff, v2  }
0x47b: {  	v10 =	vadd.s32 $0x8000, v10;
	v2 =	vld [tilespmem:s7+$0xFFFFFFC0]  }
0x47c: {  	v4 =	vadd.s32 $0x8000, v4;
	v14 =	vld [tilespmem:s7+$0x10]  }
0x47d: {  	v7 =	vadd.s32 $0x8000, v7;
	v15 =	vld [tilespmem:s7+$0x20]  }
0x47e: {  	v8 =	vadd.s32 $0x8000, v8;
	[tilespmem:v3+s30+$0x0] =	vst.idx.add.f32.msk $0xffff, v60  }
0x47f: {  	v6 =	vadd.s32 $0x8000, v6;
	v62 =	vld [tilespmem:s7+$0xFFFFFFF0]  }
0x480: {  	[tilespmem:v10+s30+$0x0] =	vst.idx.add.f32.msk $0xffff, v2;
	v2 =	vadd.s32 $0x8000, v9  }
0x481: {  	[tilespmem:v4+s30+$0x0] =	vst.idx.add.f32.msk $0xffff, v61  }
0x482: {  	[tilespmem:v7+s30+$0x0] =	vst.idx.add.f32.msk $0xffff, v63  }
0x483: {  	[tilespmem:v8+s30+$0x0] =	vst.idx.add.f32.msk $0xffff, v14  }
0x484: {  	[tilespmem:v6+s30+$0x0] =	vst.idx.add.f32.msk $0xffff, v62  }
0x485: {  	s9 =	simm.s32 $0x180C0;
	s8 =	simm.s32 $0x0;
	[tilespmem:v2+s30+$0x0] =	vst.idx.add.f32.msk $0xffff, v15  }
.LBB2_73:
0x486: {  	v2 =	vld [tilespmem:s9+$0x30];
	s8 =	sadd.s32 $0x8, s8  }
0x487: {  	v3 =	vld [tilespmem:s9+$0xFFFFFFD0];
	p4 =	slt.u32 s8, $0xF0  }
0x488: {  	s6 =	sadd.s32 $0x80, s6;
	v4 =	vld [tilespmem:s9+$0xFFFFFFE0]  }
0x489: {  	v5 =	vld [tilespmem:s6+$0x30]  }
0x48a: {  	v6 =	vld [tilespmem:s9+$0xFFFFFFF0]  }
0x48b: {  	v7 =	vld [tilespmem:s9+$0x0]  }
0x48c: {  	v8 =	vadd.s32 $0x8000, v3;
	v9 =	vld [tilespmem:s9+$0x10]  }
0x48d: {  	s26 =	simm.s32 $0x0;
	v10 =	vadd.s32 $0x8000, v4;
	v11 =	vld [tilespmem:s9+$0x20]  }
0x48e: {  	s7 =	sadd.s32 $0x80, s7;
	[tilespmem:v2+s26+$0x0] =	vst.idx.add.f32.msk $0xffff, v5  }
0x48f: {  	v2 =	vadd.s32 $0x8000, v2;
	v5 =	vadd.s32 $0x8000, v6;
	v12 =	vld [tilespmem:s7+$0x30]  }
0x490: {  	v13 =	vld [tilespmem:s9+$0xFFFFFFC0];
	v14 =	vadd.s32 $0x8000, v7  }
0x491: {  	v15 =	vld [tilespmem:s6+$0xFFFFFFC0];
	v16 =	vadd.s32 $0x8000, v9  }
0x492: {  	v17 =	vld [tilespmem:s6+$0xFFFFFFD0];
	v18 =	vadd.s32 $0x8000, v11  }
0x493: {  	v19 =	vld [tilespmem:s6+$0xFFFFFFE0]  }
0x494: {  	[tilespmem:v2+s26+$0x0] =	vst.idx.add.f32.msk $0xffff, v12  }
0x495: {  	v2 =	vadd.s32 $0x8000, v13;
	v12 =	vld [tilespmem:s6+$0xFFFFFFF0]  }
0x496: {  	v20 =	vld [tilespmem:s6+$0x0]  }
0x497: {  	v21 =	vld [tilespmem:s6+$0x10]  }
0x498: {  	v22 =	vld [tilespmem:s6+$0x20]  }
0x499: {  	[tilespmem:v13+s26+$0x0] =	vst.idx.add.f32.msk $0xffff, v15  }
0x49a: {  	[tilespmem:v3+s26+$0x0] =	vst.idx.add.f32.msk $0xffff, v17  }
0x49b: {  	[tilespmem:v4+s26+$0x0] =	vst.idx.add.f32.msk $0xffff, v19  }
0x49c: {  	[tilespmem:v6+s26+$0x0] =	vst.idx.add.f32.msk $0xffff, v12  }
0x49d: {  	[tilespmem:v7+s26+$0x0] =	vst.idx.add.f32.msk $0xffff, v20  }
0x49e: {  	[tilespmem:v9+s26+$0x0] =	vst.idx.add.f32.msk $0xffff, v21  }
0x49f: {  	[tilespmem:v11+s26+$0x0] =	vst.idx.add.f32.msk $0xffff, v22  }
0x4a0: {  	v3 =	vld [tilespmem:s7+$0xFFFFFFC0]  }
0x4a1: {  	v4 =	vld [tilespmem:s7+$0xFFFFFFD0]  }
0x4a2: {  	v6 =	vld [tilespmem:s7+$0xFFFFFFE0]  }
0x4a3: {  	v7 =	vld [tilespmem:s7+$0xFFFFFFF0]  }
0x4a4: {  	v9 =	vld [tilespmem:s7+$0x0]  }
0x4a5: {  	v11 =	vld [tilespmem:s7+$0x10]  }
0x4a6: {  	v12 =	vld [tilespmem:s7+$0x20]  }
0x4a7: {  	[tilespmem:v2+s26+$0x0] =	vst.idx.add.f32.msk $0xffff, v3  }
0x4a8: {  	[tilespmem:v8+s26+$0x0] =	vst.idx.add.f32.msk $0xffff, v4  }
.Ltmp49:
0x4a9: {  	[tilespmem:v10+s26+$0x0] =	vst.idx.add.f32.msk $0xffff, v6;
	(pc) =	sbr.rel @p4 .LBB2_73-.Ltmp49, $4  }
0x4aa: {  	[tilespmem:v5+s26+$0x0] =	vst.idx.add.f32.msk $0xffff, v7  }
0x4ab: {  	[tilespmem:v14+s26+$0x0] =	vst.idx.add.f32.msk $0xffff, v9  }
0x4ac: {  	[tilespmem:v16+s26+$0x0] =	vst.idx.add.f32.msk $0xffff, v11  }
0x4ad: {  	s9 =	sadd.s32 $0x80, s9;
	[tilespmem:v18+s26+$0x0] =	vst.idx.add.f32.msk $0xffff, v12  }
.LBB2_74:
0x4ae: {  	s6 =	sshra.s32 s26, $0x2  }
0x4af: {  	v2 =	vld [tilespmem:s6+$0x18F80];
	_ =	sdelay $0x2  }
0x4b0: {  	v3 =	vld [tilespmem:s6+$0x1AF00];
	_ =	sdelay $0x4  }
0x4b1: {  	[tilespmem:v2+s2+$0x0] =	vst.idx.add.f32.msk $0xffff, v3  }
0x4b2: {  	p4 =	sne.s32 s26, $0x40;
	v2 =	vadd.s32 $0x8000, v2;
	v3 =	vld [tilespmem:s6+$0x1CE80]  }
.Ltmp50:
0x4b3: {  	_ = 	snop;
	(pc) =	sbr.rel @p4 .LBB2_74-.Ltmp50, $2  }
0x4b4: {  	_ =	sdelay $0x2  }
0x4b5: {  	s26 =	sadd.s32 $0x40, s26;
	[tilespmem:v2+s2+$0x0] =	vst.idx.add.f32.msk $0xffff, v3  }
.Ltmp51:
0x4b6: {  	(pc) =	sbr.rel @p2 .LBB2_80-.Ltmp51, $1  }
0x4b7: {  	_ =	sdelay $0x3  }
0x4b8: {  	s6 =	simm.s32 $0x18040  }
0x4b9: {  	v3 =	vld [tilespmem:s6+$0xFFFFFFC0]  }
0x4ba: {  	v4 =	vld [tilespmem:s6+$0x30]  }
0x4bb: {  	v5 =	vld [tilespmem:s6+$0x20]  }
0x4bc: {  	v6 =	vld [tilespmem:s6+$0x10]  }
0x4bd: {  	v7 =	vld [tilespmem:s6+$0x0]  }
0x4be: {  	v8 =	vld [tilespmem:s6+$0xFFFFFFF0]  }
0x4bf: {  	v9 =	vld [tilespmem:s6+$0xFFFFFFE0]  }
0x4c0: {  	v2 =	vld [tilespmem:s6+$0xFFFFFFD0]  }
0x4c1: {  	[tilespmem:v3+s23+$0x0] =	vst.idx.add.f32.msk $0xffff, v1  }
0x4c2: {  	[tilespmem:v4+s23+$0x0] =	vst.idx.add.f32.msk $0xffff, v1  }
0x4c3: {  	[tilespmem:v5+s23+$0x0] =	vst.idx.add.f32.msk $0xffff, v1  }
0x4c4: {  	[tilespmem:v6+s23+$0x0] =	vst.idx.add.f32.msk $0xffff, v1  }
0x4c5: {  	[tilespmem:v7+s23+$0x0] =	vst.idx.add.f32.msk $0xffff, v1  }
0x4c6: {  	[tilespmem:v8+s23+$0x0] =	vst.idx.add.f32.msk $0xffff, v1  }
0x4c7: {  	s7 =	simm.s32 $0x0;
	[tilespmem:v9+s23+$0x0] =	vst.idx.add.f32.msk $0xffff, v1  }
.LBB2_77:
0x4c8: {  	s7 =	sadd.s32 $0x8, s7;
	[tilespmem:v2+s23+$0x0] =	vst.idx.add.f32.msk $0xffff, v1;
	s6 =	sadd.s32 $0x80, s6  }
0x4c9: {  	v3 =	vld [tilespmem:s6+$0xFFFFFFC0];
	p4 =	slt.u32 s7, $0xF0  }
0x4ca: {  	v4 =	vld [tilespmem:s6+$0x30]  }
0x4cb: {  	v5 =	vld [tilespmem:s6+$0x20]  }
0x4cc: {  	v6 =	vld [tilespmem:s6+$0x10]  }
0x4cd: {  	v7 =	vld [tilespmem:s6+$0x0]  }
0x4ce: {  	v8 =	vld [tilespmem:s6+$0xFFFFFFF0]  }
0x4cf: {  	v9 =	vld [tilespmem:s6+$0xFFFFFFE0]  }
0x4d0: {  	v2 =	vld [tilespmem:s6+$0xFFFFFFD0]  }
0x4d1: {  	[tilespmem:v3+s23+$0x0] =	vst.idx.add.f32.msk $0xffff, v1  }
0x4d2: {  	[tilespmem:v4+s23+$0x0] =	vst.idx.add.f32.msk $0xffff, v1  }
.Ltmp52:
0x4d3: {  	[tilespmem:v5+s23+$0x0] =	vst.idx.add.f32.msk $0xffff, v1;
	(pc) =	sbr.rel @p4 .LBB2_77-.Ltmp52, $4  }
0x4d4: {  	[tilespmem:v6+s23+$0x0] =	vst.idx.add.f32.msk $0xffff, v1  }
0x4d5: {  	[tilespmem:v7+s23+$0x0] =	vst.idx.add.f32.msk $0xffff, v1  }
0x4d6: {  	[tilespmem:v8+s23+$0x0] =	vst.idx.add.f32.msk $0xffff, v1  }
0x4d7: {  	[tilespmem:v9+s23+$0x0] =	vst.idx.add.f32.msk $0xffff, v1  }
0x4d8: {  	_ =	sdelay $0x3  }
0x4d9: {  	[tilespmem:v2+s23+$0x0] =	vst.idx.add.f32.msk $0xffff, v1;
	s6 =	simm.s32 $0x0  }
.LBB2_79:
0x4da: {  	s7 =	sshra.s32 s6, $0x2  }
0x4db: {  	v2 =	vld [tilespmem:s7+$0x18F80];
	_ =	sdelay $0x2  }
0x4dc: {  	p4 =	sne.s32 s6, $0x40  }
.Ltmp53:
0x4dd: {  	_ = 	snop;
	(pc) =	sbr.rel @p4 .LBB2_79-.Ltmp53, $2  }
0x4de: {  	_ =	sdelay $0x2  }
0x4df: {  	s6 =	sadd.s32 $0x40, s6;
	[tilespmem:v2+s23+$0x0] =	vst.idx.add.f32.msk $0xffff, v1  }
.LBB2_80:
0x4e0: {  	s0 =	sadd.s32 $0x1F40, s0;
	s1 =	sadd.s32 $0x6590, s1  }
0x4e1: {  	[tilespmem:s12], [sflag:$0x1] =	stream.linear.gather [hbm4b:s1+s2], $0xFA0, $0x38;
	[tilespmem:$0x1DE80] =	vst v63  }
0x4e2: {  	s26 =	sadd.s32 s13, s0  }
0x4e3: {  	s0 =	sadd.s32 s15, s0;
	s1 =	sshrl.u32 s26, $0x3  }
0x4e4: {  	s0 =	sshrl.u32 s0, $0x3;
	s1 =	sadd.s32 s5, s1  }
0x4e5: {  	[tilespmem:s14], [sflag:$0x1] =	stream.linear.gather [hbm4b:s1+s2], $0xFA0, $0x38;
	[tilespmem:$0x1DE80] =	vst v63  }
0x4e6: {  	s0 =	sadd.s32 s5, s0  }
0x4e7: {  	[tilespmem:s16], [sflag:$0x1] =	stream.linear.gather [hbm4b:s0+s2], $0xFA0, $0x38;
	[tilespmem:$0x1DE80] =	vst v63  }
0x4e8: {  	_ =	swait.ge [sflag:s24], $0xFA0  }
0x4e9: {  	[sflag:s24] =	ssyncset.done $0x0  }
0x4ea: {  	[sflag:s24] =	ssyncadd.s32 $0xFFFFF060  }
0x4eb: {  	_ =	swait.ge [sflag:s24], $0xFA0  }
0x4ec: {  	[sflag:s24] =	ssyncset.done $0x0  }
0x4ed: {  	[sflag:s24] =	ssyncadd.s32 $0xFFFFF060  }
0x4ee: {  	_ =	swait.ge [sflag:s24], $0xFA0  }
0x4ef: {  	[sflag:s24] =	ssyncset.done $0x0  }
0x4f0: {  	s7 =	simm.s32 $0x19010;
	[sflag:s24] =	ssyncadd.s32 $0xFFFFF060  }
0x4f1: {  	v2 =	vld [tilespmem:s7+$0x0]  }
0x4f2: {  	v3 =	vld [tilespmem:s7+$0xFFFFFFA0]  }
0x4f3: {  	s1 =	simm.s32 $0x1AF90;
	v4 =	vld [tilespmem:s7+$0xFFFFFFB0]  }
0x4f4: {  	v5 =	vld [tilespmem:s1+$0x0]  }
0x4f5: {  	v6 =	vld [tilespmem:s7+$0xFFFFFFC0]  }
0x4f6: {  	v7 =	vld [tilespmem:s7+$0xFFFFFFD0]  }
0x4f7: {  	v8 =	vld [tilespmem:s7+$0xFFFFFFE0]  }
0x4f8: {  	v9 =	vld [tilespmem:s7+$0xFFFFFFF0]  }
0x4f9: {  	v10 =	vld [tilespmem:s7+$0xFFFFFF90]  }
0x4fa: {  	v11 =	vld [tilespmem:s1+$0xFFFFFF90]  }
0x4fb: {  	v12 =	vld [tilespmem:s1+$0xFFFFFFA0]  }
0x4fc: {  	v13 =	vld [tilespmem:s1+$0xFFFFFFB0]  }
0x4fd: {  	v59 =	vld [tilespmem:s1+$0xFFFFFFD0]  }
0x4fe: {  	v14 =	vld [tilespmem:s1+$0xFFFFFFE0]  }
0x4ff: {  	s0 =	simm.s32 $0x0;
	v15 =	vld [tilespmem:s1+$0xFFFFFFF0]  }
0x500: {  	[tilespmem:v2+s0+$0x0] =	vst.idx.add.f32.msk $0xffff, v5  }
0x501: {  	s6 =	simm.s32 $0x1CF10;
	[tilespmem:v10+s0+$0x0] =	vst.idx.add.f32.msk $0xffff, v11  }
0x502: {  	v2 =	vadd.s32 $0x8000, v2;
	v5 =	vld [tilespmem:s6+$0x0]  }
0x503: {  	[tilespmem:v3+s0+$0x0] =	vst.idx.add.f32.msk $0xffff, v12  }
0x504: {  	[tilespmem:v4+s0+$0x0] =	vst.idx.add.f32.msk $0xffff, v13  }
0x505: {  	[tilespmem:v7+s0+$0x0] =	vst.idx.add.f32.msk $0xffff, v59  }
0x506: {  	[tilespmem:v8+s0+$0x0] =	vst.idx.add.f32.msk $0xffff, v14  }
0x507: {  	[tilespmem:v2+s0+$0x0] =	vst.idx.add.f32.msk $0xffff, v5  }
0x508: {  	v2 =	vld [tilespmem:s1+$0xFFFFFFC0]  }
0x509: {  	[tilespmem:v9+s0+$0x0] =	vst.idx.add.f32.msk $0xffff, v15  }
0x50a: {  	v60 =	vld [tilespmem:s6+$0xFFFFFFA0]  }
0x50b: {  	v61 =	vld [tilespmem:s6+$0xFFFFFFB0]  }
0x50c: {  	v3 =	vadd.s32 $0x8000, v3;
	v63 =	vld [tilespmem:s6+$0xFFFFFFD0]  }
0x50d: {  	[tilespmem:v6+s0+$0x0] =	vst.idx.add.f32.msk $0xffff, v2  }
0x50e: {  	v10 =	vadd.s32 $0x8000, v10;
	v2 =	vld [tilespmem:s6+$0xFFFFFF90]  }
0x50f: {  	v4 =	vadd.s32 $0x8000, v4;
	v14 =	vld [tilespmem:s6+$0xFFFFFFE0]  }
0x510: {  	v7 =	vadd.s32 $0x8000, v7;
	v15 =	vld [tilespmem:s6+$0xFFFFFFF0]  }
0x511: {  	v8 =	vadd.s32 $0x8000, v8;
	[tilespmem:v3+s0+$0x0] =	vst.idx.add.f32.msk $0xffff, v60  }
0x512: {  	v6 =	vadd.s32 $0x8000, v6;
	v62 =	vld [tilespmem:s6+$0xFFFFFFC0]  }
0x513: {  	[tilespmem:v10+s0+$0x0] =	vst.idx.add.f32.msk $0xffff, v2;
	v2 =	vadd.s32 $0x8000, v9  }
0x514: {  	[tilespmem:v4+s0+$0x0] =	vst.idx.add.f32.msk $0xffff, v61  }
0x515: {  	[tilespmem:v7+s0+$0x0] =	vst.idx.add.f32.msk $0xffff, v63  }
0x516: {  	[tilespmem:v8+s0+$0x0] =	vst.idx.add.f32.msk $0xffff, v14  }
0x517: {  	[tilespmem:v6+s0+$0x0] =	vst.idx.add.f32.msk $0xffff, v62  }
0x518: {  	s8 =	simm.s32 $0x19090;
	s7 =	simm.s32 $0x0;
	[tilespmem:v2+s0+$0x0] =	vst.idx.add.f32.msk $0xffff, v15  }
.LBB2_81:
0x519: {  	v2 =	vld [tilespmem:s8+$0x0];
	s7 =	sadd.s32 $0x8, s7  }
0x51a: {  	v3 =	vld [tilespmem:s8+$0xFFFFFFA0];
	p4 =	slt.u32 s7, $0xF0  }
0x51b: {  	s1 =	sadd.s32 $0x80, s1;
	v4 =	vld [tilespmem:s8+$0xFFFFFFB0]  }
0x51c: {  	v5 =	vld [tilespmem:s1+$0x0]  }
0x51d: {  	v6 =	vld [tilespmem:s8+$0xFFFFFFC0]  }
0x51e: {  	v7 =	vld [tilespmem:s8+$0xFFFFFFD0]  }
0x51f: {  	v8 =	vadd.s32 $0x8000, v3;
	v9 =	vld [tilespmem:s8+$0xFFFFFFE0]  }
0x520: {  	v10 =	vadd.s32 $0x8000, v4;
	v11 =	vld [tilespmem:s8+$0xFFFFFFF0]  }
0x521: {  	s6 =	sadd.s32 $0x80, s6;
	[tilespmem:v2+s0+$0x0] =	vst.idx.add.f32.msk $0xffff, v5  }
0x522: {  	v2 =	vadd.s32 $0x8000, v2;
	v5 =	vadd.s32 $0x8000, v6;
	v12 =	vld [tilespmem:s6+$0x0]  }
0x523: {  	v13 =	vld [tilespmem:s8+$0xFFFFFF90];
	v14 =	vadd.s32 $0x8000, v7  }
0x524: {  	v15 =	vld [tilespmem:s1+$0xFFFFFF90];
	v16 =	vadd.s32 $0x8000, v9  }
0x525: {  	v17 =	vld [tilespmem:s1+$0xFFFFFFA0];
	v18 =	vadd.s32 $0x8000, v11  }
0x526: {  	v19 =	vld [tilespmem:s1+$0xFFFFFFB0]  }
0x527: {  	[tilespmem:v2+s0+$0x0] =	vst.idx.add.f32.msk $0xffff, v12  }
0x528: {  	v2 =	vadd.s32 $0x8000, v13;
	v12 =	vld [tilespmem:s1+$0xFFFFFFC0]  }
0x529: {  	v20 =	vld [tilespmem:s1+$0xFFFFFFD0]  }
0x52a: {  	v21 =	vld [tilespmem:s1+$0xFFFFFFE0]  }
0x52b: {  	v22 =	vld [tilespmem:s1+$0xFFFFFFF0]  }
0x52c: {  	[tilespmem:v13+s0+$0x0] =	vst.idx.add.f32.msk $0xffff, v15  }
0x52d: {  	[tilespmem:v3+s0+$0x0] =	vst.idx.add.f32.msk $0xffff, v17  }
0x52e: {  	[tilespmem:v4+s0+$0x0] =	vst.idx.add.f32.msk $0xffff, v19  }
0x52f: {  	[tilespmem:v6+s0+$0x0] =	vst.idx.add.f32.msk $0xffff, v12  }
0x530: {  	[tilespmem:v7+s0+$0x0] =	vst.idx.add.f32.msk $0xffff, v20  }
0x531: {  	[tilespmem:v9+s0+$0x0] =	vst.idx.add.f32.msk $0xffff, v21  }
0x532: {  	[tilespmem:v11+s0+$0x0] =	vst.idx.add.f32.msk $0xffff, v22  }
0x533: {  	v3 =	vld [tilespmem:s6+$0xFFFFFF90]  }
0x534: {  	v4 =	vld [tilespmem:s6+$0xFFFFFFA0]  }
0x535: {  	v6 =	vld [tilespmem:s6+$0xFFFFFFB0]  }
0x536: {  	v7 =	vld [tilespmem:s6+$0xFFFFFFC0]  }
0x537: {  	v9 =	vld [tilespmem:s6+$0xFFFFFFD0]  }
0x538: {  	v11 =	vld [tilespmem:s6+$0xFFFFFFE0]  }
0x539: {  	v12 =	vld [tilespmem:s6+$0xFFFFFFF0]  }
0x53a: {  	[tilespmem:v2+s0+$0x0] =	vst.idx.add.f32.msk $0xffff, v3  }
0x53b: {  	[tilespmem:v8+s0+$0x0] =	vst.idx.add.f32.msk $0xffff, v4  }
.Ltmp54:
0x53c: {  	[tilespmem:v10+s0+$0x0] =	vst.idx.add.f32.msk $0xffff, v6;
	(pc) =	sbr.rel @p4 .LBB2_81-.Ltmp54, $4  }
0x53d: {  	[tilespmem:v5+s0+$0x0] =	vst.idx.add.f32.msk $0xffff, v7  }
0x53e: {  	[tilespmem:v14+s0+$0x0] =	vst.idx.add.f32.msk $0xffff, v9  }
0x53f: {  	[tilespmem:v16+s0+$0x0] =	vst.idx.add.f32.msk $0xffff, v11  }
0x540: {  	s8 =	sadd.s32 $0x80, s8;
	[tilespmem:v18+s0+$0x0] =	vst.idx.add.f32.msk $0xffff, v12  }
.LBB2_82:
0x541: {  	s1 =	sshra.s32 s0, $0x2  }
0x542: {  	v2 =	vld [tilespmem:s1+$0x19F20];
	_ =	sdelay $0x2  }
0x543: {  	v3 =	vld [tilespmem:s1+$0x1BEA0];
	_ =	sdelay $0x4  }
0x544: {  	[tilespmem:v2+s2+$0x0] =	vst.idx.add.f32.msk $0xffff, v3  }
0x545: {  	p4 =	sne.s32 s0, $0x40;
	v2 =	vadd.s32 $0x8000, v2;
	v3 =	vld [tilespmem:s1+$0x1DE20]  }
.Ltmp55:
0x546: {  	_ = 	snop;
	(pc) =	sbr.rel @p4 .LBB2_82-.Ltmp55, $2  }
0x547: {  	_ =	sdelay $0x2  }
0x548: {  	s0 =	sadd.s32 $0x40, s0;
	[tilespmem:v2+s2+$0x0] =	vst.idx.add.f32.msk $0xffff, v3  }
.Ltmp56:
0x549: {  	(pc) =	sbr.rel @p2 .LBB2_88-.Ltmp56, $1  }
0x54a: {  	_ =	sdelay $0x3  }
0x54b: {  	s0 =	simm.s32 $0x19010  }
0x54c: {  	v3 =	vld [tilespmem:s0+$0xFFFFFF90]  }
0x54d: {  	v4 =	vld [tilespmem:s0+$0x0]  }
0x54e: {  	v5 =	vld [tilespmem:s0+$0xFFFFFFF0]  }
0x54f: {  	v6 =	vld [tilespmem:s0+$0xFFFFFFE0]  }
0x550: {  	v7 =	vld [tilespmem:s0+$0xFFFFFFD0]  }
0x551: {  	v8 =	vld [tilespmem:s0+$0xFFFFFFC0]  }
0x552: {  	v9 =	vld [tilespmem:s0+$0xFFFFFFB0]  }
0x553: {  	v2 =	vld [tilespmem:s0+$0xFFFFFFA0]  }
0x554: {  	[tilespmem:v3+s23+$0x0] =	vst.idx.add.f32.msk $0xffff, v1  }
0x555: {  	[tilespmem:v4+s23+$0x0] =	vst.idx.add.f32.msk $0xffff, v1  }
0x556: {  	[tilespmem:v5+s23+$0x0] =	vst.idx.add.f32.msk $0xffff, v1  }
0x557: {  	[tilespmem:v6+s23+$0x0] =	vst.idx.add.f32.msk $0xffff, v1  }
0x558: {  	[tilespmem:v7+s23+$0x0] =	vst.idx.add.f32.msk $0xffff, v1  }
0x559: {  	[tilespmem:v8+s23+$0x0] =	vst.idx.add.f32.msk $0xffff, v1  }
0x55a: {  	s1 =	simm.s32 $0x0;
	[tilespmem:v9+s23+$0x0] =	vst.idx.add.f32.msk $0xffff, v1  }
.LBB2_85:
0x55b: {  	s1 =	sadd.s32 $0x8, s1;
	[tilespmem:v2+s23+$0x0] =	vst.idx.add.f32.msk $0xffff, v1;
	s0 =	sadd.s32 $0x80, s0  }
0x55c: {  	v3 =	vld [tilespmem:s0+$0xFFFFFF90];
	p4 =	slt.u32 s1, $0xF0  }
0x55d: {  	v4 =	vld [tilespmem:s0+$0x0]  }
0x55e: {  	v5 =	vld [tilespmem:s0+$0xFFFFFFF0]  }
0x55f: {  	v6 =	vld [tilespmem:s0+$0xFFFFFFE0]  }
0x560: {  	v7 =	vld [tilespmem:s0+$0xFFFFFFD0]  }
0x561: {  	v8 =	vld [tilespmem:s0+$0xFFFFFFC0]  }
0x562: {  	v9 =	vld [tilespmem:s0+$0xFFFFFFB0]  }
0x563: {  	v2 =	vld [tilespmem:s0+$0xFFFFFFA0]  }
0x564: {  	[tilespmem:v3+s23+$0x0] =	vst.idx.add.f32.msk $0xffff, v1  }
0x565: {  	[tilespmem:v4+s23+$0x0] =	vst.idx.add.f32.msk $0xffff, v1  }
.Ltmp57:
0x566: {  	[tilespmem:v5+s23+$0x0] =	vst.idx.add.f32.msk $0xffff, v1;
	(pc) =	sbr.rel @p4 .LBB2_85-.Ltmp57, $4  }
0x567: {  	[tilespmem:v6+s23+$0x0] =	vst.idx.add.f32.msk $0xffff, v1  }
0x568: {  	[tilespmem:v7+s23+$0x0] =	vst.idx.add.f32.msk $0xffff, v1  }
0x569: {  	[tilespmem:v8+s23+$0x0] =	vst.idx.add.f32.msk $0xffff, v1  }
0x56a: {  	[tilespmem:v9+s23+$0x0] =	vst.idx.add.f32.msk $0xffff, v1  }
0x56b: {  	_ =	sdelay $0x3  }
0x56c: {  	[tilespmem:v2+s23+$0x0] =	vst.idx.add.f32.msk $0xffff, v1;
	s0 =	simm.s32 $0x0  }
.LBB2_87:
0x56d: {  	s1 =	sshra.s32 s0, $0x2  }
0x56e: {  	v2 =	vld [tilespmem:s1+$0x19F20];
	_ =	sdelay $0x2  }
0x56f: {  	p4 =	sne.s32 s0, $0x40  }
.Ltmp58:
0x570: {  	_ = 	snop;
	(pc) =	sbr.rel @p4 .LBB2_87-.Ltmp58, $2  }
0x571: {  	_ =	sdelay $0x2  }
0x572: {  	s0 =	sadd.s32 $0x40, s0;
	[tilespmem:v2+s23+$0x0] =	vst.idx.add.f32.msk $0xffff, v1  }
.Ltmp59:
0x573: {  	_ = 	snop;
	(pc) =	sbr.rel .LBB2_88-.Ltmp59, $1  }
0x574: {  	_ =	sdelay $0x3  }
.LBB2_89:
0x575: {  	_ =	swait.ge [sflag:s22], $0xFA0  }
0x576: {  	[sflag:s22] =	ssyncset.done $0x0  }
0x577: {  	[sflag:s22] =	ssyncadd.s32 $0xFFFFF060  }
0x578: {  	_ =	swait.ge [sflag:s22], $0xFA0  }
0x579: {  	[sflag:s22] =	ssyncset.done $0x0  }
0x57a: {  	[sflag:s22] =	ssyncadd.s32 $0xFFFFF060  }
0x57b: {  	_ =	swait.ge [sflag:s22], $0xFA0  }
0x57c: {  	[sflag:s22] =	ssyncset.done $0x0  }
0x57d: {  	s7 =	simm.s32 $0x18040;
	[sflag:s22] =	ssyncadd.s32 $0xFFFFF060  }
0x57e: {  	v2 =	vld [tilespmem:s7+$0x30]  }
0x57f: {  	v3 =	vld [tilespmem:s7+$0xFFFFFFD0]  }
0x580: {  	s1 =	simm.s32 $0x19FC0;
	v4 =	vld [tilespmem:s7+$0xFFFFFFE0]  }
0x581: {  	v5 =	vld [tilespmem:s1+$0x30]  }
0x582: {  	v6 =	vld [tilespmem:s7+$0xFFFFFFF0]  }
0x583: {  	v7 =	vld [tilespmem:s7+$0x0]  }
0x584: {  	v8 =	vld [tilespmem:s7+$0x10]  }
0x585: {  	v9 =	vld [tilespmem:s7+$0x20]  }
0x586: {  	v10 =	vld [tilespmem:s7+$0xFFFFFFC0]  }
0x587: {  	v11 =	vld [tilespmem:s1+$0xFFFFFFC0]  }
0x588: {  	v12 =	vld [tilespmem:s1+$0xFFFFFFD0]  }
0x589: {  	v13 =	vld [tilespmem:s1+$0xFFFFFFE0]  }
0x58a: {  	v59 =	vld [tilespmem:s1+$0x0]  }
0x58b: {  	v14 =	vld [tilespmem:s1+$0x10]  }
0x58c: {  	s0 =	simm.s32 $0x0;
	v15 =	vld [tilespmem:s1+$0x20]  }
0x58d: {  	[tilespmem:v2+s0+$0x0] =	vst.idx.add.f32.msk $0xffff, v5  }
0x58e: {  	s6 =	simm.s32 $0x1BF40;
	[tilespmem:v10+s0+$0x0] =	vst.idx.add.f32.msk $0xffff, v11  }
0x58f: {  	v2 =	vadd.s32 $0x8000, v2;
	v5 =	vld [tilespmem:s6+$0x30]  }
0x590: {  	[tilespmem:v3+s0+$0x0] =	vst.idx.add.f32.msk $0xffff, v12  }
0x591: {  	[tilespmem:v4+s0+$0x0] =	vst.idx.add.f32.msk $0xffff, v13  }
0x592: {  	[tilespmem:v7+s0+$0x0] =	vst.idx.add.f32.msk $0xffff, v59  }
0x593: {  	[tilespmem:v8+s0+$0x0] =	vst.idx.add.f32.msk $0xffff, v14  }
0x594: {  	[tilespmem:v2+s0+$0x0] =	vst.idx.add.f32.msk $0xffff, v5  }
0x595: {  	v2 =	vld [tilespmem:s1+$0xFFFFFFF0]  }
0x596: {  	[tilespmem:v9+s0+$0x0] =	vst.idx.add.f32.msk $0xffff, v15  }
0x597: {  	v60 =	vld [tilespmem:s6+$0xFFFFFFD0]  }
0x598: {  	v61 =	vld [tilespmem:s6+$0xFFFFFFE0]  }
0x599: {  	v3 =	vadd.s32 $0x8000, v3;
	v63 =	vld [tilespmem:s6+$0x0]  }
0x59a: {  	[tilespmem:v6+s0+$0x0] =	vst.idx.add.f32.msk $0xffff, v2  }
0x59b: {  	v10 =	vadd.s32 $0x8000, v10;
	v2 =	vld [tilespmem:s6+$0xFFFFFFC0]  }
0x59c: {  	v4 =	vadd.s32 $0x8000, v4;
	v14 =	vld [tilespmem:s6+$0x10]  }
0x59d: {  	v7 =	vadd.s32 $0x8000, v7;
	v15 =	vld [tilespmem:s6+$0x20]  }
0x59e: {  	v8 =	vadd.s32 $0x8000, v8;
	[tilespmem:v3+s0+$0x0] =	vst.idx.add.f32.msk $0xffff, v60  }
0x59f: {  	v6 =	vadd.s32 $0x8000, v6;
	v62 =	vld [tilespmem:s6+$0xFFFFFFF0]  }
0x5a0: {  	[tilespmem:v10+s0+$0x0] =	vst.idx.add.f32.msk $0xffff, v2;
	v2 =	vadd.s32 $0x8000, v9  }
0x5a1: {  	[tilespmem:v4+s0+$0x0] =	vst.idx.add.f32.msk $0xffff, v61  }
0x5a2: {  	[tilespmem:v7+s0+$0x0] =	vst.idx.add.f32.msk $0xffff, v63  }
0x5a3: {  	[tilespmem:v8+s0+$0x0] =	vst.idx.add.f32.msk $0xffff, v14  }
0x5a4: {  	[tilespmem:v6+s0+$0x0] =	vst.idx.add.f32.msk $0xffff, v62  }
0x5a5: {  	s8 =	simm.s32 $0x180C0;
	s7 =	simm.s32 $0x0;
	[tilespmem:v2+s0+$0x0] =	vst.idx.add.f32.msk $0xffff, v15  }
.LBB2_90:
0x5a6: {  	v2 =	vld [tilespmem:s8+$0x30];
	s7 =	sadd.s32 $0x8, s7  }
0x5a7: {  	v3 =	vld [tilespmem:s8+$0xFFFFFFD0];
	p4 =	slt.u32 s7, $0xF0  }
0x5a8: {  	s1 =	sadd.s32 $0x80, s1;
	v4 =	vld [tilespmem:s8+$0xFFFFFFE0]  }
0x5a9: {  	v5 =	vld [tilespmem:s1+$0x30]  }
0x5aa: {  	v6 =	vld [tilespmem:s8+$0xFFFFFFF0]  }
0x5ab: {  	v7 =	vld [tilespmem:s8+$0x0]  }
0x5ac: {  	v8 =	vadd.s32 $0x8000, v3;
	v9 =	vld [tilespmem:s8+$0x10]  }
0x5ad: {  	v10 =	vadd.s32 $0x8000, v4;
	v11 =	vld [tilespmem:s8+$0x20]  }
0x5ae: {  	s6 =	sadd.s32 $0x80, s6;
	[tilespmem:v2+s0+$0x0] =	vst.idx.add.f32.msk $0xffff, v5  }
0x5af: {  	v2 =	vadd.s32 $0x8000, v2;
	v5 =	vadd.s32 $0x8000, v6;
	v12 =	vld [tilespmem:s6+$0x30]  }
0x5b0: {  	v13 =	vld [tilespmem:s8+$0xFFFFFFC0];
	v14 =	vadd.s32 $0x8000, v7  }
0x5b1: {  	v15 =	vld [tilespmem:s1+$0xFFFFFFC0];
	v16 =	vadd.s32 $0x8000, v9  }
0x5b2: {  	v17 =	vld [tilespmem:s1+$0xFFFFFFD0];
	v18 =	vadd.s32 $0x8000, v11  }
0x5b3: {  	v19 =	vld [tilespmem:s1+$0xFFFFFFE0]  }
0x5b4: {  	[tilespmem:v2+s0+$0x0] =	vst.idx.add.f32.msk $0xffff, v12  }
0x5b5: {  	v2 =	vadd.s32 $0x8000, v13;
	v12 =	vld [tilespmem:s1+$0xFFFFFFF0]  }
0x5b6: {  	v20 =	vld [tilespmem:s1+$0x0]  }
0x5b7: {  	v21 =	vld [tilespmem:s1+$0x10]  }
0x5b8: {  	v22 =	vld [tilespmem:s1+$0x20]  }
0x5b9: {  	[tilespmem:v13+s0+$0x0] =	vst.idx.add.f32.msk $0xffff, v15  }
0x5ba: {  	[tilespmem:v3+s0+$0x0] =	vst.idx.add.f32.msk $0xffff, v17  }
0x5bb: {  	[tilespmem:v4+s0+$0x0] =	vst.idx.add.f32.msk $0xffff, v19  }
0x5bc: {  	[tilespmem:v6+s0+$0x0] =	vst.idx.add.f32.msk $0xffff, v12  }
0x5bd: {  	[tilespmem:v7+s0+$0x0] =	vst.idx.add.f32.msk $0xffff, v20  }
0x5be: {  	[tilespmem:v9+s0+$0x0] =	vst.idx.add.f32.msk $0xffff, v21  }
0x5bf: {  	[tilespmem:v11+s0+$0x0] =	vst.idx.add.f32.msk $0xffff, v22  }
0x5c0: {  	v3 =	vld [tilespmem:s6+$0xFFFFFFC0]  }
0x5c1: {  	v4 =	vld [tilespmem:s6+$0xFFFFFFD0]  }
0x5c2: {  	v6 =	vld [tilespmem:s6+$0xFFFFFFE0]  }
0x5c3: {  	v7 =	vld [tilespmem:s6+$0xFFFFFFF0]  }
0x5c4: {  	v9 =	vld [tilespmem:s6+$0x0]  }
0x5c5: {  	v11 =	vld [tilespmem:s6+$0x10]  }
0x5c6: {  	v12 =	vld [tilespmem:s6+$0x20]  }
0x5c7: {  	[tilespmem:v2+s0+$0x0] =	vst.idx.add.f32.msk $0xffff, v3  }
0x5c8: {  	[tilespmem:v8+s0+$0x0] =	vst.idx.add.f32.msk $0xffff, v4  }
.Ltmp60:
0x5c9: {  	[tilespmem:v10+s0+$0x0] =	vst.idx.add.f32.msk $0xffff, v6;
	(pc) =	sbr.rel @p4 .LBB2_90-.Ltmp60, $4  }
0x5ca: {  	[tilespmem:v5+s0+$0x0] =	vst.idx.add.f32.msk $0xffff, v7  }
0x5cb: {  	[tilespmem:v14+s0+$0x0] =	vst.idx.add.f32.msk $0xffff, v9  }
0x5cc: {  	[tilespmem:v16+s0+$0x0] =	vst.idx.add.f32.msk $0xffff, v11  }
0x5cd: {  	s8 =	sadd.s32 $0x80, s8;
	[tilespmem:v18+s0+$0x0] =	vst.idx.add.f32.msk $0xffff, v12  }
.LBB2_91:
0x5ce: {  	s1 =	sshra.s32 s0, $0x2  }
0x5cf: {  	v2 =	vld [tilespmem:s1+$0x18F80];
	_ =	sdelay $0x2  }
0x5d0: {  	v3 =	vld [tilespmem:s1+$0x1AF00];
	_ =	sdelay $0x4  }
0x5d1: {  	[tilespmem:v2+s2+$0x0] =	vst.idx.add.f32.msk $0xffff, v3  }
0x5d2: {  	p4 =	sne.s32 s0, $0x40;
	v2 =	vadd.s32 $0x8000, v2;
	v3 =	vld [tilespmem:s1+$0x1CE80]  }
.Ltmp61:
0x5d3: {  	_ = 	snop;
	(pc) =	sbr.rel @p4 .LBB2_91-.Ltmp61, $2  }
0x5d4: {  	_ =	sdelay $0x2  }
0x5d5: {  	s0 =	sadd.s32 $0x40, s0;
	[tilespmem:v2+s2+$0x0] =	vst.idx.add.f32.msk $0xffff, v3  }
.Ltmp62:
0x5d6: {  	(pc) =	sbr.rel @p2 .LBB2_97-.Ltmp62, $1  }
0x5d7: {  	_ =	sdelay $0x3  }
0x5d8: {  	s0 =	simm.s32 $0x18040  }
0x5d9: {  	v3 =	vld [tilespmem:s0+$0xFFFFFFC0]  }
0x5da: {  	v4 =	vld [tilespmem:s0+$0x30]  }
0x5db: {  	v5 =	vld [tilespmem:s0+$0x20]  }
0x5dc: {  	v6 =	vld [tilespmem:s0+$0x10]  }
0x5dd: {  	v7 =	vld [tilespmem:s0+$0x0]  }
0x5de: {  	v8 =	vld [tilespmem:s0+$0xFFFFFFF0]  }
0x5df: {  	v9 =	vld [tilespmem:s0+$0xFFFFFFE0]  }
0x5e0: {  	v2 =	vld [tilespmem:s0+$0xFFFFFFD0]  }
0x5e1: {  	[tilespmem:v3+s23+$0x0] =	vst.idx.add.f32.msk $0xffff, v1  }
0x5e2: {  	[tilespmem:v4+s23+$0x0] =	vst.idx.add.f32.msk $0xffff, v1  }
0x5e3: {  	[tilespmem:v5+s23+$0x0] =	vst.idx.add.f32.msk $0xffff, v1  }
0x5e4: {  	[tilespmem:v6+s23+$0x0] =	vst.idx.add.f32.msk $0xffff, v1  }
0x5e5: {  	[tilespmem:v7+s23+$0x0] =	vst.idx.add.f32.msk $0xffff, v1  }
0x5e6: {  	[tilespmem:v8+s23+$0x0] =	vst.idx.add.f32.msk $0xffff, v1  }
0x5e7: {  	s1 =	simm.s32 $0x0;
	[tilespmem:v9+s23+$0x0] =	vst.idx.add.f32.msk $0xffff, v1  }
.LBB2_94:
0x5e8: {  	s1 =	sadd.s32 $0x8, s1;
	[tilespmem:v2+s23+$0x0] =	vst.idx.add.f32.msk $0xffff, v1;
	s0 =	sadd.s32 $0x80, s0  }
0x5e9: {  	v3 =	vld [tilespmem:s0+$0xFFFFFFC0];
	p4 =	slt.u32 s1, $0xF0  }
0x5ea: {  	v4 =	vld [tilespmem:s0+$0x30]  }
0x5eb: {  	v5 =	vld [tilespmem:s0+$0x20]  }
0x5ec: {  	v6 =	vld [tilespmem:s0+$0x10]  }
0x5ed: {  	v7 =	vld [tilespmem:s0+$0x0]  }
0x5ee: {  	v8 =	vld [tilespmem:s0+$0xFFFFFFF0]  }
0x5ef: {  	v9 =	vld [tilespmem:s0+$0xFFFFFFE0]  }
0x5f0: {  	v2 =	vld [tilespmem:s0+$0xFFFFFFD0]  }
0x5f1: {  	[tilespmem:v3+s23+$0x0] =	vst.idx.add.f32.msk $0xffff, v1  }
0x5f2: {  	[tilespmem:v4+s23+$0x0] =	vst.idx.add.f32.msk $0xffff, v1  }
.Ltmp63:
0x5f3: {  	[tilespmem:v5+s23+$0x0] =	vst.idx.add.f32.msk $0xffff, v1;
	(pc) =	sbr.rel @p4 .LBB2_94-.Ltmp63, $4  }
0x5f4: {  	[tilespmem:v6+s23+$0x0] =	vst.idx.add.f32.msk $0xffff, v1  }
0x5f5: {  	[tilespmem:v7+s23+$0x0] =	vst.idx.add.f32.msk $0xffff, v1  }
0x5f6: {  	[tilespmem:v8+s23+$0x0] =	vst.idx.add.f32.msk $0xffff, v1  }
0x5f7: {  	[tilespmem:v9+s23+$0x0] =	vst.idx.add.f32.msk $0xffff, v1  }
0x5f8: {  	_ =	sdelay $0x3  }
0x5f9: {  	[tilespmem:v2+s23+$0x0] =	vst.idx.add.f32.msk $0xffff, v1;
	s0 =	simm.s32 $0x0  }
.LBB2_96:
0x5fa: {  	s1 =	sshra.s32 s0, $0x2  }
0x5fb: {  	v2 =	vld [tilespmem:s1+$0x18F80];
	_ =	sdelay $0x2  }
0x5fc: {  	p4 =	sne.s32 s0, $0x40  }
.Ltmp64:
0x5fd: {  	_ = 	snop;
	(pc) =	sbr.rel @p4 .LBB2_96-.Ltmp64, $2  }
0x5fe: {  	_ =	sdelay $0x2  }
0x5ff: {  	s0 =	sadd.s32 $0x40, s0;
	[tilespmem:v2+s23+$0x0] =	vst.idx.add.f32.msk $0xffff, v1  }
.LBB2_97:
0x600: {  	s0 =	rddreg [dreg:$0x9]  }
0x601: {  	[hbm4b:s0+s2] =	stream.linear.scatter [tilespmem:s2], [sflag:$0x3], $0x8000, $0x38;
	[tilespmem:$0x1DE80] =	vst v63  }
0x602: {  	_ =	swait.ge [sflag:s25], $0x8000  }
0x603: {  	[sflag:s25] =	ssyncset.done $0x0  }
0x604: {  	s1 =	simm.s32 $0x8000;
	s31 =	rddreg [dreg:$0xa];
	[sflag:s25] =	ssyncadd.s32 $0xFFFF8000  }
0x605: {  	[hbm4b:s31+s2] =	stream.linear.scatter [tilespmem:s1], [sflag:$0x3], $0x8000, $0x38;
	[tilespmem:$0x1DE80] =	vst v63  }
0x606: {  	_ =	swait.ge [sflag:s25], $0x8000  }
0x607: {  	s0 =	simm.s32 @!p2 $0x0;
	[sflag:s25] =	ssyncset.done $0x0  }
0x608: {  	s1 =	simm.s32 @!p2 $0x10000;
	s6 =	rddreg [dreg:$0x17];
	[sflag:s25] =	ssyncadd.s32 $0xFFFF8000  }
0x609: {  	[hbm4b:s6+s0] =	stream.linear.scatter @!p2 [tilespmem:s1], [sflag:$0x3], $0x8000, $0x38;
	[tilespmem:$0x1DE80] =	vst v63  }
0x60a: {  	s0 =	simm.s32 @!p2 $0x3  }
0x60b: {  	_ =	swait.ge @!p2 [sflag:s0], $0x8000  }
0x60c: {  	[sflag:s0] =	ssyncset.done @!p2 $0x0  }
0x60d: {  	[sflag:s0] =	ssyncadd.s32 @!p2 $0xFFFF8000;
	s0 =	simm.s32 $0x40  }
0x60e: {  	[tilespmem:s0+$0xFFFFFFC0] =	vst v0  }
0x60f: {  	[tilespmem:s0+$0x30] =	vst v0  }
0x610: {  	[tilespmem:s0+$0x20] =	vst v0  }
0x611: {  	[tilespmem:s0+$0x10] =	vst v0  }
0x612: {  	[tilespmem:s0+$0x0] =	vst v0  }
0x613: {  	[tilespmem:s0+$0xFFFFFFF0] =	vst v0  }
0x614: {  	s1 =	simm.s32 $0x0;
	[tilespmem:s0+$0xFFFFFFE0] =	vst v0  }
.LBB2_98:
0x615: {  	s1 =	sadd.s32 $0x8, s1;
	[tilespmem:s0+$0xFFFFFFD0] =	vst v0;
	s0 =	sadd.s32 $0x80, s0  }
0x616: {  	[tilespmem:s0+$0xFFFFFFC0] =	vst v0;
	p4 =	slt.u32 s1, $0xFF8  }
0x617: {  	[tilespmem:s0+$0x30] =	vst v0  }
.Ltmp65:
0x618: {  	[tilespmem:s0+$0x20] =	vst v0;
	(pc) =	sbr.rel @p4 .LBB2_98-.Ltmp65, $4  }
0x619: {  	[tilespmem:s0+$0x10] =	vst v0  }
0x61a: {  	[tilespmem:s0+$0x0] =	vst v0  }
0x61b: {  	[tilespmem:s0+$0xFFFFFFF0] =	vst v0  }
0x61c: {  	[tilespmem:s0+$0xFFFFFFE0] =	vst v0  }
.Ltmp66:
0x61d: {  	(pc) =	sbr.rel @p3 .LBB2_103-.Ltmp66, $2  }
0x61e: {  	_ =	sdelay $0x2  }
0x61f: {  	[tilespmem:s0+$0xFFFFFFD0] =	vst v0  }
0x620: {  	s0 =	simm.s32 $0x10040  }
0x621: {  	[tilespmem:s0+$0xFFFFFFC0] =	vst v0  }
0x622: {  	[tilespmem:s0+$0x30] =	vst v0  }
0x623: {  	[tilespmem:s0+$0x20] =	vst v0  }
0x624: {  	[tilespmem:s0+$0x10] =	vst v0  }
0x625: {  	[tilespmem:s0+$0x0] =	vst v0  }
0x626: {  	[tilespmem:s0+$0xFFFFFFF0] =	vst v0  }
0x627: {  	s1 =	simm.s32 $0x0;
	[tilespmem:s0+$0xFFFFFFE0] =	vst v0  }
.LBB2_101:
0x628: {  	s1 =	sadd.s32 $0x8, s1;
	[tilespmem:s0+$0xFFFFFFD0] =	vst v0;
	s0 =	sadd.s32 $0x80, s0  }
0x629: {  	[tilespmem:s0+$0xFFFFFFC0] =	vst v0;
	p4 =	slt.u32 s1, $0x7F8  }
0x62a: {  	[tilespmem:s0+$0x30] =	vst v0  }
.Ltmp67:
0x62b: {  	[tilespmem:s0+$0x20] =	vst v0;
	(pc) =	sbr.rel @p4 .LBB2_101-.Ltmp67, $4  }
0x62c: {  	[tilespmem:s0+$0x10] =	vst v0  }
0x62d: {  	[tilespmem:s0+$0x0] =	vst v0  }
0x62e: {  	[tilespmem:s0+$0xFFFFFFF0] =	vst v0  }
0x62f: {  	[tilespmem:s0+$0xFFFFFFE0] =	vst v0  }
0x630: {  	[tilespmem:s0+$0xFFFFFFD0] =	vst v0  }
.LBB2_103:
0x631: {  	s30 =	simm.s32 $0x0;
	s0 =	rddreg [dreg:$0x18]  }
0x632: {  	[tilespmem:s12], [sflag:$0x1] =	stream.linear.gather [hbm4b:s0+s30], $0xFA0, $0x38;
	[tilespmem:$0x1DE80] =	vst v63  }
.Ltmp68:
0x633: {  	_ = 	snop;
	(pc) =	sbr.rel .LBB2_104-.Ltmp68, $4  }
0x634: {  	s9 =	rddreg [dreg:$0x11]  }
0x635: {  	[tilespmem:s14], [sflag:$0x1] =	stream.linear.gather [hbm4b:s9+s30], $0xFA0, $0x38;
	[tilespmem:$0x1DE80] =	vst v63  }
0x636: {  	s26 =	rddreg [dreg:$0x12];
	s31 =	simm.s32 $0x0  }
0x637: {  	[tilespmem:s16], [sflag:$0x1] =	stream.linear.gather [hbm4b:s26+s30], $0xFA0, $0x38;
	[tilespmem:$0x1DE80] =	vst v63  }
.LBB2_120:
0x638: {  	s31 =	sadd.s32 $0x1, s31  }
0x639: {  	p4 =	sne.s32 s31, $0xC  }
.Ltmp69:
0x63a: {  	_ = 	snop;
	(pc) =	sbr.rel @!p4 .LBB2_121-.Ltmp69, $1  }
0x63b: {  	_ =	sdelay $0x3  }
.LBB2_104:
0x63c: {  	s0 =	smul.u32 $0x1F40, s31;
	_ =	sdelay $0x1  }
0x63d: {  	s1 =	sshrl.u32 s0, $0x3  }
0x63e: {  	s6 =	sadd.s32 $0xFA0, s0;
	s1 =	sadd.s32 s29, s1  }
0x63f: {  	s26 =	sadd.s32 s20, s6;
	s7 =	sadd.s32 $0x9470, s1  }
0x640: {  	[tilespmem:s17], [sflag:$0x2] =	stream.linear.gather [hbm4b:s7+s2], $0xFA0, $0x38;
	[tilespmem:$0x1DE80] =	vst v63  }
0x641: {  	s6 =	sadd.s32 s21, s6;
	s7 =	sshrl.u32 s26, $0x3  }
0x642: {  	s6 =	sshrl.u32 s6, $0x3;
	s7 =	sadd.s32 s5, s7  }
0x643: {  	[tilespmem:s18], [sflag:$0x2] =	stream.linear.gather [hbm4b:s7+s2], $0xFA0, $0x38;
	[tilespmem:$0x1DE80] =	vst v63  }
0x644: {  	s6 =	sadd.s32 s5, s6  }
0x645: {  	[tilespmem:s19], [sflag:$0x2] =	stream.linear.gather [hbm4b:s6+s2], $0xFA0, $0x38;
	[tilespmem:$0x1DE80] =	vst v63  }
0x646: {  	_ =	swait.ge [sflag:s22], $0xFA0  }
0x647: {  	[sflag:s22] =	ssyncset.done $0x0  }
0x648: {  	[sflag:s22] =	ssyncadd.s32 $0xFFFFF060  }
0x649: {  	_ =	swait.ge [sflag:s22], $0xFA0  }
0x64a: {  	[sflag:s22] =	ssyncset.done $0x0  }
0x64b: {  	[sflag:s22] =	ssyncadd.s32 $0xFFFFF060  }
0x64c: {  	_ =	swait.ge [sflag:s22], $0xFA0  }
0x64d: {  	[sflag:s22] =	ssyncset.done $0x0  }
0x64e: {  	s8 =	simm.s32 $0x18040;
	[sflag:s22] =	ssyncadd.s32 $0xFFFFF060  }
0x64f: {  	v2 =	vld [tilespmem:s8+$0x30]  }
0x650: {  	v3 =	vld [tilespmem:s8+$0xFFFFFFD0]  }
0x651: {  	s6 =	simm.s32 $0x19FC0;
	v4 =	vld [tilespmem:s8+$0xFFFFFFE0]  }
0x652: {  	v5 =	vld [tilespmem:s6+$0x30]  }
0x653: {  	v6 =	vld [tilespmem:s8+$0xFFFFFFF0]  }
0x654: {  	v7 =	vld [tilespmem:s8+$0x0]  }
0x655: {  	v8 =	vld [tilespmem:s8+$0x10]  }
0x656: {  	v9 =	vld [tilespmem:s8+$0x20]  }
0x657: {  	v10 =	vld [tilespmem:s8+$0xFFFFFFC0]  }
0x658: {  	v11 =	vld [tilespmem:s6+$0xFFFFFFC0]  }
0x659: {  	v12 =	vld [tilespmem:s6+$0xFFFFFFD0]  }
0x65a: {  	v13 =	vld [tilespmem:s6+$0xFFFFFFE0]  }
0x65b: {  	v59 =	vld [tilespmem:s6+$0x0]  }
0x65c: {  	v14 =	vld [tilespmem:s6+$0x10]  }
0x65d: {  	v15 =	vld [tilespmem:s6+$0x20]  }
0x65e: {  	[tilespmem:v2+s30+$0x0] =	vst.idx.add.f32.msk $0xffff, v5  }
0x65f: {  	s7 =	simm.s32 $0x1BF40;
	[tilespmem:v10+s30+$0x0] =	vst.idx.add.f32.msk $0xffff, v11  }
0x660: {  	v2 =	vadd.s32 $0x8000, v2;
	v5 =	vld [tilespmem:s7+$0x30]  }
0x661: {  	[tilespmem:v3+s30+$0x0] =	vst.idx.add.f32.msk $0xffff, v12  }
0x662: {  	[tilespmem:v4+s30+$0x0] =	vst.idx.add.f32.msk $0xffff, v13  }
0x663: {  	[tilespmem:v7+s30+$0x0] =	vst.idx.add.f32.msk $0xffff, v59  }
0x664: {  	[tilespmem:v8+s30+$0x0] =	vst.idx.add.f32.msk $0xffff, v14  }
0x665: {  	[tilespmem:v2+s30+$0x0] =	vst.idx.add.f32.msk $0xffff, v5  }
0x666: {  	v2 =	vld [tilespmem:s6+$0xFFFFFFF0]  }
0x667: {  	[tilespmem:v9+s30+$0x0] =	vst.idx.add.f32.msk $0xffff, v15  }
0x668: {  	v60 =	vld [tilespmem:s7+$0xFFFFFFD0]  }
0x669: {  	v61 =	vld [tilespmem:s7+$0xFFFFFFE0]  }
0x66a: {  	v3 =	vadd.s32 $0x8000, v3;
	v63 =	vld [tilespmem:s7+$0x0]  }
0x66b: {  	[tilespmem:v6+s30+$0x0] =	vst.idx.add.f32.msk $0xffff, v2  }
0x66c: {  	v10 =	vadd.s32 $0x8000, v10;
	v2 =	vld [tilespmem:s7+$0xFFFFFFC0]  }
0x66d: {  	v4 =	vadd.s32 $0x8000, v4;
	v14 =	vld [tilespmem:s7+$0x10]  }
0x66e: {  	v7 =	vadd.s32 $0x8000, v7;
	v15 =	vld [tilespmem:s7+$0x20]  }
0x66f: {  	v8 =	vadd.s32 $0x8000, v8;
	[tilespmem:v3+s30+$0x0] =	vst.idx.add.f32.msk $0xffff, v60  }
0x670: {  	v6 =	vadd.s32 $0x8000, v6;
	v62 =	vld [tilespmem:s7+$0xFFFFFFF0]  }
0x671: {  	[tilespmem:v10+s30+$0x0] =	vst.idx.add.f32.msk $0xffff, v2;
	v2 =	vadd.s32 $0x8000, v9  }
0x672: {  	[tilespmem:v4+s30+$0x0] =	vst.idx.add.f32.msk $0xffff, v61  }
0x673: {  	[tilespmem:v7+s30+$0x0] =	vst.idx.add.f32.msk $0xffff, v63  }
0x674: {  	[tilespmem:v8+s30+$0x0] =	vst.idx.add.f32.msk $0xffff, v14  }
0x675: {  	[tilespmem:v6+s30+$0x0] =	vst.idx.add.f32.msk $0xffff, v62  }
0x676: {  	s9 =	simm.s32 $0x180C0;
	s8 =	simm.s32 $0x0;
	[tilespmem:v2+s30+$0x0] =	vst.idx.add.f32.msk $0xffff, v15  }
.LBB2_105:
0x677: {  	v2 =	vld [tilespmem:s9+$0x30];
	s8 =	sadd.s32 $0x8, s8  }
0x678: {  	v3 =	vld [tilespmem:s9+$0xFFFFFFD0];
	p4 =	slt.u32 s8, $0xF0  }
0x679: {  	s6 =	sadd.s32 $0x80, s6;
	v4 =	vld [tilespmem:s9+$0xFFFFFFE0]  }
0x67a: {  	v5 =	vld [tilespmem:s6+$0x30]  }
0x67b: {  	v6 =	vld [tilespmem:s9+$0xFFFFFFF0]  }
0x67c: {  	v7 =	vld [tilespmem:s9+$0x0]  }
0x67d: {  	v8 =	vadd.s32 $0x8000, v3;
	v9 =	vld [tilespmem:s9+$0x10]  }
0x67e: {  	s26 =	simm.s32 $0x0;
	v10 =	vadd.s32 $0x8000, v4;
	v11 =	vld [tilespmem:s9+$0x20]  }
0x67f: {  	s7 =	sadd.s32 $0x80, s7;
	[tilespmem:v2+s26+$0x0] =	vst.idx.add.f32.msk $0xffff, v5  }
0x680: {  	v2 =	vadd.s32 $0x8000, v2;
	v5 =	vadd.s32 $0x8000, v6;
	v12 =	vld [tilespmem:s7+$0x30]  }
0x681: {  	v13 =	vld [tilespmem:s9+$0xFFFFFFC0];
	v14 =	vadd.s32 $0x8000, v7  }
0x682: {  	v15 =	vld [tilespmem:s6+$0xFFFFFFC0];
	v16 =	vadd.s32 $0x8000, v9  }
0x683: {  	v17 =	vld [tilespmem:s6+$0xFFFFFFD0];
	v18 =	vadd.s32 $0x8000, v11  }
0x684: {  	v19 =	vld [tilespmem:s6+$0xFFFFFFE0]  }
0x685: {  	[tilespmem:v2+s26+$0x0] =	vst.idx.add.f32.msk $0xffff, v12  }
0x686: {  	v2 =	vadd.s32 $0x8000, v13;
	v12 =	vld [tilespmem:s6+$0xFFFFFFF0]  }
0x687: {  	v20 =	vld [tilespmem:s6+$0x0]  }
0x688: {  	v21 =	vld [tilespmem:s6+$0x10]  }
0x689: {  	v22 =	vld [tilespmem:s6+$0x20]  }
0x68a: {  	[tilespmem:v13+s26+$0x0] =	vst.idx.add.f32.msk $0xffff, v15  }
0x68b: {  	[tilespmem:v3+s26+$0x0] =	vst.idx.add.f32.msk $0xffff, v17  }
0x68c: {  	[tilespmem:v4+s26+$0x0] =	vst.idx.add.f32.msk $0xffff, v19  }
0x68d: {  	[tilespmem:v6+s26+$0x0] =	vst.idx.add.f32.msk $0xffff, v12  }
0x68e: {  	[tilespmem:v7+s26+$0x0] =	vst.idx.add.f32.msk $0xffff, v20  }
0x68f: {  	[tilespmem:v9+s26+$0x0] =	vst.idx.add.f32.msk $0xffff, v21  }
0x690: {  	[tilespmem:v11+s26+$0x0] =	vst.idx.add.f32.msk $0xffff, v22  }
0x691: {  	v3 =	vld [tilespmem:s7+$0xFFFFFFC0]  }
0x692: {  	v4 =	vld [tilespmem:s7+$0xFFFFFFD0]  }
0x693: {  	v6 =	vld [tilespmem:s7+$0xFFFFFFE0]  }
0x694: {  	v7 =	vld [tilespmem:s7+$0xFFFFFFF0]  }
0x695: {  	v9 =	vld [tilespmem:s7+$0x0]  }
0x696: {  	v11 =	vld [tilespmem:s7+$0x10]  }
0x697: {  	v12 =	vld [tilespmem:s7+$0x20]  }
0x698: {  	[tilespmem:v2+s26+$0x0] =	vst.idx.add.f32.msk $0xffff, v3  }
0x699: {  	[tilespmem:v8+s26+$0x0] =	vst.idx.add.f32.msk $0xffff, v4  }
.Ltmp70:
0x69a: {  	[tilespmem:v10+s26+$0x0] =	vst.idx.add.f32.msk $0xffff, v6;
	(pc) =	sbr.rel @p4 .LBB2_105-.Ltmp70, $4  }
0x69b: {  	[tilespmem:v5+s26+$0x0] =	vst.idx.add.f32.msk $0xffff, v7  }
0x69c: {  	[tilespmem:v14+s26+$0x0] =	vst.idx.add.f32.msk $0xffff, v9  }
0x69d: {  	[tilespmem:v16+s26+$0x0] =	vst.idx.add.f32.msk $0xffff, v11  }
0x69e: {  	s9 =	sadd.s32 $0x80, s9;
	[tilespmem:v18+s26+$0x0] =	vst.idx.add.f32.msk $0xffff, v12  }
.LBB2_106:
0x69f: {  	s6 =	sshra.s32 s26, $0x2  }
0x6a0: {  	v2 =	vld [tilespmem:s6+$0x18F80];
	_ =	sdelay $0x2  }
0x6a1: {  	v3 =	vld [tilespmem:s6+$0x1AF00];
	_ =	sdelay $0x4  }
0x6a2: {  	[tilespmem:v2+s2+$0x0] =	vst.idx.add.f32.msk $0xffff, v3  }
0x6a3: {  	p4 =	sne.s32 s26, $0x40;
	v2 =	vadd.s32 $0x8000, v2;
	v3 =	vld [tilespmem:s6+$0x1CE80]  }
.Ltmp71:
0x6a4: {  	_ = 	snop;
	(pc) =	sbr.rel @p4 .LBB2_106-.Ltmp71, $2  }
0x6a5: {  	_ =	sdelay $0x2  }
0x6a6: {  	s26 =	sadd.s32 $0x40, s26;
	[tilespmem:v2+s2+$0x0] =	vst.idx.add.f32.msk $0xffff, v3  }
.Ltmp72:
0x6a7: {  	(pc) =	sbr.rel @p3 .LBB2_112-.Ltmp72, $1  }
0x6a8: {  	_ =	sdelay $0x3  }
0x6a9: {  	s6 =	simm.s32 $0x18040  }
0x6aa: {  	v3 =	vld [tilespmem:s6+$0xFFFFFFC0]  }
0x6ab: {  	v4 =	vld [tilespmem:s6+$0x30]  }
0x6ac: {  	v5 =	vld [tilespmem:s6+$0x20]  }
0x6ad: {  	v6 =	vld [tilespmem:s6+$0x10]  }
0x6ae: {  	v7 =	vld [tilespmem:s6+$0x0]  }
0x6af: {  	v8 =	vld [tilespmem:s6+$0xFFFFFFF0]  }
0x6b0: {  	v9 =	vld [tilespmem:s6+$0xFFFFFFE0]  }
0x6b1: {  	v2 =	vld [tilespmem:s6+$0xFFFFFFD0]  }
0x6b2: {  	[tilespmem:v3+s23+$0x0] =	vst.idx.add.f32.msk $0xffff, v1  }
0x6b3: {  	[tilespmem:v4+s23+$0x0] =	vst.idx.add.f32.msk $0xffff, v1  }
0x6b4: {  	[tilespmem:v5+s23+$0x0] =	vst.idx.add.f32.msk $0xffff, v1  }
0x6b5: {  	[tilespmem:v6+s23+$0x0] =	vst.idx.add.f32.msk $0xffff, v1  }
0x6b6: {  	[tilespmem:v7+s23+$0x0] =	vst.idx.add.f32.msk $0xffff, v1  }
0x6b7: {  	[tilespmem:v8+s23+$0x0] =	vst.idx.add.f32.msk $0xffff, v1  }
0x6b8: {  	s7 =	simm.s32 $0x0;
	[tilespmem:v9+s23+$0x0] =	vst.idx.add.f32.msk $0xffff, v1  }
.LBB2_109:
0x6b9: {  	s7 =	sadd.s32 $0x8, s7;
	[tilespmem:v2+s23+$0x0] =	vst.idx.add.f32.msk $0xffff, v1;
	s6 =	sadd.s32 $0x80, s6  }
0x6ba: {  	v3 =	vld [tilespmem:s6+$0xFFFFFFC0];
	p4 =	slt.u32 s7, $0xF0  }
0x6bb: {  	v4 =	vld [tilespmem:s6+$0x30]  }
0x6bc: {  	v5 =	vld [tilespmem:s6+$0x20]  }
0x6bd: {  	v6 =	vld [tilespmem:s6+$0x10]  }
0x6be: {  	v7 =	vld [tilespmem:s6+$0x0]  }
0x6bf: {  	v8 =	vld [tilespmem:s6+$0xFFFFFFF0]  }
0x6c0: {  	v9 =	vld [tilespmem:s6+$0xFFFFFFE0]  }
0x6c1: {  	v2 =	vld [tilespmem:s6+$0xFFFFFFD0]  }
0x6c2: {  	[tilespmem:v3+s23+$0x0] =	vst.idx.add.f32.msk $0xffff, v1  }
0x6c3: {  	[tilespmem:v4+s23+$0x0] =	vst.idx.add.f32.msk $0xffff, v1  }
.Ltmp73:
0x6c4: {  	[tilespmem:v5+s23+$0x0] =	vst.idx.add.f32.msk $0xffff, v1;
	(pc) =	sbr.rel @p4 .LBB2_109-.Ltmp73, $4  }
0x6c5: {  	[tilespmem:v6+s23+$0x0] =	vst.idx.add.f32.msk $0xffff, v1  }
0x6c6: {  	[tilespmem:v7+s23+$0x0] =	vst.idx.add.f32.msk $0xffff, v1  }
0x6c7: {  	[tilespmem:v8+s23+$0x0] =	vst.idx.add.f32.msk $0xffff, v1  }
0x6c8: {  	[tilespmem:v9+s23+$0x0] =	vst.idx.add.f32.msk $0xffff, v1  }
0x6c9: {  	_ =	sdelay $0x3  }
0x6ca: {  	[tilespmem:v2+s23+$0x0] =	vst.idx.add.f32.msk $0xffff, v1;
	s6 =	simm.s32 $0x0  }
.LBB2_111:
0x6cb: {  	s7 =	sshra.s32 s6, $0x2  }
0x6cc: {  	v2 =	vld [tilespmem:s7+$0x18F80];
	_ =	sdelay $0x2  }
0x6cd: {  	p4 =	sne.s32 s6, $0x40  }
.Ltmp74:
0x6ce: {  	_ = 	snop;
	(pc) =	sbr.rel @p4 .LBB2_111-.Ltmp74, $2  }
0x6cf: {  	_ =	sdelay $0x2  }
0x6d0: {  	s6 =	sadd.s32 $0x40, s6;
	[tilespmem:v2+s23+$0x0] =	vst.idx.add.f32.msk $0xffff, v1  }
.LBB2_112:
0x6d1: {  	s0 =	sadd.s32 $0x1F40, s0;
	s1 =	sadd.s32 $0x9664, s1  }
0x6d2: {  	[tilespmem:s12], [sflag:$0x1] =	stream.linear.gather [hbm4b:s1+s2], $0xFA0, $0x38;
	[tilespmem:$0x1DE80] =	vst v63  }
0x6d3: {  	s26 =	sadd.s32 s20, s0  }
0x6d4: {  	s0 =	sadd.s32 s21, s0;
	s1 =	sshrl.u32 s26, $0x3  }
0x6d5: {  	s0 =	sshrl.u32 s0, $0x3;
	s1 =	sadd.s32 s5, s1  }
0x6d6: {  	[tilespmem:s14], [sflag:$0x1] =	stream.linear.gather [hbm4b:s1+s2], $0xFA0, $0x38;
	[tilespmem:$0x1DE80] =	vst v63  }
0x6d7: {  	s0 =	sadd.s32 s5, s0  }
0x6d8: {  	[tilespmem:s16], [sflag:$0x1] =	stream.linear.gather [hbm4b:s0+s2], $0xFA0, $0x38;
	[tilespmem:$0x1DE80] =	vst v63  }
0x6d9: {  	_ =	swait.ge [sflag:s24], $0xFA0  }
0x6da: {  	[sflag:s24] =	ssyncset.done $0x0  }
0x6db: {  	[sflag:s24] =	ssyncadd.s32 $0xFFFFF060  }
0x6dc: {  	_ =	swait.ge [sflag:s24], $0xFA0  }
0x6dd: {  	[sflag:s24] =	ssyncset.done $0x0  }
0x6de: {  	[sflag:s24] =	ssyncadd.s32 $0xFFFFF060  }
0x6df: {  	_ =	swait.ge [sflag:s24], $0xFA0  }
0x6e0: {  	[sflag:s24] =	ssyncset.done $0x0  }
0x6e1: {  	s7 =	simm.s32 $0x19010;
	[sflag:s24] =	ssyncadd.s32 $0xFFFFF060  }
0x6e2: {  	v2 =	vld [tilespmem:s7+$0x0]  }
0x6e3: {  	v3 =	vld [tilespmem:s7+$0xFFFFFFA0]  }
0x6e4: {  	s1 =	simm.s32 $0x1AF90;
	v4 =	vld [tilespmem:s7+$0xFFFFFFB0]  }
0x6e5: {  	v5 =	vld [tilespmem:s1+$0x0]  }
0x6e6: {  	v6 =	vld [tilespmem:s7+$0xFFFFFFC0]  }
0x6e7: {  	v7 =	vld [tilespmem:s7+$0xFFFFFFD0]  }
0x6e8: {  	v8 =	vld [tilespmem:s7+$0xFFFFFFE0]  }
0x6e9: {  	v9 =	vld [tilespmem:s7+$0xFFFFFFF0]  }
0x6ea: {  	v10 =	vld [tilespmem:s7+$0xFFFFFF90]  }
0x6eb: {  	v11 =	vld [tilespmem:s1+$0xFFFFFF90]  }
0x6ec: {  	v12 =	vld [tilespmem:s1+$0xFFFFFFA0]  }
0x6ed: {  	v13 =	vld [tilespmem:s1+$0xFFFFFFB0]  }
0x6ee: {  	v59 =	vld [tilespmem:s1+$0xFFFFFFD0]  }
0x6ef: {  	v14 =	vld [tilespmem:s1+$0xFFFFFFE0]  }
0x6f0: {  	s0 =	simm.s32 $0x0;
	v15 =	vld [tilespmem:s1+$0xFFFFFFF0]  }
0x6f1: {  	[tilespmem:v2+s0+$0x0] =	vst.idx.add.f32.msk $0xffff, v5  }
0x6f2: {  	s6 =	simm.s32 $0x1CF10;
	[tilespmem:v10+s0+$0x0] =	vst.idx.add.f32.msk $0xffff, v11  }
0x6f3: {  	v2 =	vadd.s32 $0x8000, v2;
	v5 =	vld [tilespmem:s6+$0x0]  }
0x6f4: {  	[tilespmem:v3+s0+$0x0] =	vst.idx.add.f32.msk $0xffff, v12  }
0x6f5: {  	[tilespmem:v4+s0+$0x0] =	vst.idx.add.f32.msk $0xffff, v13  }
0x6f6: {  	[tilespmem:v7+s0+$0x0] =	vst.idx.add.f32.msk $0xffff, v59  }
0x6f7: {  	[tilespmem:v8+s0+$0x0] =	vst.idx.add.f32.msk $0xffff, v14  }
0x6f8: {  	[tilespmem:v2+s0+$0x0] =	vst.idx.add.f32.msk $0xffff, v5  }
0x6f9: {  	v2 =	vld [tilespmem:s1+$0xFFFFFFC0]  }
0x6fa: {  	[tilespmem:v9+s0+$0x0] =	vst.idx.add.f32.msk $0xffff, v15  }
0x6fb: {  	v60 =	vld [tilespmem:s6+$0xFFFFFFA0]  }
0x6fc: {  	v61 =	vld [tilespmem:s6+$0xFFFFFFB0]  }
0x6fd: {  	v3 =	vadd.s32 $0x8000, v3;
	v63 =	vld [tilespmem:s6+$0xFFFFFFD0]  }
0x6fe: {  	[tilespmem:v6+s0+$0x0] =	vst.idx.add.f32.msk $0xffff, v2  }
0x6ff: {  	v10 =	vadd.s32 $0x8000, v10;
	v2 =	vld [tilespmem:s6+$0xFFFFFF90]  }
0x700: {  	v4 =	vadd.s32 $0x8000, v4;
	v14 =	vld [tilespmem:s6+$0xFFFFFFE0]  }
0x701: {  	v7 =	vadd.s32 $0x8000, v7;
	v15 =	vld [tilespmem:s6+$0xFFFFFFF0]  }
0x702: {  	v8 =	vadd.s32 $0x8000, v8;
	[tilespmem:v3+s0+$0x0] =	vst.idx.add.f32.msk $0xffff, v60  }
0x703: {  	v6 =	vadd.s32 $0x8000, v6;
	v62 =	vld [tilespmem:s6+$0xFFFFFFC0]  }
0x704: {  	[tilespmem:v10+s0+$0x0] =	vst.idx.add.f32.msk $0xffff, v2;
	v2 =	vadd.s32 $0x8000, v9  }
0x705: {  	[tilespmem:v4+s0+$0x0] =	vst.idx.add.f32.msk $0xffff, v61  }
0x706: {  	[tilespmem:v7+s0+$0x0] =	vst.idx.add.f32.msk $0xffff, v63  }
0x707: {  	[tilespmem:v8+s0+$0x0] =	vst.idx.add.f32.msk $0xffff, v14  }
0x708: {  	[tilespmem:v6+s0+$0x0] =	vst.idx.add.f32.msk $0xffff, v62  }
0x709: {  	s8 =	simm.s32 $0x19090;
	s7 =	simm.s32 $0x0;
	[tilespmem:v2+s0+$0x0] =	vst.idx.add.f32.msk $0xffff, v15  }
.LBB2_113:
0x70a: {  	v2 =	vld [tilespmem:s8+$0x0];
	s7 =	sadd.s32 $0x8, s7  }
0x70b: {  	v3 =	vld [tilespmem:s8+$0xFFFFFFA0];
	p4 =	slt.u32 s7, $0xF0  }
0x70c: {  	s1 =	sadd.s32 $0x80, s1;
	v4 =	vld [tilespmem:s8+$0xFFFFFFB0]  }
0x70d: {  	v5 =	vld [tilespmem:s1+$0x0]  }
0x70e: {  	v6 =	vld [tilespmem:s8+$0xFFFFFFC0]  }
0x70f: {  	v7 =	vld [tilespmem:s8+$0xFFFFFFD0]  }
0x710: {  	v8 =	vadd.s32 $0x8000, v3;
	v9 =	vld [tilespmem:s8+$0xFFFFFFE0]  }
0x711: {  	v10 =	vadd.s32 $0x8000, v4;
	v11 =	vld [tilespmem:s8+$0xFFFFFFF0]  }
0x712: {  	s6 =	sadd.s32 $0x80, s6;
	[tilespmem:v2+s0+$0x0] =	vst.idx.add.f32.msk $0xffff, v5  }
0x713: {  	v2 =	vadd.s32 $0x8000, v2;
	v5 =	vadd.s32 $0x8000, v6;
	v12 =	vld [tilespmem:s6+$0x0]  }
0x714: {  	v13 =	vld [tilespmem:s8+$0xFFFFFF90];
	v14 =	vadd.s32 $0x8000, v7  }
0x715: {  	v15 =	vld [tilespmem:s1+$0xFFFFFF90];
	v16 =	vadd.s32 $0x8000, v9  }
0x716: {  	v17 =	vld [tilespmem:s1+$0xFFFFFFA0];
	v18 =	vadd.s32 $0x8000, v11  }
0x717: {  	v19 =	vld [tilespmem:s1+$0xFFFFFFB0]  }
0x718: {  	[tilespmem:v2+s0+$0x0] =	vst.idx.add.f32.msk $0xffff, v12  }
0x719: {  	v2 =	vadd.s32 $0x8000, v13;
	v12 =	vld [tilespmem:s1+$0xFFFFFFC0]  }
0x71a: {  	v20 =	vld [tilespmem:s1+$0xFFFFFFD0]  }
0x71b: {  	v21 =	vld [tilespmem:s1+$0xFFFFFFE0]  }
0x71c: {  	v22 =	vld [tilespmem:s1+$0xFFFFFFF0]  }
0x71d: {  	[tilespmem:v13+s0+$0x0] =	vst.idx.add.f32.msk $0xffff, v15  }
0x71e: {  	[tilespmem:v3+s0+$0x0] =	vst.idx.add.f32.msk $0xffff, v17  }
0x71f: {  	[tilespmem:v4+s0+$0x0] =	vst.idx.add.f32.msk $0xffff, v19  }
0x720: {  	[tilespmem:v6+s0+$0x0] =	vst.idx.add.f32.msk $0xffff, v12  }
0x721: {  	[tilespmem:v7+s0+$0x0] =	vst.idx.add.f32.msk $0xffff, v20  }
0x722: {  	[tilespmem:v9+s0+$0x0] =	vst.idx.add.f32.msk $0xffff, v21  }
0x723: {  	[tilespmem:v11+s0+$0x0] =	vst.idx.add.f32.msk $0xffff, v22  }
0x724: {  	v3 =	vld [tilespmem:s6+$0xFFFFFF90]  }
0x725: {  	v4 =	vld [tilespmem:s6+$0xFFFFFFA0]  }
0x726: {  	v6 =	vld [tilespmem:s6+$0xFFFFFFB0]  }
0x727: {  	v7 =	vld [tilespmem:s6+$0xFFFFFFC0]  }
0x728: {  	v9 =	vld [tilespmem:s6+$0xFFFFFFD0]  }
0x729: {  	v11 =	vld [tilespmem:s6+$0xFFFFFFE0]  }
0x72a: {  	v12 =	vld [tilespmem:s6+$0xFFFFFFF0]  }
0x72b: {  	[tilespmem:v2+s0+$0x0] =	vst.idx.add.f32.msk $0xffff, v3  }
0x72c: {  	[tilespmem:v8+s0+$0x0] =	vst.idx.add.f32.msk $0xffff, v4  }
.Ltmp75:
0x72d: {  	[tilespmem:v10+s0+$0x0] =	vst.idx.add.f32.msk $0xffff, v6;
	(pc) =	sbr.rel @p4 .LBB2_113-.Ltmp75, $4  }
0x72e: {  	[tilespmem:v5+s0+$0x0] =	vst.idx.add.f32.msk $0xffff, v7  }
0x72f: {  	[tilespmem:v14+s0+$0x0] =	vst.idx.add.f32.msk $0xffff, v9  }
0x730: {  	[tilespmem:v16+s0+$0x0] =	vst.idx.add.f32.msk $0xffff, v11  }
0x731: {  	s8 =	sadd.s32 $0x80, s8;
	[tilespmem:v18+s0+$0x0] =	vst.idx.add.f32.msk $0xffff, v12  }
.LBB2_114:
0x732: {  	s1 =	sshra.s32 s0, $0x2  }
0x733: {  	v2 =	vld [tilespmem:s1+$0x19F20];
	_ =	sdelay $0x2  }
0x734: {  	v3 =	vld [tilespmem:s1+$0x1BEA0];
	_ =	sdelay $0x4  }
0x735: {  	[tilespmem:v2+s2+$0x0] =	vst.idx.add.f32.msk $0xffff, v3  }
0x736: {  	p4 =	sne.s32 s0, $0x40;
	v2 =	vadd.s32 $0x8000, v2;
	v3 =	vld [tilespmem:s1+$0x1DE20]  }
.Ltmp76:
0x737: {  	_ = 	snop;
	(pc) =	sbr.rel @p4 .LBB2_114-.Ltmp76, $2  }
0x738: {  	_ =	sdelay $0x2  }
0x739: {  	s0 =	sadd.s32 $0x40, s0;
	[tilespmem:v2+s2+$0x0] =	vst.idx.add.f32.msk $0xffff, v3  }
.Ltmp77:
0x73a: {  	(pc) =	sbr.rel @p3 .LBB2_120-.Ltmp77, $1  }
0x73b: {  	_ =	sdelay $0x3  }
0x73c: {  	s0 =	simm.s32 $0x19010  }
0x73d: {  	v3 =	vld [tilespmem:s0+$0xFFFFFF90]  }
0x73e: {  	v4 =	vld [tilespmem:s0+$0x0]  }
0x73f: {  	v5 =	vld [tilespmem:s0+$0xFFFFFFF0]  }
0x740: {  	v6 =	vld [tilespmem:s0+$0xFFFFFFE0]  }
0x741: {  	v7 =	vld [tilespmem:s0+$0xFFFFFFD0]  }
0x742: {  	v8 =	vld [tilespmem:s0+$0xFFFFFFC0]  }
0x743: {  	v9 =	vld [tilespmem:s0+$0xFFFFFFB0]  }
0x744: {  	v2 =	vld [tilespmem:s0+$0xFFFFFFA0]  }
0x745: {  	[tilespmem:v3+s23+$0x0] =	vst.idx.add.f32.msk $0xffff, v1  }
0x746: {  	[tilespmem:v4+s23+$0x0] =	vst.idx.add.f32.msk $0xffff, v1  }
0x747: {  	[tilespmem:v5+s23+$0x0] =	vst.idx.add.f32.msk $0xffff, v1  }
0x748: {  	[tilespmem:v6+s23+$0x0] =	vst.idx.add.f32.msk $0xffff, v1  }
0x749: {  	[tilespmem:v7+s23+$0x0] =	vst.idx.add.f32.msk $0xffff, v1  }
0x74a: {  	[tilespmem:v8+s23+$0x0] =	vst.idx.add.f32.msk $0xffff, v1  }
0x74b: {  	s1 =	simm.s32 $0x0;
	[tilespmem:v9+s23+$0x0] =	vst.idx.add.f32.msk $0xffff, v1  }
.LBB2_117:
0x74c: {  	s1 =	sadd.s32 $0x8, s1;
	[tilespmem:v2+s23+$0x0] =	vst.idx.add.f32.msk $0xffff, v1;
	s0 =	sadd.s32 $0x80, s0  }
0x74d: {  	v3 =	vld [tilespmem:s0+$0xFFFFFF90];
	p4 =	slt.u32 s1, $0xF0  }
0x74e: {  	v4 =	vld [tilespmem:s0+$0x0]  }
0x74f: {  	v5 =	vld [tilespmem:s0+$0xFFFFFFF0]  }
0x750: {  	v6 =	vld [tilespmem:s0+$0xFFFFFFE0]  }
0x751: {  	v7 =	vld [tilespmem:s0+$0xFFFFFFD0]  }
0x752: {  	v8 =	vld [tilespmem:s0+$0xFFFFFFC0]  }
0x753: {  	v9 =	vld [tilespmem:s0+$0xFFFFFFB0]  }
0x754: {  	v2 =	vld [tilespmem:s0+$0xFFFFFFA0]  }
0x755: {  	[tilespmem:v3+s23+$0x0] =	vst.idx.add.f32.msk $0xffff, v1  }
0x756: {  	[tilespmem:v4+s23+$0x0] =	vst.idx.add.f32.msk $0xffff, v1  }
.Ltmp78:
0x757: {  	[tilespmem:v5+s23+$0x0] =	vst.idx.add.f32.msk $0xffff, v1;
	(pc) =	sbr.rel @p4 .LBB2_117-.Ltmp78, $4  }
0x758: {  	[tilespmem:v6+s23+$0x0] =	vst.idx.add.f32.msk $0xffff, v1  }
0x759: {  	[tilespmem:v7+s23+$0x0] =	vst.idx.add.f32.msk $0xffff, v1  }
0x75a: {  	[tilespmem:v8+s23+$0x0] =	vst.idx.add.f32.msk $0xffff, v1  }
0x75b: {  	[tilespmem:v9+s23+$0x0] =	vst.idx.add.f32.msk $0xffff, v1  }
0x75c: {  	_ =	sdelay $0x3  }
0x75d: {  	[tilespmem:v2+s23+$0x0] =	vst.idx.add.f32.msk $0xffff, v1;
	s0 =	simm.s32 $0x0  }
.LBB2_119:
0x75e: {  	s1 =	sshra.s32 s0, $0x2  }
0x75f: {  	v2 =	vld [tilespmem:s1+$0x19F20];
	_ =	sdelay $0x2  }
0x760: {  	p4 =	sne.s32 s0, $0x40  }
.Ltmp79:
0x761: {  	_ = 	snop;
	(pc) =	sbr.rel @p4 .LBB2_119-.Ltmp79, $2  }
0x762: {  	_ =	sdelay $0x2  }
0x763: {  	s0 =	sadd.s32 $0x40, s0;
	[tilespmem:v2+s23+$0x0] =	vst.idx.add.f32.msk $0xffff, v1  }
.Ltmp80:
0x764: {  	_ = 	snop;
	(pc) =	sbr.rel .LBB2_120-.Ltmp80, $1  }
0x765: {  	_ =	sdelay $0x3  }
.LBB2_121:
0x766: {  	_ =	swait.ge [sflag:s22], $0xFA0  }
0x767: {  	[sflag:s22] =	ssyncset.done $0x0  }
0x768: {  	[sflag:s22] =	ssyncadd.s32 $0xFFFFF060  }
0x769: {  	_ =	swait.ge [sflag:s22], $0xFA0  }
0x76a: {  	[sflag:s22] =	ssyncset.done $0x0  }
0x76b: {  	[sflag:s22] =	ssyncadd.s32 $0xFFFFF060  }
0x76c: {  	_ =	swait.ge [sflag:s22], $0xFA0  }
0x76d: {  	[sflag:s22] =	ssyncset.done $0x0  }
0x76e: {  	s7 =	simm.s32 $0x18040;
	[sflag:s22] =	ssyncadd.s32 $0xFFFFF060  }
0x76f: {  	v2 =	vld [tilespmem:s7+$0x30]  }
0x770: {  	v3 =	vld [tilespmem:s7+$0xFFFFFFD0]  }
0x771: {  	s1 =	simm.s32 $0x19FC0;
	v4 =	vld [tilespmem:s7+$0xFFFFFFE0]  }
0x772: {  	v5 =	vld [tilespmem:s1+$0x30]  }
0x773: {  	v6 =	vld [tilespmem:s7+$0xFFFFFFF0]  }
0x774: {  	v7 =	vld [tilespmem:s7+$0x0]  }
0x775: {  	v8 =	vld [tilespmem:s7+$0x10]  }
0x776: {  	v9 =	vld [tilespmem:s7+$0x20]  }
0x777: {  	v10 =	vld [tilespmem:s7+$0xFFFFFFC0]  }
0x778: {  	v11 =	vld [tilespmem:s1+$0xFFFFFFC0]  }
0x779: {  	v12 =	vld [tilespmem:s1+$0xFFFFFFD0]  }
0x77a: {  	v13 =	vld [tilespmem:s1+$0xFFFFFFE0]  }
0x77b: {  	v59 =	vld [tilespmem:s1+$0x0]  }
0x77c: {  	v14 =	vld [tilespmem:s1+$0x10]  }
0x77d: {  	s0 =	simm.s32 $0x0;
	v15 =	vld [tilespmem:s1+$0x20]  }
0x77e: {  	[tilespmem:v2+s0+$0x0] =	vst.idx.add.f32.msk $0xffff, v5  }
0x77f: {  	s6 =	simm.s32 $0x1BF40;
	[tilespmem:v10+s0+$0x0] =	vst.idx.add.f32.msk $0xffff, v11  }
0x780: {  	v2 =	vadd.s32 $0x8000, v2;
	v5 =	vld [tilespmem:s6+$0x30]  }
0x781: {  	[tilespmem:v3+s0+$0x0] =	vst.idx.add.f32.msk $0xffff, v12  }
0x782: {  	[tilespmem:v4+s0+$0x0] =	vst.idx.add.f32.msk $0xffff, v13  }
0x783: {  	[tilespmem:v7+s0+$0x0] =	vst.idx.add.f32.msk $0xffff, v59  }
0x784: {  	[tilespmem:v8+s0+$0x0] =	vst.idx.add.f32.msk $0xffff, v14  }
0x785: {  	[tilespmem:v2+s0+$0x0] =	vst.idx.add.f32.msk $0xffff, v5  }
0x786: {  	v2 =	vld [tilespmem:s1+$0xFFFFFFF0]  }
0x787: {  	[tilespmem:v9+s0+$0x0] =	vst.idx.add.f32.msk $0xffff, v15  }
0x788: {  	v60 =	vld [tilespmem:s6+$0xFFFFFFD0]  }
0x789: {  	v61 =	vld [tilespmem:s6+$0xFFFFFFE0]  }
0x78a: {  	v3 =	vadd.s32 $0x8000, v3;
	v63 =	vld [tilespmem:s6+$0x0]  }
0x78b: {  	[tilespmem:v6+s0+$0x0] =	vst.idx.add.f32.msk $0xffff, v2  }
0x78c: {  	v10 =	vadd.s32 $0x8000, v10;
	v2 =	vld [tilespmem:s6+$0xFFFFFFC0]  }
0x78d: {  	v4 =	vadd.s32 $0x8000, v4;
	v14 =	vld [tilespmem:s6+$0x10]  }
0x78e: {  	v7 =	vadd.s32 $0x8000, v7;
	v15 =	vld [tilespmem:s6+$0x20]  }
0x78f: {  	v8 =	vadd.s32 $0x8000, v8;
	[tilespmem:v3+s0+$0x0] =	vst.idx.add.f32.msk $0xffff, v60  }
0x790: {  	v6 =	vadd.s32 $0x8000, v6;
	v62 =	vld [tilespmem:s6+$0xFFFFFFF0]  }
0x791: {  	[tilespmem:v10+s0+$0x0] =	vst.idx.add.f32.msk $0xffff, v2;
	v2 =	vadd.s32 $0x8000, v9  }
0x792: {  	[tilespmem:v4+s0+$0x0] =	vst.idx.add.f32.msk $0xffff, v61  }
0x793: {  	[tilespmem:v7+s0+$0x0] =	vst.idx.add.f32.msk $0xffff, v63  }
0x794: {  	[tilespmem:v8+s0+$0x0] =	vst.idx.add.f32.msk $0xffff, v14  }
0x795: {  	[tilespmem:v6+s0+$0x0] =	vst.idx.add.f32.msk $0xffff, v62  }
0x796: {  	s8 =	simm.s32 $0x180C0;
	s7 =	simm.s32 $0x0;
	[tilespmem:v2+s0+$0x0] =	vst.idx.add.f32.msk $0xffff, v15  }
.LBB2_122:
0x797: {  	v2 =	vld [tilespmem:s8+$0x30];
	s7 =	sadd.s32 $0x8, s7  }
0x798: {  	v3 =	vld [tilespmem:s8+$0xFFFFFFD0];
	p4 =	slt.u32 s7, $0xF0  }
0x799: {  	s1 =	sadd.s32 $0x80, s1;
	v4 =	vld [tilespmem:s8+$0xFFFFFFE0]  }
0x79a: {  	v5 =	vld [tilespmem:s1+$0x30]  }
0x79b: {  	v6 =	vld [tilespmem:s8+$0xFFFFFFF0]  }
0x79c: {  	v7 =	vld [tilespmem:s8+$0x0]  }
0x79d: {  	v8 =	vadd.s32 $0x8000, v3;
	v9 =	vld [tilespmem:s8+$0x10]  }
0x79e: {  	v10 =	vadd.s32 $0x8000, v4;
	v11 =	vld [tilespmem:s8+$0x20]  }
0x79f: {  	s6 =	sadd.s32 $0x80, s6;
	[tilespmem:v2+s0+$0x0] =	vst.idx.add.f32.msk $0xffff, v5  }
0x7a0: {  	v2 =	vadd.s32 $0x8000, v2;
	v5 =	vadd.s32 $0x8000, v6;
	v12 =	vld [tilespmem:s6+$0x30]  }
0x7a1: {  	v13 =	vld [tilespmem:s8+$0xFFFFFFC0];
	v14 =	vadd.s32 $0x8000, v7  }
0x7a2: {  	v15 =	vld [tilespmem:s1+$0xFFFFFFC0];
	v16 =	vadd.s32 $0x8000, v9  }
0x7a3: {  	v17 =	vld [tilespmem:s1+$0xFFFFFFD0];
	v18 =	vadd.s32 $0x8000, v11  }
0x7a4: {  	v19 =	vld [tilespmem:s1+$0xFFFFFFE0]  }
0x7a5: {  	[tilespmem:v2+s0+$0x0] =	vst.idx.add.f32.msk $0xffff, v12  }
0x7a6: {  	v2 =	vadd.s32 $0x8000, v13;
	v12 =	vld [tilespmem:s1+$0xFFFFFFF0]  }
0x7a7: {  	v20 =	vld [tilespmem:s1+$0x0]  }
0x7a8: {  	v21 =	vld [tilespmem:s1+$0x10]  }
0x7a9: {  	v22 =	vld [tilespmem:s1+$0x20]  }
0x7aa: {  	[tilespmem:v13+s0+$0x0] =	vst.idx.add.f32.msk $0xffff, v15  }
0x7ab: {  	[tilespmem:v3+s0+$0x0] =	vst.idx.add.f32.msk $0xffff, v17  }
0x7ac: {  	[tilespmem:v4+s0+$0x0] =	vst.idx.add.f32.msk $0xffff, v19  }
0x7ad: {  	[tilespmem:v6+s0+$0x0] =	vst.idx.add.f32.msk $0xffff, v12  }
0x7ae: {  	[tilespmem:v7+s0+$0x0] =	vst.idx.add.f32.msk $0xffff, v20  }
0x7af: {  	[tilespmem:v9+s0+$0x0] =	vst.idx.add.f32.msk $0xffff, v21  }
0x7b0: {  	[tilespmem:v11+s0+$0x0] =	vst.idx.add.f32.msk $0xffff, v22  }
0x7b1: {  	v3 =	vld [tilespmem:s6+$0xFFFFFFC0]  }
0x7b2: {  	v4 =	vld [tilespmem:s6+$0xFFFFFFD0]  }
0x7b3: {  	v6 =	vld [tilespmem:s6+$0xFFFFFFE0]  }
0x7b4: {  	v7 =	vld [tilespmem:s6+$0xFFFFFFF0]  }
0x7b5: {  	v9 =	vld [tilespmem:s6+$0x0]  }
0x7b6: {  	v11 =	vld [tilespmem:s6+$0x10]  }
0x7b7: {  	v12 =	vld [tilespmem:s6+$0x20]  }
0x7b8: {  	[tilespmem:v2+s0+$0x0] =	vst.idx.add.f32.msk $0xffff, v3  }
0x7b9: {  	[tilespmem:v8+s0+$0x0] =	vst.idx.add.f32.msk $0xffff, v4  }
.Ltmp81:
0x7ba: {  	[tilespmem:v10+s0+$0x0] =	vst.idx.add.f32.msk $0xffff, v6;
	(pc) =	sbr.rel @p4 .LBB2_122-.Ltmp81, $4  }
0x7bb: {  	[tilespmem:v5+s0+$0x0] =	vst.idx.add.f32.msk $0xffff, v7  }
0x7bc: {  	[tilespmem:v14+s0+$0x0] =	vst.idx.add.f32.msk $0xffff, v9  }
0x7bd: {  	[tilespmem:v16+s0+$0x0] =	vst.idx.add.f32.msk $0xffff, v11  }
0x7be: {  	s8 =	sadd.s32 $0x80, s8;
	[tilespmem:v18+s0+$0x0] =	vst.idx.add.f32.msk $0xffff, v12  }
.LBB2_123:
0x7bf: {  	s1 =	sshra.s32 s0, $0x2  }
0x7c0: {  	v2 =	vld [tilespmem:s1+$0x18F80];
	_ =	sdelay $0x2  }
0x7c1: {  	v3 =	vld [tilespmem:s1+$0x1AF00];
	_ =	sdelay $0x4  }
0x7c2: {  	[tilespmem:v2+s2+$0x0] =	vst.idx.add.f32.msk $0xffff, v3  }
0x7c3: {  	p4 =	sne.s32 s0, $0x40;
	v2 =	vadd.s32 $0x8000, v2;
	v3 =	vld [tilespmem:s1+$0x1CE80]  }
.Ltmp82:
0x7c4: {  	_ = 	snop;
	(pc) =	sbr.rel @p4 .LBB2_123-.Ltmp82, $2  }
0x7c5: {  	_ =	sdelay $0x2  }
0x7c6: {  	s0 =	sadd.s32 $0x40, s0;
	[tilespmem:v2+s2+$0x0] =	vst.idx.add.f32.msk $0xffff, v3  }
.Ltmp83:
0x7c7: {  	(pc) =	sbr.rel @p3 .LBB2_129-.Ltmp83, $1  }
0x7c8: {  	_ =	sdelay $0x3  }
0x7c9: {  	s0 =	simm.s32 $0x18040  }
0x7ca: {  	v3 =	vld [tilespmem:s0+$0xFFFFFFC0]  }
0x7cb: {  	v4 =	vld [tilespmem:s0+$0x30]  }
0x7cc: {  	v5 =	vld [tilespmem:s0+$0x20]  }
0x7cd: {  	v6 =	vld [tilespmem:s0+$0x10]  }
0x7ce: {  	v7 =	vld [tilespmem:s0+$0x0]  }
0x7cf: {  	v8 =	vld [tilespmem:s0+$0xFFFFFFF0]  }
0x7d0: {  	v9 =	vld [tilespmem:s0+$0xFFFFFFE0]  }
0x7d1: {  	v2 =	vld [tilespmem:s0+$0xFFFFFFD0]  }
0x7d2: {  	[tilespmem:v3+s23+$0x0] =	vst.idx.add.f32.msk $0xffff, v1  }
0x7d3: {  	[tilespmem:v4+s23+$0x0] =	vst.idx.add.f32.msk $0xffff, v1  }
0x7d4: {  	[tilespmem:v5+s23+$0x0] =	vst.idx.add.f32.msk $0xffff, v1  }
0x7d5: {  	[tilespmem:v6+s23+$0x0] =	vst.idx.add.f32.msk $0xffff, v1  }
0x7d6: {  	[tilespmem:v7+s23+$0x0] =	vst.idx.add.f32.msk $0xffff, v1  }
0x7d7: {  	[tilespmem:v8+s23+$0x0] =	vst.idx.add.f32.msk $0xffff, v1  }
0x7d8: {  	s1 =	simm.s32 $0x0;
	[tilespmem:v9+s23+$0x0] =	vst.idx.add.f32.msk $0xffff, v1  }
.LBB2_126:
0x7d9: {  	s1 =	sadd.s32 $0x8, s1;
	[tilespmem:v2+s23+$0x0] =	vst.idx.add.f32.msk $0xffff, v1;
	s0 =	sadd.s32 $0x80, s0  }
0x7da: {  	v3 =	vld [tilespmem:s0+$0xFFFFFFC0];
	p4 =	slt.u32 s1, $0xF0  }
0x7db: {  	v4 =	vld [tilespmem:s0+$0x30]  }
0x7dc: {  	v5 =	vld [tilespmem:s0+$0x20]  }
0x7dd: {  	v6 =	vld [tilespmem:s0+$0x10]  }
0x7de: {  	v7 =	vld [tilespmem:s0+$0x0]  }
0x7df: {  	v8 =	vld [tilespmem:s0+$0xFFFFFFF0]  }
0x7e0: {  	v9 =	vld [tilespmem:s0+$0xFFFFFFE0]  }
0x7e1: {  	v2 =	vld [tilespmem:s0+$0xFFFFFFD0]  }
0x7e2: {  	[tilespmem:v3+s23+$0x0] =	vst.idx.add.f32.msk $0xffff, v1  }
0x7e3: {  	[tilespmem:v4+s23+$0x0] =	vst.idx.add.f32.msk $0xffff, v1  }
.Ltmp84:
0x7e4: {  	[tilespmem:v5+s23+$0x0] =	vst.idx.add.f32.msk $0xffff, v1;
	(pc) =	sbr.rel @p4 .LBB2_126-.Ltmp84, $4  }
0x7e5: {  	[tilespmem:v6+s23+$0x0] =	vst.idx.add.f32.msk $0xffff, v1  }
0x7e6: {  	[tilespmem:v7+s23+$0x0] =	vst.idx.add.f32.msk $0xffff, v1  }
0x7e7: {  	[tilespmem:v8+s23+$0x0] =	vst.idx.add.f32.msk $0xffff, v1  }
0x7e8: {  	[tilespmem:v9+s23+$0x0] =	vst.idx.add.f32.msk $0xffff, v1  }
0x7e9: {  	_ =	sdelay $0x3  }
0x7ea: {  	[tilespmem:v2+s23+$0x0] =	vst.idx.add.f32.msk $0xffff, v1;
	s0 =	simm.s32 $0x0  }
.LBB2_128:
0x7eb: {  	s1 =	sshra.s32 s0, $0x2  }
0x7ec: {  	v2 =	vld [tilespmem:s1+$0x18F80];
	_ =	sdelay $0x2  }
0x7ed: {  	p4 =	sne.s32 s0, $0x40  }
.Ltmp85:
0x7ee: {  	_ = 	snop;
	(pc) =	sbr.rel @p4 .LBB2_128-.Ltmp85, $2  }
0x7ef: {  	_ =	sdelay $0x2  }
0x7f0: {  	s0 =	sadd.s32 $0x40, s0;
	[tilespmem:v2+s23+$0x0] =	vst.idx.add.f32.msk $0xffff, v1  }
.Ltmp86:
0x7f1: {  	_ = 	snop;
	(pc) =	sbr.rel .LBB2_129-.Ltmp86, $1  }
0x7f2: {  	_ =	sdelay $0x3  }
.LBB2_130:
0x7f3: {  	_ =	sfence.sel $0x180000  }
0x7f4: {  	[bflag:$0x0] =	sbarrier.arrive $0xFFFF  }
0x7f5: {  	_ =	strace $0x90000047  }
0x7f6: {  	s0 =	stileid.u32;
	[bflag:$0x2] =	sbarrier.arrive $0xFFFF  }
0x7f7: {  	p0 =	sne.s32 s0, $0x0;
	s0 =	rddreg [dreg:$0x2]  }
0x7f8: {  	s0 =	sadd.s32 @!p0 $0x100000, s0  }
0x7f9: {  	[sflag:s0] =	ssyncadd.tile.s32 @!p0 $0x1;
	_ =	shalt  }
.Lfunc_end2:
_tile_overlayer_lowered:
.L_overlay_start_2:
0x7fa: {  	(tag) =	ssettag $0x2  }
0x7fb: {  	s0 =	rddreg [dreg:$0x0];
	s2 =	stileid.u32  }
0x7fc: {  	s1 =	rddreg [dreg:$0x1];
	p0 =	sne.s32 s2, $0x0  }
0x7fd: {  	s3 =	rddreg [dreg:$0x2];
	[bflag:$0x3] =	sbarrier.arrive $0xFFFF;
	s2 =	simm.s32 @!p0 $0x1C03  }
0x7fe: {  	[timem:s3], [sflag:s2] =	dma.local @!p0 [hbm:s0], s1  }
0x7ff: {  	s0 =	simm.s32 @!p0 $0x3  }
0x800: {  	_ =	swait.ge @!p0 [sflag:s0], s1  }
0x801: {  	s1 =	ssub.s32 @!p0 $0x0, s1;
	[sflag:s0] =	ssyncset.done @!p0 $0x0  }
0x802: {  	[sflag:s0] =	ssyncadd.s32 @!p0 s1  }
0x803: {  	[bflag:$0x3] =	sbarrier.arrive $0xFFFF  }
0x804: {  	_ =	shalt  }

</sc_bundles>
